<compile_context>
chip_gen: v7x
topology: tpu7x:2x2x1
jax: 0.10.2.dev20260603
libtpu: 0.0.44.dev20260713+nightly
codegen_flags: <defaults>
</compile_context>

<pallas_src>
import functools

import jax
import jax.numpy as jnp
from jax import lax
from jax.experimental import pallas as pl
from jax.experimental.pallas import tpu as pltpu
from jax.experimental.pallas import tpu_sc as plsc

N = 10000
E = 160000
D_IN = 256
D_H = 32
G = 64

NC = 2
NS = 16
NW = NC * NS
CHUNK = 200
CPW = 25
EW = CHUNK * CPW
RPT = 640
ACC_ROWS = RPT * NS

_mesh = plsc.VectorSubcoreMesh(
    core_axis_name="c", subcore_axis_name="s", num_cores=NC, num_subcores=NS)

_sc_params = pltpu.CompilerParams(use_tc_tiling_on_sc=False)


@functools.partial(
    pl.kernel,
    out_type=jax.ShapeDtypeStruct((NC, ACC_ROWS, D_H), jnp.float32),
    mesh=_mesh,
    compiler_params=_sc_params,
    scratch_types=[
        pltpu.VMEM_SHARED((ACC_ROWS, D_H), jnp.float32),
        pltpu.VMEM((RPT // 2, D_H), jnp.float32),
        pltpu.VMEM((EW,), jnp.int32),
        pltpu.VMEM((CHUNK, D_H), jnp.float32),
    ],
)
def _deg_kernel(edge_index, zeros_hbm, ones_hbm, out, acc, stage, dstv,
                onesv):
    cid = lax.axis_index("c")
    sid = lax.axis_index("s")
    wid = cid * NS + sid
    half = RPT // 2
    pltpu.sync_copy(zeros_hbm, stage)
    for hf in range(2):
        pltpu.sync_copy(stage, acc.at[pl.ds(sid * RPT + hf * half, half)])
    pltpu.sync_copy(ones_hbm, onesv)
    pltpu.sync_copy(edge_index.at[1].at[pl.ds(wid * EW, EW)], dstv)
    plsc.subcore_barrier()

    def body(j, _):
        pltpu.sync_copy(onesv, acc.at[dstv.at[pl.ds(j * CHUNK, CHUNK)]],
                        add=True)
        return 0

    lax.fori_loop(0, CPW, body, 0)
    plsc.subcore_barrier()
    for hf in range(2):
        hr = pl.ds(sid * RPT + hf * half, half)
        pltpu.sync_copy(acc.at[hr], stage)
        pltpu.sync_copy(stage, out.at[cid].at[hr])


@functools.partial(
    pl.kernel,
    out_type=jax.ShapeDtypeStruct((NC, ACC_ROWS, D_H), jnp.float32),
    mesh=_mesh,
    compiler_params=_sc_params,
    scratch_types=[
        pltpu.VMEM_SHARED((ACC_ROWS, D_H), jnp.float32),
        pltpu.VMEM((RPT // 2, D_H), jnp.float32),
        pltpu.VMEM((EW,), jnp.int32),
        pltpu.VMEM((EW,), jnp.int32),
        pltpu.VMEM((CHUNK, D_H), jnp.float32),
        pltpu.VMEM((CHUNK, D_H), jnp.float32),
        pltpu.VMEM((CHUNK, D_H), jnp.float32),
        pltpu.VMEM((CHUNK, D_H), jnp.float32),
        pltpu.SemaphoreType.DMA,
        pltpu.SemaphoreType.DMA,
        pltpu.SemaphoreType.DMA,
        pltpu.SemaphoreType.DMA,
    ],
)
def _mp_kernel(ht, edge_index, zeros_hbm, out, acc, stage, srcv,
               dstv, rows0, rows1, rows2, rows3, sem0, sem1, sem2, sem3):
    cid = lax.axis_index("c")
    sid = lax.axis_index("s")
    wid = cid * NS + sid
    half = RPT // 2
    pltpu.sync_copy(zeros_hbm, stage)
    for hf in range(2):
        hr = pl.ds(sid * RPT + hf * half, half)
        pltpu.sync_copy(stage, acc.at[hr])
    base = wid * EW
    pltpu.sync_copy(edge_index.at[0].at[pl.ds(base, EW)], srcv)
    pltpu.sync_copy(edge_index.at[1].at[pl.ds(base, EW)], dstv)
    plsc.subcore_barrier()

    rows = (rows0, rows1, rows2, rows3)
    sems = (sem0, sem1, sem2, sem3)
    pltpu.async_copy(ht.at[srcv.at[pl.ds(0, CHUNK)]], rows0, sem0)
    pltpu.async_copy(ht.at[srcv.at[pl.ds(CHUNK, CHUNK)]], rows1, sem1)
    pltpu.async_copy(ht.at[srcv.at[pl.ds(2 * CHUNK, CHUNK)]], rows2, sem2)

    def body(j4, _):
        for p in range(4):
            j = j4 * 4 + p
            pltpu.make_async_copy(ht.at[srcv.at[pl.ds(0, CHUNK)]],
                                  rows[p], sems[p]).wait()

            @pl.when(j + 3 < CPW)
            def _():
                nxt = pl.ds((j + 3) * CHUNK, CHUNK)
                q = (p + 3) % 4
                pltpu.async_copy(ht.at[srcv.at[nxt]], rows[q], sems[q])

            cur = pl.ds(j * CHUNK, CHUNK)
            pltpu.sync_copy(rows[p], acc.at[dstv.at[cur]], add=True)
        return 0

    lax.fori_loop(0, (CPW - 1) // 4, body, 0)
    pltpu.make_async_copy(ht.at[srcv.at[pl.ds(0, CHUNK)]], rows0,
                          sem0).wait()
    pltpu.sync_copy(rows0, acc.at[dstv.at[pl.ds((CPW - 1) * CHUNK, CHUNK)]],
                    add=True)
    plsc.subcore_barrier()
    for hf in range(2):
        hr = pl.ds(sid * RPT + hf * half, half)
        pltpu.sync_copy(acc.at[hr], stage)
        pltpu.sync_copy(stage, out.at[cid].at[hr])


P_V = ACC_ROWS * D_H // 128
HT_V = N * D_H // 128
NB = N // 4


def _blockdiag4(w, d):
    cols = []
    for k in range(4):
        parts = []
        if k > 0:
            parts.append(jnp.zeros((k * d, D_H), jnp.float32))
        parts.append(w)
        if k < 3:
            parts.append(jnp.zeros(((3 - k) * d, D_H), jnp.float32))
        cols.append(jnp.concatenate(parts, axis=0))
    return jnp.concatenate(cols, axis=1)


def _tile4(v):
    return jnp.concatenate([v, v, v, v], axis=1)


def _layer1_body(x4_ref, w1_ref, h1_ref):
    w1b = _blockdiag4(w1_ref[...], D_IN)
    h1_ref[...] = jnp.dot(x4_ref[...], w1b,
                          preferred_element_type=jnp.float32)


def _scale1_body(degp_ref, h1_ref, ht_ref, dinv_ref):
    deg = degp_ref[0] + degp_ref[1] + 1.0
    dinv = lax.rsqrt(deg)[:HT_V]
    dinv_ref[...] = dinv
    ht_ref[...] = h1_ref[...] * dinv


def _layer2_body(p_ref, ht1_ref, dinv_ref, b1_ref, w2_ref, ht2_ref):
    p = p_ref[0][:HT_V] + p_ref[1][:HT_V]
    dinv = dinv_ref[...]
    out1 = dinv * (p + ht1_ref[...]) + _tile4(b1_ref[...])
    r = jnp.maximum(out1, 0.0)
    w2b = _blockdiag4(w2_ref[...], D_H)
    h2 = jnp.dot(r, w2b, preferred_element_type=jnp.float32)
    ht2_ref[...] = h2 * dinv


def _final_body(p_ref, ht2_ref, dinv_ref, b2_ref, batcht_ref, wc_ref, bc_ref,
                out_ref):
    p = p_ref[0][:HT_V] + p_ref[1][:HT_V]
    out2 = dinv_ref[...] * (p + ht2_ref[...]) + _tile4(b2_ref[...])
    pooled = jnp.zeros((G, D_H), jnp.float32)
    counts = jnp.zeros((G, 1), jnp.float32)
    gids = lax.broadcasted_iota(jnp.int32, (G, NB), 0)
    for k in range(4):
        bk = batcht_ref[k:k + 1, :]
        ohk = (gids == jnp.broadcast_to(bk, (G, NB))).astype(jnp.float32)
        pk = jnp.dot(ohk, out2, preferred_element_type=jnp.float32)
        pooled = pooled + pk[:, k * D_H:(k + 1) * D_H]
        counts = counts + jnp.sum(ohk, axis=1, keepdims=True)
    pooled = pooled / jnp.maximum(counts, 1.0)
    logits = (jnp.dot(pooled, wc_ref[...], preferred_element_type=jnp.float32)
              + bc_ref[...])
    m = jnp.max(logits, axis=1, keepdims=True)
    lse = jnp.log(jnp.sum(jnp.exp(logits - m), axis=1, keepdims=True)) + m
    out_ref[...] = logits - lse


def kernel(x, edge_index, batch, W1, b1, W2, b2, Wc, bc):
    f32 = jnp.float32
    zeros_rows = jnp.zeros((RPT // 2, D_H), f32)
    ones_rows = jnp.ones((CHUNK, D_H), f32)

    h1v = pl.pallas_call(
        _layer1_body,
        out_shape=jax.ShapeDtypeStruct((HT_V, 128), f32),
    )(x.reshape(NB, 4 * D_IN), W1)

    degp = _deg_kernel(edge_index, zeros_rows, ones_rows)

    htv1, dinvv = pl.pallas_call(
        _scale1_body,
        out_shape=[
            jax.ShapeDtypeStruct((HT_V, 128), f32),
            jax.ShapeDtypeStruct((HT_V, 128), f32),
        ],
    )(degp.reshape(NC, P_V, 128), h1v)

    p1 = _mp_kernel(htv1.reshape(N, D_H), edge_index, zeros_rows)

    htv2 = pl.pallas_call(
        _layer2_body,
        out_shape=jax.ShapeDtypeStruct((HT_V, 128), f32),
    )(p1.reshape(NC, P_V, 128), htv1, dinvv, b1.reshape(1, D_H), W2)

    p2 = _mp_kernel(htv2.reshape(N, D_H), edge_index, zeros_rows)

    out = pl.pallas_call(
        _final_body,
        out_shape=jax.ShapeDtypeStruct((G, 2), f32),
    )(p2.reshape(NC, P_V, 128), htv2, dinvv, b2.reshape(1, D_H),
      batch.reshape(NB, 4).T, Wc, bc.reshape(1, 2))
    return out

# --- scband reference (transcript-rebuilt; emitter-appended) ---
"""Pipeline reference for scband-gnninjection-detector-24739011624971 (READ-ONLY COPY).

The authoritative reference and input builder live on the scoring server;
editing this copy changes nothing except your own understanding.
"""

import jax, jax.numpy as jnp
import numpy as np

N = 10000
E = 160000
D_IN = 256
D_H = 32
G = 64


def setup_inputs(seed: int = 0):
    key = jax.random.key(seed)
    ks = jax.random.split(key, 10)
    x = jax.random.normal(ks[0], (N, D_IN), dtype=jnp.float32)
    edge_index = jax.random.randint(ks[1], (2, E), 0, N, dtype=jnp.int32)
    batch = jnp.sort(jax.random.randint(ks[2], (N,), 0, G, dtype=jnp.int32))
    W1 = jax.random.normal(ks[3], (D_IN, D_H), dtype=jnp.float32) * 0.05
    b1 = jnp.zeros((D_H,), dtype=jnp.float32)
    W2 = jax.random.normal(ks[4], (D_H, D_H), dtype=jnp.float32) * 0.05
    b2 = jnp.zeros((D_H,), dtype=jnp.float32)
    Wc = jax.random.normal(ks[5], (D_H, 2), dtype=jnp.float32) * 0.05
    bc = jnp.zeros((2,), dtype=jnp.float32)
    return {"x": x, "edge_index": edge_index, "batch": batch,
            "W1": W1, "b1": b1, "W2": W2, "b2": b2, "Wc": Wc, "bc": bc}


def gcn_conv(x, src, dst, W, b):
    # PyG GCNConv: add self-loops, symmetric normalization D^-1/2 (A+I) D^-1/2 X W + b
    num_nodes = x.shape[0]
    loop = jnp.arange(num_nodes, dtype=src.dtype)
    s = jnp.concatenate([src, loop])
    d = jnp.concatenate([dst, loop])
    deg = jnp.zeros((num_nodes,), dtype=x.dtype).at[d].add(1.0)
    dinv = jnp.where(deg > 0, 1.0 / jnp.sqrt(deg), 0.0)
    norm = dinv[s] * dinv[d]
    h = x @ W
    msgs = h[s] * norm[:, None]
    out = jnp.zeros((num_nodes, W.shape[1]), dtype=x.dtype).at[d].add(msgs)
    return out + b


def reference(x, edge_index, batch, W1, b1, W2, b2, Wc, bc):
    src = edge_index[0]
    dst = edge_index[1]
    h = jax.nn.relu(gcn_conv(x, src, dst, W1, b1))
    # dropout is identity in eval mode
    h = gcn_conv(h, src, dst, W2, b2)
    sums = jax.ops.segment_sum(h, batch, num_segments=G)
    counts = jax.ops.segment_sum(jnp.ones((h.shape[0],), dtype=h.dtype), batch, num_segments=G)
    pooled = sums / jnp.clip(counts, 1.0)[:, None]
    logits = pooled @ Wc + bc
    return jax.nn.log_softmax(logits, axis=1)

if __name__ == "__main__":
    import jax
    _d = setup_inputs()
    print(jax.jit(kernel)(*tuple(_d.values())))

</pallas_src>

<mosaic_0001>
#map = affine_map<(d0, d1) -> (0, 0)>
#map1 = affine_map<(d0, d1) -> (0, 0, 0)>
module attributes {stable_mosaic.version = 14 : i64} {
  func.func @_deg_kernel(%arg0: i32, %arg1: i32, %arg2: memref<2x160000xi32, #tpu.memory_space<hbm>>, %arg3: memref<320x32xf32, #tpu.memory_space<hbm>>, %arg4: memref<200x32xf32, #tpu.memory_space<hbm>>, %arg5: memref<2x10240x32xf32, #tpu.memory_space<hbm>>, %arg6: memref<10240x32xf32, #tpu.memory_space<vmem_shared>>, %arg7: memref<320x32xf32, #tpu.memory_space<vmem>>, %arg8: memref<5000xi32, #tpu.memory_space<vmem>>, %arg9: memref<200x32xf32, #tpu.memory_space<vmem>>) attributes {dimension_semantics = [#tpu.dimension_semantics<core_parallel>, #tpu.dimension_semantics<subcore_parallel>], iteration_bounds = array<i64: 2, 16>, scalar_prefetch = 0 : i64, scratch_operands = 4 : i64, tpu.core_type = #tpu.core_type<sc_vector_subcore>, window_params = [{transform_indices = #map}, {transform_indices = #map}, {transform_indices = #map}, {transform_indices = #map1}]} {
    %mul3A = arith.constant 16 : i32
    %mul3A_0 = arith.muli %arg0, %mul3A : i32
    %add3A = arith.addi %mul3A_0, %arg1 : i32
    "tpu.region"() ({
      %run_scoped3A_26 = tpu.sem_alloc : memref<!tpu.dma_semaphore, #tpu.memory_space<semaphore_mem>>
      tpu.enqueue_dma source(%arg3 : memref<320x32xf32, #tpu.memory_space<hbm>>) target(%arg7 : memref<320x32xf32, #tpu.memory_space<vmem>>) target_semaphore(%run_scoped3A_26 : memref<!tpu.dma_semaphore, #tpu.memory_space<semaphore_mem>>)
      tpu.wait_dma2 semaphore(%run_scoped3A_26 : memref<!tpu.dma_semaphore, #tpu.memory_space<semaphore_mem>>) src(%arg3 : memref<320x32xf32, #tpu.memory_space<hbm>>) dst(%arg7 : memref<320x32xf32, #tpu.memory_space<vmem>>)
      tpu.yield
    }) : () -> ()
    %mul3A_1 = arith.constant 640 : i32
    %mul3A_2 = arith.muli %arg1, %mul3A_1 : i32
    %add3A_3 = arith.constant 0 : i32
    %add3A_4 = arith.addi %mul3A_2, %add3A_3 : i32
    "tpu.region"() ({
      %run_scoped3A_26 = tpu.sem_alloc : memref<!tpu.dma_semaphore, #tpu.memory_space<semaphore_mem>>
      %dma_start3A = arith.constant 0 : i32
      %dma_start3A_27 = tpu.memref_slice %arg6[%add3A_4, %dma_start3A] : memref<10240x32xf32, #tpu.memory_space<vmem_shared>> -> memref<320x32xf32, #tpu.memory_space<vmem_shared>>
      %dma_start3A_28 = arith.constant 0 : i32
      %dma_start3A_29 = tpu.memref_slice %arg6[%add3A_4, %dma_start3A_28] : memref<10240x32xf32, #tpu.memory_space<vmem_shared>> -> memref<320x32xf32, #tpu.memory_space<vmem_shared>>
      tpu.enqueue_dma source(%arg7 : memref<320x32xf32, #tpu.memory_space<vmem>>) target(%dma_start3A_29 : memref<320x32xf32, #tpu.memory_space<vmem_shared>>) target_semaphore(%run_scoped3A_26 : memref<!tpu.dma_semaphore, #tpu.memory_space<semaphore_mem>>)
      %dma_wait3A = arith.constant 0 : i32
      %dma_wait3A_30 = tpu.memref_slice %arg6[%add3A_4, %dma_wait3A] : memref<10240x32xf32, #tpu.memory_space<vmem_shared>> -> memref<320x32xf32, #tpu.memory_space<vmem_shared>>
      %dma_wait3A_31 = arith.constant 0 : i32
      %dma_wait3A_32 = tpu.memref_slice %arg6[%add3A_4, %dma_wait3A_31] : memref<10240x32xf32, #tpu.memory_space<vmem_shared>> -> memref<320x32xf32, #tpu.memory_space<vmem_shared>>
      tpu.wait_dma2 semaphore(%run_scoped3A_26 : memref<!tpu.dma_semaphore, #tpu.memory_space<semaphore_mem>>) src(%arg7 : memref<320x32xf32, #tpu.memory_space<vmem>>) dst(%dma_wait3A_32 : memref<320x32xf32, #tpu.memory_space<vmem_shared>>)
      tpu.yield
    }) : () -> ()
    %mul3A_5 = arith.constant 640 : i32
    %mul3A_6 = arith.muli %arg1, %mul3A_5 : i32
    %add3A_7 = arith.constant 320 : i32
    %add3A_8 = arith.addi %mul3A_6, %add3A_7 : i32
    "tpu.region"() ({
      %run_scoped3A_26 = tpu.sem_alloc : memref<!tpu.dma_semaphore, #tpu.memory_space<semaphore_mem>>
      %dma_start3A = arith.constant 0 : i32
      %dma_start3A_27 = tpu.memref_slice %arg6[%add3A_8, %dma_start3A] : memref<10240x32xf32, #tpu.memory_space<vmem_shared>> -> memref<320x32xf32, #tpu.memory_space<vmem_shared>>
      %dma_start3A_28 = arith.constant 0 : i32
      %dma_start3A_29 = tpu.memref_slice %arg6[%add3A_8, %dma_start3A_28] : memref<10240x32xf32, #tpu.memory_space<vmem_shared>> -> memref<320x32xf32, #tpu.memory_space<vmem_shared>>
      tpu.enqueue_dma source(%arg7 : memref<320x32xf32, #tpu.memory_space<vmem>>) target(%dma_start3A_29 : memref<320x32xf32, #tpu.memory_space<vmem_shared>>) target_semaphore(%run_scoped3A_26 : memref<!tpu.dma_semaphore, #tpu.memory_space<semaphore_mem>>)
      %dma_wait3A = arith.constant 0 : i32
      %dma_wait3A_30 = tpu.memref_slice %arg6[%add3A_8, %dma_wait3A] : memref<10240x32xf32, #tpu.memory_space<vmem_shared>> -> memref<320x32xf32, #tpu.memory_space<vmem_shared>>
      %dma_wait3A_31 = arith.constant 0 : i32
      %dma_wait3A_32 = tpu.memref_slice %arg6[%add3A_8, %dma_wait3A_31] : memref<10240x32xf32, #tpu.memory_space<vmem_shared>> -> memref<320x32xf32, #tpu.memory_space<vmem_shared>>
      tpu.wait_dma2 semaphore(%run_scoped3A_26 : memref<!tpu.dma_semaphore, #tpu.memory_space<semaphore_mem>>) src(%arg7 : memref<320x32xf32, #tpu.memory_space<vmem>>) dst(%dma_wait3A_32 : memref<320x32xf32, #tpu.memory_space<vmem_shared>>)
      tpu.yield
    }) : () -> ()
    "tpu.region"() ({
      %run_scoped3A_26 = tpu.sem_alloc : memref<!tpu.dma_semaphore, #tpu.memory_space<semaphore_mem>>
      tpu.enqueue_dma source(%arg4 : memref<200x32xf32, #tpu.memory_space<hbm>>) target(%arg9 : memref<200x32xf32, #tpu.memory_space<vmem>>) target_semaphore(%run_scoped3A_26 : memref<!tpu.dma_semaphore, #tpu.memory_space<semaphore_mem>>)
      tpu.wait_dma2 semaphore(%run_scoped3A_26 : memref<!tpu.dma_semaphore, #tpu.memory_space<semaphore_mem>>) src(%arg4 : memref<200x32xf32, #tpu.memory_space<hbm>>) dst(%arg9 : memref<200x32xf32, #tpu.memory_space<vmem>>)
      tpu.yield
    }) : () -> ()
    %mul3A_9 = arith.constant 5000 : i32
    %mul3A_10 = arith.muli %add3A, %mul3A_9 : i32
    %run_scoped3A = arith.constant 1 : i32
    "tpu.region"() ({
      %run_scoped3A_26 = tpu.sem_alloc : memref<!tpu.dma_semaphore, #tpu.memory_space<semaphore_mem>>
      %dma_start3A = arith.constant 0 : i32
      %dma_start3A_27 = tpu.memref_slice %arg2[%run_scoped3A, %dma_start3A] : memref<2x160000xi32, #tpu.memory_space<hbm>> -> memref<1x160000xi32, #tpu.memory_space<hbm>>
      %dma_start3A_28 = tpu.memref_squeeze %dma_start3A_27 : memref<1x160000xi32, #tpu.memory_space<hbm>> -> memref<160000xi32, #tpu.memory_space<hbm>>
      %dma_start3A_29 = tpu.memref_slice %dma_start3A_28[%mul3A_10] : memref<160000xi32, #tpu.memory_space<hbm>> -> memref<5000xi32, #tpu.memory_space<hbm>>
      %dma_start3A_30 = arith.constant 0 : i32
      %dma_start3A_31 = tpu.memref_slice %arg2[%run_scoped3A, %dma_start3A_30] : memref<2x160000xi32, #tpu.memory_space<hbm>> -> memref<1x160000xi32, #tpu.memory_space<hbm>>
      %dma_start3A_32 = tpu.memref_squeeze %dma_start3A_31 : memref<1x160000xi32, #tpu.memory_space<hbm>> -> memref<160000xi32, #tpu.memory_space<hbm>>
      %dma_start3A_33 = tpu.memref_slice %dma_start3A_32[%mul3A_10] : memref<160000xi32, #tpu.memory_space<hbm>> -> memref<5000xi32, #tpu.memory_space<hbm>>
      tpu.enqueue_dma source(%dma_start3A_33 : memref<5000xi32, #tpu.memory_space<hbm>>) target(%arg8 : memref<5000xi32, #tpu.memory_space<vmem>>) target_semaphore(%run_scoped3A_26 : memref<!tpu.dma_semaphore, #tpu.memory_space<semaphore_mem>>)
      %dma_wait3A = arith.constant 0 : i32
      %dma_wait3A_34 = tpu.memref_slice %arg2[%run_scoped3A, %dma_wait3A] : memref<2x160000xi32, #tpu.memory_space<hbm>> -> memref<1x160000xi32, #tpu.memory_space<hbm>>
      %dma_wait3A_35 = tpu.memref_squeeze %dma_wait3A_34 : memref<1x160000xi32, #tpu.memory_space<hbm>> -> memref<160000xi32, #tpu.memory_space<hbm>>
      %dma_wait3A_36 = tpu.memref_slice %dma_wait3A_35[%mul3A_10] : memref<160000xi32, #tpu.memory_space<hbm>> -> memref<5000xi32, #tpu.memory_space<hbm>>
      %dma_wait3A_37 = arith.constant 0 : i32
      %dma_wait3A_38 = tpu.memref_slice %arg2[%run_scoped3A, %dma_wait3A_37] : memref<2x160000xi32, #tpu.memory_space<hbm>> -> memref<1x160000xi32, #tpu.memory_space<hbm>>
      %dma_wait3A_39 = tpu.memref_squeeze %dma_wait3A_38 : memref<1x160000xi32, #tpu.memory_space<hbm>> -> memref<160000xi32, #tpu.memory_space<hbm>>
      %dma_wait3A_40 = tpu.memref_slice %dma_wait3A_39[%mul3A_10] : memref<160000xi32, #tpu.memory_space<hbm>> -> memref<5000xi32, #tpu.memory_space<hbm>>
      tpu.wait_dma2 semaphore(%run_scoped3A_26 : memref<!tpu.dma_semaphore, #tpu.memory_space<semaphore_mem>>) src(%dma_wait3A_40 : memref<5000xi32, #tpu.memory_space<hbm>>) dst(%arg8 : memref<5000xi32, #tpu.memory_space<vmem>>)
      tpu.yield
    }) : () -> ()
    %barrier3A = arith.constant 0 : index
    tpu.barrier barrier_id(%barrier3A)
    %scan3A = arith.constant 0 : i32
    %scan3A_11 = arith.constant 0 : i32
    %scan3A_12 = arith.constant 25 : i32
    %scan3A_13 = arith.addi %scan3A_11, %scan3A_12 : i32
    %scan3A_14 = arith.constant 1 : i32
    %scan3A_15 = scf.for %scan3A_26 = %scan3A_11 to %scan3A_13 step %scan3A_14 iter_args(%scan3A_27 = %scan3A) -> (i32)  : i32 {
      %mul3A_28 = arith.constant 200 : i32
      %mul3A_29 = arith.muli %scan3A_26, %mul3A_28 : i32
      "tpu.region"() ({
        %run_scoped3A_31 = tpu.sem_alloc : memref<!tpu.dma_semaphore, #tpu.memory_space<semaphore_mem>>
        %dma_start3A = tpu.memref_slice %arg8[%mul3A_29] : memref<5000xi32, #tpu.memory_space<vmem>> -> memref<200xi32, #tpu.memory_space<vmem>>
        %dma_start3A_32 = arith.constant 0 : i32
        %dma_start3A_33 = arith.constant 0 : i32
        %dma_start3A_34 = tpu.memref_slice %arg6[%dma_start3A_32, %dma_start3A_33] : memref<10240x32xf32, #tpu.memory_space<vmem_shared>> -> memref<10240x32xf32, #tpu.memory_space<vmem_shared>>
        tpu.enqueue_indirect_dma source(%arg9 : memref<200x32xf32, #tpu.memory_space<vmem>>) target(%dma_start3A_34 : memref<10240x32xf32, #tpu.memory_space<vmem_shared>>) offsets(%dma_start3A : memref<200xi32, #tpu.memory_space<vmem>>) semaphore(%run_scoped3A_31 : memref<!tpu.dma_semaphore, #tpu.memory_space<semaphore_mem>>) {add = true}
        %dma_wait3A = tpu.memref_slice %arg8[%mul3A_29] : memref<5000xi32, #tpu.memory_space<vmem>> -> memref<200xi32, #tpu.memory_space<vmem>>
        %dma_wait3A_35 = arith.constant 0 : i32
        %dma_wait3A_36 = arith.constant 0 : i32
        %dma_wait3A_37 = tpu.memref_slice %arg6[%dma_wait3A_35, %dma_wait3A_36] : memref<10240x32xf32, #tpu.memory_space<vmem_shared>> -> memref<10240x32xf32, #tpu.memory_space<vmem_shared>>
        tpu.wait_indirect_dma semaphore(%run_scoped3A_31 : memref<!tpu.dma_semaphore, #tpu.memory_space<semaphore_mem>>) src(%arg9 : memref<200x32xf32, #tpu.memory_space<vmem>>) dst(%dma_wait3A_37 : memref<10240x32xf32, #tpu.memory_space<vmem_shared>>)
        tpu.yield
      }) : () -> ()
      %scan3A_30 = arith.constant 0 : i32
      scf.yield %scan3A_30 : i32
    }
    %scan3A_16 = arith.constant 25 : i32
    %barrier3A_17 = arith.constant 0 : index
    tpu.barrier barrier_id(%barrier3A_17)
    %mul3A_18 = arith.constant 640 : i32
    %mul3A_19 = arith.muli %arg1, %mul3A_18 : i32
    %add3A_20 = arith.constant 0 : i32
    %add3A_21 = arith.addi %mul3A_19, %add3A_20 : i32
    "tpu.region"() ({
      %run_scoped3A_26 = tpu.sem_alloc : memref<!tpu.dma_semaphore, #tpu.memory_space<semaphore_mem>>
      %dma_start3A = arith.constant 0 : i32
      %dma_start3A_27 = tpu.memref_slice %arg6[%add3A_21, %dma_start3A] : memref<10240x32xf32, #tpu.memory_space<vmem_shared>> -> memref<320x32xf32, #tpu.memory_space<vmem_shared>>
      %dma_start3A_28 = arith.constant 0 : i32
      %dma_start3A_29 = tpu.memref_slice %arg6[%add3A_21, %dma_start3A_28] : memref<10240x32xf32, #tpu.memory_space<vmem_shared>> -> memref<320x32xf32, #tpu.memory_space<vmem_shared>>
      tpu.enqueue_dma source(%dma_start3A_29 : memref<320x32xf32, #tpu.memory_space<vmem_shared>>) target(%arg7 : memref<320x32xf32, #tpu.memory_space<vmem>>) target_semaphore(%run_scoped3A_26 : memref<!tpu.dma_semaphore, #tpu.memory_space<semaphore_mem>>)
      %dma_wait3A = arith.constant 0 : i32
      %dma_wait3A_30 = tpu.memref_slice %arg6[%add3A_21, %dma_wait3A] : memref<10240x32xf32, #tpu.memory_space<vmem_shared>> -> memref<320x32xf32, #tpu.memory_space<vmem_shared>>
      %dma_wait3A_31 = arith.constant 0 : i32
      %dma_wait3A_32 = tpu.memref_slice %arg6[%add3A_21, %dma_wait3A_31] : memref<10240x32xf32, #tpu.memory_space<vmem_shared>> -> memref<320x32xf32, #tpu.memory_space<vmem_shared>>
      tpu.wait_dma2 semaphore(%run_scoped3A_26 : memref<!tpu.dma_semaphore, #tpu.memory_space<semaphore_mem>>) src(%dma_wait3A_32 : memref<320x32xf32, #tpu.memory_space<vmem_shared>>) dst(%arg7 : memref<320x32xf32, #tpu.memory_space<vmem>>)
      tpu.yield
    }) : () -> ()
    "tpu.region"() ({
      %run_scoped3A_26 = tpu.sem_alloc : memref<!tpu.dma_semaphore, #tpu.memory_space<semaphore_mem>>
      %dma_start3A = arith.constant 0 : i32
      %dma_start3A_27 = arith.constant 0 : i32
      %dma_start3A_28 = tpu.memref_slice %arg5[%arg0, %dma_start3A, %dma_start3A_27] : memref<2x10240x32xf32, #tpu.memory_space<hbm>> -> memref<1x10240x32xf32, #tpu.memory_space<hbm>>
      %dma_start3A_29 = tpu.memref_squeeze %dma_start3A_28 : memref<1x10240x32xf32, #tpu.memory_space<hbm>> -> memref<10240x32xf32, #tpu.memory_space<hbm>>
      %dma_start3A_30 = arith.constant 0 : i32
      %dma_start3A_31 = tpu.memref_slice %dma_start3A_29[%add3A_21, %dma_start3A_30] : memref<10240x32xf32, #tpu.memory_space<hbm>> -> memref<320x32xf32, #tpu.memory_space<hbm>>
      %dma_start3A_32 = arith.constant 0 : i32
      %dma_start3A_33 = arith.constant 0 : i32
      %dma_start3A_34 = tpu.memref_slice %arg5[%arg0, %dma_start3A_32, %dma_start3A_33] : memref<2x10240x32xf32, #tpu.memory_space<hbm>> -> memref<1x10240x32xf32, #tpu.memory_space<hbm>>
      %dma_start3A_35 = tpu.memref_squeeze %dma_start3A_34 : memref<1x10240x32xf32, #tpu.memory_space<hbm>> -> memref<10240x32xf32, #tpu.memory_space<hbm>>
      %dma_start3A_36 = arith.constant 0 : i32
      %dma_start3A_37 = tpu.memref_slice %dma_start3A_35[%add3A_21, %dma_start3A_36] : memref<10240x32xf32, #tpu.memory_space<hbm>> -> memref<320x32xf32, #tpu.memory_space<hbm>>
      tpu.enqueue_dma source(%arg7 : memref<320x32xf32, #tpu.memory_space<vmem>>) target(%dma_start3A_37 : memref<320x32xf32, #tpu.memory_space<hbm>>) target_semaphore(%run_scoped3A_26 : memref<!tpu.dma_semaphore, #tpu.memory_space<semaphore_mem>>)
      %dma_wait3A = arith.constant 0 : i32
      %dma_wait3A_38 = arith.constant 0 : i32
      %dma_wait3A_39 = tpu.memref_slice %arg5[%arg0, %dma_wait3A, %dma_wait3A_38] : memref<2x10240x32xf32, #tpu.memory_space<hbm>> -> memref<1x10240x32xf32, #tpu.memory_space<hbm>>
      %dma_wait3A_40 = tpu.memref_squeeze %dma_wait3A_39 : memref<1x10240x32xf32, #tpu.memory_space<hbm>> -> memref<10240x32xf32, #tpu.memory_space<hbm>>
      %dma_wait3A_41 = arith.constant 0 : i32
      %dma_wait3A_42 = tpu.memref_slice %dma_wait3A_40[%add3A_21, %dma_wait3A_41] : memref<10240x32xf32, #tpu.memory_space<hbm>> -> memref<320x32xf32, #tpu.memory_space<hbm>>
      %dma_wait3A_43 = arith.constant 0 : i32
      %dma_wait3A_44 = arith.constant 0 : i32
      %dma_wait3A_45 = tpu.memref_slice %arg5[%arg0, %dma_wait3A_43, %dma_wait3A_44] : memref<2x10240x32xf32, #tpu.memory_space<hbm>> -> memref<1x10240x32xf32, #tpu.memory_space<hbm>>
      %dma_wait3A_46 = tpu.memref_squeeze %dma_wait3A_45 : memref<1x10240x32xf32, #tpu.memory_space<hbm>> -> memref<10240x32xf32, #tpu.memory_space<hbm>>
      %dma_wait3A_47 = arith.constant 0 : i32
      %dma_wait3A_48 = tpu.memref_slice %dma_wait3A_46[%add3A_21, %dma_wait3A_47] : memref<10240x32xf32, #tpu.memory_space<hbm>> -> memref<320x32xf32, #tpu.memory_space<hbm>>
      tpu.wait_dma2 semaphore(%run_scoped3A_26 : memref<!tpu.dma_semaphore, #tpu.memory_space<semaphore_mem>>) src(%arg7 : memref<320x32xf32, #tpu.memory_space<vmem>>) dst(%dma_wait3A_48 : memref<320x32xf32, #tpu.memory_space<hbm>>)
      tpu.yield
    }) : () -> ()
    %mul3A_22 = arith.constant 640 : i32
    %mul3A_23 = arith.muli %arg1, %mul3A_22 : i32
    %add3A_24 = arith.constant 320 : i32
    %add3A_25 = arith.addi %mul3A_23, %add3A_24 : i32
    "tpu.region"() ({
      %run_scoped3A_26 = tpu.sem_alloc : memref<!tpu.dma_semaphore, #tpu.memory_space<semaphore_mem>>
      %dma_start3A = arith.constant 0 : i32
      %dma_start3A_27 = tpu.memref_slice %arg6[%add3A_25, %dma_start3A] : memref<10240x32xf32, #tpu.memory_space<vmem_shared>> -> memref<320x32xf32, #tpu.memory_space<vmem_shared>>
      %dma_start3A_28 = arith.constant 0 : i32
      %dma_start3A_29 = tpu.memref_slice %arg6[%add3A_25, %dma_start3A_28] : memref<10240x32xf32, #tpu.memory_space<vmem_shared>> -> memref<320x32xf32, #tpu.memory_space<vmem_shared>>
      tpu.enqueue_dma source(%dma_start3A_29 : memref<320x32xf32, #tpu.memory_space<vmem_shared>>) target(%arg7 : memref<320x32xf32, #tpu.memory_space<vmem>>) target_semaphore(%run_scoped3A_26 : memref<!tpu.dma_semaphore, #tpu.memory_space<semaphore_mem>>)
      %dma_wait3A = arith.constant 0 : i32
      %dma_wait3A_30 = tpu.memref_slice %arg6[%add3A_25, %dma_wait3A] : memref<10240x32xf32, #tpu.memory_space<vmem_shared>> -> memref<320x32xf32, #tpu.memory_space<vmem_shared>>
      %dma_wait3A_31 = arith.constant 0 : i32
      %dma_wait3A_32 = tpu.memref_slice %arg6[%add3A_25, %dma_wait3A_31] : memref<10240x32xf32, #tpu.memory_space<vmem_shared>> -> memref<320x32xf32, #tpu.memory_space<vmem_shared>>
      tpu.wait_dma2 semaphore(%run_scoped3A_26 : memref<!tpu.dma_semaphore, #tpu.memory_space<semaphore_mem>>) src(%dma_wait3A_32 : memref<320x32xf32, #tpu.memory_space<vmem_shared>>) dst(%arg7 : memref<320x32xf32, #tpu.memory_space<vmem>>)
      tpu.yield
    }) : () -> ()
    "tpu.region"() ({
      %run_scoped3A_26 = tpu.sem_alloc : memref<!tpu.dma_semaphore, #tpu.memory_space<semaphore_mem>>
      %dma_start3A = arith.constant 0 : i32
      %dma_start3A_27 = arith.constant 0 : i32
      %dma_start3A_28 = tpu.memref_slice %arg5[%arg0, %dma_start3A, %dma_start3A_27] : memref<2x10240x32xf32, #tpu.memory_space<hbm>> -> memref<1x10240x32xf32, #tpu.memory_space<hbm>>
      %dma_start3A_29 = tpu.memref_squeeze %dma_start3A_28 : memref<1x10240x32xf32, #tpu.memory_space<hbm>> -> memref<10240x32xf32, #tpu.memory_space<hbm>>
      %dma_start3A_30 = arith.constant 0 : i32
      %dma_start3A_31 = tpu.memref_slice %dma_start3A_29[%add3A_25, %dma_start3A_30] : memref<10240x32xf32, #tpu.memory_space<hbm>> -> memref<320x32xf32, #tpu.memory_space<hbm>>
      %dma_start3A_32 = arith.constant 0 : i32
      %dma_start3A_33 = arith.constant 0 : i32
      %dma_start3A_34 = tpu.memref_slice %arg5[%arg0, %dma_start3A_32, %dma_start3A_33] : memref<2x10240x32xf32, #tpu.memory_space<hbm>> -> memref<1x10240x32xf32, #tpu.memory_space<hbm>>
      %dma_start3A_35 = tpu.memref_squeeze %dma_start3A_34 : memref<1x10240x32xf32, #tpu.memory_space<hbm>> -> memref<10240x32xf32, #tpu.memory_space<hbm>>
      %dma_start3A_36 = arith.constant 0 : i32
      %dma_start3A_37 = tpu.memref_slice %dma_start3A_35[%add3A_25, %dma_start3A_36] : memref<10240x32xf32, #tpu.memory_space<hbm>> -> memref<320x32xf32, #tpu.memory_space<hbm>>
      tpu.enqueue_dma source(%arg7 : memref<320x32xf32, #tpu.memory_space<vmem>>) target(%dma_start3A_37 : memref<320x32xf32, #tpu.memory_space<hbm>>) target_semaphore(%run_scoped3A_26 : memref<!tpu.dma_semaphore, #tpu.memory_space<semaphore_mem>>)
      %dma_wait3A = arith.constant 0 : i32
      %dma_wait3A_38 = arith.constant 0 : i32
      %dma_wait3A_39 = tpu.memref_slice %arg5[%arg0, %dma_wait3A, %dma_wait3A_38] : memref<2x10240x32xf32, #tpu.memory_space<hbm>> -> memref<1x10240x32xf32, #tpu.memory_space<hbm>>
      %dma_wait3A_40 = tpu.memref_squeeze %dma_wait3A_39 : memref<1x10240x32xf32, #tpu.memory_space<hbm>> -> memref<10240x32xf32, #tpu.memory_space<hbm>>
      %dma_wait3A_41 = arith.constant 0 : i32
      %dma_wait3A_42 = tpu.memref_slice %dma_wait3A_40[%add3A_25, %dma_wait3A_41] : memref<10240x32xf32, #tpu.memory_space<hbm>> -> memref<320x32xf32, #tpu.memory_space<hbm>>
      %dma_wait3A_43 = arith.constant 0 : i32
      %dma_wait3A_44 = arith.constant 0 : i32
      %dma_wait3A_45 = tpu.memref_slice %arg5[%arg0, %dma_wait3A_43, %dma_wait3A_44] : memref<2x10240x32xf32, #tpu.memory_space<hbm>> -> memref<1x10240x32xf32, #tpu.memory_space<hbm>>
      %dma_wait3A_46 = tpu.memref_squeeze %dma_wait3A_45 : memref<1x10240x32xf32, #tpu.memory_space<hbm>> -> memref<10240x32xf32, #tpu.memory_space<hbm>>
      %dma_wait3A_47 = arith.constant 0 : i32
      %dma_wait3A_48 = tpu.memref_slice %dma_wait3A_46[%add3A_25, %dma_wait3A_47] : memref<10240x32xf32, #tpu.memory_space<hbm>> -> memref<320x32xf32, #tpu.memory_space<hbm>>
      tpu.wait_dma2 semaphore(%run_scoped3A_26 : memref<!tpu.dma_semaphore, #tpu.memory_space<semaphore_mem>>) src(%arg7 : memref<320x32xf32, #tpu.memory_space<vmem>>) dst(%dma_wait3A_48 : memref<320x32xf32, #tpu.memory_space<hbm>>)
      tpu.yield
    }) : () -> ()
    return
  }
}

#map = affine_map<(d0, d1) -> (0, 0)>
#map1 = affine_map<(d0, d1) -> (0, 0, 0)>
module attributes {stable_mosaic.version = 14 : i64} {
  func.func @_mp_kernel(%arg0: i32, %arg1: i32, %arg2: memref<10000x32xf32, #tpu.memory_space<hbm>>, %arg3: memref<2x160000xi32, #tpu.memory_space<hbm>>, %arg4: memref<320x32xf32, #tpu.memory_space<hbm>>, %arg5: memref<2x10240x32xf32, #tpu.memory_space<hbm>>, %arg6: memref<10240x32xf32, #tpu.memory_space<vmem_shared>>, %arg7: memref<320x32xf32, #tpu.memory_space<vmem>>, %arg8: memref<5000xi32, #tpu.memory_space<vmem>>, %arg9: memref<5000xi32, #tpu.memory_space<vmem>>, %arg10: memref<200x32xf32, #tpu.memory_space<vmem>>, %arg11: memref<200x32xf32, #tpu.memory_space<vmem>>, %arg12: memref<200x32xf32, #tpu.memory_space<vmem>>, %arg13: memref<200x32xf32, #tpu.memory_space<vmem>>, %arg14: memref<!tpu.dma_semaphore, #tpu.memory_space<semaphore_mem>>, %arg15: memref<!tpu.dma_semaphore, #tpu.memory_space<semaphore_mem>>, %arg16: memref<!tpu.dma_semaphore, #tpu.memory_space<semaphore_mem>>, %arg17: memref<!tpu.dma_semaphore, #tpu.memory_space<semaphore_mem>>) attributes {dimension_semantics = [#tpu.dimension_semantics<core_parallel>, #tpu.dimension_semantics<subcore_parallel>], iteration_bounds = array<i64: 2, 16>, scalar_prefetch = 0 : i64, scratch_operands = 12 : i64, tpu.core_type = #tpu.core_type<sc_vector_subcore>, window_params = [{transform_indices = #map}, {transform_indices = #map}, {transform_indices = #map}, {transform_indices = #map1}]} {
    %mul3A = arith.constant 16 : i32
    %mul3A_0 = arith.muli %arg0, %mul3A : i32
    %add3A = arith.addi %mul3A_0, %arg1 : i32
    "tpu.region"() ({
      %run_scoped3A_45 = tpu.sem_alloc : memref<!tpu.dma_semaphore, #tpu.memory_space<semaphore_mem>>
      tpu.enqueue_dma source(%arg4 : memref<320x32xf32, #tpu.memory_space<hbm>>) target(%arg7 : memref<320x32xf32, #tpu.memory_space<vmem>>) target_semaphore(%run_scoped3A_45 : memref<!tpu.dma_semaphore, #tpu.memory_space<semaphore_mem>>)
      tpu.wait_dma2 semaphore(%run_scoped3A_45 : memref<!tpu.dma_semaphore, #tpu.memory_space<semaphore_mem>>) src(%arg4 : memref<320x32xf32, #tpu.memory_space<hbm>>) dst(%arg7 : memref<320x32xf32, #tpu.memory_space<vmem>>)
      tpu.yield
    }) : () -> ()
    %mul3A_1 = arith.constant 640 : i32
    %mul3A_2 = arith.muli %arg1, %mul3A_1 : i32
    %add3A_3 = arith.constant 0 : i32
    %add3A_4 = arith.addi %mul3A_2, %add3A_3 : i32
    "tpu.region"() ({
      %run_scoped3A_45 = tpu.sem_alloc : memref<!tpu.dma_semaphore, #tpu.memory_space<semaphore_mem>>
      %dma_start3A_46 = arith.constant 0 : i32
      %dma_start3A_47 = tpu.memref_slice %arg6[%add3A_4, %dma_start3A_46] : memref<10240x32xf32, #tpu.memory_space<vmem_shared>> -> memref<320x32xf32, #tpu.memory_space<vmem_shared>>
      %dma_start3A_48 = arith.constant 0 : i32
      %dma_start3A_49 = tpu.memref_slice %arg6[%add3A_4, %dma_start3A_48] : memref<10240x32xf32, #tpu.memory_space<vmem_shared>> -> memref<320x32xf32, #tpu.memory_space<vmem_shared>>
      tpu.enqueue_dma source(%arg7 : memref<320x32xf32, #tpu.memory_space<vmem>>) target(%dma_start3A_49 : memref<320x32xf32, #tpu.memory_space<vmem_shared>>) target_semaphore(%run_scoped3A_45 : memref<!tpu.dma_semaphore, #tpu.memory_space<semaphore_mem>>)
      %dma_wait3A_50 = arith.constant 0 : i32
      %dma_wait3A_51 = tpu.memref_slice %arg6[%add3A_4, %dma_wait3A_50] : memref<10240x32xf32, #tpu.memory_space<vmem_shared>> -> memref<320x32xf32, #tpu.memory_space<vmem_shared>>
      %dma_wait3A_52 = arith.constant 0 : i32
      %dma_wait3A_53 = tpu.memref_slice %arg6[%add3A_4, %dma_wait3A_52] : memref<10240x32xf32, #tpu.memory_space<vmem_shared>> -> memref<320x32xf32, #tpu.memory_space<vmem_shared>>
      tpu.wait_dma2 semaphore(%run_scoped3A_45 : memref<!tpu.dma_semaphore, #tpu.memory_space<semaphore_mem>>) src(%arg7 : memref<320x32xf32, #tpu.memory_space<vmem>>) dst(%dma_wait3A_53 : memref<320x32xf32, #tpu.memory_space<vmem_shared>>)
      tpu.yield
    }) : () -> ()
    %mul3A_5 = arith.constant 640 : i32
    %mul3A_6 = arith.muli %arg1, %mul3A_5 : i32
    %add3A_7 = arith.constant 320 : i32
    %add3A_8 = arith.addi %mul3A_6, %add3A_7 : i32
    "tpu.region"() ({
      %run_scoped3A_45 = tpu.sem_alloc : memref<!tpu.dma_semaphore, #tpu.memory_space<semaphore_mem>>
      %dma_start3A_46 = arith.constant 0 : i32
      %dma_start3A_47 = tpu.memref_slice %arg6[%add3A_8, %dma_start3A_46] : memref<10240x32xf32, #tpu.memory_space<vmem_shared>> -> memref<320x32xf32, #tpu.memory_space<vmem_shared>>
      %dma_start3A_48 = arith.constant 0 : i32
      %dma_start3A_49 = tpu.memref_slice %arg6[%add3A_8, %dma_start3A_48] : memref<10240x32xf32, #tpu.memory_space<vmem_shared>> -> memref<320x32xf32, #tpu.memory_space<vmem_shared>>
      tpu.enqueue_dma source(%arg7 : memref<320x32xf32, #tpu.memory_space<vmem>>) target(%dma_start3A_49 : memref<320x32xf32, #tpu.memory_space<vmem_shared>>) target_semaphore(%run_scoped3A_45 : memref<!tpu.dma_semaphore, #tpu.memory_space<semaphore_mem>>)
      %dma_wait3A_50 = arith.constant 0 : i32
      %dma_wait3A_51 = tpu.memref_slice %arg6[%add3A_8, %dma_wait3A_50] : memref<10240x32xf32, #tpu.memory_space<vmem_shared>> -> memref<320x32xf32, #tpu.memory_space<vmem_shared>>
      %dma_wait3A_52 = arith.constant 0 : i32
      %dma_wait3A_53 = tpu.memref_slice %arg6[%add3A_8, %dma_wait3A_52] : memref<10240x32xf32, #tpu.memory_space<vmem_shared>> -> memref<320x32xf32, #tpu.memory_space<vmem_shared>>
      tpu.wait_dma2 semaphore(%run_scoped3A_45 : memref<!tpu.dma_semaphore, #tpu.memory_space<semaphore_mem>>) src(%arg7 : memref<320x32xf32, #tpu.memory_space<vmem>>) dst(%dma_wait3A_53 : memref<320x32xf32, #tpu.memory_space<vmem_shared>>)
      tpu.yield
    }) : () -> ()
    %mul3A_9 = arith.constant 5000 : i32
    %mul3A_10 = arith.muli %add3A, %mul3A_9 : i32
    %run_scoped3A = arith.constant 0 : i32
    "tpu.region"() ({
      %run_scoped3A_45 = tpu.sem_alloc : memref<!tpu.dma_semaphore, #tpu.memory_space<semaphore_mem>>
      %dma_start3A_46 = arith.constant 0 : i32
      %dma_start3A_47 = tpu.memref_slice %arg3[%run_scoped3A, %dma_start3A_46] : memref<2x160000xi32, #tpu.memory_space<hbm>> -> memref<1x160000xi32, #tpu.memory_space<hbm>>
      %dma_start3A_48 = tpu.memref_squeeze %dma_start3A_47 : memref<1x160000xi32, #tpu.memory_space<hbm>> -> memref<160000xi32, #tpu.memory_space<hbm>>
      %dma_start3A_49 = tpu.memref_slice %dma_start3A_48[%mul3A_10] : memref<160000xi32, #tpu.memory_space<hbm>> -> memref<5000xi32, #tpu.memory_space<hbm>>
      %dma_start3A_50 = arith.constant 0 : i32
      %dma_start3A_51 = tpu.memref_slice %arg3[%run_scoped3A, %dma_start3A_50] : memref<2x160000xi32, #tpu.memory_space<hbm>> -> memref<1x160000xi32, #tpu.memory_space<hbm>>
      %dma_start3A_52 = tpu.memref_squeeze %dma_start3A_51 : memref<1x160000xi32, #tpu.memory_space<hbm>> -> memref<160000xi32, #tpu.memory_space<hbm>>
      %dma_start3A_53 = tpu.memref_slice %dma_start3A_52[%mul3A_10] : memref<160000xi32, #tpu.memory_space<hbm>> -> memref<5000xi32, #tpu.memory_space<hbm>>
      tpu.enqueue_dma source(%dma_start3A_53 : memref<5000xi32, #tpu.memory_space<hbm>>) target(%arg8 : memref<5000xi32, #tpu.memory_space<vmem>>) target_semaphore(%run_scoped3A_45 : memref<!tpu.dma_semaphore, #tpu.memory_space<semaphore_mem>>)
      %dma_wait3A_54 = arith.constant 0 : i32
      %dma_wait3A_55 = tpu.memref_slice %arg3[%run_scoped3A, %dma_wait3A_54] : memref<2x160000xi32, #tpu.memory_space<hbm>> -> memref<1x160000xi32, #tpu.memory_space<hbm>>
      %dma_wait3A_56 = tpu.memref_squeeze %dma_wait3A_55 : memref<1x160000xi32, #tpu.memory_space<hbm>> -> memref<160000xi32, #tpu.memory_space<hbm>>
      %dma_wait3A_57 = tpu.memref_slice %dma_wait3A_56[%mul3A_10] : memref<160000xi32, #tpu.memory_space<hbm>> -> memref<5000xi32, #tpu.memory_space<hbm>>
      %dma_wait3A_58 = arith.constant 0 : i32
      %dma_wait3A_59 = tpu.memref_slice %arg3[%run_scoped3A, %dma_wait3A_58] : memref<2x160000xi32, #tpu.memory_space<hbm>> -> memref<1x160000xi32, #tpu.memory_space<hbm>>
      %dma_wait3A_60 = tpu.memref_squeeze %dma_wait3A_59 : memref<1x160000xi32, #tpu.memory_space<hbm>> -> memref<160000xi32, #tpu.memory_space<hbm>>
      %dma_wait3A_61 = tpu.memref_slice %dma_wait3A_60[%mul3A_10] : memref<160000xi32, #tpu.memory_space<hbm>> -> memref<5000xi32, #tpu.memory_space<hbm>>
      tpu.wait_dma2 semaphore(%run_scoped3A_45 : memref<!tpu.dma_semaphore, #tpu.memory_space<semaphore_mem>>) src(%dma_wait3A_61 : memref<5000xi32, #tpu.memory_space<hbm>>) dst(%arg8 : memref<5000xi32, #tpu.memory_space<vmem>>)
      tpu.yield
    }) : () -> ()
    %run_scoped3A_11 = arith.constant 1 : i32
    "tpu.region"() ({
      %run_scoped3A_45 = tpu.sem_alloc : memref<!tpu.dma_semaphore, #tpu.memory_space<semaphore_mem>>
      %dma_start3A_46 = arith.constant 0 : i32
      %dma_start3A_47 = tpu.memref_slice %arg3[%run_scoped3A_11, %dma_start3A_46] : memref<2x160000xi32, #tpu.memory_space<hbm>> -> memref<1x160000xi32, #tpu.memory_space<hbm>>
      %dma_start3A_48 = tpu.memref_squeeze %dma_start3A_47 : memref<1x160000xi32, #tpu.memory_space<hbm>> -> memref<160000xi32, #tpu.memory_space<hbm>>
      %dma_start3A_49 = tpu.memref_slice %dma_start3A_48[%mul3A_10] : memref<160000xi32, #tpu.memory_space<hbm>> -> memref<5000xi32, #tpu.memory_space<hbm>>
      %dma_start3A_50 = arith.constant 0 : i32
      %dma_start3A_51 = tpu.memref_slice %arg3[%run_scoped3A_11, %dma_start3A_50] : memref<2x160000xi32, #tpu.memory_space<hbm>> -> memref<1x160000xi32, #tpu.memory_space<hbm>>
      %dma_start3A_52 = tpu.memref_squeeze %dma_start3A_51 : memref<1x160000xi32, #tpu.memory_space<hbm>> -> memref<160000xi32, #tpu.memory_space<hbm>>
      %dma_start3A_53 = tpu.memref_slice %dma_start3A_52[%mul3A_10] : memref<160000xi32, #tpu.memory_space<hbm>> -> memref<5000xi32, #tpu.memory_space<hbm>>
      tpu.enqueue_dma source(%dma_start3A_53 : memref<5000xi32, #tpu.memory_space<hbm>>) target(%arg9 : memref<5000xi32, #tpu.memory_space<vmem>>) target_semaphore(%run_scoped3A_45 : memref<!tpu.dma_semaphore, #tpu.memory_space<semaphore_mem>>)
      %dma_wait3A_54 = arith.constant 0 : i32
      %dma_wait3A_55 = tpu.memref_slice %arg3[%run_scoped3A_11, %dma_wait3A_54] : memref<2x160000xi32, #tpu.memory_space<hbm>> -> memref<1x160000xi32, #tpu.memory_space<hbm>>
      %dma_wait3A_56 = tpu.memref_squeeze %dma_wait3A_55 : memref<1x160000xi32, #tpu.memory_space<hbm>> -> memref<160000xi32, #tpu.memory_space<hbm>>
      %dma_wait3A_57 = tpu.memref_slice %dma_wait3A_56[%mul3A_10] : memref<160000xi32, #tpu.memory_space<hbm>> -> memref<5000xi32, #tpu.memory_space<hbm>>
      %dma_wait3A_58 = arith.constant 0 : i32
      %dma_wait3A_59 = tpu.memref_slice %arg3[%run_scoped3A_11, %dma_wait3A_58] : memref<2x160000xi32, #tpu.memory_space<hbm>> -> memref<1x160000xi32, #tpu.memory_space<hbm>>
      %dma_wait3A_60 = tpu.memref_squeeze %dma_wait3A_59 : memref<1x160000xi32, #tpu.memory_space<hbm>> -> memref<160000xi32, #tpu.memory_space<hbm>>
      %dma_wait3A_61 = tpu.memref_slice %dma_wait3A_60[%mul3A_10] : memref<160000xi32, #tpu.memory_space<hbm>> -> memref<5000xi32, #tpu.memory_space<hbm>>
      tpu.wait_dma2 semaphore(%run_scoped3A_45 : memref<!tpu.dma_semaphore, #tpu.memory_space<semaphore_mem>>) src(%dma_wait3A_61 : memref<5000xi32, #tpu.memory_space<hbm>>) dst(%arg9 : memref<5000xi32, #tpu.memory_space<vmem>>)
      tpu.yield
    }) : () -> ()
    %barrier3A = arith.constant 0 : index
    tpu.barrier barrier_id(%barrier3A)
    %dma_start3A = arith.constant 0 : i32
    %dma_start3A_12 = tpu.memref_slice %arg8[%dma_start3A] : memref<5000xi32, #tpu.memory_space<vmem>> -> memref<200xi32, #tpu.memory_space<vmem>>
    %dma_start3A_13 = arith.constant 0 : i32
    %dma_start3A_14 = arith.constant 0 : i32
    %dma_start3A_15 = tpu.memref_slice %arg2[%dma_start3A_13, %dma_start3A_14] : memref<10000x32xf32, #tpu.memory_space<hbm>> -> memref<10000x32xf32, #tpu.memory_space<hbm>>
    tpu.enqueue_indirect_dma source(%dma_start3A_15 : memref<10000x32xf32, #tpu.memory_space<hbm>>) target(%arg10 : memref<200x32xf32, #tpu.memory_space<vmem>>) offsets(%dma_start3A_12 : memref<200xi32, #tpu.memory_space<vmem>>) semaphore(%arg14 : memref<!tpu.dma_semaphore, #tpu.memory_space<semaphore_mem>>)
    %dma_start3A_16 = arith.constant 200 : i32
    %dma_start3A_17 = tpu.memref_slice %arg8[%dma_start3A_16] : memref<5000xi32, #tpu.memory_space<vmem>> -> memref<200xi32, #tpu.memory_space<vmem>>
    %dma_start3A_18 = arith.constant 0 : i32
    %dma_start3A_19 = arith.constant 0 : i32
    %dma_start3A_20 = tpu.memref_slice %arg2[%dma_start3A_18, %dma_start3A_19] : memref<10000x32xf32, #tpu.memory_space<hbm>> -> memref<10000x32xf32, #tpu.memory_space<hbm>>
    tpu.enqueue_indirect_dma source(%dma_start3A_20 : memref<10000x32xf32, #tpu.memory_space<hbm>>) target(%arg11 : memref<200x32xf32, #tpu.memory_space<vmem>>) offsets(%dma_start3A_17 : memref<200xi32, #tpu.memory_space<vmem>>) semaphore(%arg15 : memref<!tpu.dma_semaphore, #tpu.memory_space<semaphore_mem>>)
    %dma_start3A_21 = arith.constant 400 : i32
    %dma_start3A_22 = tpu.memref_slice %arg8[%dma_start3A_21] : memref<5000xi32, #tpu.memory_space<vmem>> -> memref<200xi32, #tpu.memory_space<vmem>>
    %dma_start3A_23 = arith.constant 0 : i32
    %dma_start3A_24 = arith.constant 0 : i32
    %dma_start3A_25 = tpu.memref_slice %arg2[%dma_start3A_23, %dma_start3A_24] : memref<10000x32xf32, #tpu.memory_space<hbm>> -> memref<10000x32xf32, #tpu.memory_space<hbm>>
    tpu.enqueue_indirect_dma source(%dma_start3A_25 : memref<10000x32xf32, #tpu.memory_space<hbm>>) target(%arg12 : memref<200x32xf32, #tpu.memory_space<vmem>>) offsets(%dma_start3A_22 : memref<200xi32, #tpu.memory_space<vmem>>) semaphore(%arg16 : memref<!tpu.dma_semaphore, #tpu.memory_space<semaphore_mem>>)
    %scan3A = arith.constant 0 : i32
    %scan3A_26 = arith.constant 0 : i32
    %scan3A_27 = arith.constant 6 : i32
    %scan3A_28 = arith.addi %scan3A_26, %scan3A_27 : i32
    %scan3A_29 = arith.constant 1 : i32
    %scan3A_30 = scf.for %scan3A_45 = %scan3A_26 to %scan3A_28 step %scan3A_29 iter_args(%scan3A_46 = %scan3A) -> (i32)  : i32 {
      %mul3A_47 = arith.constant 4 : i32
      %mul3A_48 = arith.muli %scan3A_45, %mul3A_47 : i32
      %add3A_49 = arith.constant 0 : i32
      %add3A_50 = arith.addi %mul3A_48, %add3A_49 : i32
      %dma_wait3A_51 = arith.constant 0 : i32
      %dma_wait3A_52 = tpu.memref_slice %arg8[%dma_wait3A_51] : memref<5000xi32, #tpu.memory_space<vmem>> -> memref<200xi32, #tpu.memory_space<vmem>>
      %dma_wait3A_53 = arith.constant 0 : i32
      %dma_wait3A_54 = arith.constant 0 : i32
      %dma_wait3A_55 = tpu.memref_slice %arg2[%dma_wait3A_53, %dma_wait3A_54] : memref<10000x32xf32, #tpu.memory_space<hbm>> -> memref<10000x32xf32, #tpu.memory_space<hbm>>
      tpu.wait_indirect_dma semaphore(%arg14 : memref<!tpu.dma_semaphore, #tpu.memory_space<semaphore_mem>>) src(%dma_wait3A_55 : memref<10000x32xf32, #tpu.memory_space<hbm>>) dst(%arg10 : memref<200x32xf32, #tpu.memory_space<vmem>>)
      %add3A_56 = arith.constant 3 : i32
      %add3A_57 = arith.addi %add3A_50, %add3A_56 : i32
      %lt3A = arith.constant 25 : i32
      %lt3A_58 = arith.cmpi slt, %add3A_57, %lt3A : i32
      %convert_element_type3A = arith.extui %lt3A_58 : i1 to i32
      %cond3A = arith.constant 0 : i32
      %cond3A_59 = arith.cmpi ne, %convert_element_type3A, %cond3A : i32
      scf.if %cond3A_59 {
        %add3A_117 = arith.constant 3 : i32
        %add3A_118 = arith.addi %add3A_50, %add3A_117 : i32
        %mul3A_119 = arith.constant 200 : i32
        %mul3A_120 = arith.muli %add3A_118, %mul3A_119 : i32
        %dma_start3A_121 = tpu.memref_slice %arg8[%mul3A_120] : memref<5000xi32, #tpu.memory_space<vmem>> -> memref<200xi32, #tpu.memory_space<vmem>>
        %dma_start3A_122 = arith.constant 0 : i32
        %dma_start3A_123 = arith.constant 0 : i32
        %dma_start3A_124 = tpu.memref_slice %arg2[%dma_start3A_122, %dma_start3A_123] : memref<10000x32xf32, #tpu.memory_space<hbm>> -> memref<10000x32xf32, #tpu.memory_space<hbm>>
        tpu.enqueue_indirect_dma source(%dma_start3A_124 : memref<10000x32xf32, #tpu.memory_space<hbm>>) target(%arg13 : memref<200x32xf32, #tpu.memory_space<vmem>>) offsets(%dma_start3A_121 : memref<200xi32, #tpu.memory_space<vmem>>) semaphore(%arg17 : memref<!tpu.dma_semaphore, #tpu.memory_space<semaphore_mem>>)
      } else {
      }
      %mul3A_60 = arith.constant 200 : i32
      %mul3A_61 = arith.muli %add3A_50, %mul3A_60 : i32
      "tpu.region"() ({
        %run_scoped3A_117 = tpu.sem_alloc : memref<!tpu.dma_semaphore, #tpu.memory_space<semaphore_mem>>
        %dma_start3A_118 = tpu.memref_slice %arg9[%mul3A_61] : memref<5000xi32, #tpu.memory_space<vmem>> -> memref<200xi32, #tpu.memory_space<vmem>>
        %dma_start3A_119 = arith.constant 0 : i32
        %dma_start3A_120 = arith.constant 0 : i32
        %dma_start3A_121 = tpu.memref_slice %arg6[%dma_start3A_119, %dma_start3A_120] : memref<10240x32xf32, #tpu.memory_space<vmem_shared>> -> memref<10240x32xf32, #tpu.memory_space<vmem_shared>>
        tpu.enqueue_indirect_dma source(%arg10 : memref<200x32xf32, #tpu.memory_space<vmem>>) target(%dma_start3A_121 : memref<10240x32xf32, #tpu.memory_space<vmem_shared>>) offsets(%dma_start3A_118 : memref<200xi32, #tpu.memory_space<vmem>>) semaphore(%run_scoped3A_117 : memref<!tpu.dma_semaphore, #tpu.memory_space<semaphore_mem>>) {add = true}
        %dma_wait3A_122 = tpu.memref_slice %arg9[%mul3A_61] : memref<5000xi32, #tpu.memory_space<vmem>> -> memref<200xi32, #tpu.memory_space<vmem>>
        %dma_wait3A_123 = arith.constant 0 : i32
        %dma_wait3A_124 = arith.constant 0 : i32
        %dma_wait3A_125 = tpu.memref_slice %arg6[%dma_wait3A_123, %dma_wait3A_124] : memref<10240x32xf32, #tpu.memory_space<vmem_shared>> -> memref<10240x32xf32, #tpu.memory_space<vmem_shared>>
        tpu.wait_indirect_dma semaphore(%run_scoped3A_117 : memref<!tpu.dma_semaphore, #tpu.memory_space<semaphore_mem>>) src(%arg10 : memref<200x32xf32, #tpu.memory_space<vmem>>) dst(%dma_wait3A_125 : memref<10240x32xf32, #tpu.memory_space<vmem_shared>>)
        tpu.yield
      }) : () -> ()
      %mul3A_62 = arith.constant 4 : i32
      %mul3A_63 = arith.muli %scan3A_45, %mul3A_62 : i32
      %add3A_64 = arith.constant 1 : i32
      %add3A_65 = arith.addi %mul3A_63, %add3A_64 : i32
      %dma_wait3A_66 = arith.constant 0 : i32
      %dma_wait3A_67 = tpu.memref_slice %arg8[%dma_wait3A_66] : memref<5000xi32, #tpu.memory_space<vmem>> -> memref<200xi32, #tpu.memory_space<vmem>>
      %dma_wait3A_68 = arith.constant 0 : i32
      %dma_wait3A_69 = arith.constant 0 : i32
      %dma_wait3A_70 = tpu.memref_slice %arg2[%dma_wait3A_68, %dma_wait3A_69] : memref<10000x32xf32, #tpu.memory_space<hbm>> -> memref<10000x32xf32, #tpu.memory_space<hbm>>
      tpu.wait_indirect_dma semaphore(%arg15 : memref<!tpu.dma_semaphore, #tpu.memory_space<semaphore_mem>>) src(%dma_wait3A_70 : memref<10000x32xf32, #tpu.memory_space<hbm>>) dst(%arg11 : memref<200x32xf32, #tpu.memory_space<vmem>>)
      %add3A_71 = arith.constant 3 : i32
      %add3A_72 = arith.addi %add3A_65, %add3A_71 : i32
      %lt3A_73 = arith.constant 25 : i32
      %lt3A_74 = arith.cmpi slt, %add3A_72, %lt3A_73 : i32
      %convert_element_type3A_75 = arith.extui %lt3A_74 : i1 to i32
      %cond3A_76 = arith.constant 0 : i32
      %cond3A_77 = arith.cmpi ne, %convert_element_type3A_75, %cond3A_76 : i32
      scf.if %cond3A_77 {
        %add3A_117 = arith.constant 3 : i32
        %add3A_118 = arith.addi %add3A_65, %add3A_117 : i32
        %mul3A_119 = arith.constant 200 : i32
        %mul3A_120 = arith.muli %add3A_118, %mul3A_119 : i32
        %dma_start3A_121 = tpu.memref_slice %arg8[%mul3A_120] : memref<5000xi32, #tpu.memory_space<vmem>> -> memref<200xi32, #tpu.memory_space<vmem>>
        %dma_start3A_122 = arith.constant 0 : i32
        %dma_start3A_123 = arith.constant 0 : i32
        %dma_start3A_124 = tpu.memref_slice %arg2[%dma_start3A_122, %dma_start3A_123] : memref<10000x32xf32, #tpu.memory_space<hbm>> -> memref<10000x32xf32, #tpu.memory_space<hbm>>
        tpu.enqueue_indirect_dma source(%dma_start3A_124 : memref<10000x32xf32, #tpu.memory_space<hbm>>) target(%arg10 : memref<200x32xf32, #tpu.memory_space<vmem>>) offsets(%dma_start3A_121 : memref<200xi32, #tpu.memory_space<vmem>>) semaphore(%arg14 : memref<!tpu.dma_semaphore, #tpu.memory_space<semaphore_mem>>)
      } else {
      }
      %mul3A_78 = arith.constant 200 : i32
      %mul3A_79 = arith.muli %add3A_65, %mul3A_78 : i32
      "tpu.region"() ({
        %run_scoped3A_117 = tpu.sem_alloc : memref<!tpu.dma_semaphore, #tpu.memory_space<semaphore_mem>>
        %dma_start3A_118 = tpu.memref_slice %arg9[%mul3A_79] : memref<5000xi32, #tpu.memory_space<vmem>> -> memref<200xi32, #tpu.memory_space<vmem>>
        %dma_start3A_119 = arith.constant 0 : i32
        %dma_start3A_120 = arith.constant 0 : i32
        %dma_start3A_121 = tpu.memref_slice %arg6[%dma_start3A_119, %dma_start3A_120] : memref<10240x32xf32, #tpu.memory_space<vmem_shared>> -> memref<10240x32xf32, #tpu.memory_space<vmem_shared>>
        tpu.enqueue_indirect_dma source(%arg11 : memref<200x32xf32, #tpu.memory_space<vmem>>) target(%dma_start3A_121 : memref<10240x32xf32, #tpu.memory_space<vmem_shared>>) offsets(%dma_start3A_118 : memref<200xi32, #tpu.memory_space<vmem>>) semaphore(%run_scoped3A_117 : memref<!tpu.dma_semaphore, #tpu.memory_space<semaphore_mem>>) {add = true}
        %dma_wait3A_122 = tpu.memref_slice %arg9[%mul3A_79] : memref<5000xi32, #tpu.memory_space<vmem>> -> memref<200xi32, #tpu.memory_space<vmem>>
        %dma_wait3A_123 = arith.constant 0 : i32
        %dma_wait3A_124 = arith.constant 0 : i32
        %dma_wait3A_125 = tpu.memref_slice %arg6[%dma_wait3A_123, %dma_wait3A_124] : memref<10240x32xf32, #tpu.memory_space<vmem_shared>> -> memref<10240x32xf32, #tpu.memory_space<vmem_shared>>
        tpu.wait_indirect_dma semaphore(%run_scoped3A_117 : memref<!tpu.dma_semaphore, #tpu.memory_space<semaphore_mem>>) src(%arg11 : memref<200x32xf32, #tpu.memory_space<vmem>>) dst(%dma_wait3A_125 : memref<10240x32xf32, #tpu.memory_space<vmem_shared>>)
        tpu.yield
      }) : () -> ()
      %mul3A_80 = arith.constant 4 : i32
      %mul3A_81 = arith.muli %scan3A_45, %mul3A_80 : i32
      %add3A_82 = arith.constant 2 : i32
      %add3A_83 = arith.addi %mul3A_81, %add3A_82 : i32
      %dma_wait3A_84 = arith.constant 0 : i32
      %dma_wait3A_85 = tpu.memref_slice %arg8[%dma_wait3A_84] : memref<5000xi32, #tpu.memory_space<vmem>> -> memref<200xi32, #tpu.memory_space<vmem>>
      %dma_wait3A_86 = arith.constant 0 : i32
      %dma_wait3A_87 = arith.constant 0 : i32
      %dma_wait3A_88 = tpu.memref_slice %arg2[%dma_wait3A_86, %dma_wait3A_87] : memref<10000x32xf32, #tpu.memory_space<hbm>> -> memref<10000x32xf32, #tpu.memory_space<hbm>>
      tpu.wait_indirect_dma semaphore(%arg16 : memref<!tpu.dma_semaphore, #tpu.memory_space<semaphore_mem>>) src(%dma_wait3A_88 : memref<10000x32xf32, #tpu.memory_space<hbm>>) dst(%arg12 : memref<200x32xf32, #tpu.memory_space<vmem>>)
      %add3A_89 = arith.constant 3 : i32
      %add3A_90 = arith.addi %add3A_83, %add3A_89 : i32
      %lt3A_91 = arith.constant 25 : i32
      %lt3A_92 = arith.cmpi slt, %add3A_90, %lt3A_91 : i32
      %convert_element_type3A_93 = arith.extui %lt3A_92 : i1 to i32
      %cond3A_94 = arith.constant 0 : i32
      %cond3A_95 = arith.cmpi ne, %convert_element_type3A_93, %cond3A_94 : i32
      scf.if %cond3A_95 {
        %add3A_117 = arith.constant 3 : i32
        %add3A_118 = arith.addi %add3A_83, %add3A_117 : i32
        %mul3A_119 = arith.constant 200 : i32
        %mul3A_120 = arith.muli %add3A_118, %mul3A_119 : i32
        %dma_start3A_121 = tpu.memref_slice %arg8[%mul3A_120] : memref<5000xi32, #tpu.memory_space<vmem>> -> memref<200xi32, #tpu.memory_space<vmem>>
        %dma_start3A_122 = arith.constant 0 : i32
        %dma_start3A_123 = arith.constant 0 : i32
        %dma_start3A_124 = tpu.memref_slice %arg2[%dma_start3A_122, %dma_start3A_123] : memref<10000x32xf32, #tpu.memory_space<hbm>> -> memref<10000x32xf32, #tpu.memory_space<hbm>>
        tpu.enqueue_indirect_dma source(%dma_start3A_124 : memref<10000x32xf32, #tpu.memory_space<hbm>>) target(%arg11 : memref<200x32xf32, #tpu.memory_space<vmem>>) offsets(%dma_start3A_121 : memref<200xi32, #tpu.memory_space<vmem>>) semaphore(%arg15 : memref<!tpu.dma_semaphore, #tpu.memory_space<semaphore_mem>>)
      } else {
      }
      %mul3A_96 = arith.constant 200 : i32
      %mul3A_97 = arith.muli %add3A_83, %mul3A_96 : i32
      "tpu.region"() ({
        %run_scoped3A_117 = tpu.sem_alloc : memref<!tpu.dma_semaphore, #tpu.memory_space<semaphore_mem>>
        %dma_start3A_118 = tpu.memref_slice %arg9[%mul3A_97] : memref<5000xi32, #tpu.memory_space<vmem>> -> memref<200xi32, #tpu.memory_space<vmem>>
        %dma_start3A_119 = arith.constant 0 : i32
        %dma_start3A_120 = arith.constant 0 : i32
        %dma_start3A_121 = tpu.memref_slice %arg6[%dma_start3A_119, %dma_start3A_120] : memref<10240x32xf32, #tpu.memory_space<vmem_shared>> -> memref<10240x32xf32, #tpu.memory_space<vmem_shared>>
        tpu.enqueue_indirect_dma source(%arg12 : memref<200x32xf32, #tpu.memory_space<vmem>>) target(%dma_start3A_121 : memref<10240x32xf32, #tpu.memory_space<vmem_shared>>) offsets(%dma_start3A_118 : memref<200xi32, #tpu.memory_space<vmem>>) semaphore(%run_scoped3A_117 : memref<!tpu.dma_semaphore, #tpu.memory_space<semaphore_mem>>) {add = true}
        %dma_wait3A_122 = tpu.memref_slice %arg9[%mul3A_97] : memref<5000xi32, #tpu.memory_space<vmem>> -> memref<200xi32, #tpu.memory_space<vmem>>
        %dma_wait3A_123 = arith.constant 0 : i32
        %dma_wait3A_124 = arith.constant 0 : i32
        %dma_wait3A_125 = tpu.memref_slice %arg6[%dma_wait3A_123, %dma_wait3A_124] : memref<10240x32xf32, #tpu.memory_space<vmem_shared>> -> memref<10240x32xf32, #tpu.memory_space<vmem_shared>>
        tpu.wait_indirect_dma semaphore(%run_scoped3A_117 : memref<!tpu.dma_semaphore, #tpu.memory_space<semaphore_mem>>) src(%arg12 : memref<200x32xf32, #tpu.memory_space<vmem>>) dst(%dma_wait3A_125 : memref<10240x32xf32, #tpu.memory_space<vmem_shared>>)
        tpu.yield
      }) : () -> ()
      %mul3A_98 = arith.constant 4 : i32
      %mul3A_99 = arith.muli %scan3A_45, %mul3A_98 : i32
      %add3A_100 = arith.constant 3 : i32
      %add3A_101 = arith.addi %mul3A_99, %add3A_100 : i32
      %dma_wait3A_102 = arith.constant 0 : i32
      %dma_wait3A_103 = tpu.memref_slice %arg8[%dma_wait3A_102] : memref<5000xi32, #tpu.memory_space<vmem>> -> memref<200xi32, #tpu.memory_space<vmem>>
      %dma_wait3A_104 = arith.constant 0 : i32
      %dma_wait3A_105 = arith.constant 0 : i32
      %dma_wait3A_106 = tpu.memref_slice %arg2[%dma_wait3A_104, %dma_wait3A_105] : memref<10000x32xf32, #tpu.memory_space<hbm>> -> memref<10000x32xf32, #tpu.memory_space<hbm>>
      tpu.wait_indirect_dma semaphore(%arg17 : memref<!tpu.dma_semaphore, #tpu.memory_space<semaphore_mem>>) src(%dma_wait3A_106 : memref<10000x32xf32, #tpu.memory_space<hbm>>) dst(%arg13 : memref<200x32xf32, #tpu.memory_space<vmem>>)
      %add3A_107 = arith.constant 3 : i32
      %add3A_108 = arith.addi %add3A_101, %add3A_107 : i32
      %lt3A_109 = arith.constant 25 : i32
      %lt3A_110 = arith.cmpi slt, %add3A_108, %lt3A_109 : i32
      %convert_element_type3A_111 = arith.extui %lt3A_110 : i1 to i32
      %cond3A_112 = arith.constant 0 : i32
      %cond3A_113 = arith.cmpi ne, %convert_element_type3A_111, %cond3A_112 : i32
      scf.if %cond3A_113 {
        %add3A_117 = arith.constant 3 : i32
        %add3A_118 = arith.addi %add3A_101, %add3A_117 : i32
        %mul3A_119 = arith.constant 200 : i32
        %mul3A_120 = arith.muli %add3A_118, %mul3A_119 : i32
        %dma_start3A_121 = tpu.memref_slice %arg8[%mul3A_120] : memref<5000xi32, #tpu.memory_space<vmem>> -> memref<200xi32, #tpu.memory_space<vmem>>
        %dma_start3A_122 = arith.constant 0 : i32
        %dma_start3A_123 = arith.constant 0 : i32
        %dma_start3A_124 = tpu.memref_slice %arg2[%dma_start3A_122, %dma_start3A_123] : memref<10000x32xf32, #tpu.memory_space<hbm>> -> memref<10000x32xf32, #tpu.memory_space<hbm>>
        tpu.enqueue_indirect_dma source(%dma_start3A_124 : memref<10000x32xf32, #tpu.memory_space<hbm>>) target(%arg12 : memref<200x32xf32, #tpu.memory_space<vmem>>) offsets(%dma_start3A_121 : memref<200xi32, #tpu.memory_space<vmem>>) semaphore(%arg16 : memref<!tpu.dma_semaphore, #tpu.memory_space<semaphore_mem>>)
      } else {
      }
      %mul3A_114 = arith.constant 200 : i32
      %mul3A_115 = arith.muli %add3A_101, %mul3A_114 : i32
      "tpu.region"() ({
        %run_scoped3A_117 = tpu.sem_alloc : memref<!tpu.dma_semaphore, #tpu.memory_space<semaphore_mem>>
        %dma_start3A_118 = tpu.memref_slice %arg9[%mul3A_115] : memref<5000xi32, #tpu.memory_space<vmem>> -> memref<200xi32, #tpu.memory_space<vmem>>
        %dma_start3A_119 = arith.constant 0 : i32
        %dma_start3A_120 = arith.constant 0 : i32
        %dma_start3A_121 = tpu.memref_slice %arg6[%dma_start3A_119, %dma_start3A_120] : memref<10240x32xf32, #tpu.memory_space<vmem_shared>> -> memref<10240x32xf32, #tpu.memory_space<vmem_shared>>
        tpu.enqueue_indirect_dma source(%arg13 : memref<200x32xf32, #tpu.memory_space<vmem>>) target(%dma_start3A_121 : memref<10240x32xf32, #tpu.memory_space<vmem_shared>>) offsets(%dma_start3A_118 : memref<200xi32, #tpu.memory_space<vmem>>) semaphore(%run_scoped3A_117 : memref<!tpu.dma_semaphore, #tpu.memory_space<semaphore_mem>>) {add = true}
        %dma_wait3A_122 = tpu.memref_slice %arg9[%mul3A_115] : memref<5000xi32, #tpu.memory_space<vmem>> -> memref<200xi32, #tpu.memory_space<vmem>>
        %dma_wait3A_123 = arith.constant 0 : i32
        %dma_wait3A_124 = arith.constant 0 : i32
        %dma_wait3A_125 = tpu.memref_slice %arg6[%dma_wait3A_123, %dma_wait3A_124] : memref<10240x32xf32, #tpu.memory_space<vmem_shared>> -> memref<10240x32xf32, #tpu.memory_space<vmem_shared>>
        tpu.wait_indirect_dma semaphore(%run_scoped3A_117 : memref<!tpu.dma_semaphore, #tpu.memory_space<semaphore_mem>>) src(%arg13 : memref<200x32xf32, #tpu.memory_space<vmem>>) dst(%dma_wait3A_125 : memref<10240x32xf32, #tpu.memory_space<vmem_shared>>)
        tpu.yield
      }) : () -> ()
      %scan3A_116 = arith.constant 0 : i32
      scf.yield %scan3A_116 : i32
    }
    %scan3A_31 = arith.constant 6 : i32
    %dma_wait3A = arith.constant 0 : i32
    %dma_wait3A_32 = tpu.memref_slice %arg8[%dma_wait3A] : memref<5000xi32, #tpu.memory_space<vmem>> -> memref<200xi32, #tpu.memory_space<vmem>>
    %dma_wait3A_33 = arith.constant 0 : i32
    %dma_wait3A_34 = arith.constant 0 : i32
    %dma_wait3A_35 = tpu.memref_slice %arg2[%dma_wait3A_33, %dma_wait3A_34] : memref<10000x32xf32, #tpu.memory_space<hbm>> -> memref<10000x32xf32, #tpu.memory_space<hbm>>
    tpu.wait_indirect_dma semaphore(%arg14 : memref<!tpu.dma_semaphore, #tpu.memory_space<semaphore_mem>>) src(%dma_wait3A_35 : memref<10000x32xf32, #tpu.memory_space<hbm>>) dst(%arg10 : memref<200x32xf32, #tpu.memory_space<vmem>>)
    "tpu.region"() ({
      %run_scoped3A_45 = tpu.sem_alloc : memref<!tpu.dma_semaphore, #tpu.memory_space<semaphore_mem>>
      %dma_start3A_46 = arith.constant 4800 : i32
      %dma_start3A_47 = tpu.memref_slice %arg9[%dma_start3A_46] : memref<5000xi32, #tpu.memory_space<vmem>> -> memref<200xi32, #tpu.memory_space<vmem>>
      %dma_start3A_48 = arith.constant 0 : i32
      %dma_start3A_49 = arith.constant 0 : i32
      %dma_start3A_50 = tpu.memref_slice %arg6[%dma_start3A_48, %dma_start3A_49] : memref<10240x32xf32, #tpu.memory_space<vmem_shared>> -> memref<10240x32xf32, #tpu.memory_space<vmem_shared>>
      tpu.enqueue_indirect_dma source(%arg10 : memref<200x32xf32, #tpu.memory_space<vmem>>) target(%dma_start3A_50 : memref<10240x32xf32, #tpu.memory_space<vmem_shared>>) offsets(%dma_start3A_47 : memref<200xi32, #tpu.memory_space<vmem>>) semaphore(%run_scoped3A_45 : memref<!tpu.dma_semaphore, #tpu.memory_space<semaphore_mem>>) {add = true}
      %dma_wait3A_51 = arith.constant 4800 : i32
      %dma_wait3A_52 = tpu.memref_slice %arg9[%dma_wait3A_51] : memref<5000xi32, #tpu.memory_space<vmem>> -> memref<200xi32, #tpu.memory_space<vmem>>
      %dma_wait3A_53 = arith.constant 0 : i32
      %dma_wait3A_54 = arith.constant 0 : i32
      %dma_wait3A_55 = tpu.memref_slice %arg6[%dma_wait3A_53, %dma_wait3A_54] : memref<10240x32xf32, #tpu.memory_space<vmem_shared>> -> memref<10240x32xf32, #tpu.memory_space<vmem_shared>>
      tpu.wait_indirect_dma semaphore(%run_scoped3A_45 : memref<!tpu.dma_semaphore, #tpu.memory_space<semaphore_mem>>) src(%arg10 : memref<200x32xf32, #tpu.memory_space<vmem>>) dst(%dma_wait3A_55 : memref<10240x32xf32, #tpu.memory_space<vmem_shared>>)
      tpu.yield
    }) : () -> ()
    %barrier3A_36 = arith.constant 0 : index
    tpu.barrier barrier_id(%barrier3A_36)
    %mul3A_37 = arith.constant 640 : i32
    %mul3A_38 = arith.muli %arg1, %mul3A_37 : i32
    %add3A_39 = arith.constant 0 : i32
    %add3A_40 = arith.addi %mul3A_38, %add3A_39 : i32
    "tpu.region"() ({
      %run_scoped3A_45 = tpu.sem_alloc : memref<!tpu.dma_semaphore, #tpu.memory_space<semaphore_mem>>
      %dma_start3A_46 = arith.constant 0 : i32
      %dma_start3A_47 = tpu.memref_slice %arg6[%add3A_40, %dma_start3A_46] : memref<10240x32xf32, #tpu.memory_space<vmem_shared>> -> memref<320x32xf32, #tpu.memory_space<vmem_shared>>
      %dma_start3A_48 = arith.constant 0 : i32
      %dma_start3A_49 = tpu.memref_slice %arg6[%add3A_40, %dma_start3A_48] : memref<10240x32xf32, #tpu.memory_space<vmem_shared>> -> memref<320x32xf32, #tpu.memory_space<vmem_shared>>
      tpu.enqueue_dma source(%dma_start3A_49 : memref<320x32xf32, #tpu.memory_space<vmem_shared>>) target(%arg7 : memref<320x32xf32, #tpu.memory_space<vmem>>) target_semaphore(%run_scoped3A_45 : memref<!tpu.dma_semaphore, #tpu.memory_space<semaphore_mem>>)
      %dma_wait3A_50 = arith.constant 0 : i32
      %dma_wait3A_51 = tpu.memref_slice %arg6[%add3A_40, %dma_wait3A_50] : memref<10240x32xf32, #tpu.memory_space<vmem_shared>> -> memref<320x32xf32, #tpu.memory_space<vmem_shared>>
      %dma_wait3A_52 = arith.constant 0 : i32
      %dma_wait3A_53 = tpu.memref_slice %arg6[%add3A_40, %dma_wait3A_52] : memref<10240x32xf32, #tpu.memory_space<vmem_shared>> -> memref<320x32xf32, #tpu.memory_space<vmem_shared>>
      tpu.wait_dma2 semaphore(%run_scoped3A_45 : memref<!tpu.dma_semaphore, #tpu.memory_space<semaphore_mem>>) src(%dma_wait3A_53 : memref<320x32xf32, #tpu.memory_space<vmem_shared>>) dst(%arg7 : memref<320x32xf32, #tpu.memory_space<vmem>>)
      tpu.yield
    }) : () -> ()
    "tpu.region"() ({
      %run_scoped3A_45 = tpu.sem_alloc : memref<!tpu.dma_semaphore, #tpu.memory_space<semaphore_mem>>
      %dma_start3A_46 = arith.constant 0 : i32
      %dma_start3A_47 = arith.constant 0 : i32
      %dma_start3A_48 = tpu.memref_slice %arg5[%arg0, %dma_start3A_46, %dma_start3A_47] : memref<2x10240x32xf32, #tpu.memory_space<hbm>> -> memref<1x10240x32xf32, #tpu.memory_space<hbm>>
      %dma_start3A_49 = tpu.memref_squeeze %dma_start3A_48 : memref<1x10240x32xf32, #tpu.memory_space<hbm>> -> memref<10240x32xf32, #tpu.memory_space<hbm>>
      %dma_start3A_50 = arith.constant 0 : i32
      %dma_start3A_51 = tpu.memref_slice %dma_start3A_49[%add3A_40, %dma_start3A_50] : memref<10240x32xf32, #tpu.memory_space<hbm>> -> memref<320x32xf32, #tpu.memory_space<hbm>>
      %dma_start3A_52 = arith.constant 0 : i32
      %dma_start3A_53 = arith.constant 0 : i32
      %dma_start3A_54 = tpu.memref_slice %arg5[%arg0, %dma_start3A_52, %dma_start3A_53] : memref<2x10240x32xf32, #tpu.memory_space<hbm>> -> memref<1x10240x32xf32, #tpu.memory_space<hbm>>
      %dma_start3A_55 = tpu.memref_squeeze %dma_start3A_54 : memref<1x10240x32xf32, #tpu.memory_space<hbm>> -> memref<10240x32xf32, #tpu.memory_space<hbm>>
      %dma_start3A_56 = arith.constant 0 : i32
      %dma_start3A_57 = tpu.memref_slice %dma_start3A_55[%add3A_40, %dma_start3A_56] : memref<10240x32xf32, #tpu.memory_space<hbm>> -> memref<320x32xf32, #tpu.memory_space<hbm>>
      tpu.enqueue_dma source(%arg7 : memref<320x32xf32, #tpu.memory_space<vmem>>) target(%dma_start3A_57 : memref<320x32xf32, #tpu.memory_space<hbm>>) target_semaphore(%run_scoped3A_45 : memref<!tpu.dma_semaphore, #tpu.memory_space<semaphore_mem>>)
      %dma_wait3A_58 = arith.constant 0 : i32
      %dma_wait3A_59 = arith.constant 0 : i32
      %dma_wait3A_60 = tpu.memref_slice %arg5[%arg0, %dma_wait3A_58, %dma_wait3A_59] : memref<2x10240x32xf32, #tpu.memory_space<hbm>> -> memref<1x10240x32xf32, #tpu.memory_space<hbm>>
      %dma_wait3A_61 = tpu.memref_squeeze %dma_wait3A_60 : memref<1x10240x32xf32, #tpu.memory_space<hbm>> -> memref<10240x32xf32, #tpu.memory_space<hbm>>
      %dma_wait3A_62 = arith.constant 0 : i32
      %dma_wait3A_63 = tpu.memref_slice %dma_wait3A_61[%add3A_40, %dma_wait3A_62] : memref<10240x32xf32, #tpu.memory_space<hbm>> -> memref<320x32xf32, #tpu.memory_space<hbm>>
      %dma_wait3A_64 = arith.constant 0 : i32
      %dma_wait3A_65 = arith.constant 0 : i32
      %dma_wait3A_66 = tpu.memref_slice %arg5[%arg0, %dma_wait3A_64, %dma_wait3A_65] : memref<2x10240x32xf32, #tpu.memory_space<hbm>> -> memref<1x10240x32xf32, #tpu.memory_space<hbm>>
      %dma_wait3A_67 = tpu.memref_squeeze %dma_wait3A_66 : memref<1x10240x32xf32, #tpu.memory_space<hbm>> -> memref<10240x32xf32, #tpu.memory_space<hbm>>
      %dma_wait3A_68 = arith.constant 0 : i32
      %dma_wait3A_69 = tpu.memref_slice %dma_wait3A_67[%add3A_40, %dma_wait3A_68] : memref<10240x32xf32, #tpu.memory_space<hbm>> -> memref<320x32xf32, #tpu.memory_space<hbm>>
      tpu.wait_dma2 semaphore(%run_scoped3A_45 : memref<!tpu.dma_semaphore, #tpu.memory_space<semaphore_mem>>) src(%arg7 : memref<320x32xf32, #tpu.memory_space<vmem>>) dst(%dma_wait3A_69 : memref<320x32xf32, #tpu.memory_space<hbm>>)
      tpu.yield
    }) : () -> ()
    %mul3A_41 = arith.constant 640 : i32
    %mul3A_42 = arith.muli %arg1, %mul3A_41 : i32
    %add3A_43 = arith.constant 320 : i32
    %add3A_44 = arith.addi %mul3A_42, %add3A_43 : i32
    "tpu.region"() ({
      %run_scoped3A_45 = tpu.sem_alloc : memref<!tpu.dma_semaphore, #tpu.memory_space<semaphore_mem>>
      %dma_start3A_46 = arith.constant 0 : i32
      %dma_start3A_47 = tpu.memref_slice %arg6[%add3A_44, %dma_start3A_46] : memref<10240x32xf32, #tpu.memory_space<vmem_shared>> -> memref<320x32xf32, #tpu.memory_space<vmem_shared>>
      %dma_start3A_48 = arith.constant 0 : i32
      %dma_start3A_49 = tpu.memref_slice %arg6[%add3A_44, %dma_start3A_48] : memref<10240x32xf32, #tpu.memory_space<vmem_shared>> -> memref<320x32xf32, #tpu.memory_space<vmem_shared>>
      tpu.enqueue_dma source(%dma_start3A_49 : memref<320x32xf32, #tpu.memory_space<vmem_shared>>) target(%arg7 : memref<320x32xf32, #tpu.memory_space<vmem>>) target_semaphore(%run_scoped3A_45 : memref<!tpu.dma_semaphore, #tpu.memory_space<semaphore_mem>>)
      %dma_wait3A_50 = arith.constant 0 : i32
      %dma_wait3A_51 = tpu.memref_slice %arg6[%add3A_44, %dma_wait3A_50] : memref<10240x32xf32, #tpu.memory_space<vmem_shared>> -> memref<320x32xf32, #tpu.memory_space<vmem_shared>>
      %dma_wait3A_52 = arith.constant 0 : i32
      %dma_wait3A_53 = tpu.memref_slice %arg6[%add3A_44, %dma_wait3A_52] : memref<10240x32xf32, #tpu.memory_space<vmem_shared>> -> memref<320x32xf32, #tpu.memory_space<vmem_shared>>
      tpu.wait_dma2 semaphore(%run_scoped3A_45 : memref<!tpu.dma_semaphore, #tpu.memory_space<semaphore_mem>>) src(%dma_wait3A_53 : memref<320x32xf32, #tpu.memory_space<vmem_shared>>) dst(%arg7 : memref<320x32xf32, #tpu.memory_space<vmem>>)
      tpu.yield
    }) : () -> ()
    "tpu.region"() ({
      %run_scoped3A_45 = tpu.sem_alloc : memref<!tpu.dma_semaphore, #tpu.memory_space<semaphore_mem>>
      %dma_start3A_46 = arith.constant 0 : i32
      %dma_start3A_47 = arith.constant 0 : i32
      %dma_start3A_48 = tpu.memref_slice %arg5[%arg0, %dma_start3A_46, %dma_start3A_47] : memref<2x10240x32xf32, #tpu.memory_space<hbm>> -> memref<1x10240x32xf32, #tpu.memory_space<hbm>>
      %dma_start3A_49 = tpu.memref_squeeze %dma_start3A_48 : memref<1x10240x32xf32, #tpu.memory_space<hbm>> -> memref<10240x32xf32, #tpu.memory_space<hbm>>
      %dma_start3A_50 = arith.constant 0 : i32
      %dma_start3A_51 = tpu.memref_slice %dma_start3A_49[%add3A_44, %dma_start3A_50] : memref<10240x32xf32, #tpu.memory_space<hbm>> -> memref<320x32xf32, #tpu.memory_space<hbm>>
      %dma_start3A_52 = arith.constant 0 : i32
      %dma_start3A_53 = arith.constant 0 : i32
      %dma_start3A_54 = tpu.memref_slice %arg5[%arg0, %dma_start3A_52, %dma_start3A_53] : memref<2x10240x32xf32, #tpu.memory_space<hbm>> -> memref<1x10240x32xf32, #tpu.memory_space<hbm>>
      %dma_start3A_55 = tpu.memref_squeeze %dma_start3A_54 : memref<1x10240x32xf32, #tpu.memory_space<hbm>> -> memref<10240x32xf32, #tpu.memory_space<hbm>>
      %dma_start3A_56 = arith.constant 0 : i32
      %dma_start3A_57 = tpu.memref_slice %dma_start3A_55[%add3A_44, %dma_start3A_56] : memref<10240x32xf32, #tpu.memory_space<hbm>> -> memref<320x32xf32, #tpu.memory_space<hbm>>
      tpu.enqueue_dma source(%arg7 : memref<320x32xf32, #tpu.memory_space<vmem>>) target(%dma_start3A_57 : memref<320x32xf32, #tpu.memory_space<hbm>>) target_semaphore(%run_scoped3A_45 : memref<!tpu.dma_semaphore, #tpu.memory_space<semaphore_mem>>)
      %dma_wait3A_58 = arith.constant 0 : i32
      %dma_wait3A_59 = arith.constant 0 : i32
      %dma_wait3A_60 = tpu.memref_slice %arg5[%arg0, %dma_wait3A_58, %dma_wait3A_59] : memref<2x10240x32xf32, #tpu.memory_space<hbm>> -> memref<1x10240x32xf32, #tpu.memory_space<hbm>>
      %dma_wait3A_61 = tpu.memref_squeeze %dma_wait3A_60 : memref<1x10240x32xf32, #tpu.memory_space<hbm>> -> memref<10240x32xf32, #tpu.memory_space<hbm>>
      %dma_wait3A_62 = arith.constant 0 : i32
      %dma_wait3A_63 = tpu.memref_slice %dma_wait3A_61[%add3A_44, %dma_wait3A_62] : memref<10240x32xf32, #tpu.memory_space<hbm>> -> memref<320x32xf32, #tpu.memory_space<hbm>>
      %dma_wait3A_64 = arith.constant 0 : i32
      %dma_wait3A_65 = arith.constant 0 : i32
      %dma_wait3A_66 = tpu.memref_slice %arg5[%arg0, %dma_wait3A_64, %dma_wait3A_65] : memref<2x10240x32xf32, #tpu.memory_space<hbm>> -> memref<1x10240x32xf32, #tpu.memory_space<hbm>>
      %dma_wait3A_67 = tpu.memref_squeeze %dma_wait3A_66 : memref<1x10240x32xf32, #tpu.memory_space<hbm>> -> memref<10240x32xf32, #tpu.memory_space<hbm>>
      %dma_wait3A_68 = arith.constant 0 : i32
      %dma_wait3A_69 = tpu.memref_slice %dma_wait3A_67[%add3A_44, %dma_wait3A_68] : memref<10240x32xf32, #tpu.memory_space<hbm>> -> memref<320x32xf32, #tpu.memory_space<hbm>>
      tpu.wait_dma2 semaphore(%run_scoped3A_45 : memref<!tpu.dma_semaphore, #tpu.memory_space<semaphore_mem>>) src(%arg7 : memref<320x32xf32, #tpu.memory_space<vmem>>) dst(%dma_wait3A_69 : memref<320x32xf32, #tpu.memory_space<hbm>>)
      tpu.yield
    }) : () -> ()
    return
  }
}

#map = affine_map<(d0, d1) -> (0, 0)>
#map1 = affine_map<(d0, d1) -> (0, 0, 0)>
module attributes {stable_mosaic.version = 14 : i64} {
  func.func @_mp_kernel(%arg0: i32, %arg1: i32, %arg2: memref<10000x32xf32, #tpu.memory_space<hbm>>, %arg3: memref<2x160000xi32, #tpu.memory_space<hbm>>, %arg4: memref<320x32xf32, #tpu.memory_space<hbm>>, %arg5: memref<2x10240x32xf32, #tpu.memory_space<hbm>>, %arg6: memref<10240x32xf32, #tpu.memory_space<vmem_shared>>, %arg7: memref<320x32xf32, #tpu.memory_space<vmem>>, %arg8: memref<5000xi32, #tpu.memory_space<vmem>>, %arg9: memref<5000xi32, #tpu.memory_space<vmem>>, %arg10: memref<200x32xf32, #tpu.memory_space<vmem>>, %arg11: memref<200x32xf32, #tpu.memory_space<vmem>>, %arg12: memref<200x32xf32, #tpu.memory_space<vmem>>, %arg13: memref<200x32xf32, #tpu.memory_space<vmem>>, %arg14: memref<!tpu.dma_semaphore, #tpu.memory_space<semaphore_mem>>, %arg15: memref<!tpu.dma_semaphore, #tpu.memory_space<semaphore_mem>>, %arg16: memref<!tpu.dma_semaphore, #tpu.memory_space<semaphore_mem>>, %arg17: memref<!tpu.dma_semaphore, #tpu.memory_space<semaphore_mem>>) attributes {dimension_semantics = [#tpu.dimension_semantics<core_parallel>, #tpu.dimension_semantics<subcore_parallel>], iteration_bounds = array<i64: 2, 16>, scalar_prefetch = 0 : i64, scratch_operands = 12 : i64, tpu.core_type = #tpu.core_type<sc_vector_subcore>, window_params = [{transform_indices = #map}, {transform_indices = #map}, {transform_indices = #map}, {transform_indices = #map1}]} {
    %mul3A = arith.constant 16 : i32
    %mul3A_0 = arith.muli %arg0, %mul3A : i32
    %add3A = arith.addi %mul3A_0, %arg1 : i32
    "tpu.region"() ({
      %run_scoped3A_45 = tpu.sem_alloc : memref<!tpu.dma_semaphore, #tpu.memory_space<semaphore_mem>>
      tpu.enqueue_dma source(%arg4 : memref<320x32xf32, #tpu.memory_space<hbm>>) target(%arg7 : memref<320x32xf32, #tpu.memory_space<vmem>>) target_semaphore(%run_scoped3A_45 : memref<!tpu.dma_semaphore, #tpu.memory_space<semaphore_mem>>)
      tpu.wait_dma2 semaphore(%run_scoped3A_45 : memref<!tpu.dma_semaphore, #tpu.memory_space<semaphore_mem>>) src(%arg4 : memref<320x32xf32, #tpu.memory_space<hbm>>) dst(%arg7 : memref<320x32xf32, #tpu.memory_space<vmem>>)
      tpu.yield
    }) : () -> ()
    %mul3A_1 = arith.constant 640 : i32
    %mul3A_2 = arith.muli %arg1, %mul3A_1 : i32
    %add3A_3 = arith.constant 0 : i32
    %add3A_4 = arith.addi %mul3A_2, %add3A_3 : i32
    "tpu.region"() ({
      %run_scoped3A_45 = tpu.sem_alloc : memref<!tpu.dma_semaphore, #tpu.memory_space<semaphore_mem>>
      %dma_start3A_46 = arith.constant 0 : i32
      %dma_start3A_47 = tpu.memref_slice %arg6[%add3A_4, %dma_start3A_46] : memref<10240x32xf32, #tpu.memory_space<vmem_shared>> -> memref<320x32xf32, #tpu.memory_space<vmem_shared>>
      %dma_start3A_48 = arith.constant 0 : i32
      %dma_start3A_49 = tpu.memref_slice %arg6[%add3A_4, %dma_start3A_48] : memref<10240x32xf32, #tpu.memory_space<vmem_shared>> -> memref<320x32xf32, #tpu.memory_space<vmem_shared>>
      tpu.enqueue_dma source(%arg7 : memref<320x32xf32, #tpu.memory_space<vmem>>) target(%dma_start3A_49 : memref<320x32xf32, #tpu.memory_space<vmem_shared>>) target_semaphore(%run_scoped3A_45 : memref<!tpu.dma_semaphore, #tpu.memory_space<semaphore_mem>>)
      %dma_wait3A_50 = arith.constant 0 : i32
      %dma_wait3A_51 = tpu.memref_slice %arg6[%add3A_4, %dma_wait3A_50] : memref<10240x32xf32, #tpu.memory_space<vmem_shared>> -> memref<320x32xf32, #tpu.memory_space<vmem_shared>>
      %dma_wait3A_52 = arith.constant 0 : i32
      %dma_wait3A_53 = tpu.memref_slice %arg6[%add3A_4, %dma_wait3A_52] : memref<10240x32xf32, #tpu.memory_space<vmem_shared>> -> memref<320x32xf32, #tpu.memory_space<vmem_shared>>
      tpu.wait_dma2 semaphore(%run_scoped3A_45 : memref<!tpu.dma_semaphore, #tpu.memory_space<semaphore_mem>>) src(%arg7 : memref<320x32xf32, #tpu.memory_space<vmem>>) dst(%dma_wait3A_53 : memref<320x32xf32, #tpu.memory_space<vmem_shared>>)
      tpu.yield
    }) : () -> ()
    %mul3A_5 = arith.constant 640 : i32
    %mul3A_6 = arith.muli %arg1, %mul3A_5 : i32
    %add3A_7 = arith.constant 320 : i32
    %add3A_8 = arith.addi %mul3A_6, %add3A_7 : i32
    "tpu.region"() ({
      %run_scoped3A_45 = tpu.sem_alloc : memref<!tpu.dma_semaphore, #tpu.memory_space<semaphore_mem>>
      %dma_start3A_46 = arith.constant 0 : i32
      %dma_start3A_47 = tpu.memref_slice %arg6[%add3A_8, %dma_start3A_46] : memref<10240x32xf32, #tpu.memory_space<vmem_shared>> -> memref<320x32xf32, #tpu.memory_space<vmem_shared>>
      %dma_start3A_48 = arith.constant 0 : i32
      %dma_start3A_49 = tpu.memref_slice %arg6[%add3A_8, %dma_start3A_48] : memref<10240x32xf32, #tpu.memory_space<vmem_shared>> -> memref<320x32xf32, #tpu.memory_space<vmem_shared>>
      tpu.enqueue_dma source(%arg7 : memref<320x32xf32, #tpu.memory_space<vmem>>) target(%dma_start3A_49 : memref<320x32xf32, #tpu.memory_space<vmem_shared>>) target_semaphore(%run_scoped3A_45 : memref<!tpu.dma_semaphore, #tpu.memory_space<semaphore_mem>>)
      %dma_wait3A_50 = arith.constant 0 : i32
      %dma_wait3A_51 = tpu.memref_slice %arg6[%add3A_8, %dma_wait3A_50] : memref<10240x32xf32, #tpu.memory_space<vmem_shared>> -> memref<320x32xf32, #tpu.memory_space<vmem_shared>>
      %dma_wait3A_52 = arith.constant 0 : i32
      %dma_wait3A_53 = tpu.memref_slice %arg6[%add3A_8, %dma_wait3A_52] : memref<10240x32xf32, #tpu.memory_space<vmem_shared>> -> memref<320x32xf32, #tpu.memory_space<vmem_shared>>
      tpu.wait_dma2 semaphore(%run_scoped3A_45 : memref<!tpu.dma_semaphore, #tpu.memory_space<semaphore_mem>>) src(%arg7 : memref<320x32xf32, #tpu.memory_space<vmem>>) dst(%dma_wait3A_53 : memref<320x32xf32, #tpu.memory_space<vmem_shared>>)
      tpu.yield
    }) : () -> ()
    %mul3A_9 = arith.constant 5000 : i32
    %mul3A_10 = arith.muli %add3A, %mul3A_9 : i32
    %run_scoped3A = arith.constant 0 : i32
    "tpu.region"() ({
      %run_scoped3A_45 = tpu.sem_alloc : memref<!tpu.dma_semaphore, #tpu.memory_space<semaphore_mem>>
      %dma_start3A_46 = arith.constant 0 : i32
      %dma_start3A_47 = tpu.memref_slice %arg3[%run_scoped3A, %dma_start3A_46] : memref<2x160000xi32, #tpu.memory_space<hbm>> -> memref<1x160000xi32, #tpu.memory_space<hbm>>
      %dma_start3A_48 = tpu.memref_squeeze %dma_start3A_47 : memref<1x160000xi32, #tpu.memory_space<hbm>> -> memref<160000xi32, #tpu.memory_space<hbm>>
      %dma_start3A_49 = tpu.memref_slice %dma_start3A_48[%mul3A_10] : memref<160000xi32, #tpu.memory_space<hbm>> -> memref<5000xi32, #tpu.memory_space<hbm>>
      %dma_start3A_50 = arith.constant 0 : i32
      %dma_start3A_51 = tpu.memref_slice %arg3[%run_scoped3A, %dma_start3A_50] : memref<2x160000xi32, #tpu.memory_space<hbm>> -> memref<1x160000xi32, #tpu.memory_space<hbm>>
      %dma_start3A_52 = tpu.memref_squeeze %dma_start3A_51 : memref<1x160000xi32, #tpu.memory_space<hbm>> -> memref<160000xi32, #tpu.memory_space<hbm>>
      %dma_start3A_53 = tpu.memref_slice %dma_start3A_52[%mul3A_10] : memref<160000xi32, #tpu.memory_space<hbm>> -> memref<5000xi32, #tpu.memory_space<hbm>>
      tpu.enqueue_dma source(%dma_start3A_53 : memref<5000xi32, #tpu.memory_space<hbm>>) target(%arg8 : memref<5000xi32, #tpu.memory_space<vmem>>) target_semaphore(%run_scoped3A_45 : memref<!tpu.dma_semaphore, #tpu.memory_space<semaphore_mem>>)
      %dma_wait3A_54 = arith.constant 0 : i32
      %dma_wait3A_55 = tpu.memref_slice %arg3[%run_scoped3A, %dma_wait3A_54] : memref<2x160000xi32, #tpu.memory_space<hbm>> -> memref<1x160000xi32, #tpu.memory_space<hbm>>
      %dma_wait3A_56 = tpu.memref_squeeze %dma_wait3A_55 : memref<1x160000xi32, #tpu.memory_space<hbm>> -> memref<160000xi32, #tpu.memory_space<hbm>>
      %dma_wait3A_57 = tpu.memref_slice %dma_wait3A_56[%mul3A_10] : memref<160000xi32, #tpu.memory_space<hbm>> -> memref<5000xi32, #tpu.memory_space<hbm>>
      %dma_wait3A_58 = arith.constant 0 : i32
      %dma_wait3A_59 = tpu.memref_slice %arg3[%run_scoped3A, %dma_wait3A_58] : memref<2x160000xi32, #tpu.memory_space<hbm>> -> memref<1x160000xi32, #tpu.memory_space<hbm>>
      %dma_wait3A_60 = tpu.memref_squeeze %dma_wait3A_59 : memref<1x160000xi32, #tpu.memory_space<hbm>> -> memref<160000xi32, #tpu.memory_space<hbm>>
      %dma_wait3A_61 = tpu.memref_slice %dma_wait3A_60[%mul3A_10] : memref<160000xi32, #tpu.memory_space<hbm>> -> memref<5000xi32, #tpu.memory_space<hbm>>
      tpu.wait_dma2 semaphore(%run_scoped3A_45 : memref<!tpu.dma_semaphore, #tpu.memory_space<semaphore_mem>>) src(%dma_wait3A_61 : memref<5000xi32, #tpu.memory_space<hbm>>) dst(%arg8 : memref<5000xi32, #tpu.memory_space<vmem>>)
      tpu.yield
    }) : () -> ()
    %run_scoped3A_11 = arith.constant 1 : i32
    "tpu.region"() ({
      %run_scoped3A_45 = tpu.sem_alloc : memref<!tpu.dma_semaphore, #tpu.memory_space<semaphore_mem>>
      %dma_start3A_46 = arith.constant 0 : i32
      %dma_start3A_47 = tpu.memref_slice %arg3[%run_scoped3A_11, %dma_start3A_46] : memref<2x160000xi32, #tpu.memory_space<hbm>> -> memref<1x160000xi32, #tpu.memory_space<hbm>>
      %dma_start3A_48 = tpu.memref_squeeze %dma_start3A_47 : memref<1x160000xi32, #tpu.memory_space<hbm>> -> memref<160000xi32, #tpu.memory_space<hbm>>
      %dma_start3A_49 = tpu.memref_slice %dma_start3A_48[%mul3A_10] : memref<160000xi32, #tpu.memory_space<hbm>> -> memref<5000xi32, #tpu.memory_space<hbm>>
      %dma_start3A_50 = arith.constant 0 : i32
      %dma_start3A_51 = tpu.memref_slice %arg3[%run_scoped3A_11, %dma_start3A_50] : memref<2x160000xi32, #tpu.memory_space<hbm>> -> memref<1x160000xi32, #tpu.memory_space<hbm>>
      %dma_start3A_52 = tpu.memref_squeeze %dma_start3A_51 : memref<1x160000xi32, #tpu.memory_space<hbm>> -> memref<160000xi32, #tpu.memory_space<hbm>>
      %dma_start3A_53 = tpu.memref_slice %dma_start3A_52[%mul3A_10] : memref<160000xi32, #tpu.memory_space<hbm>> -> memref<5000xi32, #tpu.memory_space<hbm>>
      tpu.enqueue_dma source(%dma_start3A_53 : memref<5000xi32, #tpu.memory_space<hbm>>) target(%arg9 : memref<5000xi32, #tpu.memory_space<vmem>>) target_semaphore(%run_scoped3A_45 : memref<!tpu.dma_semaphore, #tpu.memory_space<semaphore_mem>>)
      %dma_wait3A_54 = arith.constant 0 : i32
      %dma_wait3A_55 = tpu.memref_slice %arg3[%run_scoped3A_11, %dma_wait3A_54] : memref<2x160000xi32, #tpu.memory_space<hbm>> -> memref<1x160000xi32, #tpu.memory_space<hbm>>
      %dma_wait3A_56 = tpu.memref_squeeze %dma_wait3A_55 : memref<1x160000xi32, #tpu.memory_space<hbm>> -> memref<160000xi32, #tpu.memory_space<hbm>>
      %dma_wait3A_57 = tpu.memref_slice %dma_wait3A_56[%mul3A_10] : memref<160000xi32, #tpu.memory_space<hbm>> -> memref<5000xi32, #tpu.memory_space<hbm>>
      %dma_wait3A_58 = arith.constant 0 : i32
      %dma_wait3A_59 = tpu.memref_slice %arg3[%run_scoped3A_11, %dma_wait3A_58] : memref<2x160000xi32, #tpu.memory_space<hbm>> -> memref<1x160000xi32, #tpu.memory_space<hbm>>
      %dma_wait3A_60 = tpu.memref_squeeze %dma_wait3A_59 : memref<1x160000xi32, #tpu.memory_space<hbm>> -> memref<160000xi32, #tpu.memory_space<hbm>>
      %dma_wait3A_61 = tpu.memref_slice %dma_wait3A_60[%mul3A_10] : memref<160000xi32, #tpu.memory_space<hbm>> -> memref<5000xi32, #tpu.memory_space<hbm>>
      tpu.wait_dma2 semaphore(%run_scoped3A_45 : memref<!tpu.dma_semaphore, #tpu.memory_space<semaphore_mem>>) src(%dma_wait3A_61 : memref<5000xi32, #tpu.memory_space<hbm>>) dst(%arg9 : memref<5000xi32, #tpu.memory_space<vmem>>)
      tpu.yield
    }) : () -> ()
    %barrier3A = arith.constant 0 : index
    tpu.barrier barrier_id(%barrier3A)
    %dma_start3A = arith.constant 0 : i32
    %dma_start3A_12 = tpu.memref_slice %arg8[%dma_start3A] : memref<5000xi32, #tpu.memory_space<vmem>> -> memref<200xi32, #tpu.memory_space<vmem>>
    %dma_start3A_13 = arith.constant 0 : i32
    %dma_start3A_14 = arith.constant 0 : i32
    %dma_start3A_15 = tpu.memref_slice %arg2[%dma_start3A_13, %dma_start3A_14] : memref<10000x32xf32, #tpu.memory_space<hbm>> -> memref<10000x32xf32, #tpu.memory_space<hbm>>
    tpu.enqueue_indirect_dma source(%dma_start3A_15 : memref<10000x32xf32, #tpu.memory_space<hbm>>) target(%arg10 : memref<200x32xf32, #tpu.memory_space<vmem>>) offsets(%dma_start3A_12 : memref<200xi32, #tpu.memory_space<vmem>>) semaphore(%arg14 : memref<!tpu.dma_semaphore, #tpu.memory_space<semaphore_mem>>)
    %dma_start3A_16 = arith.constant 200 : i32
    %dma_start3A_17 = tpu.memref_slice %arg8[%dma_start3A_16] : memref<5000xi32, #tpu.memory_space<vmem>> -> memref<200xi32, #tpu.memory_space<vmem>>
    %dma_start3A_18 = arith.constant 0 : i32
    %dma_start3A_19 = arith.constant 0 : i32
    %dma_start3A_20 = tpu.memref_slice %arg2[%dma_start3A_18, %dma_start3A_19] : memref<10000x32xf32, #tpu.memory_space<hbm>> -> memref<10000x32xf32, #tpu.memory_space<hbm>>
    tpu.enqueue_indirect_dma source(%dma_start3A_20 : memref<10000x32xf32, #tpu.memory_space<hbm>>) target(%arg11 : memref<200x32xf32, #tpu.memory_space<vmem>>) offsets(%dma_start3A_17 : memref<200xi32, #tpu.memory_space<vmem>>) semaphore(%arg15 : memref<!tpu.dma_semaphore, #tpu.memory_space<semaphore_mem>>)
    %dma_start3A_21 = arith.constant 400 : i32
    %dma_start3A_22 = tpu.memref_slice %arg8[%dma_start3A_21] : memref<5000xi32, #tpu.memory_space<vmem>> -> memref<200xi32, #tpu.memory_space<vmem>>
    %dma_start3A_23 = arith.constant 0 : i32
    %dma_start3A_24 = arith.constant 0 : i32
    %dma_start3A_25 = tpu.memref_slice %arg2[%dma_start3A_23, %dma_start3A_24] : memref<10000x32xf32, #tpu.memory_space<hbm>> -> memref<10000x32xf32, #tpu.memory_space<hbm>>
    tpu.enqueue_indirect_dma source(%dma_start3A_25 : memref<10000x32xf32, #tpu.memory_space<hbm>>) target(%arg12 : memref<200x32xf32, #tpu.memory_space<vmem>>) offsets(%dma_start3A_22 : memref<200xi32, #tpu.memory_space<vmem>>) semaphore(%arg16 : memref<!tpu.dma_semaphore, #tpu.memory_space<semaphore_mem>>)
    %scan3A = arith.constant 0 : i32
    %scan3A_26 = arith.constant 0 : i32
    %scan3A_27 = arith.constant 6 : i32
    %scan3A_28 = arith.addi %scan3A_26, %scan3A_27 : i32
    %scan3A_29 = arith.constant 1 : i32
    %scan3A_30 = scf.for %scan3A_45 = %scan3A_26 to %scan3A_28 step %scan3A_29 iter_args(%scan3A_46 = %scan3A) -> (i32)  : i32 {
      %mul3A_47 = arith.constant 4 : i32
      %mul3A_48 = arith.muli %scan3A_45, %mul3A_47 : i32
      %add3A_49 = arith.constant 0 : i32
      %add3A_50 = arith.addi %mul3A_48, %add3A_49 : i32
      %dma_wait3A_51 = arith.constant 0 : i32
      %dma_wait3A_52 = tpu.memref_slice %arg8[%dma_wait3A_51] : memref<5000xi32, #tpu.memory_space<vmem>> -> memref<200xi32, #tpu.memory_space<vmem>>
      %dma_wait3A_53 = arith.constant 0 : i32
      %dma_wait3A_54 = arith.constant 0 : i32
      %dma_wait3A_55 = tpu.memref_slice %arg2[%dma_wait3A_53, %dma_wait3A_54] : memref<10000x32xf32, #tpu.memory_space<hbm>> -> memref<10000x32xf32, #tpu.memory_space<hbm>>
      tpu.wait_indirect_dma semaphore(%arg14 : memref<!tpu.dma_semaphore, #tpu.memory_space<semaphore_mem>>) src(%dma_wait3A_55 : memref<10000x32xf32, #tpu.memory_space<hbm>>) dst(%arg10 : memref<200x32xf32, #tpu.memory_space<vmem>>)
      %add3A_56 = arith.constant 3 : i32
      %add3A_57 = arith.addi %add3A_50, %add3A_56 : i32
      %lt3A = arith.constant 25 : i32
      %lt3A_58 = arith.cmpi slt, %add3A_57, %lt3A : i32
      %convert_element_type3A = arith.extui %lt3A_58 : i1 to i32
      %cond3A = arith.constant 0 : i32
      %cond3A_59 = arith.cmpi ne, %convert_element_type3A, %cond3A : i32
      scf.if %cond3A_59 {
        %add3A_117 = arith.constant 3 : i32
        %add3A_118 = arith.addi %add3A_50, %add3A_117 : i32
        %mul3A_119 = arith.constant 200 : i32
        %mul3A_120 = arith.muli %add3A_118, %mul3A_119 : i32
        %dma_start3A_121 = tpu.memref_slice %arg8[%mul3A_120] : memref<5000xi32, #tpu.memory_space<vmem>> -> memref<200xi32, #tpu.memory_space<vmem>>
        %dma_start3A_122 = arith.constant 0 : i32
        %dma_start3A_123 = arith.constant 0 : i32
        %dma_start3A_124 = tpu.memref_slice %arg2[%dma_start3A_122, %dma_start3A_123] : memref<10000x32xf32, #tpu.memory_space<hbm>> -> memref<10000x32xf32, #tpu.memory_space<hbm>>
        tpu.enqueue_indirect_dma source(%dma_start3A_124 : memref<10000x32xf32, #tpu.memory_space<hbm>>) target(%arg13 : memref<200x32xf32, #tpu.memory_space<vmem>>) offsets(%dma_start3A_121 : memref<200xi32, #tpu.memory_space<vmem>>) semaphore(%arg17 : memref<!tpu.dma_semaphore, #tpu.memory_space<semaphore_mem>>)
      } else {
      }
      %mul3A_60 = arith.constant 200 : i32
      %mul3A_61 = arith.muli %add3A_50, %mul3A_60 : i32
      "tpu.region"() ({
        %run_scoped3A_117 = tpu.sem_alloc : memref<!tpu.dma_semaphore, #tpu.memory_space<semaphore_mem>>
        %dma_start3A_118 = tpu.memref_slice %arg9[%mul3A_61] : memref<5000xi32, #tpu.memory_space<vmem>> -> memref<200xi32, #tpu.memory_space<vmem>>
        %dma_start3A_119 = arith.constant 0 : i32
        %dma_start3A_120 = arith.constant 0 : i32
        %dma_start3A_121 = tpu.memref_slice %arg6[%dma_start3A_119, %dma_start3A_120] : memref<10240x32xf32, #tpu.memory_space<vmem_shared>> -> memref<10240x32xf32, #tpu.memory_space<vmem_shared>>
        tpu.enqueue_indirect_dma source(%arg10 : memref<200x32xf32, #tpu.memory_space<vmem>>) target(%dma_start3A_121 : memref<10240x32xf32, #tpu.memory_space<vmem_shared>>) offsets(%dma_start3A_118 : memref<200xi32, #tpu.memory_space<vmem>>) semaphore(%run_scoped3A_117 : memref<!tpu.dma_semaphore, #tpu.memory_space<semaphore_mem>>) {add = true}
        %dma_wait3A_122 = tpu.memref_slice %arg9[%mul3A_61] : memref<5000xi32, #tpu.memory_space<vmem>> -> memref<200xi32, #tpu.memory_space<vmem>>
        %dma_wait3A_123 = arith.constant 0 : i32
        %dma_wait3A_124 = arith.constant 0 : i32
        %dma_wait3A_125 = tpu.memref_slice %arg6[%dma_wait3A_123, %dma_wait3A_124] : memref<10240x32xf32, #tpu.memory_space<vmem_shared>> -> memref<10240x32xf32, #tpu.memory_space<vmem_shared>>
        tpu.wait_indirect_dma semaphore(%run_scoped3A_117 : memref<!tpu.dma_semaphore, #tpu.memory_space<semaphore_mem>>) src(%arg10 : memref<200x32xf32, #tpu.memory_space<vmem>>) dst(%dma_wait3A_125 : memref<10240x32xf32, #tpu.memory_space<vmem_shared>>)
        tpu.yield
      }) : () -> ()
      %mul3A_62 = arith.constant 4 : i32
      %mul3A_63 = arith.muli %scan3A_45, %mul3A_62 : i32
      %add3A_64 = arith.constant 1 : i32
      %add3A_65 = arith.addi %mul3A_63, %add3A_64 : i32
      %dma_wait3A_66 = arith.constant 0 : i32
      %dma_wait3A_67 = tpu.memref_slice %arg8[%dma_wait3A_66] : memref<5000xi32, #tpu.memory_space<vmem>> -> memref<200xi32, #tpu.memory_space<vmem>>
      %dma_wait3A_68 = arith.constant 0 : i32
      %dma_wait3A_69 = arith.constant 0 : i32
      %dma_wait3A_70 = tpu.memref_slice %arg2[%dma_wait3A_68, %dma_wait3A_69] : memref<10000x32xf32, #tpu.memory_space<hbm>> -> memref<10000x32xf32, #tpu.memory_space<hbm>>
      tpu.wait_indirect_dma semaphore(%arg15 : memref<!tpu.dma_semaphore, #tpu.memory_space<semaphore_mem>>) src(%dma_wait3A_70 : memref<10000x32xf32, #tpu.memory_space<hbm>>) dst(%arg11 : memref<200x32xf32, #tpu.memory_space<vmem>>)
      %add3A_71 = arith.constant 3 : i32
      %add3A_72 = arith.addi %add3A_65, %add3A_71 : i32
      %lt3A_73 = arith.constant 25 : i32
      %lt3A_74 = arith.cmpi slt, %add3A_72, %lt3A_73 : i32
      %convert_element_type3A_75 = arith.extui %lt3A_74 : i1 to i32
      %cond3A_76 = arith.constant 0 : i32
      %cond3A_77 = arith.cmpi ne, %convert_element_type3A_75, %cond3A_76 : i32
      scf.if %cond3A_77 {
        %add3A_117 = arith.constant 3 : i32
        %add3A_118 = arith.addi %add3A_65, %add3A_117 : i32
        %mul3A_119 = arith.constant 200 : i32
        %mul3A_120 = arith.muli %add3A_118, %mul3A_119 : i32
        %dma_start3A_121 = tpu.memref_slice %arg8[%mul3A_120] : memref<5000xi32, #tpu.memory_space<vmem>> -> memref<200xi32, #tpu.memory_space<vmem>>
        %dma_start3A_122 = arith.constant 0 : i32
        %dma_start3A_123 = arith.constant 0 : i32
        %dma_start3A_124 = tpu.memref_slice %arg2[%dma_start3A_122, %dma_start3A_123] : memref<10000x32xf32, #tpu.memory_space<hbm>> -> memref<10000x32xf32, #tpu.memory_space<hbm>>
        tpu.enqueue_indirect_dma source(%dma_start3A_124 : memref<10000x32xf32, #tpu.memory_space<hbm>>) target(%arg10 : memref<200x32xf32, #tpu.memory_space<vmem>>) offsets(%dma_start3A_121 : memref<200xi32, #tpu.memory_space<vmem>>) semaphore(%arg14 : memref<!tpu.dma_semaphore, #tpu.memory_space<semaphore_mem>>)
      } else {
      }
      %mul3A_78 = arith.constant 200 : i32
      %mul3A_79 = arith.muli %add3A_65, %mul3A_78 : i32
      "tpu.region"() ({
        %run_scoped3A_117 = tpu.sem_alloc : memref<!tpu.dma_semaphore, #tpu.memory_space<semaphore_mem>>
        %dma_start3A_118 = tpu.memref_slice %arg9[%mul3A_79] : memref<5000xi32, #tpu.memory_space<vmem>> -> memref<200xi32, #tpu.memory_space<vmem>>
        %dma_start3A_119 = arith.constant 0 : i32
        %dma_start3A_120 = arith.constant 0 : i32
        %dma_start3A_121 = tpu.memref_slice %arg6[%dma_start3A_119, %dma_start3A_120] : memref<10240x32xf32, #tpu.memory_space<vmem_shared>> -> memref<10240x32xf32, #tpu.memory_space<vmem_shared>>
        tpu.enqueue_indirect_dma source(%arg11 : memref<200x32xf32, #tpu.memory_space<vmem>>) target(%dma_start3A_121 : memref<10240x32xf32, #tpu.memory_space<vmem_shared>>) offsets(%dma_start3A_118 : memref<200xi32, #tpu.memory_space<vmem>>) semaphore(%run_scoped3A_117 : memref<!tpu.dma_semaphore, #tpu.memory_space<semaphore_mem>>) {add = true}
        %dma_wait3A_122 = tpu.memref_slice %arg9[%mul3A_79] : memref<5000xi32, #tpu.memory_space<vmem>> -> memref<200xi32, #tpu.memory_space<vmem>>
        %dma_wait3A_123 = arith.constant 0 : i32
        %dma_wait3A_124 = arith.constant 0 : i32
        %dma_wait3A_125 = tpu.memref_slice %arg6[%dma_wait3A_123, %dma_wait3A_124] : memref<10240x32xf32, #tpu.memory_space<vmem_shared>> -> memref<10240x32xf32, #tpu.memory_space<vmem_shared>>
        tpu.wait_indirect_dma semaphore(%run_scoped3A_117 : memref<!tpu.dma_semaphore, #tpu.memory_space<semaphore_mem>>) src(%arg11 : memref<200x32xf32, #tpu.memory_space<vmem>>) dst(%dma_wait3A_125 : memref<10240x32xf32, #tpu.memory_space<vmem_shared>>)
        tpu.yield
      }) : () -> ()
      %mul3A_80 = arith.constant 4 : i32
      %mul3A_81 = arith.muli %scan3A_45, %mul3A_80 : i32
      %add3A_82 = arith.constant 2 : i32
      %add3A_83 = arith.addi %mul3A_81, %add3A_82 : i32
      %dma_wait3A_84 = arith.constant 0 : i32
      %dma_wait3A_85 = tpu.memref_slice %arg8[%dma_wait3A_84] : memref<5000xi32, #tpu.memory_space<vmem>> -> memref<200xi32, #tpu.memory_space<vmem>>
      %dma_wait3A_86 = arith.constant 0 : i32
      %dma_wait3A_87 = arith.constant 0 : i32
      %dma_wait3A_88 = tpu.memref_slice %arg2[%dma_wait3A_86, %dma_wait3A_87] : memref<10000x32xf32, #tpu.memory_space<hbm>> -> memref<10000x32xf32, #tpu.memory_space<hbm>>
      tpu.wait_indirect_dma semaphore(%arg16 : memref<!tpu.dma_semaphore, #tpu.memory_space<semaphore_mem>>) src(%dma_wait3A_88 : memref<10000x32xf32, #tpu.memory_space<hbm>>) dst(%arg12 : memref<200x32xf32, #tpu.memory_space<vmem>>)
      %add3A_89 = arith.constant 3 : i32
      %add3A_90 = arith.addi %add3A_83, %add3A_89 : i32
      %lt3A_91 = arith.constant 25 : i32
      %lt3A_92 = arith.cmpi slt, %add3A_90, %lt3A_91 : i32
      %convert_element_type3A_93 = arith.extui %lt3A_92 : i1 to i32
      %cond3A_94 = arith.constant 0 : i32
      %cond3A_95 = arith.cmpi ne, %convert_element_type3A_93, %cond3A_94 : i32
      scf.if %cond3A_95 {
        %add3A_117 = arith.constant 3 : i32
        %add3A_118 = arith.addi %add3A_83, %add3A_117 : i32
        %mul3A_119 = arith.constant 200 : i32
        %mul3A_120 = arith.muli %add3A_118, %mul3A_119 : i32
        %dma_start3A_121 = tpu.memref_slice %arg8[%mul3A_120] : memref<5000xi32, #tpu.memory_space<vmem>> -> memref<200xi32, #tpu.memory_space<vmem>>
        %dma_start3A_122 = arith.constant 0 : i32
        %dma_start3A_123 = arith.constant 0 : i32
        %dma_start3A_124 = tpu.memref_slice %arg2[%dma_start3A_122, %dma_start3A_123] : memref<10000x32xf32, #tpu.memory_space<hbm>> -> memref<10000x32xf32, #tpu.memory_space<hbm>>
        tpu.enqueue_indirect_dma source(%dma_start3A_124 : memref<10000x32xf32, #tpu.memory_space<hbm>>) target(%arg11 : memref<200x32xf32, #tpu.memory_space<vmem>>) offsets(%dma_start3A_121 : memref<200xi32, #tpu.memory_space<vmem>>) semaphore(%arg15 : memref<!tpu.dma_semaphore, #tpu.memory_space<semaphore_mem>>)
      } else {
      }
      %mul3A_96 = arith.constant 200 : i32
      %mul3A_97 = arith.muli %add3A_83, %mul3A_96 : i32
      "tpu.region"() ({
        %run_scoped3A_117 = tpu.sem_alloc : memref<!tpu.dma_semaphore, #tpu.memory_space<semaphore_mem>>
        %dma_start3A_118 = tpu.memref_slice %arg9[%mul3A_97] : memref<5000xi32, #tpu.memory_space<vmem>> -> memref<200xi32, #tpu.memory_space<vmem>>
        %dma_start3A_119 = arith.constant 0 : i32
        %dma_start3A_120 = arith.constant 0 : i32
        %dma_start3A_121 = tpu.memref_slice %arg6[%dma_start3A_119, %dma_start3A_120] : memref<10240x32xf32, #tpu.memory_space<vmem_shared>> -> memref<10240x32xf32, #tpu.memory_space<vmem_shared>>
        tpu.enqueue_indirect_dma source(%arg12 : memref<200x32xf32, #tpu.memory_space<vmem>>) target(%dma_start3A_121 : memref<10240x32xf32, #tpu.memory_space<vmem_shared>>) offsets(%dma_start3A_118 : memref<200xi32, #tpu.memory_space<vmem>>) semaphore(%run_scoped3A_117 : memref<!tpu.dma_semaphore, #tpu.memory_space<semaphore_mem>>) {add = true}
        %dma_wait3A_122 = tpu.memref_slice %arg9[%mul3A_97] : memref<5000xi32, #tpu.memory_space<vmem>> -> memref<200xi32, #tpu.memory_space<vmem>>
        %dma_wait3A_123 = arith.constant 0 : i32
        %dma_wait3A_124 = arith.constant 0 : i32
        %dma_wait3A_125 = tpu.memref_slice %arg6[%dma_wait3A_123, %dma_wait3A_124] : memref<10240x32xf32, #tpu.memory_space<vmem_shared>> -> memref<10240x32xf32, #tpu.memory_space<vmem_shared>>
        tpu.wait_indirect_dma semaphore(%run_scoped3A_117 : memref<!tpu.dma_semaphore, #tpu.memory_space<semaphore_mem>>) src(%arg12 : memref<200x32xf32, #tpu.memory_space<vmem>>) dst(%dma_wait3A_125 : memref<10240x32xf32, #tpu.memory_space<vmem_shared>>)
        tpu.yield
      }) : () -> ()
      %mul3A_98 = arith.constant 4 : i32
      %mul3A_99 = arith.muli %scan3A_45, %mul3A_98 : i32
      %add3A_100 = arith.constant 3 : i32
      %add3A_101 = arith.addi %mul3A_99, %add3A_100 : i32
      %dma_wait3A_102 = arith.constant 0 : i32
      %dma_wait3A_103 = tpu.memref_slice %arg8[%dma_wait3A_102] : memref<5000xi32, #tpu.memory_space<vmem>> -> memref<200xi32, #tpu.memory_space<vmem>>
      %dma_wait3A_104 = arith.constant 0 : i32
      %dma_wait3A_105 = arith.constant 0 : i32
      %dma_wait3A_106 = tpu.memref_slice %arg2[%dma_wait3A_104, %dma_wait3A_105] : memref<10000x32xf32, #tpu.memory_space<hbm>> -> memref<10000x32xf32, #tpu.memory_space<hbm>>
      tpu.wait_indirect_dma semaphore(%arg17 : memref<!tpu.dma_semaphore, #tpu.memory_space<semaphore_mem>>) src(%dma_wait3A_106 : memref<10000x32xf32, #tpu.memory_space<hbm>>) dst(%arg13 : memref<200x32xf32, #tpu.memory_space<vmem>>)
      %add3A_107 = arith.constant 3 : i32
      %add3A_108 = arith.addi %add3A_101, %add3A_107 : i32
      %lt3A_109 = arith.constant 25 : i32
      %lt3A_110 = arith.cmpi slt, %add3A_108, %lt3A_109 : i32
      %convert_element_type3A_111 = arith.extui %lt3A_110 : i1 to i32
      %cond3A_112 = arith.constant 0 : i32
      %cond3A_113 = arith.cmpi ne, %convert_element_type3A_111, %cond3A_112 : i32
      scf.if %cond3A_113 {
        %add3A_117 = arith.constant 3 : i32
        %add3A_118 = arith.addi %add3A_101, %add3A_117 : i32
        %mul3A_119 = arith.constant 200 : i32
        %mul3A_120 = arith.muli %add3A_118, %mul3A_119 : i32
        %dma_start3A_121 = tpu.memref_slice %arg8[%mul3A_120] : memref<5000xi32, #tpu.memory_space<vmem>> -> memref<200xi32, #tpu.memory_space<vmem>>
        %dma_start3A_122 = arith.constant 0 : i32
        %dma_start3A_123 = arith.constant 0 : i32
        %dma_start3A_124 = tpu.memref_slice %arg2[%dma_start3A_122, %dma_start3A_123] : memref<10000x32xf32, #tpu.memory_space<hbm>> -> memref<10000x32xf32, #tpu.memory_space<hbm>>
        tpu.enqueue_indirect_dma source(%dma_start3A_124 : memref<10000x32xf32, #tpu.memory_space<hbm>>) target(%arg12 : memref<200x32xf32, #tpu.memory_space<vmem>>) offsets(%dma_start3A_121 : memref<200xi32, #tpu.memory_space<vmem>>) semaphore(%arg16 : memref<!tpu.dma_semaphore, #tpu.memory_space<semaphore_mem>>)
      } else {
      }
      %mul3A_114 = arith.constant 200 : i32
      %mul3A_115 = arith.muli %add3A_101, %mul3A_114 : i32
      "tpu.region"() ({
        %run_scoped3A_117 = tpu.sem_alloc : memref<!tpu.dma_semaphore, #tpu.memory_space<semaphore_mem>>
        %dma_start3A_118 = tpu.memref_slice %arg9[%mul3A_115] : memref<5000xi32, #tpu.memory_space<vmem>> -> memref<200xi32, #tpu.memory_space<vmem>>
        %dma_start3A_119 = arith.constant 0 : i32
        %dma_start3A_120 = arith.constant 0 : i32
        %dma_start3A_121 = tpu.memref_slice %arg6[%dma_start3A_119, %dma_start3A_120] : memref<10240x32xf32, #tpu.memory_space<vmem_shared>> -> memref<10240x32xf32, #tpu.memory_space<vmem_shared>>
        tpu.enqueue_indirect_dma source(%arg13 : memref<200x32xf32, #tpu.memory_space<vmem>>) target(%dma_start3A_121 : memref<10240x32xf32, #tpu.memory_space<vmem_shared>>) offsets(%dma_start3A_118 : memref<200xi32, #tpu.memory_space<vmem>>) semaphore(%run_scoped3A_117 : memref<!tpu.dma_semaphore, #tpu.memory_space<semaphore_mem>>) {add = true}
        %dma_wait3A_122 = tpu.memref_slice %arg9[%mul3A_115] : memref<5000xi32, #tpu.memory_space<vmem>> -> memref<200xi32, #tpu.memory_space<vmem>>
        %dma_wait3A_123 = arith.constant 0 : i32
        %dma_wait3A_124 = arith.constant 0 : i32
        %dma_wait3A_125 = tpu.memref_slice %arg6[%dma_wait3A_123, %dma_wait3A_124] : memref<10240x32xf32, #tpu.memory_space<vmem_shared>> -> memref<10240x32xf32, #tpu.memory_space<vmem_shared>>
        tpu.wait_indirect_dma semaphore(%run_scoped3A_117 : memref<!tpu.dma_semaphore, #tpu.memory_space<semaphore_mem>>) src(%arg13 : memref<200x32xf32, #tpu.memory_space<vmem>>) dst(%dma_wait3A_125 : memref<10240x32xf32, #tpu.memory_space<vmem_shared>>)
        tpu.yield
      }) : () -> ()
      %scan3A_116 = arith.constant 0 : i32
      scf.yield %scan3A_116 : i32
    }
    %scan3A_31 = arith.constant 6 : i32
    %dma_wait3A = arith.constant 0 : i32
    %dma_wait3A_32 = tpu.memref_slice %arg8[%dma_wait3A] : memref<5000xi32, #tpu.memory_space<vmem>> -> memref<200xi32, #tpu.memory_space<vmem>>
    %dma_wait3A_33 = arith.constant 0 : i32
    %dma_wait3A_34 = arith.constant 0 : i32
    %dma_wait3A_35 = tpu.memref_slice %arg2[%dma_wait3A_33, %dma_wait3A_34] : memref<10000x32xf32, #tpu.memory_space<hbm>> -> memref<10000x32xf32, #tpu.memory_space<hbm>>
    tpu.wait_indirect_dma semaphore(%arg14 : memref<!tpu.dma_semaphore, #tpu.memory_space<semaphore_mem>>) src(%dma_wait3A_35 : memref<10000x32xf32, #tpu.memory_space<hbm>>) dst(%arg10 : memref<200x32xf32, #tpu.memory_space<vmem>>)
    "tpu.region"() ({
      %run_scoped3A_45 = tpu.sem_alloc : memref<!tpu.dma_semaphore, #tpu.memory_space<semaphore_mem>>
      %dma_start3A_46 = arith.constant 4800 : i32
      %dma_start3A_47 = tpu.memref_slice %arg9[%dma_start3A_46] : memref<5000xi32, #tpu.memory_space<vmem>> -> memref<200xi32, #tpu.memory_space<vmem>>
      %dma_start3A_48 = arith.constant 0 : i32
      %dma_start3A_49 = arith.constant 0 : i32
      %dma_start3A_50 = tpu.memref_slice %arg6[%dma_start3A_48, %dma_start3A_49] : memref<10240x32xf32, #tpu.memory_space<vmem_shared>> -> memref<10240x32xf32, #tpu.memory_space<vmem_shared>>
      tpu.enqueue_indirect_dma source(%arg10 : memref<200x32xf32, #tpu.memory_space<vmem>>) target(%dma_start3A_50 : memref<10240x32xf32, #tpu.memory_space<vmem_shared>>) offsets(%dma_start3A_47 : memref<200xi32, #tpu.memory_space<vmem>>) semaphore(%run_scoped3A_45 : memref<!tpu.dma_semaphore, #tpu.memory_space<semaphore_mem>>) {add = true}
      %dma_wait3A_51 = arith.constant 4800 : i32
      %dma_wait3A_52 = tpu.memref_slice %arg9[%dma_wait3A_51] : memref<5000xi32, #tpu.memory_space<vmem>> -> memref<200xi32, #tpu.memory_space<vmem>>
      %dma_wait3A_53 = arith.constant 0 : i32
      %dma_wait3A_54 = arith.constant 0 : i32
      %dma_wait3A_55 = tpu.memref_slice %arg6[%dma_wait3A_53, %dma_wait3A_54] : memref<10240x32xf32, #tpu.memory_space<vmem_shared>> -> memref<10240x32xf32, #tpu.memory_space<vmem_shared>>
      tpu.wait_indirect_dma semaphore(%run_scoped3A_45 : memref<!tpu.dma_semaphore, #tpu.memory_space<semaphore_mem>>) src(%arg10 : memref<200x32xf32, #tpu.memory_space<vmem>>) dst(%dma_wait3A_55 : memref<10240x32xf32, #tpu.memory_space<vmem_shared>>)
      tpu.yield
    }) : () -> ()
    %barrier3A_36 = arith.constant 0 : index
    tpu.barrier barrier_id(%barrier3A_36)
    %mul3A_37 = arith.constant 640 : i32
    %mul3A_38 = arith.muli %arg1, %mul3A_37 : i32
    %add3A_39 = arith.constant 0 : i32
    %add3A_40 = arith.addi %mul3A_38, %add3A_39 : i32
    "tpu.region"() ({
      %run_scoped3A_45 = tpu.sem_alloc : memref<!tpu.dma_semaphore, #tpu.memory_space<semaphore_mem>>
      %dma_start3A_46 = arith.constant 0 : i32
      %dma_start3A_47 = tpu.memref_slice %arg6[%add3A_40, %dma_start3A_46] : memref<10240x32xf32, #tpu.memory_space<vmem_shared>> -> memref<320x32xf32, #tpu.memory_space<vmem_shared>>
      %dma_start3A_48 = arith.constant 0 : i32
      %dma_start3A_49 = tpu.memref_slice %arg6[%add3A_40, %dma_start3A_48] : memref<10240x32xf32, #tpu.memory_space<vmem_shared>> -> memref<320x32xf32, #tpu.memory_space<vmem_shared>>
      tpu.enqueue_dma source(%dma_start3A_49 : memref<320x32xf32, #tpu.memory_space<vmem_shared>>) target(%arg7 : memref<320x32xf32, #tpu.memory_space<vmem>>) target_semaphore(%run_scoped3A_45 : memref<!tpu.dma_semaphore, #tpu.memory_space<semaphore_mem>>)
      %dma_wait3A_50 = arith.constant 0 : i32
      %dma_wait3A_51 = tpu.memref_slice %arg6[%add3A_40, %dma_wait3A_50] : memref<10240x32xf32, #tpu.memory_space<vmem_shared>> -> memref<320x32xf32, #tpu.memory_space<vmem_shared>>
      %dma_wait3A_52 = arith.constant 0 : i32
      %dma_wait3A_53 = tpu.memref_slice %arg6[%add3A_40, %dma_wait3A_52] : memref<10240x32xf32, #tpu.memory_space<vmem_shared>> -> memref<320x32xf32, #tpu.memory_space<vmem_shared>>
      tpu.wait_dma2 semaphore(%run_scoped3A_45 : memref<!tpu.dma_semaphore, #tpu.memory_space<semaphore_mem>>) src(%dma_wait3A_53 : memref<320x32xf32, #tpu.memory_space<vmem_shared>>) dst(%arg7 : memref<320x32xf32, #tpu.memory_space<vmem>>)
      tpu.yield
    }) : () -> ()
    "tpu.region"() ({
      %run_scoped3A_45 = tpu.sem_alloc : memref<!tpu.dma_semaphore, #tpu.memory_space<semaphore_mem>>
      %dma_start3A_46 = arith.constant 0 : i32
      %dma_start3A_47 = arith.constant 0 : i32
      %dma_start3A_48 = tpu.memref_slice %arg5[%arg0, %dma_start3A_46, %dma_start3A_47] : memref<2x10240x32xf32, #tpu.memory_space<hbm>> -> memref<1x10240x32xf32, #tpu.memory_space<hbm>>
      %dma_start3A_49 = tpu.memref_squeeze %dma_start3A_48 : memref<1x10240x32xf32, #tpu.memory_space<hbm>> -> memref<10240x32xf32, #tpu.memory_space<hbm>>
      %dma_start3A_50 = arith.constant 0 : i32
      %dma_start3A_51 = tpu.memref_slice %dma_start3A_49[%add3A_40, %dma_start3A_50] : memref<10240x32xf32, #tpu.memory_space<hbm>> -> memref<320x32xf32, #tpu.memory_space<hbm>>
      %dma_start3A_52 = arith.constant 0 : i32
      %dma_start3A_53 = arith.constant 0 : i32
      %dma_start3A_54 = tpu.memref_slice %arg5[%arg0, %dma_start3A_52, %dma_start3A_53] : memref<2x10240x32xf32, #tpu.memory_space<hbm>> -> memref<1x10240x32xf32, #tpu.memory_space<hbm>>
      %dma_start3A_55 = tpu.memref_squeeze %dma_start3A_54 : memref<1x10240x32xf32, #tpu.memory_space<hbm>> -> memref<10240x32xf32, #tpu.memory_space<hbm>>
      %dma_start3A_56 = arith.constant 0 : i32
      %dma_start3A_57 = tpu.memref_slice %dma_start3A_55[%add3A_40, %dma_start3A_56] : memref<10240x32xf32, #tpu.memory_space<hbm>> -> memref<320x32xf32, #tpu.memory_space<hbm>>
      tpu.enqueue_dma source(%arg7 : memref<320x32xf32, #tpu.memory_space<vmem>>) target(%dma_start3A_57 : memref<320x32xf32, #tpu.memory_space<hbm>>) target_semaphore(%run_scoped3A_45 : memref<!tpu.dma_semaphore, #tpu.memory_space<semaphore_mem>>)
      %dma_wait3A_58 = arith.constant 0 : i32
      %dma_wait3A_59 = arith.constant 0 : i32
      %dma_wait3A_60 = tpu.memref_slice %arg5[%arg0, %dma_wait3A_58, %dma_wait3A_59] : memref<2x10240x32xf32, #tpu.memory_space<hbm>> -> memref<1x10240x32xf32, #tpu.memory_space<hbm>>
      %dma_wait3A_61 = tpu.memref_squeeze %dma_wait3A_60 : memref<1x10240x32xf32, #tpu.memory_space<hbm>> -> memref<10240x32xf32, #tpu.memory_space<hbm>>
      %dma_wait3A_62 = arith.constant 0 : i32
      %dma_wait3A_63 = tpu.memref_slice %dma_wait3A_61[%add3A_40, %dma_wait3A_62] : memref<10240x32xf32, #tpu.memory_space<hbm>> -> memref<320x32xf32, #tpu.memory_space<hbm>>
      %dma_wait3A_64 = arith.constant 0 : i32
      %dma_wait3A_65 = arith.constant 0 : i32
      %dma_wait3A_66 = tpu.memref_slice %arg5[%arg0, %dma_wait3A_64, %dma_wait3A_65] : memref<2x10240x32xf32, #tpu.memory_space<hbm>> -> memref<1x10240x32xf32, #tpu.memory_space<hbm>>
      %dma_wait3A_67 = tpu.memref_squeeze %dma_wait3A_66 : memref<1x10240x32xf32, #tpu.memory_space<hbm>> -> memref<10240x32xf32, #tpu.memory_space<hbm>>
      %dma_wait3A_68 = arith.constant 0 : i32
      %dma_wait3A_69 = tpu.memref_slice %dma_wait3A_67[%add3A_40, %dma_wait3A_68] : memref<10240x32xf32, #tpu.memory_space<hbm>> -> memref<320x32xf32, #tpu.memory_space<hbm>>
      tpu.wait_dma2 semaphore(%run_scoped3A_45 : memref<!tpu.dma_semaphore, #tpu.memory_space<semaphore_mem>>) src(%arg7 : memref<320x32xf32, #tpu.memory_space<vmem>>) dst(%dma_wait3A_69 : memref<320x32xf32, #tpu.memory_space<hbm>>)
      tpu.yield
    }) : () -> ()
    %mul3A_41 = arith.constant 640 : i32
    %mul3A_42 = arith.muli %arg1, %mul3A_41 : i32
    %add3A_43 = arith.constant 320 : i32
    %add3A_44 = arith.addi %mul3A_42, %add3A_43 : i32
    "tpu.region"() ({
      %run_scoped3A_45 = tpu.sem_alloc : memref<!tpu.dma_semaphore, #tpu.memory_space<semaphore_mem>>
      %dma_start3A_46 = arith.constant 0 : i32
      %dma_start3A_47 = tpu.memref_slice %arg6[%add3A_44, %dma_start3A_46] : memref<10240x32xf32, #tpu.memory_space<vmem_shared>> -> memref<320x32xf32, #tpu.memory_space<vmem_shared>>
      %dma_start3A_48 = arith.constant 0 : i32
      %dma_start3A_49 = tpu.memref_slice %arg6[%add3A_44, %dma_start3A_48] : memref<10240x32xf32, #tpu.memory_space<vmem_shared>> -> memref<320x32xf32, #tpu.memory_space<vmem_shared>>
      tpu.enqueue_dma source(%dma_start3A_49 : memref<320x32xf32, #tpu.memory_space<vmem_shared>>) target(%arg7 : memref<320x32xf32, #tpu.memory_space<vmem>>) target_semaphore(%run_scoped3A_45 : memref<!tpu.dma_semaphore, #tpu.memory_space<semaphore_mem>>)
      %dma_wait3A_50 = arith.constant 0 : i32
      %dma_wait3A_51 = tpu.memref_slice %arg6[%add3A_44, %dma_wait3A_50] : memref<10240x32xf32, #tpu.memory_space<vmem_shared>> -> memref<320x32xf32, #tpu.memory_space<vmem_shared>>
      %dma_wait3A_52 = arith.constant 0 : i32
      %dma_wait3A_53 = tpu.memref_slice %arg6[%add3A_44, %dma_wait3A_52] : memref<10240x32xf32, #tpu.memory_space<vmem_shared>> -> memref<320x32xf32, #tpu.memory_space<vmem_shared>>
      tpu.wait_dma2 semaphore(%run_scoped3A_45 : memref<!tpu.dma_semaphore, #tpu.memory_space<semaphore_mem>>) src(%dma_wait3A_53 : memref<320x32xf32, #tpu.memory_space<vmem_shared>>) dst(%arg7 : memref<320x32xf32, #tpu.memory_space<vmem>>)
      tpu.yield
    }) : () -> ()
    "tpu.region"() ({
      %run_scoped3A_45 = tpu.sem_alloc : memref<!tpu.dma_semaphore, #tpu.memory_space<semaphore_mem>>
      %dma_start3A_46 = arith.constant 0 : i32
      %dma_start3A_47 = arith.constant 0 : i32
      %dma_start3A_48 = tpu.memref_slice %arg5[%arg0, %dma_start3A_46, %dma_start3A_47] : memref<2x10240x32xf32, #tpu.memory_space<hbm>> -> memref<1x10240x32xf32, #tpu.memory_space<hbm>>
      %dma_start3A_49 = tpu.memref_squeeze %dma_start3A_48 : memref<1x10240x32xf32, #tpu.memory_space<hbm>> -> memref<10240x32xf32, #tpu.memory_space<hbm>>
      %dma_start3A_50 = arith.constant 0 : i32
      %dma_start3A_51 = tpu.memref_slice %dma_start3A_49[%add3A_44, %dma_start3A_50] : memref<10240x32xf32, #tpu.memory_space<hbm>> -> memref<320x32xf32, #tpu.memory_space<hbm>>
      %dma_start3A_52 = arith.constant 0 : i32
      %dma_start3A_53 = arith.constant 0 : i32
      %dma_start3A_54 = tpu.memref_slice %arg5[%arg0, %dma_start3A_52, %dma_start3A_53] : memref<2x10240x32xf32, #tpu.memory_space<hbm>> -> memref<1x10240x32xf32, #tpu.memory_space<hbm>>
      %dma_start3A_55 = tpu.memref_squeeze %dma_start3A_54 : memref<1x10240x32xf32, #tpu.memory_space<hbm>> -> memref<10240x32xf32, #tpu.memory_space<hbm>>
      %dma_start3A_56 = arith.constant 0 : i32
      %dma_start3A_57 = tpu.memref_slice %dma_start3A_55[%add3A_44, %dma_start3A_56] : memref<10240x32xf32, #tpu.memory_space<hbm>> -> memref<320x32xf32, #tpu.memory_space<hbm>>
      tpu.enqueue_dma source(%arg7 : memref<320x32xf32, #tpu.memory_space<vmem>>) target(%dma_start3A_57 : memref<320x32xf32, #tpu.memory_space<hbm>>) target_semaphore(%run_scoped3A_45 : memref<!tpu.dma_semaphore, #tpu.memory_space<semaphore_mem>>)
      %dma_wait3A_58 = arith.constant 0 : i32
      %dma_wait3A_59 = arith.constant 0 : i32
      %dma_wait3A_60 = tpu.memref_slice %arg5[%arg0, %dma_wait3A_58, %dma_wait3A_59] : memref<2x10240x32xf32, #tpu.memory_space<hbm>> -> memref<1x10240x32xf32, #tpu.memory_space<hbm>>
      %dma_wait3A_61 = tpu.memref_squeeze %dma_wait3A_60 : memref<1x10240x32xf32, #tpu.memory_space<hbm>> -> memref<10240x32xf32, #tpu.memory_space<hbm>>
      %dma_wait3A_62 = arith.constant 0 : i32
      %dma_wait3A_63 = tpu.memref_slice %dma_wait3A_61[%add3A_44, %dma_wait3A_62] : memref<10240x32xf32, #tpu.memory_space<hbm>> -> memref<320x32xf32, #tpu.memory_space<hbm>>
      %dma_wait3A_64 = arith.constant 0 : i32
      %dma_wait3A_65 = arith.constant 0 : i32
      %dma_wait3A_66 = tpu.memref_slice %arg5[%arg0, %dma_wait3A_64, %dma_wait3A_65] : memref<2x10240x32xf32, #tpu.memory_space<hbm>> -> memref<1x10240x32xf32, #tpu.memory_space<hbm>>
      %dma_wait3A_67 = tpu.memref_squeeze %dma_wait3A_66 : memref<1x10240x32xf32, #tpu.memory_space<hbm>> -> memref<10240x32xf32, #tpu.memory_space<hbm>>
      %dma_wait3A_68 = arith.constant 0 : i32
      %dma_wait3A_69 = tpu.memref_slice %dma_wait3A_67[%add3A_44, %dma_wait3A_68] : memref<10240x32xf32, #tpu.memory_space<hbm>> -> memref<320x32xf32, #tpu.memory_space<hbm>>
      tpu.wait_dma2 semaphore(%run_scoped3A_45 : memref<!tpu.dma_semaphore, #tpu.memory_space<semaphore_mem>>) src(%arg7 : memref<320x32xf32, #tpu.memory_space<vmem>>) dst(%dma_wait3A_69 : memref<320x32xf32, #tpu.memory_space<hbm>>)
      tpu.yield
    }) : () -> ()
    return
  }
}

module attributes {stable_mosaic.version = 14 : i64} {
  func.func @_layer1_body(%arg0: memref<2500x1024xf32, #tpu.memory_space<vmem>>, %arg1: memref<256x32xf32, #tpu.memory_space<vmem>>, %arg2: memref<2500x128xf32, #tpu.memory_space<vmem>>) attributes {dimension_semantics = [], scalar_prefetch = 0 : i64, scratch_operands = 0 : i64, tpu.core_type = #tpu.core_type<tc>} {
    %get3A = arith.constant 0 : index
    %get3A_0 = arith.constant 0 : index
    %get3A_1 = vector.load %arg1[%get3A, %get3A_0] : memref<256x32xf32, #tpu.memory_space<vmem>>, vector<256x32xf32>
    %broadcast_in_dim3A = arith.constant 0.000000e+00 : f32
    %broadcast_in_dim3A_2 = vector.broadcast %broadcast_in_dim3A : f32 to vector<768x32xf32>
    %concatenate3A = tpu.concatenate %get3A_1, %broadcast_in_dim3A_2 in 0 : vector<256x32xf32>, vector<768x32xf32> -> vector<1024x32xf32>
    %broadcast_in_dim3A_3 = arith.constant 0.000000e+00 : f32
    %broadcast_in_dim3A_4 = vector.broadcast %broadcast_in_dim3A_3 : f32 to vector<256x32xf32>
    %broadcast_in_dim3A_5 = arith.constant 0.000000e+00 : f32
    %broadcast_in_dim3A_6 = vector.broadcast %broadcast_in_dim3A_5 : f32 to vector<512x32xf32>
    %concatenate3A_7 = tpu.concatenate %broadcast_in_dim3A_4, %get3A_1, %broadcast_in_dim3A_6 in 0 : vector<256x32xf32>, vector<256x32xf32>, vector<512x32xf32> -> vector<1024x32xf32>
    %broadcast_in_dim3A_8 = arith.constant 0.000000e+00 : f32
    %broadcast_in_dim3A_9 = vector.broadcast %broadcast_in_dim3A_8 : f32 to vector<512x32xf32>
    %broadcast_in_dim3A_10 = arith.constant 0.000000e+00 : f32
    %broadcast_in_dim3A_11 = vector.broadcast %broadcast_in_dim3A_10 : f32 to vector<256x32xf32>
    %concatenate3A_12 = tpu.concatenate %broadcast_in_dim3A_9, %get3A_1, %broadcast_in_dim3A_11 in 0 : vector<512x32xf32>, vector<256x32xf32>, vector<256x32xf32> -> vector<1024x32xf32>
    %broadcast_in_dim3A_13 = arith.constant 0.000000e+00 : f32
    %broadcast_in_dim3A_14 = vector.broadcast %broadcast_in_dim3A_13 : f32 to vector<768x32xf32>
    %concatenate3A_15 = tpu.concatenate %broadcast_in_dim3A_14, %get3A_1 in 0 : vector<768x32xf32>, vector<256x32xf32> -> vector<1024x32xf32>
    %concatenate3A_16 = tpu.concatenate %concatenate3A, %concatenate3A_7, %concatenate3A_12, %concatenate3A_15 in 1 : vector<1024x32xf32>, vector<1024x32xf32>, vector<1024x32xf32>, vector<1024x32xf32> -> vector<1024x128xf32>
    %get3A_17 = arith.constant 0 : index
    %get3A_18 = arith.constant 0 : index
    %get3A_19 = vector.load %arg0[%get3A_17, %get3A_18] : memref<2500x1024xf32, #tpu.memory_space<vmem>>, vector<2500x1024xf32>
    %dot_general3A = arith.constant dense<0.000000e+00> : vector<2500x128xf32>
    %dot_general3A_20 = tpu.matmul %get3A_19, %concatenate3A_16, %dot_general3A {dimension_numbers = #tpu.dot_dimension_numbers<[1], [0], [0], [1], [0, 0, 1, 1], [], []>, transpose_lhs_hint = false} : vector<2500x1024xf32>, vector<1024x128xf32>, vector<2500x128xf32> -> vector<2500x128xf32>
    %swap3A = arith.constant 0 : index
    %swap3A_21 = arith.constant 0 : index
    %swap3A_22 = vector.load %arg2[%swap3A, %swap3A_21] : memref<2500x128xf32, #tpu.memory_space<vmem>>, vector<2500x128xf32>
    tpu.vector_store %arg2[%swap3A, %swap3A_21], %dot_general3A_20 {strides = array<i32>} : memref<2500x128xf32, #tpu.memory_space<vmem>>, vector<2500x128xf32>,
    return
  }
}

module attributes {stable_mosaic.version = 14 : i64} {
  func.func @_scale1_body(%arg0: memref<2x2560x128xf32, #tpu.memory_space<vmem>>, %arg1: memref<2500x128xf32, #tpu.memory_space<vmem>>, %arg2: memref<2500x128xf32, #tpu.memory_space<vmem>>, %arg3: memref<2500x128xf32, #tpu.memory_space<vmem>>) attributes {dimension_semantics = [], scalar_prefetch = 0 : i64, scratch_operands = 0 : i64, tpu.core_type = #tpu.core_type<tc>} {
    %get3A = arith.constant 0 : index
    %get3A_0 = arith.constant 0 : index
    %get3A_1 = arith.constant 0 : index
    %get3A_2 = vector.load %arg0[%get3A, %get3A_0, %get3A_1] : memref<2x2560x128xf32, #tpu.memory_space<vmem>>, vector<1x2560x128xf32>
    %get3A_3 = vector.shape_cast %get3A_2 : vector<1x2560x128xf32> to vector<2560x128xf32>
    %get3A_4 = arith.constant 1 : index
    %get3A_5 = arith.constant 0 : index
    %get3A_6 = arith.constant 0 : index
    %get3A_7 = vector.load %arg0[%get3A_4, %get3A_5, %get3A_6] : memref<2x2560x128xf32, #tpu.memory_space<vmem>>, vector<1x2560x128xf32>
    %get3A_8 = vector.shape_cast %get3A_7 : vector<1x2560x128xf32> to vector<2560x128xf32>
    %add3A = arith.addf %get3A_3, %get3A_8 : vector<2560x128xf32>
    %add3A_9 = arith.constant 1.000000e+00 : f32
    %add3A_10 = vector.broadcast %add3A_9 : f32 to vector<2560x128xf32>
    %add3A_11 = arith.addf %add3A, %add3A_10 : vector<2560x128xf32>
    %rsqrt3A = math.rsqrt %add3A_11 : vector<2560x128xf32>
    %slice3A = vector.extract_strided_slice %rsqrt3A {offsets = [0, 0], sizes = [2500, 128], strides = [1, 1]} : vector<2560x128xf32> to vector<2500x128xf32>
    %swap3A = arith.constant 0 : index
    %swap3A_12 = arith.constant 0 : index
    %swap3A_13 = vector.load %arg3[%swap3A, %swap3A_12] : memref<2500x128xf32, #tpu.memory_space<vmem>>, vector<2500x128xf32>
    tpu.vector_store %arg3[%swap3A, %swap3A_12], %slice3A {strides = array<i32>} : memref<2500x128xf32, #tpu.memory_space<vmem>>, vector<2500x128xf32>,
    %get3A_14 = arith.constant 0 : index
    %get3A_15 = arith.constant 0 : index
    %get3A_16 = vector.load %arg1[%get3A_14, %get3A_15] : memref<2500x128xf32, #tpu.memory_space<vmem>>, vector<2500x128xf32>
    %mul3A = arith.mulf %get3A_16, %slice3A : vector<2500x128xf32>
    %swap3A_17 = arith.constant 0 : index
    %swap3A_18 = arith.constant 0 : index
    %swap3A_19 = vector.load %arg2[%swap3A_17, %swap3A_18] : memref<2500x128xf32, #tpu.memory_space<vmem>>, vector<2500x128xf32>
    tpu.vector_store %arg2[%swap3A_17, %swap3A_18], %mul3A {strides = array<i32>} : memref<2500x128xf32, #tpu.memory_space<vmem>>, vector<2500x128xf32>,
    return
  }
}

module attributes {stable_mosaic.version = 14 : i64} {
  func.func @_layer2_body(%arg0: memref<2x2560x128xf32, #tpu.memory_space<vmem>>, %arg1: memref<2500x128xf32, #tpu.memory_space<vmem>>, %arg2: memref<2500x128xf32, #tpu.memory_space<vmem>>, %arg3: memref<1x32xf32, #tpu.memory_space<vmem>>, %arg4: memref<32x32xf32, #tpu.memory_space<vmem>>, %arg5: memref<2500x128xf32, #tpu.memory_space<vmem>>) attributes {dimension_semantics = [], scalar_prefetch = 0 : i64, scratch_operands = 0 : i64, tpu.core_type = #tpu.core_type<tc>} {
    %get3A = arith.constant 0 : index
    %get3A_0 = arith.constant 0 : index
    %get3A_1 = arith.constant 0 : index
    %get3A_2 = vector.load %arg0[%get3A, %get3A_0, %get3A_1] : memref<2x2560x128xf32, #tpu.memory_space<vmem>>, vector<1x2560x128xf32>
    %get3A_3 = vector.shape_cast %get3A_2 : vector<1x2560x128xf32> to vector<2560x128xf32>
    %slice3A = vector.extract_strided_slice %get3A_3 {offsets = [0, 0], sizes = [2500, 128], strides = [1, 1]} : vector<2560x128xf32> to vector<2500x128xf32>
    %get3A_4 = arith.constant 1 : index
    %get3A_5 = arith.constant 0 : index
    %get3A_6 = arith.constant 0 : index
    %get3A_7 = vector.load %arg0[%get3A_4, %get3A_5, %get3A_6] : memref<2x2560x128xf32, #tpu.memory_space<vmem>>, vector<1x2560x128xf32>
    %get3A_8 = vector.shape_cast %get3A_7 : vector<1x2560x128xf32> to vector<2560x128xf32>
    %slice3A_9 = vector.extract_strided_slice %get3A_8 {offsets = [0, 0], sizes = [2500, 128], strides = [1, 1]} : vector<2560x128xf32> to vector<2500x128xf32>
    %add3A = arith.addf %slice3A, %slice3A_9 : vector<2500x128xf32>
    %get3A_10 = arith.constant 0 : index
    %get3A_11 = arith.constant 0 : index
    %get3A_12 = vector.load %arg2[%get3A_10, %get3A_11] : memref<2500x128xf32, #tpu.memory_space<vmem>>, vector<2500x128xf32>
    %get3A_13 = arith.constant 0 : index
    %get3A_14 = arith.constant 0 : index
    %get3A_15 = vector.load %arg1[%get3A_13, %get3A_14] : memref<2500x128xf32, #tpu.memory_space<vmem>>, vector<2500x128xf32>
    %add3A_16 = arith.addf %add3A, %get3A_15 : vector<2500x128xf32>
    %mul3A = arith.mulf %get3A_12, %add3A_16 : vector<2500x128xf32>
    %get3A_17 = arith.constant 0 : index
    %get3A_18 = arith.constant 0 : index
    %get3A_19 = vector.load %arg3[%get3A_17, %get3A_18] : memref<1x32xf32, #tpu.memory_space<vmem>>, vector<1x32xf32>
    %concatenate3A = tpu.concatenate %get3A_19, %get3A_19, %get3A_19, %get3A_19 in 1 : vector<1x32xf32>, vector<1x32xf32>, vector<1x32xf32>, vector<1x32xf32> -> vector<1x128xf32>
    %add3A_20 = vector.broadcast %concatenate3A : vector<1x128xf32> to vector<2500x128xf32>
    %add3A_21 = arith.addf %mul3A, %add3A_20 : vector<2500x128xf32>
    %max3A = arith.constant 0.000000e+00 : f32
    %max3A_22 = vector.broadcast %max3A : f32 to vector<2500x128xf32>
    %max3A_23 = arith.maximumf %add3A_21, %max3A_22 : vector<2500x128xf32>
    %get3A_24 = arith.constant 0 : index
    %get3A_25 = arith.constant 0 : index
    %get3A_26 = vector.load %arg4[%get3A_24, %get3A_25] : memref<32x32xf32, #tpu.memory_space<vmem>>, vector<32x32xf32>
    %broadcast_in_dim3A = arith.constant 0.000000e+00 : f32
    %broadcast_in_dim3A_27 = vector.broadcast %broadcast_in_dim3A : f32 to vector<96x32xf32>
    %concatenate3A_28 = tpu.concatenate %get3A_26, %broadcast_in_dim3A_27 in 0 : vector<32x32xf32>, vector<96x32xf32> -> vector<128x32xf32>
    %broadcast_in_dim3A_29 = arith.constant 0.000000e+00 : f32
    %broadcast_in_dim3A_30 = vector.broadcast %broadcast_in_dim3A_29 : f32 to vector<32x32xf32>
    %broadcast_in_dim3A_31 = arith.constant 0.000000e+00 : f32
    %broadcast_in_dim3A_32 = vector.broadcast %broadcast_in_dim3A_31 : f32 to vector<64x32xf32>
    %concatenate3A_33 = tpu.concatenate %broadcast_in_dim3A_30, %get3A_26, %broadcast_in_dim3A_32 in 0 : vector<32x32xf32>, vector<32x32xf32>, vector<64x32xf32> -> vector<128x32xf32>
    %broadcast_in_dim3A_34 = arith.constant 0.000000e+00 : f32
    %broadcast_in_dim3A_35 = vector.broadcast %broadcast_in_dim3A_34 : f32 to vector<64x32xf32>
    %broadcast_in_dim3A_36 = arith.constant 0.000000e+00 : f32
    %broadcast_in_dim3A_37 = vector.broadcast %broadcast_in_dim3A_36 : f32 to vector<32x32xf32>
    %concatenate3A_38 = tpu.concatenate %broadcast_in_dim3A_35, %get3A_26, %broadcast_in_dim3A_37 in 0 : vector<64x32xf32>, vector<32x32xf32>, vector<32x32xf32> -> vector<128x32xf32>
    %broadcast_in_dim3A_39 = arith.constant 0.000000e+00 : f32
    %broadcast_in_dim3A_40 = vector.broadcast %broadcast_in_dim3A_39 : f32 to vector<96x32xf32>
    %concatenate3A_41 = tpu.concatenate %broadcast_in_dim3A_40, %get3A_26 in 0 : vector<96x32xf32>, vector<32x32xf32> -> vector<128x32xf32>
    %concatenate3A_42 = tpu.concatenate %concatenate3A_28, %concatenate3A_33, %concatenate3A_38, %concatenate3A_41 in 1 : vector<128x32xf32>, vector<128x32xf32>, vector<128x32xf32>, vector<128x32xf32> -> vector<128x128xf32>
    %dot_general3A = arith.constant dense<0.000000e+00> : vector<2500x128xf32>
    %dot_general3A_43 = tpu.matmul %max3A_23, %concatenate3A_42, %dot_general3A {dimension_numbers = #tpu.dot_dimension_numbers<[1], [0], [0], [1], [0, 0, 1, 1], [], []>, transpose_lhs_hint = false} : vector<2500x128xf32>, vector<128x128xf32>, vector<2500x128xf32> -> vector<2500x128xf32>
    %mul3A_44 = arith.mulf %dot_general3A_43, %get3A_12 : vector<2500x128xf32>
    %swap3A = arith.constant 0 : index
    %swap3A_45 = arith.constant 0 : index
    %swap3A_46 = vector.load %arg5[%swap3A, %swap3A_45] : memref<2500x128xf32, #tpu.memory_space<vmem>>, vector<2500x128xf32>
    tpu.vector_store %arg5[%swap3A, %swap3A_45], %mul3A_44 {strides = array<i32>} : memref<2500x128xf32, #tpu.memory_space<vmem>>, vector<2500x128xf32>,
    return
  }
}

module attributes {stable_mosaic.version = 14 : i64} {
  func.func @_final_body(%arg0: memref<2x2560x128xf32, #tpu.memory_space<vmem>>, %arg1: memref<2500x128xf32, #tpu.memory_space<vmem>>, %arg2: memref<2500x128xf32, #tpu.memory_space<vmem>>, %arg3: memref<1x32xf32, #tpu.memory_space<vmem>>, %arg4: memref<4x2500xi32, #tpu.memory_space<vmem>>, %arg5: memref<32x2xf32, #tpu.memory_space<vmem>>, %arg6: memref<1x2xf32, #tpu.memory_space<vmem>>, %arg7: memref<64x2xf32, #tpu.memory_space<vmem>>) attributes {dimension_semantics = [], scalar_prefetch = 0 : i64, scratch_operands = 0 : i64, tpu.core_type = #tpu.core_type<tc>} {
    %get3A = arith.constant 0 : index
    %get3A_0 = arith.constant 0 : index
    %get3A_1 = arith.constant 0 : index
    %get3A_2 = vector.load %arg0[%get3A, %get3A_0, %get3A_1] : memref<2x2560x128xf32, #tpu.memory_space<vmem>>, vector<1x2560x128xf32>
    %get3A_3 = vector.shape_cast %get3A_2 : vector<1x2560x128xf32> to vector<2560x128xf32>
    %slice3A = vector.extract_strided_slice %get3A_3 {offsets = [0, 0], sizes = [2500, 128], strides = [1, 1]} : vector<2560x128xf32> to vector<2500x128xf32>
    %get3A_4 = arith.constant 1 : index
    %get3A_5 = arith.constant 0 : index
    %get3A_6 = arith.constant 0 : index
    %get3A_7 = vector.load %arg0[%get3A_4, %get3A_5, %get3A_6] : memref<2x2560x128xf32, #tpu.memory_space<vmem>>, vector<1x2560x128xf32>
    %get3A_8 = vector.shape_cast %get3A_7 : vector<1x2560x128xf32> to vector<2560x128xf32>
    %slice3A_9 = vector.extract_strided_slice %get3A_8 {offsets = [0, 0], sizes = [2500, 128], strides = [1, 1]} : vector<2560x128xf32> to vector<2500x128xf32>
    %add3A = arith.addf %slice3A, %slice3A_9 : vector<2500x128xf32>
    %get3A_10 = arith.constant 0 : index
    %get3A_11 = arith.constant 0 : index
    %get3A_12 = vector.load %arg2[%get3A_10, %get3A_11] : memref<2500x128xf32, #tpu.memory_space<vmem>>, vector<2500x128xf32>
    %get3A_13 = arith.constant 0 : index
    %get3A_14 = arith.constant 0 : index
    %get3A_15 = vector.load %arg1[%get3A_13, %get3A_14] : memref<2500x128xf32, #tpu.memory_space<vmem>>, vector<2500x128xf32>
    %add3A_16 = arith.addf %add3A, %get3A_15 : vector<2500x128xf32>
    %mul3A = arith.mulf %get3A_12, %add3A_16 : vector<2500x128xf32>
    %get3A_17 = arith.constant 0 : index
    %get3A_18 = arith.constant 0 : index
    %get3A_19 = vector.load %arg3[%get3A_17, %get3A_18] : memref<1x32xf32, #tpu.memory_space<vmem>>, vector<1x32xf32>
    %concatenate3A = tpu.concatenate %get3A_19, %get3A_19, %get3A_19, %get3A_19 in 1 : vector<1x32xf32>, vector<1x32xf32>, vector<1x32xf32>, vector<1x32xf32> -> vector<1x128xf32>
    %add3A_20 = vector.broadcast %concatenate3A : vector<1x128xf32> to vector<2500x128xf32>
    %add3A_21 = arith.addf %mul3A, %add3A_20 : vector<2500x128xf32>
    %broadcast_in_dim3A = arith.constant 0.000000e+00 : f32
    %broadcast_in_dim3A_22 = vector.broadcast %broadcast_in_dim3A : f32 to vector<64x32xf32>
    %broadcast_in_dim3A_23 = arith.constant 0.000000e+00 : f32
    %broadcast_in_dim3A_24 = vector.broadcast %broadcast_in_dim3A_23 : f32 to vector<64x1xf32>
    %iota3A = tpu.iota {dimensions = array<i32: 0>} : vector<64x2500xi32>
    %get3A_25 = arith.constant 0 : index
    %get3A_26 = arith.constant 0 : index
    %get3A_27 = vector.load %arg4[%get3A_25, %get3A_26] : memref<4x2500xi32, #tpu.memory_space<vmem>>, vector<1x2500xi32>
    %broadcast_in_dim3A_28 = vector.shape_cast %get3A_27 : vector<1x2500xi32> to vector<1x2500xi32>
    %broadcast_in_dim3A_29 = vector.broadcast %broadcast_in_dim3A_28 : vector<1x2500xi32> to vector<64x2500xi32>
    %eq3A = arith.cmpi eq, %iota3A, %broadcast_in_dim3A_29 : vector<64x2500xi32>
    %convert_element_type3A = arith.extui %eq3A : vector<64x2500xi1> to vector<64x2500xi32>
    %convert_element_type3A_30 = arith.sitofp %convert_element_type3A : vector<64x2500xi32> to vector<64x2500xf32>
    %dot_general3A = arith.constant dense<0.000000e+00> : vector<64x128xf32>
    %dot_general3A_31 = tpu.matmul %convert_element_type3A_30, %add3A_21, %dot_general3A {dimension_numbers = #tpu.dot_dimension_numbers<[1], [0], [0], [1], [0, 0, 1, 1], [], []>, transpose_lhs_hint = false} : vector<64x2500xf32>, vector<2500x128xf32>, vector<64x128xf32> -> vector<64x128xf32>
    %slice3A_32 = vector.extract_strided_slice %dot_general3A_31 {offsets = [0, 0], sizes = [64, 32], strides = [1, 1]} : vector<64x128xf32> to vector<64x32xf32>
    %add3A_33 = arith.addf %broadcast_in_dim3A_22, %slice3A_32 : vector<64x32xf32>
    %reduce_sum3A = arith.constant dense<0.000000e+00> : vector<64xf32>
    %reduce_sum3A_34 = vector.multi_reduction <add>, %convert_element_type3A_30, %reduce_sum3A [1] : vector<64x2500xf32> to vector<64xf32>
    %broadcast_in_dim3A_35 = vector.shape_cast %reduce_sum3A_34 : vector<64xf32> to vector<64x1xf32>
    %add3A_36 = arith.addf %broadcast_in_dim3A_24, %broadcast_in_dim3A_35 : vector<64x1xf32>
    %get3A_37 = arith.constant 1 : index
    %get3A_38 = arith.constant 0 : index
    %get3A_39 = vector.load %arg4[%get3A_37, %get3A_38] : memref<4x2500xi32, #tpu.memory_space<vmem>>, vector<1x2500xi32>
    %broadcast_in_dim3A_40 = vector.shape_cast %get3A_39 : vector<1x2500xi32> to vector<1x2500xi32>
    %broadcast_in_dim3A_41 = vector.broadcast %broadcast_in_dim3A_40 : vector<1x2500xi32> to vector<64x2500xi32>
    %eq3A_42 = arith.cmpi eq, %iota3A, %broadcast_in_dim3A_41 : vector<64x2500xi32>
    %convert_element_type3A_43 = arith.extui %eq3A_42 : vector<64x2500xi1> to vector<64x2500xi32>
    %convert_element_type3A_44 = arith.sitofp %convert_element_type3A_43 : vector<64x2500xi32> to vector<64x2500xf32>
    %dot_general3A_45 = arith.constant dense<0.000000e+00> : vector<64x128xf32>
    %dot_general3A_46 = tpu.matmul %convert_element_type3A_44, %add3A_21, %dot_general3A_45 {dimension_numbers = #tpu.dot_dimension_numbers<[1], [0], [0], [1], [0, 0, 1, 1], [], []>, transpose_lhs_hint = false} : vector<64x2500xf32>, vector<2500x128xf32>, vector<64x128xf32> -> vector<64x128xf32>
    %slice3A_47 = vector.extract_strided_slice %dot_general3A_46 {offsets = [0, 32], sizes = [64, 32], strides = [1, 1]} : vector<64x128xf32> to vector<64x32xf32>
    %add3A_48 = arith.addf %add3A_33, %slice3A_47 : vector<64x32xf32>
    %reduce_sum3A_49 = arith.constant dense<0.000000e+00> : vector<64xf32>
    %reduce_sum3A_50 = vector.multi_reduction <add>, %convert_element_type3A_44, %reduce_sum3A_49 [1] : vector<64x2500xf32> to vector<64xf32>
    %broadcast_in_dim3A_51 = vector.shape_cast %reduce_sum3A_50 : vector<64xf32> to vector<64x1xf32>
    %add3A_52 = arith.addf %add3A_36, %broadcast_in_dim3A_51 : vector<64x1xf32>
    %get3A_53 = arith.constant 2 : index
    %get3A_54 = arith.constant 0 : index
    %get3A_55 = vector.load %arg4[%get3A_53, %get3A_54] : memref<4x2500xi32, #tpu.memory_space<vmem>>, vector<1x2500xi32>
    %broadcast_in_dim3A_56 = vector.shape_cast %get3A_55 : vector<1x2500xi32> to vector<1x2500xi32>
    %broadcast_in_dim3A_57 = vector.broadcast %broadcast_in_dim3A_56 : vector<1x2500xi32> to vector<64x2500xi32>
    %eq3A_58 = arith.cmpi eq, %iota3A, %broadcast_in_dim3A_57 : vector<64x2500xi32>
    %convert_element_type3A_59 = arith.extui %eq3A_58 : vector<64x2500xi1> to vector<64x2500xi32>
    %convert_element_type3A_60 = arith.sitofp %convert_element_type3A_59 : vector<64x2500xi32> to vector<64x2500xf32>
    %dot_general3A_61 = arith.constant dense<0.000000e+00> : vector<64x128xf32>
    %dot_general3A_62 = tpu.matmul %convert_element_type3A_60, %add3A_21, %dot_general3A_61 {dimension_numbers = #tpu.dot_dimension_numbers<[1], [0], [0], [1], [0, 0, 1, 1], [], []>, transpose_lhs_hint = false} : vector<64x2500xf32>, vector<2500x128xf32>, vector<64x128xf32> -> vector<64x128xf32>
    %slice3A_63 = vector.extract_strided_slice %dot_general3A_62 {offsets = [0, 64], sizes = [64, 32], strides = [1, 1]} : vector<64x128xf32> to vector<64x32xf32>
    %add3A_64 = arith.addf %add3A_48, %slice3A_63 : vector<64x32xf32>
    %reduce_sum3A_65 = arith.constant dense<0.000000e+00> : vector<64xf32>
    %reduce_sum3A_66 = vector.multi_reduction <add>, %convert_element_type3A_60, %reduce_sum3A_65 [1] : vector<64x2500xf32> to vector<64xf32>
    %broadcast_in_dim3A_67 = vector.shape_cast %reduce_sum3A_66 : vector<64xf32> to vector<64x1xf32>
    %add3A_68 = arith.addf %add3A_52, %broadcast_in_dim3A_67 : vector<64x1xf32>
    %get3A_69 = arith.constant 3 : index
    %get3A_70 = arith.constant 0 : index
    %get3A_71 = vector.load %arg4[%get3A_69, %get3A_70] : memref<4x2500xi32, #tpu.memory_space<vmem>>, vector<1x2500xi32>
    %broadcast_in_dim3A_72 = vector.shape_cast %get3A_71 : vector<1x2500xi32> to vector<1x2500xi32>
    %broadcast_in_dim3A_73 = vector.broadcast %broadcast_in_dim3A_72 : vector<1x2500xi32> to vector<64x2500xi32>
    %eq3A_74 = arith.cmpi eq, %iota3A, %broadcast_in_dim3A_73 : vector<64x2500xi32>
    %convert_element_type3A_75 = arith.extui %eq3A_74 : vector<64x2500xi1> to vector<64x2500xi32>
    %convert_element_type3A_76 = arith.sitofp %convert_element_type3A_75 : vector<64x2500xi32> to vector<64x2500xf32>
    %dot_general3A_77 = arith.constant dense<0.000000e+00> : vector<64x128xf32>
    %dot_general3A_78 = tpu.matmul %convert_element_type3A_76, %add3A_21, %dot_general3A_77 {dimension_numbers = #tpu.dot_dimension_numbers<[1], [0], [0], [1], [0, 0, 1, 1], [], []>, transpose_lhs_hint = false} : vector<64x2500xf32>, vector<2500x128xf32>, vector<64x128xf32> -> vector<64x128xf32>
    %slice3A_79 = vector.extract_strided_slice %dot_general3A_78 {offsets = [0, 96], sizes = [64, 32], strides = [1, 1]} : vector<64x128xf32> to vector<64x32xf32>
    %add3A_80 = arith.addf %add3A_64, %slice3A_79 : vector<64x32xf32>
    %reduce_sum3A_81 = arith.constant dense<0.000000e+00> : vector<64xf32>
    %reduce_sum3A_82 = vector.multi_reduction <add>, %convert_element_type3A_76, %reduce_sum3A_81 [1] : vector<64x2500xf32> to vector<64xf32>
    %broadcast_in_dim3A_83 = vector.shape_cast %reduce_sum3A_82 : vector<64xf32> to vector<64x1xf32>
    %add3A_84 = arith.addf %add3A_68, %broadcast_in_dim3A_83 : vector<64x1xf32>
    %max3A = arith.constant 1.000000e+00 : f32
    %max3A_85 = vector.broadcast %max3A : f32 to vector<64x1xf32>
    %max3A_86 = arith.maximumf %add3A_84, %max3A_85 : vector<64x1xf32>
    %div3A = vector.broadcast %max3A_86 : vector<64x1xf32> to vector<64x32xf32>
    %div3A_87 = arith.divf %add3A_80, %div3A : vector<64x32xf32>
    %get3A_88 = arith.constant 0 : index
    %get3A_89 = arith.constant 0 : index
    %get3A_90 = vector.load %arg5[%get3A_88, %get3A_89] : memref<32x2xf32, #tpu.memory_space<vmem>>, vector<32x2xf32>
    %dot_general3A_91 = arith.constant dense<0.000000e+00> : vector<64x2xf32>
    %dot_general3A_92 = tpu.matmul %div3A_87, %get3A_90, %dot_general3A_91 {dimension_numbers = #tpu.dot_dimension_numbers<[1], [0], [0], [1], [0, 0, 1, 1], [], []>, transpose_lhs_hint = false} : vector<64x32xf32>, vector<32x2xf32>, vector<64x2xf32> -> vector<64x2xf32>
    %get3A_93 = arith.constant 0 : index
    %get3A_94 = arith.constant 0 : index
    %get3A_95 = vector.load %arg6[%get3A_93, %get3A_94] : memref<1x2xf32, #tpu.memory_space<vmem>>, vector<1x2xf32>
    %add3A_96 = vector.broadcast %get3A_95 : vector<1x2xf32> to vector<64x2xf32>
    %add3A_97 = arith.addf %dot_general3A_92, %add3A_96 : vector<64x2xf32>
    %reduce_max3A = arith.constant dense<0xFF800000> : vector<64xf32>
    %reduce_max3A_98 = vector.multi_reduction <maximumf>, %add3A_97, %reduce_max3A [1] : vector<64x2xf32> to vector<64xf32>
    %broadcast_in_dim3A_99 = vector.shape_cast %reduce_max3A_98 : vector<64xf32> to vector<64x1xf32>
    %sub3A = vector.broadcast %broadcast_in_dim3A_99 : vector<64x1xf32> to vector<64x2xf32>
    %sub3A_100 = arith.subf %add3A_97, %sub3A : vector<64x2xf32>
    %exp3A = math.exp %sub3A_100 : vector<64x2xf32>
    %reduce_sum3A_101 = arith.constant dense<0.000000e+00> : vector<64xf32>
    %reduce_sum3A_102 = vector.multi_reduction <add>, %exp3A, %reduce_sum3A_101 [1] : vector<64x2xf32> to vector<64xf32>
    %broadcast_in_dim3A_103 = vector.shape_cast %reduce_sum3A_102 : vector<64xf32> to vector<64x1xf32>
    %log3A = math.log %broadcast_in_dim3A_103 : vector<64x1xf32>
    %add3A_104 = arith.addf %log3A, %broadcast_in_dim3A_99 : vector<64x1xf32>
    %sub3A_105 = vector.broadcast %add3A_104 : vector<64x1xf32> to vector<64x2xf32>
    %sub3A_106 = arith.subf %add3A_97, %sub3A_105 : vector<64x2xf32>
    %swap3A = arith.constant 0 : index
    %swap3A_107 = arith.constant 0 : index
    %swap3A_108 = vector.load %arg7[%swap3A, %swap3A_107] : memref<64x2xf32, #tpu.memory_space<vmem>>, vector<64x2xf32>
    tpu.vector_store %arg7[%swap3A, %swap3A_107], %sub3A_106 {strides = array<i32>} : memref<64x2xf32, #tpu.memory_space<vmem>>, vector<64x2xf32>,
    return
  }
}

</mosaic_0001>

<sc_bundles>
// kernel: kernel.12.cloned.1.call-start
scs
__scs_entry_jumppad:
0x0: {  	(pc) =	sbr.rel $0x88, $3  }
0x1: {  	(tag) =	ssettag $0x0;
	lr =	simm.s32 $0x1  }
0x2: {  	[smem:$0x3F98] =	sst lr;
	_ =	strace $0xD0000000  }
0x3: {  	_ = 	snop  }
0x4: {  	_ = 	snop  }
0x5: {  	_ = 	snop  }
0x6: {  	_ = 	snop  }
0x7: {  	_ = 	snop  }
__scs_overlays_trampoline_lowered:
0x8: {  	[smem:$0x3FA7] =	sst s0  }
0x9: {  	[smem:$0x3FA8] =	sst s1  }
0xa: {  	[smem:$0x3FA9] =	sst s2  }
0xb: {  	[smem:$0x3FAA] =	sst s3  }
0xc: {  	[smem:$0x3FAB] =	sst s4  }
0xd: {  	[smem:$0x3FAC] =	sst s5  }
0xe: {  	[smem:$0x3FAD] =	sst s6  }
0xf: {  	[smem:$0x3FAE] =	sst s7  }
0x10: {  	[smem:$0x3FAF] =	sst s8  }
0x11: {  	[smem:$0x3FB0] =	sst s9;
	s0 =	simm.s32 @!p0 $0x0  }
0x12: {  	s1 =	sld [smem:$0x3F96];
	s0 =	simm.s32 @p0 $0x1  }
0x13: {  	[smem:$0x3FB1] =	sst s0;
	s0 =	simm.s32 @!p1 $0x0  }
0x14: {  	s2 =	sld [smem:$0x3F95];
	s0 =	simm.s32 @p1 $0x1  }
0x15: {  	[smem:$0x3FB2] =	sst s0;
	s0 =	simm.s32 @!p2 $0x0  }
0x16: {  	s3 =	sld [smem:$0x3FDB];
	s0 =	simm.s32 @p2 $0x1  }
0x17: {  	s4 =	simm.s32 $0x1BF5;
	[smem:$0x3FB4] =	sst s0  }
0x18: {  	s0 =	sld [smem:$0x3F97];
	_ =	swait.ge [sflag:s4], $0x0  }
0x19: {  	s7 =	sld [smem:$0x3F98]  }
0x1a: {  	s8 =	sadd.s32 $0xFFFFE003, lr  }
0x1b: {  	s9 =	sadd.s32 $0xFFFFFEF7, lr;
	s5 =	simm.s32 $0xFFFFFFFF;
	p2 =	slt.u32 s8, $0xFFFFF086  }
0x1c: {  	p1 =	slt.u32 s9, $0xF7A;
	s5 =	simm.s32 @!p2 $0x0  }
0x1d: {  	s5 =	simm.s32 @p1 $0x1;
	p0 =	seq.s32 s7, s2  }
0x1e: {  	s7 =	smul.u32 @!p0 $0xF7A, s2;
	p2 =	seq.s32 @!p0 s5, $0x0  }
0x1f: {  	s9 =	smul.u32 $0xF7A, s1;
	s8 =	simm.s32 @!p0 $0x1BF5;
	p2 =	por !p2, p0  }
0x20: {  	[sflag:s8] =	ssyncset.s32 @!p0 $0xFFFFF086;
	s6 =	sadd.s32 @!p0 s3, s7;
	s7 =	simm.s32 @!p0 $0x108  }
0x21: {  	s3 =	sadd.s32 s3, s9;
	s6 =	sadd.s32 @!p0 $0x88, s6;
	s7 =	simm.s32 @p2 $0x1082  }
0x22: {  	[simem:s7], [sflag:s8] =	dma.local @!p0 [hbm:s6], $0xF7A  }
0x23: {  	s9 =	sor.u32 $0xD0000000, s2;
	s6 =	simm.s32 $0x108;
	_ =	swait.ge @!p0 [sflag:s8], $0x0  }
0x24: {  	s3 =	sadd.s32 $0x88, s3;
	s6 =	simm.s32 @!p1 $0x1082;
	[sflag:s4] =	ssyncset.s32 $0xFFFFF086  }
0x25: {  	[simem:s6], [sflag:s4] =	dma.local [hbm:s3], $0xF7A  }
0x26: {  	[smem:$0x3F98] =	sst s1;
	(tag) =	ssettag s2;
	_ =	strace s9  }
0x27: {  	s1 =	sld [smem:$0x3FA8]  }
0x28: {  	s2 =	sld [smem:$0x3FA9]  }
0x29: {  	s4 =	sld [smem:$0x3FAB]  }
0x2a: {  	p0 =	seq.s32 s5, $0x0;
	s5 =	sld [smem:$0x3FAC]  }
0x2b: {  	s6 =	sld [smem:$0x3FAD]  }
0x2c: {  	s7 =	sld [smem:$0x3FAE]  }
0x2d: {  	s3 =	simm.s32 $0x108;
	s8 =	sld [smem:$0x3FAF]  }
0x2e: {  	s3 =	simm.s32 @!p0 $0x1082;
	s9 =	sld [smem:$0x3FB0]  }
0x2f: {  	lr =	sadd.s32 s0, s3;
	s0 =	sld [smem:$0x3FA7]  }
0x30: {  	s3 =	sld [smem:$0x3FAA]  }
0x31: {  	[smem:$0x3FB3] =	sst s10  }
0x32: {  	s10 =	sld [smem:$0x3FB1];
	_ =	sdelay $0x3  }
0x33: {  	p0 =	seq.s32 s10, $0x1;
	s10 =	sld [smem:$0x3FB3];
	_ =	sdelay $0x3  }
0x34: {  	[smem:$0x3FB3] =	sst s10  }
0x35: {  	s10 =	sld [smem:$0x3FB2];
	_ =	sdelay $0x3  }
0x36: {  	p1 =	seq.s32 s10, $0x1;
	s10 =	sld [smem:$0x3FB3];
	_ =	sdelay $0x3  }
0x37: {  	[smem:$0x3FB3] =	sst s10  }
0x38: {  	s10 =	sld [smem:$0x3FB4]  }
0x39: {  	_ = 	snop;
	(pc) =	sbr.ind lr, $3  }
0x3a: {  	_ = 	snop  }
0x3b: {  	_ = 	snop  }
0x3c: {  	p2 =	seq.s32 s10, $0x1;
	s10 =	sld [smem:$0x3FB3]  }
0x3d: {  	_ =	shalt  }
0x3e: {  	_ =	shalt  }
0x3f: {  	_ =	shalt  }
0x40: {  	_ =	shalt  }
0x41: {  	_ =	shalt  }
0x42: {  	_ =	shalt  }
0x43: {  	_ =	shalt  }
0x44: {  	_ =	shalt  }
0x45: {  	_ =	shalt  }
0x46: {  	_ =	shalt  }
0x47: {  	_ =	shalt  }
0x48: {  	_ =	shalt  }
0x49: {  	_ =	shalt  }
0x4a: {  	_ =	shalt  }
0x4b: {  	_ =	shalt  }
0x4c: {  	_ =	shalt  }
0x4d: {  	_ =	shalt  }
0x4e: {  	_ =	shalt  }
0x4f: {  	_ =	shalt  }
0x50: {  	_ =	shalt  }
0x51: {  	_ =	shalt  }
0x52: {  	_ =	shalt  }
0x53: {  	_ =	shalt  }
0x54: {  	_ =	shalt  }
0x55: {  	_ =	shalt  }
0x56: {  	_ =	shalt  }
0x57: {  	_ =	shalt  }
0x58: {  	_ =	shalt  }
0x59: {  	_ =	shalt  }
0x5a: {  	_ =	shalt  }
0x5b: {  	_ =	shalt  }
0x5c: {  	_ =	shalt  }
0x5d: {  	_ =	shalt  }
0x5e: {  	_ =	shalt  }
0x5f: {  	_ =	shalt  }
0x60: {  	_ =	shalt  }
0x61: {  	_ =	shalt  }
0x62: {  	_ =	shalt  }
0x63: {  	_ =	shalt  }
0x64: {  	_ =	shalt  }
0x65: {  	_ =	shalt  }
0x66: {  	_ =	shalt  }
0x67: {  	_ =	shalt  }
0x68: {  	_ =	shalt  }
0x69: {  	_ =	shalt  }
0x6a: {  	_ =	shalt  }
0x6b: {  	_ =	shalt  }
0x6c: {  	_ =	shalt  }
0x6d: {  	_ =	shalt  }
0x6e: {  	_ =	shalt  }
0x6f: {  	_ =	shalt  }
0x70: {  	_ =	shalt  }
0x71: {  	_ =	shalt  }
0x72: {  	_ =	shalt  }
0x73: {  	_ =	shalt  }
0x74: {  	_ =	shalt  }
0x75: {  	_ =	shalt  }
0x76: {  	_ =	shalt  }
0x77: {  	_ =	shalt  }
0x78: {  	_ =	shalt  }
0x79: {  	_ =	shalt  }
0x7a: {  	_ =	shalt  }
0x7b: {  	_ =	shalt  }
0x7c: {  	_ =	shalt  }
0x7d: {  	_ =	shalt  }
0x7e: {  	_ =	shalt  }
0x7f: {  	_ =	shalt  }
0x80: {  	_ =	shalt  }
0x81: {  	_ =	shalt  }
0x82: {  	_ =	shalt  }
0x83: {  	_ =	shalt  }
0x84: {  	_ =	shalt  }
0x85: {  	_ =	shalt  }
0x86: {  	_ =	shalt  }
0x87: {  	_ =	shalt  }
.Lfunc_end0:
.L_simem_size_0:
called_computation.1_lowered:
.L_overlay_start_0:
0x88: {  	s2 =	sld [smem:$0x3FD9]  }
0x89: {  	s3 =	sld [smem:$0x3FFE];
	_ =	sdelay $0x1  }
0x8a: {  	s1 =	srdreg.scid  }
0x8b: {  	s0 =	sand.u32 $0x1, s1  }
0x8c: {  	s16 =	sshll.u32 s0, $0xA;
	s2 =	sadd.s32 s3, s2  }
0x8d: {  	s2 =	sadd.s32 s2, s16  }
0x8e: {  	[smem:$0x3FBF] =	sst s2  }
0x8f: {  	_ = 	snop  }
0x90: {  	(tm) =	ssettm $0x1  }
0x91: {  	s17 =	sld [smem:$0x3FFB];
	_ =	sdelay $0x3  }
0x92: {  	_ =	strace s17  }
0x93: {  	s2 =	sld [smem:$0x3FFC];
	_ =	sdelay $0x3  }
0x94: {  	_ =	strace s2  }
0x95: {  	s2 =	sld [smem:$0x3FFD];
	_ =	sdelay $0x3  }
0x96: {  	_ =	strace s2  }
0x97: {  	_ =	strace $0x8FFFFFFF  }
0x98: {  	s18 =	sld [smem:$0x3FDB];
	_ =	sdelay $0x1  }
0x99: {  	s19 =	simm.s32 $_scs_section_size  }
0x9a: {  	s4 =	simm.s32 $_size__tile_overlayer_lowered;
	s5 =	simm.s32 $_tile_overlayer_lowered  }
0x9b: {  	s22 =	simm.s32 $0x1BFF;
	s21 =	sshll.u32 s5, $0x1;
	s2 =	sadd.s32 s19, s18  }
0x9c: {  	s6 =	simm.s32 $0x0;
	s20 =	sshll.u32 s4, $0x1;
	s4 =	sadd.s32 s21, s2  }
0x9d: {  	[timem:s6], [sflag:s22] =	dma.local [hbm:s4], s20  }
0x9e: {  	_ =	swait.ge [sflag:s22], s20  }
0x9f: {  	s3 =	ssub.s32 $0x0, s20;
	[sflag:s22] =	ssyncset.done $0x0  }
0xa0: {  	[sflag:s22] =	ssyncadd.s32 s3;
	_ =	sdelay $0x1  }
0xa1: {  	s23 =	simm.s32 $0x1B8B  }
0xa2: {  	_ =	swait.ge [sflag:s23], $0x1  }
0xa3: {  	[sflag:s23] =	ssyncset.done $0x0  }
0xa4: {  	s25 =	simm.s32 $0x1B8E;
	s24 =	sld [smem:$0x3FFE];
	[sflag:s23] =	ssyncadd.s32 $0xFFFFFFFF  }
0xa5: {  	s26 =	simm.s32 $execute0_lowered;
	[smem:$0x3FD2] =	sst s25  }
0xa6: {  	s4 =	sshll.u32 s26, $0x1;
	_ =	strace $0x80000049;
	[dreg:$0x1] =	wrdreg $0xFFFFFFFF  }
0xa7: {  	s28 =	simm.s32 $_size_execute0_lowered;
	s2 =	sadd.s32 s2, s4;
	[dreg:$0x0] =	wrdreg $0x0  }
0xa8: {  	s4 =	sshll.u32 s28, $0x1;
	[dreg:$0x2] =	wrdreg s2  }
0xa9: {  	[dreg:$0x3] =	wrdreg s4  }
0xaa: {  	[dreg:$0x4] =	wrdreg $0xC0  }
0xab: {  	_ =	task [dreg:s6], $0x5FFFF  }
0xac: {  	[dreg:$0x1] =	wrdreg $0xFFFFFFFF  }
0xad: {  	[dreg:$0x0] =	wrdreg $0x60  }
0xae: {  	[dreg:$0x2] =	wrdreg s24  }
0xaf: {  	[dreg:$0x3] =	wrdreg $0x0  }
0xb0: {  	[dreg:$0x4] =	wrdreg $0x9  }
0xb1: {  	_ =	task.clear_ibuf [dreg:s6], $0x5FFFF;
	_ =	strace $0x90000049  }
0xb2: {  	s29 =	simm.s32 $0x9;
	_ =	strace $0x8000004B  }
0xb3: {  	_ =	swait.ge [sflag:s29], $0x1  }
0xb4: {  	[sflag:s29] =	ssyncadd.s32 $0xFFFFFFFF  }
0xb5: {  	_ =	strace $0x9000004B  }
0xb6: {  	_ =	sfence  }
0xb7: {  	s30 =	sld [smem:$0x0];
	_ =	sdelay $0x2  }
0xb8: {  	s31 =	sshll.u32 s1, $0xD;
	s1 =	sshrl.u32 s1, $0x2  }
0xb9: {  	s3 =	sand.u32 $0x4000, s31;
	s1 =	sadd.s32 s1, s30  }
0xba: {  	s0 =	sor.u32 s3, s0;
	s1 =	sshll.u32 s1, $0x11  }
0xbb: {  	s0 =	sor.u32 s1, s0  }
0xbc: {  	s0 =	sadd.s32 $0x8F2B, s0  }
0xbd: {  	[sflag:s0] =	ssyncadd.remote.s32 $0x1  }
0xbe: {  	_ =	sfence.sel $0xFFFF  }
0xbf: {  	[dreg:$0x0] =	wrdreg $0xFFFFFFFF;
	(pc) =	sbr.abs _section_cstart, $3  }
0xc0: {  	[dreg:$0x1] =	wrdreg $0xFFFFFFFF  }
0xc1: {  	_ =	task.clear_ibuf [dreg:s6], $0x2FFFF;
	_ =	strace $0x9FFFFFFF  }
0xc2: {  	(tm) =	ssettm $0x7FFFFFFF  }
0xc3: {  	_ =	shalt  }
tec
execute0_lowered:
.L_overlay_start_1:
0x0: {  	(tag) =	ssettag $0x1  }
0x1: {  	s0 =	srdreg.scid  }
0x2: {  	s0 =	sand.u32 $0x1, s0  }
0x3: {  	s1 =	rddreg [dreg:$0x0];
	s7 =	stileid.u32;
	s2 =	sshll.u32 s0, $0x4  }
0x4: {  	s3 =	rddreg [dreg:$0x1];
	s4 =	sor.u32 s7, s2;
	s2 =	simm.s32 $0x0  }
0x5: {  	s6 =	sadd.s32 $0xCA00, s1;
	[smem:$0x7FF] =	sst s2  }
0x6: {  	s9 =	simm.s32 $0x78C8;
	_ =	strace $0x8000004A;
	[dreg:$0x3] =	wrdreg s6  }
0x7: {  	s10 =	simm.s32 $0x7990;
	[dreg:$0x6] =	wrdreg s9  }
0x8: {  	s11 =	simm.s32 $0x7A58;
	[dreg:$0x7] =	wrdreg s10  }
0x9: {  	s12 =	simm.s32 $0x7B20;
	[dreg:$0x8] =	wrdreg s11  }
0xa: {  	s13 =	simm.s32 $0x8C50;
	[dreg:$0x9] =	wrdreg s12  }
0xb: {  	s14 =	simm.s32 $0x7BE8;
	[dreg:$0xa] =	wrdreg s13  }
0xc: {  	s15 =	simm.s32 $0x8D18;
	[dreg:$0xb] =	wrdreg s14  }
0xd: {  	s16 =	simm.s32 $0x7CB0;
	[dreg:$0xc] =	wrdreg s15  }
0xe: {  	s17 =	simm.s32 $0x8DE0;
	[dreg:$0xd] =	wrdreg s16  }
0xf: {  	s18 =	simm.s32 $0x7D78;
	s19 =	simm.s32 $0x8EA8;
	[dreg:$0xe] =	wrdreg s17  }
0x10: {  	s20 =	simm.s32 $0x7E40;
	s21 =	simm.s32 $0x8F70;
	[dreg:$0xf] =	wrdreg s18  }
0x11: {  	s22 =	simm.s32 $0x7F08;
	s24 =	simm.s32 $0x9038;
	[dreg:$0x10] =	wrdreg s19  }
0x12: {  	s25 =	simm.s32 $0x7FD0;
	s26 =	simm.s32 $0x9100;
	[dreg:$0x11] =	wrdreg s20  }
0x13: {  	s31 =	simm.s32 $0x7800;
	s30 =	simm.s32 $0x8B88;
	[dreg:$0x12] =	wrdreg s21  }
0x14: {  	s28 =	simm.s32 $0x8930;
	s29 =	simm.s32 $0x9A60;
	[dreg:$0x13] =	wrdreg s22  }
0x15: {  	p0 =	por $0x0, $0x0;
	s8 =	sadd.s32 $0x7A20, s1;
	[dreg:$0x14] =	wrdreg s24  }
0x16: {  	s23 =	smul.u32 $0xA000, s0;
	s0 =	ssub.s32 $0x2, s0;
	[dreg:$0x15] =	wrdreg s25  }
0x17: {  	s7 =	smul.u32 $0x5000, s7;
	[dreg:$0x16] =	wrdreg s26;
	s9 =	simm.s32 $0x91C8  }
0x18: {  	s4 =	smul.u32 $0x271, s4;
	s10 =	simm.s32 $0x8160;
	[dreg:$0x18] =	wrdreg s9  }
0x19: {  	s6 =	sadd.s32 $0xD000, s1;
	s11 =	simm.s32 $0x9290;
	[dreg:$0x19] =	wrdreg s10  }
0x1a: {  	s12 =	simm.s32 $0x8228;
	s13 =	simm.s32 $0x82F0;
	[dreg:$0x1a] =	wrdreg s11  }
0x1b: {  	s14 =	simm.s32 $0x9420;
	s15 =	simm.s32 $0x83B8;
	[dreg:$0x1b] =	wrdreg s12  }
0x1c: {  	s16 =	simm.s32 $0x94E8;
	s17 =	simm.s32 $0x8480;
	[dreg:$0x1d] =	wrdreg s13  }
0x1d: {  	s18 =	simm.s32 $0x95B0;
	s20 =	simm.s32 $0x8548;
	[dreg:$0x1e] =	wrdreg s14  }
0x1e: {  	s21 =	simm.s32 $0x9678;
	s22 =	simm.s32 $0x86D8;
	[dreg:$0x1f] =	wrdreg s15  }
0x1f: {  	s24 =	simm.s32 $0x98D0;
	s25 =	simm.s32 $0x8868;
	[smem:$0x7F1] =	sst s16  }
0x20: {  	s26 =	simm.s32 $0x9998;
	s5 =	sadd.s32 s4, s1;
	[smem:$0x7F2] =	sst s17  }
0x21: {  	s4 =	sadd.s32 s4, s8;
	s1 =	sadd.s32 s23, s1;
	[smem:$0x7F3] =	sst s18  }
0x22: {  	s8 =	sshrl.u32 s0, $0x1;
	s9 =	simm.s32 $0x9358;
	[smem:$0x7F4] =	sst s20  }
0x23: {  	s11 =	sshrl.u32 s7, $0x3;
	[smem:$0x7F5] =	sst s21;
	s10 =	simm.s32 $0x8610  }
0x24: {  	s12 =	simm.s32 $0x9740;
	s16 =	simm.s32 $0xB810;
	[smem:$0x7F8] =	sst s22  }
0x25: {  	s23 =	simm.s32 $0x9808;
	s15 =	simm.s32 $0xD110;
	s13 =	simm.s32 $0x87A0  }
0x26: {  	s14 =	simm.s32 $0xEA10;
	[smem:$0x7FB] =	sst s24;
	s20 =	simm.s32 $0x2  }
0x27: {  	[smem:$0x7FC] =	sst s25;
	s18 =	simm.s32 $0x3;
	s17 =	simm.s32 $0x4  }
0x28: {  	[smem:$0x7FD] =	sst s26;
	s25 =	simm.s32 $0x89F8;
	s26 =	simm.s32 $0x9B28  }
0x29: {  	s24 =	simm.s32 $0x9BF0;
	s22 =	simm.s32 $0x9CB8;
	[dreg:$0x5] =	wrdreg s4  }
0x2a: {  	s21 =	simm.s32 $0x9D80;
	s5 =	sadd.s32 $0x2C00, s5;
	[dreg:$0x1c] =	wrdreg s9  }
0x2b: {  	s0 =	ssub.s32 s0, s8;
	s8 =	sadd.s32 $0x2800, s7;
	[smem:$0x7F6] =	sst s10  }
0x2c: {  	s1 =	sadd.s32 $0x16E00, s1;
	s9 =	simm.s32 $0xC8;
	[smem:$0x7F7] =	sst s12  }
0x2d: {  	s10 =	simm.s32 $0x9F10;
	[smem:$0x7F9] =	sst s23;
	s0 =	smax.u32 s0, $0x1  }
0x2e: {  	s12 =	simm.s32 $0x1;
	[smem:$0x7FA] =	sst s13;
	p1 =	sne.s32 s0, $0x1  }
.Ltmp0:
0x2f: {  	s23 =	simm.s32 $0x8AC0;
	[dreg:$0x4] =	wrdreg s5;
	(pc) =	sbr.rel @!p1 .LBB2_3-.Ltmp0, $4  }
0x30: {  	s5 =	simm.s32 $0x8098;
	s4 =	sadd.s32 s8, s3;
	s19 =	sshrl.u32 s8, $0x3  }
0x31: {  	s8 =	simm.s32 $0x5;
	s13 =	sadd.s32 s11, s1;
	[dreg:$0x17] =	wrdreg s5  }
0x32: {  	s5 =	sadd.s32 s7, s3;
	s7 =	simm.s32 $0x5000;
	s11 =	sadd.s32 s19, s1  }
0x33: {  	s1 =	sadd.s32 $0xFFFFFFFF, s0;
	s19 =	simm.s32 $0x9E48;
	s0 =	rddreg [dreg:$0x3]  }
0x34: {  	[tilespmem:s7], [sflag:$0x5] =	stream.linear.gather [hbm4b:s0+s2], $0x2800, $0x38;
	[tilespmem:$0x10310] =	vst v63  }
0x35: {  	_ =	swait.ge [sflag:s8], $0x2800  }
0x36: {  	[sflag:s8] =	ssyncset.done $0x0  }
0x37: {  	[sflag:s8] =	ssyncadd.s32 $0xFFFFD800  }
0x38: {  	[spmem:s5] =	stream.linear.scatter [tilespmem:s7], [sflag:$0x5], $0x2800, $0x38;
	[tilespmem:$0x10310] =	vst v63  }
0x39: {  	_ =	swait.ge [sflag:s8], $0x2800  }
0x3a: {  	[sflag:s8] =	ssyncset.done $0x0  }
0x3b: {  	[sflag:s8] =	ssyncadd.s32 $0xFFFFD800  }
0x3c: {  	[spmem:s4] =	stream.linear.scatter [tilespmem:s7], [sflag:$0x5], $0x2800, $0x38;
	[tilespmem:$0x10310] =	vst v63  }
0x3d: {  	_ =	swait.ge [sflag:s8], $0x2800  }
0x3e: {  	[sflag:s8] =	ssyncset.done $0x0  }
0x3f: {  	s0 =	rddreg [dreg:$0x4];
	[sflag:s8] =	ssyncadd.s32 $0xFFFFD800  }
0x40: {  	[tilespmem:s31], [sflag:$0x5] =	stream.linear.gather [hbm4b:s0+s2], $0x1388, $0x38;
	[tilespmem:$0x10310] =	vst v63  }
0x41: {  	_ =	swait.ge [sflag:s8], $0x1388  }
0x42: {  	[sflag:s8] =	ssyncset.done $0x0  }
0x43: {  	s0 =	rddreg [dreg:$0x5];
	[sflag:s8] =	ssyncadd.s32 $0xFFFFEC78  }
0x44: {  	[tilespmem:s30], [sflag:$0x5] =	stream.linear.gather [hbm4b:s0+s2], $0x1388, $0x38;
	[tilespmem:$0x10310] =	vst v63  }
0x45: {  	_ =	swait.ge [sflag:s8], $0x1388  }
0x46: {  	[sflag:s8] =	ssyncset.done $0x0  }
0x47: {  	[sflag:s8] =	ssyncadd.s32 $0xFFFFEC78  }
0x48: {  	[bflag:$0x0] =	sbarrier.arrive $0xFFFF  }
0x49: {  	s0 =	rddreg [dreg:$0x6]  }
0x4a: {  	[tilespmem:s10], [sflag:$0x1] =	stream.indirect.gather [hbm4b:s6+s9], $0x20, s31, s9, $0xb8;
	[tilespmem:$0x10310] =	vst v63  }
0x4b: {  	[smem:$0x7F0] =	sst s1  }
0x4c: {  	[tilespmem:s16], [sflag:$0x2] =	stream.indirect.gather [hbm4b:s6+s9], $0x20, s0, s9, $0xb8;
	[tilespmem:$0x10310] =	vst v63  }
0x4d: {  	s1 =	rddreg [dreg:$0x7]  }
0x4e: {  	[tilespmem:s15], [sflag:$0x3] =	stream.indirect.gather [hbm4b:s6+s9], $0x20, s1, s9, $0xb8;
	[tilespmem:$0x10310] =	vst v63  }
0x4f: {  	_ =	swait.ge [sflag:s12], $0x1900  }
0x50: {  	[sflag:s12] =	ssyncset.done $0x0  }
0x51: {  	s1 =	rddreg [dreg:$0x8];
	[sflag:s12] =	ssyncadd.s32 $0xFFFFE700  }
0x52: {  	[tilespmem:s14], [sflag:$0x4] =	stream.indirect.gather [hbm4b:s6+s9], $0x20, s1, s9, $0xb8;
	[tilespmem:$0x10310] =	vst v63  }
0x53: {  	_ = 	snop  }
0x54: {  	[spmem:s3] =	stream.indirect.scatter.add.f32 [tilespmem:s10], [sflag:$0x5], $0x20, s30, s9, $0xb8;
	[tilespmem:$0x10310] =	vst v63  }
0x55: {  	_ =	swait.ge [sflag:s8], $0x1900  }
0x56: {  	[sflag:s8] =	ssyncset.done $0x0  }
0x57: {  	[sflag:s8] =	ssyncadd.s32 $0xFFFFE700  }
0x58: {  	_ =	swait.ge [sflag:s20], $0x1900  }
0x59: {  	[sflag:s20] =	ssyncset.done $0x0  }
0x5a: {  	s0 =	rddreg [dreg:$0x9];
	[sflag:s20] =	ssyncadd.s32 $0xFFFFE700  }
0x5b: {  	[tilespmem:s10], [sflag:$0x1] =	stream.indirect.gather [hbm4b:s6+s9], $0x20, s0, s9, $0xb8;
	[tilespmem:$0x10310] =	vst v63  }
0x5c: {  	s1 =	rddreg [dreg:$0xa]  }
0x5d: {  	[spmem:s3] =	stream.indirect.scatter.add.f32 [tilespmem:s16], [sflag:$0x5], $0x20, s1, s9, $0xb8;
	[tilespmem:$0x10310] =	vst v63  }
0x5e: {  	_ =	swait.ge [sflag:s8], $0x1900  }
0x5f: {  	[sflag:s8] =	ssyncset.done $0x0  }
0x60: {  	[sflag:s8] =	ssyncadd.s32 $0xFFFFE700  }
0x61: {  	_ =	swait.ge [sflag:s18], $0x1900  }
0x62: {  	[sflag:s18] =	ssyncset.done $0x0  }
0x63: {  	s0 =	rddreg [dreg:$0xb];
	[sflag:s18] =	ssyncadd.s32 $0xFFFFE700  }
0x64: {  	[tilespmem:s16], [sflag:$0x2] =	stream.indirect.gather [hbm4b:s6+s9], $0x20, s0, s9, $0xb8;
	[tilespmem:$0x10310] =	vst v63  }
0x65: {  	s1 =	rddreg [dreg:$0xc]  }
0x66: {  	[spmem:s3] =	stream.indirect.scatter.add.f32 [tilespmem:s15], [sflag:$0x5], $0x20, s1, s9, $0xb8;
	[tilespmem:$0x10310] =	vst v63  }
0x67: {  	_ =	swait.ge [sflag:s8], $0x1900  }
0x68: {  	[sflag:s8] =	ssyncset.done $0x0  }
0x69: {  	[sflag:s8] =	ssyncadd.s32 $0xFFFFE700  }
0x6a: {  	_ =	swait.ge [sflag:s17], $0x1900  }
0x6b: {  	[sflag:s17] =	ssyncset.done $0x0  }
0x6c: {  	s0 =	rddreg [dreg:$0xd];
	[sflag:s17] =	ssyncadd.s32 $0xFFFFE700  }
0x6d: {  	[tilespmem:s15], [sflag:$0x3] =	stream.indirect.gather [hbm4b:s6+s9], $0x20, s0, s9, $0xb8;
	[tilespmem:$0x10310] =	vst v63  }
0x6e: {  	s1 =	rddreg [dreg:$0xe]  }
0x6f: {  	[spmem:s3] =	stream.indirect.scatter.add.f32 [tilespmem:s14], [sflag:$0x5], $0x20, s1, s9, $0xb8;
	[tilespmem:$0x10310] =	vst v63  }
0x70: {  	_ =	swait.ge [sflag:s8], $0x1900  }
0x71: {  	[sflag:s8] =	ssyncset.done $0x0  }
0x72: {  	[sflag:s8] =	ssyncadd.s32 $0xFFFFE700  }
0x73: {  	_ =	swait.ge [sflag:s12], $0x1900  }
0x74: {  	[sflag:s12] =	ssyncset.done $0x0  }
0x75: {  	s0 =	rddreg [dreg:$0xf];
	[sflag:s12] =	ssyncadd.s32 $0xFFFFE700  }
0x76: {  	[tilespmem:s14], [sflag:$0x4] =	stream.indirect.gather [hbm4b:s6+s9], $0x20, s0, s9, $0xb8;
	[tilespmem:$0x10310] =	vst v63  }
0x77: {  	s1 =	rddreg [dreg:$0x10]  }
0x78: {  	[spmem:s3] =	stream.indirect.scatter.add.f32 [tilespmem:s10], [sflag:$0x5], $0x20, s1, s9, $0xb8;
	[tilespmem:$0x10310] =	vst v63  }
0x79: {  	_ =	swait.ge [sflag:s8], $0x1900  }
0x7a: {  	[sflag:s8] =	ssyncset.done $0x0  }
0x7b: {  	[sflag:s8] =	ssyncadd.s32 $0xFFFFE700  }
0x7c: {  	_ =	swait.ge [sflag:s20], $0x1900  }
0x7d: {  	[sflag:s20] =	ssyncset.done $0x0  }
0x7e: {  	s0 =	rddreg [dreg:$0x11];
	[sflag:s20] =	ssyncadd.s32 $0xFFFFE700  }
0x7f: {  	[tilespmem:s10], [sflag:$0x1] =	stream.indirect.gather [hbm4b:s6+s9], $0x20, s0, s9, $0xb8;
	[tilespmem:$0x10310] =	vst v63  }
0x80: {  	s1 =	rddreg [dreg:$0x12]  }
0x81: {  	[spmem:s3] =	stream.indirect.scatter.add.f32 [tilespmem:s16], [sflag:$0x5], $0x20, s1, s9, $0xb8;
	[tilespmem:$0x10310] =	vst v63  }
0x82: {  	_ =	swait.ge [sflag:s8], $0x1900  }
0x83: {  	[sflag:s8] =	ssyncset.done $0x0  }
0x84: {  	[sflag:s8] =	ssyncadd.s32 $0xFFFFE700  }
0x85: {  	_ =	swait.ge [sflag:s18], $0x1900  }
0x86: {  	[sflag:s18] =	ssyncset.done $0x0  }
0x87: {  	s0 =	rddreg [dreg:$0x13];
	[sflag:s18] =	ssyncadd.s32 $0xFFFFE700  }
0x88: {  	[tilespmem:s16], [sflag:$0x2] =	stream.indirect.gather [hbm4b:s6+s9], $0x20, s0, s9, $0xb8;
	[tilespmem:$0x10310] =	vst v63  }
0x89: {  	s1 =	rddreg [dreg:$0x14]  }
0x8a: {  	[spmem:s3] =	stream.indirect.scatter.add.f32 [tilespmem:s15], [sflag:$0x5], $0x20, s1, s9, $0xb8;
	[tilespmem:$0x10310] =	vst v63  }
0x8b: {  	_ =	swait.ge [sflag:s8], $0x1900  }
0x8c: {  	[sflag:s8] =	ssyncset.done $0x0  }
0x8d: {  	[sflag:s8] =	ssyncadd.s32 $0xFFFFE700  }
0x8e: {  	_ =	swait.ge [sflag:s17], $0x1900  }
0x8f: {  	[sflag:s17] =	ssyncset.done $0x0  }
0x90: {  	s0 =	rddreg [dreg:$0x15];
	[sflag:s17] =	ssyncadd.s32 $0xFFFFE700  }
0x91: {  	[tilespmem:s15], [sflag:$0x3] =	stream.indirect.gather [hbm4b:s6+s9], $0x20, s0, s9, $0xb8;
	[tilespmem:$0x10310] =	vst v63  }
0x92: {  	s1 =	rddreg [dreg:$0x16]  }
0x93: {  	[spmem:s3] =	stream.indirect.scatter.add.f32 [tilespmem:s14], [sflag:$0x5], $0x20, s1, s9, $0xb8;
	[tilespmem:$0x10310] =	vst v63  }
0x94: {  	_ =	swait.ge [sflag:s8], $0x1900  }
0x95: {  	[sflag:s8] =	ssyncset.done $0x0  }
0x96: {  	[sflag:s8] =	ssyncadd.s32 $0xFFFFE700  }
0x97: {  	_ =	swait.ge [sflag:s12], $0x1900  }
0x98: {  	[sflag:s12] =	ssyncset.done $0x0  }
0x99: {  	s0 =	rddreg [dreg:$0x17];
	[sflag:s12] =	ssyncadd.s32 $0xFFFFE700  }
0x9a: {  	[tilespmem:s14], [sflag:$0x4] =	stream.indirect.gather [hbm4b:s6+s9], $0x20, s0, s9, $0xb8;
	[tilespmem:$0x10310] =	vst v63  }
0x9b: {  	s1 =	rddreg [dreg:$0x18]  }
0x9c: {  	[spmem:s3] =	stream.indirect.scatter.add.f32 [tilespmem:s10], [sflag:$0x5], $0x20, s1, s9, $0xb8;
	[tilespmem:$0x10310] =	vst v63  }
0x9d: {  	_ =	swait.ge [sflag:s8], $0x1900  }
0x9e: {  	[sflag:s8] =	ssyncset.done $0x0  }
0x9f: {  	[sflag:s8] =	ssyncadd.s32 $0xFFFFE700  }
0xa0: {  	_ =	swait.ge [sflag:s20], $0x1900  }
0xa1: {  	[sflag:s20] =	ssyncset.done $0x0  }
0xa2: {  	s0 =	rddreg [dreg:$0x19];
	[sflag:s20] =	ssyncadd.s32 $0xFFFFE700  }
0xa3: {  	[tilespmem:s10], [sflag:$0x1] =	stream.indirect.gather [hbm4b:s6+s9], $0x20, s0, s9, $0xb8;
	[tilespmem:$0x10310] =	vst v63  }
0xa4: {  	s1 =	rddreg [dreg:$0x1a]  }
0xa5: {  	[spmem:s3] =	stream.indirect.scatter.add.f32 [tilespmem:s16], [sflag:$0x5], $0x20, s1, s9, $0xb8;
	[tilespmem:$0x10310] =	vst v63  }
0xa6: {  	_ =	swait.ge [sflag:s8], $0x1900  }
0xa7: {  	[sflag:s8] =	ssyncset.done $0x0  }
0xa8: {  	[sflag:s8] =	ssyncadd.s32 $0xFFFFE700  }
0xa9: {  	_ =	swait.ge [sflag:s18], $0x1900  }
0xaa: {  	[sflag:s18] =	ssyncset.done $0x0  }
0xab: {  	s0 =	rddreg [dreg:$0x1b];
	[sflag:s18] =	ssyncadd.s32 $0xFFFFE700  }
0xac: {  	[tilespmem:s16], [sflag:$0x2] =	stream.indirect.gather [hbm4b:s6+s9], $0x20, s0, s9, $0xb8;
	[tilespmem:$0x10310] =	vst v63  }
0xad: {  	s1 =	rddreg [dreg:$0x1c]  }
0xae: {  	[spmem:s3] =	stream.indirect.scatter.add.f32 [tilespmem:s15], [sflag:$0x5], $0x20, s1, s9, $0xb8;
	[tilespmem:$0x10310] =	vst v63  }
0xaf: {  	_ =	swait.ge [sflag:s8], $0x1900  }
0xb0: {  	[sflag:s8] =	ssyncset.done $0x0  }
0xb1: {  	[sflag:s8] =	ssyncadd.s32 $0xFFFFE700  }
0xb2: {  	_ =	swait.ge [sflag:s17], $0x1900  }
0xb3: {  	[sflag:s17] =	ssyncset.done $0x0  }
0xb4: {  	s0 =	rddreg [dreg:$0x1d];
	[sflag:s17] =	ssyncadd.s32 $0xFFFFE700  }
0xb5: {  	[tilespmem:s15], [sflag:$0x3] =	stream.indirect.gather [hbm4b:s6+s9], $0x20, s0, s9, $0xb8;
	[tilespmem:$0x10310] =	vst v63  }
0xb6: {  	s1 =	rddreg [dreg:$0x1e]  }
0xb7: {  	[spmem:s3] =	stream.indirect.scatter.add.f32 [tilespmem:s14], [sflag:$0x5], $0x20, s1, s9, $0xb8;
	[tilespmem:$0x10310] =	vst v63  }
0xb8: {  	_ =	swait.ge [sflag:s8], $0x1900  }
0xb9: {  	[sflag:s8] =	ssyncset.done $0x0  }
0xba: {  	[sflag:s8] =	ssyncadd.s32 $0xFFFFE700  }
0xbb: {  	_ =	swait.ge [sflag:s12], $0x1900  }
0xbc: {  	s0 =	rddreg [dreg:$0x1f];
	[sflag:s12] =	ssyncset.done $0x0  }
0xbd: {  	s1 =	sld [smem:$0x7F1];
	[sflag:s12] =	ssyncadd.s32 $0xFFFFE700  }
0xbe: {  	[tilespmem:s14], [sflag:$0x4] =	stream.indirect.gather [hbm4b:s6+s9], $0x20, s0, s9, $0xb8;
	[tilespmem:$0x10310] =	vst v63  }
0xbf: {  	_ = 	snop  }
0xc0: {  	[spmem:s3] =	stream.indirect.scatter.add.f32 [tilespmem:s10], [sflag:$0x5], $0x20, s1, s9, $0xb8;
	[tilespmem:$0x10310] =	vst v63  }
0xc1: {  	_ =	swait.ge [sflag:s8], $0x1900  }
0xc2: {  	[sflag:s8] =	ssyncset.done $0x0  }
0xc3: {  	[sflag:s8] =	ssyncadd.s32 $0xFFFFE700  }
0xc4: {  	_ =	swait.ge [sflag:s20], $0x1900  }
0xc5: {  	s0 =	sld [smem:$0x7F2]  }
0xc6: {  	[sflag:s20] =	ssyncset.done $0x0  }
0xc7: {  	s1 =	sld [smem:$0x7F3];
	[sflag:s20] =	ssyncadd.s32 $0xFFFFE700  }
0xc8: {  	[tilespmem:s10], [sflag:$0x1] =	stream.indirect.gather [hbm4b:s6+s9], $0x20, s0, s9, $0xb8;
	[tilespmem:$0x10310] =	vst v63  }
0xc9: {  	_ = 	snop  }
0xca: {  	[spmem:s3] =	stream.indirect.scatter.add.f32 [tilespmem:s16], [sflag:$0x5], $0x20, s1, s9, $0xb8;
	[tilespmem:$0x10310] =	vst v63  }
0xcb: {  	_ =	swait.ge [sflag:s8], $0x1900  }
0xcc: {  	[sflag:s8] =	ssyncset.done $0x0  }
0xcd: {  	[sflag:s8] =	ssyncadd.s32 $0xFFFFE700  }
0xce: {  	_ =	swait.ge [sflag:s18], $0x1900  }
0xcf: {  	s0 =	sld [smem:$0x7F4]  }
0xd0: {  	[sflag:s18] =	ssyncset.done $0x0  }
0xd1: {  	s1 =	sld [smem:$0x7F5];
	[sflag:s18] =	ssyncadd.s32 $0xFFFFE700  }
0xd2: {  	[tilespmem:s16], [sflag:$0x2] =	stream.indirect.gather [hbm4b:s6+s9], $0x20, s0, s9, $0xb8;
	[tilespmem:$0x10310] =	vst v63  }
0xd3: {  	_ = 	snop  }
0xd4: {  	[spmem:s3] =	stream.indirect.scatter.add.f32 [tilespmem:s15], [sflag:$0x5], $0x20, s1, s9, $0xb8;
	[tilespmem:$0x10310] =	vst v63  }
0xd5: {  	_ =	swait.ge [sflag:s8], $0x1900  }
0xd6: {  	[sflag:s8] =	ssyncset.done $0x0  }
0xd7: {  	[sflag:s8] =	ssyncadd.s32 $0xFFFFE700  }
0xd8: {  	_ =	swait.ge [sflag:s17], $0x1900  }
0xd9: {  	s0 =	sld [smem:$0x7F6]  }
0xda: {  	[sflag:s17] =	ssyncset.done $0x0  }
0xdb: {  	s1 =	sld [smem:$0x7F7];
	[sflag:s17] =	ssyncadd.s32 $0xFFFFE700  }
0xdc: {  	[tilespmem:s15], [sflag:$0x3] =	stream.indirect.gather [hbm4b:s6+s9], $0x20, s0, s9, $0xb8;
	[tilespmem:$0x10310] =	vst v63  }
0xdd: {  	_ = 	snop  }
0xde: {  	[spmem:s3] =	stream.indirect.scatter.add.f32 [tilespmem:s14], [sflag:$0x5], $0x20, s1, s9, $0xb8;
	[tilespmem:$0x10310] =	vst v63  }
0xdf: {  	_ =	swait.ge [sflag:s8], $0x1900  }
0xe0: {  	[sflag:s8] =	ssyncset.done $0x0  }
0xe1: {  	[sflag:s8] =	ssyncadd.s32 $0xFFFFE700  }
0xe2: {  	_ =	swait.ge [sflag:s12], $0x1900  }
0xe3: {  	s0 =	sld [smem:$0x7F8]  }
0xe4: {  	[sflag:s12] =	ssyncset.done $0x0  }
0xe5: {  	s1 =	sld [smem:$0x7F9];
	[sflag:s12] =	ssyncadd.s32 $0xFFFFE700  }
0xe6: {  	[tilespmem:s14], [sflag:$0x4] =	stream.indirect.gather [hbm4b:s6+s9], $0x20, s0, s9, $0xb8;
	[tilespmem:$0x10310] =	vst v63  }
0xe7: {  	_ = 	snop  }
0xe8: {  	[spmem:s3] =	stream.indirect.scatter.add.f32 [tilespmem:s10], [sflag:$0x5], $0x20, s1, s9, $0xb8;
	[tilespmem:$0x10310] =	vst v63  }
0xe9: {  	_ =	swait.ge [sflag:s8], $0x1900  }
0xea: {  	[sflag:s8] =	ssyncset.done $0x0  }
0xeb: {  	[sflag:s8] =	ssyncadd.s32 $0xFFFFE700  }
0xec: {  	_ =	swait.ge [sflag:s20], $0x1900  }
0xed: {  	s0 =	sld [smem:$0x7FA]  }
0xee: {  	[sflag:s20] =	ssyncset.done $0x0  }
0xef: {  	s1 =	sld [smem:$0x7FB];
	[sflag:s20] =	ssyncadd.s32 $0xFFFFE700  }
0xf0: {  	[tilespmem:s10], [sflag:$0x1] =	stream.indirect.gather [hbm4b:s6+s9], $0x20, s0, s9, $0xb8;
	[tilespmem:$0x10310] =	vst v63  }
0xf1: {  	_ = 	snop  }
0xf2: {  	[spmem:s3] =	stream.indirect.scatter.add.f32 [tilespmem:s16], [sflag:$0x5], $0x20, s1, s9, $0xb8;
	[tilespmem:$0x10310] =	vst v63  }
0xf3: {  	_ =	swait.ge [sflag:s8], $0x1900  }
0xf4: {  	[sflag:s8] =	ssyncset.done $0x0  }
0xf5: {  	[sflag:s8] =	ssyncadd.s32 $0xFFFFE700  }
0xf6: {  	_ =	swait.ge [sflag:s18], $0x1900  }
0xf7: {  	s0 =	sld [smem:$0x7FC]  }
0xf8: {  	[sflag:s18] =	ssyncset.done $0x0  }
0xf9: {  	s1 =	sld [smem:$0x7FD];
	[sflag:s18] =	ssyncadd.s32 $0xFFFFE700  }
0xfa: {  	[tilespmem:s16], [sflag:$0x2] =	stream.indirect.gather [hbm4b:s6+s9], $0x20, s0, s9, $0xb8;
	[tilespmem:$0x10310] =	vst v63  }
0xfb: {  	_ = 	snop  }
0xfc: {  	[spmem:s3] =	stream.indirect.scatter.add.f32 [tilespmem:s15], [sflag:$0x5], $0x20, s1, s9, $0xb8;
	[tilespmem:$0x10310] =	vst v63  }
0xfd: {  	_ =	swait.ge [sflag:s8], $0x1900  }
0xfe: {  	[sflag:s8] =	ssyncset.done $0x0  }
0xff: {  	[sflag:s8] =	ssyncadd.s32 $0xFFFFE700  }
0x100: {  	_ =	swait.ge [sflag:s17], $0x1900  }
0x101: {  	[sflag:s17] =	ssyncset.done $0x0  }
0x102: {  	[sflag:s17] =	ssyncadd.s32 $0xFFFFE700  }
0x103: {  	[tilespmem:s15], [sflag:$0x3] =	stream.indirect.gather [hbm4b:s6+s9], $0x20, s28, s9, $0xb8;
	[tilespmem:$0x10310] =	vst v63  }
0x104: {  	_ = 	snop  }
0x105: {  	[spmem:s3] =	stream.indirect.scatter.add.f32 [tilespmem:s14], [sflag:$0x5], $0x20, s29, s9, $0xb8;
	[tilespmem:$0x10310] =	vst v63  }
0x106: {  	_ =	swait.ge [sflag:s8], $0x1900  }
0x107: {  	[sflag:s8] =	ssyncset.done $0x0  }
0x108: {  	[sflag:s8] =	ssyncadd.s32 $0xFFFFE700  }
0x109: {  	_ =	swait.ge [sflag:s12], $0x1900  }
0x10a: {  	[sflag:s12] =	ssyncset.done $0x0  }
0x10b: {  	[sflag:s12] =	ssyncadd.s32 $0xFFFFE700  }
0x10c: {  	[tilespmem:s14], [sflag:$0x4] =	stream.indirect.gather [hbm4b:s6+s9], $0x20, s25, s9, $0xb8;
	[tilespmem:$0x10310] =	vst v63  }
0x10d: {  	_ = 	snop  }
0x10e: {  	[spmem:s3] =	stream.indirect.scatter.add.f32 [tilespmem:s10], [sflag:$0x5], $0x20, s26, s9, $0xb8;
	[tilespmem:$0x10310] =	vst v63  }
0x10f: {  	_ =	swait.ge [sflag:s8], $0x1900  }
0x110: {  	[sflag:s8] =	ssyncset.done $0x0  }
0x111: {  	[sflag:s8] =	ssyncadd.s32 $0xFFFFE700  }
0x112: {  	_ =	swait.ge [sflag:s20], $0x1900  }
0x113: {  	[sflag:s20] =	ssyncset.done $0x0  }
0x114: {  	[sflag:s20] =	ssyncadd.s32 $0xFFFFE700  }
0x115: {  	[tilespmem:s10], [sflag:$0x1] =	stream.indirect.gather [hbm4b:s6+s9], $0x20, s23, s9, $0xb8;
	[tilespmem:$0x10310] =	vst v63  }
0x116: {  	_ = 	snop  }
0x117: {  	[spmem:s3] =	stream.indirect.scatter.add.f32 [tilespmem:s16], [sflag:$0x5], $0x20, s24, s9, $0xb8;
	[tilespmem:$0x10310] =	vst v63  }
0x118: {  	_ =	swait.ge [sflag:s8], $0x1900  }
0x119: {  	[sflag:s8] =	ssyncset.done $0x0  }
0x11a: {  	[sflag:s8] =	ssyncadd.s32 $0xFFFFE700  }
0x11b: {  	_ =	swait.ge [sflag:s18], $0x1900  }
0x11c: {  	[sflag:s18] =	ssyncset.done $0x0  }
0x11d: {  	[sflag:s18] =	ssyncadd.s32 $0xFFFFE700  }
0x11e: {  	[spmem:s3] =	stream.indirect.scatter.add.f32 [tilespmem:s15], [sflag:$0x5], $0x20, s22, s9, $0xb8;
	[tilespmem:$0x10310] =	vst v63  }
0x11f: {  	_ =	swait.ge [sflag:s8], $0x1900  }
0x120: {  	[sflag:s8] =	ssyncset.done $0x0  }
0x121: {  	[sflag:s8] =	ssyncadd.s32 $0xFFFFE700  }
0x122: {  	_ =	swait.ge [sflag:s17], $0x1900  }
0x123: {  	[sflag:s17] =	ssyncset.done $0x0  }
0x124: {  	[sflag:s17] =	ssyncadd.s32 $0xFFFFE700  }
0x125: {  	[spmem:s3] =	stream.indirect.scatter.add.f32 [tilespmem:s14], [sflag:$0x5], $0x20, s21, s9, $0xb8;
	[tilespmem:$0x10310] =	vst v63  }
0x126: {  	_ =	swait.ge [sflag:s8], $0x1900  }
0x127: {  	[sflag:s8] =	ssyncset.done $0x0  }
0x128: {  	[sflag:s8] =	ssyncadd.s32 $0xFFFFE700  }
0x129: {  	_ =	swait.ge [sflag:s12], $0x1900  }
0x12a: {  	[sflag:s12] =	ssyncset.done $0x0  }
0x12b: {  	[sflag:s12] =	ssyncadd.s32 $0xFFFFE700  }
0x12c: {  	[spmem:s3] =	stream.indirect.scatter.add.f32 [tilespmem:s10], [sflag:$0x5], $0x20, s19, s9, $0xb8;
	[tilespmem:$0x10310] =	vst v63  }
0x12d: {  	_ =	swait.ge [sflag:s8], $0x1900  }
0x12e: {  	[sflag:s8] =	ssyncset.done $0x0  }
0x12f: {  	[sflag:s8] =	ssyncadd.s32 $0xFFFFE700  }
0x130: {  	[bflag:$0x0] =	sbarrier.arrive $0xFFFF  }
0x131: {  	[tilespmem:s7], [sflag:$0x5] =	stream.linear.gather [spmem:s5], $0x2800, $0x38;
	[tilespmem:$0x10310] =	vst v63  }
0x132: {  	_ =	swait.ge [sflag:s8], $0x2800  }
0x133: {  	[sflag:s8] =	ssyncset.done $0x0  }
0x134: {  	[sflag:s8] =	ssyncadd.s32 $0xFFFFD800  }
0x135: {  	[hbm4b:s13+s2] =	stream.linear.scatter [tilespmem:s7], [sflag:$0x5], $0x2800, $0x38;
	[tilespmem:$0x10310] =	vst v63  }
0x136: {  	_ =	swait.ge [sflag:s8], $0x2800  }
0x137: {  	[sflag:s8] =	ssyncset.done $0x0  }
0x138: {  	[sflag:s8] =	ssyncadd.s32 $0xFFFFD800  }
0x139: {  	[tilespmem:s7], [sflag:$0x5] =	stream.linear.gather [spmem:s4], $0x2800, $0x38;
	[tilespmem:$0x10310] =	vst v63  }
0x13a: {  	_ =	swait.ge [sflag:s8], $0x2800  }
0x13b: {  	s1 =	sld [smem:$0x7F0];
	_ =	sdelay $0x2  }
0x13c: {  	p1 =	sne.s32 s1, $0x1  }
.Ltmp1:
0x13d: {  	[sflag:s8] =	ssyncset.done $0x0;
	(pc) =	sbr.rel @!p1 .LBB2_3-.Ltmp1, $4  }
0x13e: {  	[sflag:s8] =	ssyncadd.s32 $0xFFFFD800  }
0x13f: {  	[hbm4b:s11+s2] =	stream.linear.scatter [tilespmem:s7], [sflag:$0x5], $0x2800, $0x38;
	[tilespmem:$0x10310] =	vst v63  }
0x140: {  	p0 =	por $0x1, $0x1;
	_ =	swait.ge [sflag:s8], $0x2800  }
0x141: {  	s1 =	sadd.s32 $0xFFFFFFFF, s1;
	s0 =	rddreg [dreg:$0x3];
	[sflag:s8] =	ssyncset.done $0x0  }
.LBB2_2:
0x142: {  	[sflag:s8] =	ssyncadd.s32 $0xFFFFD800  }
0x143: {  	[tilespmem:s7], [sflag:$0x5] =	stream.linear.gather [hbm4b:s0+s2], $0x2800, $0x38;
	[tilespmem:$0x10310] =	vst v63  }
0x144: {  	_ =	swait.ge [sflag:s8], $0x2800  }
0x145: {  	[sflag:s8] =	ssyncset.done $0x0  }
0x146: {  	[sflag:s8] =	ssyncadd.s32 $0xFFFFD800  }
0x147: {  	[spmem:s5] =	stream.linear.scatter [tilespmem:s7], [sflag:$0x5], $0x2800, $0x38;
	[tilespmem:$0x10310] =	vst v63  }
0x148: {  	_ =	swait.ge [sflag:s8], $0x2800  }
0x149: {  	[sflag:s8] =	ssyncset.done $0x0  }
0x14a: {  	[sflag:s8] =	ssyncadd.s32 $0xFFFFD800  }
0x14b: {  	[spmem:s4] =	stream.linear.scatter [tilespmem:s7], [sflag:$0x5], $0x2800, $0x38;
	[tilespmem:$0x10310] =	vst v63  }
0x14c: {  	_ =	swait.ge [sflag:s8], $0x2800  }
0x14d: {  	[sflag:s8] =	ssyncset.done $0x0  }
0x14e: {  	s19 =	rddreg [dreg:$0x4];
	[sflag:s8] =	ssyncadd.s32 $0xFFFFD800  }
0x14f: {  	[tilespmem:s31], [sflag:$0x5] =	stream.linear.gather [hbm4b:s19+s2], $0x1388, $0x38;
	[tilespmem:$0x10310] =	vst v63  }
0x150: {  	_ =	swait.ge [sflag:s8], $0x1388  }
0x151: {  	[sflag:s8] =	ssyncset.done $0x0  }
0x152: {  	s19 =	rddreg [dreg:$0x5];
	[sflag:s8] =	ssyncadd.s32 $0xFFFFEC78  }
0x153: {  	[tilespmem:s30], [sflag:$0x5] =	stream.linear.gather [hbm4b:s19+s2], $0x1388, $0x38;
	[tilespmem:$0x10310] =	vst v63  }
0x154: {  	_ =	swait.ge [sflag:s8], $0x1388  }
0x155: {  	[sflag:s8] =	ssyncset.done $0x0  }
0x156: {  	[sflag:s8] =	ssyncadd.s32 $0xFFFFEC78  }
0x157: {  	[bflag:$0x0] =	sbarrier.arrive $0xFFFF  }
0x158: {  	[tilespmem:s10], [sflag:$0x1] =	stream.indirect.gather [hbm4b:s6+s9], $0x20, s31, s9, $0xb8;
	[tilespmem:$0x10310] =	vst v63  }
0x159: {  	s0 =	rddreg [dreg:$0x6]  }
0x15a: {  	[tilespmem:s16], [sflag:$0x2] =	stream.indirect.gather [hbm4b:s6+s9], $0x20, s0, s9, $0xb8;
	[tilespmem:$0x10310] =	vst v63  }
0x15b: {  	s19 =	rddreg [dreg:$0x7]  }
0x15c: {  	[tilespmem:s15], [sflag:$0x3] =	stream.indirect.gather [hbm4b:s6+s9], $0x20, s19, s9, $0xb8;
	[tilespmem:$0x10310] =	vst v63  }
0x15d: {  	_ =	swait.ge [sflag:s12], $0x1900  }
0x15e: {  	[sflag:s12] =	ssyncset.done $0x0  }
0x15f: {  	s19 =	rddreg [dreg:$0x8];
	[sflag:s12] =	ssyncadd.s32 $0xFFFFE700  }
0x160: {  	[tilespmem:s14], [sflag:$0x4] =	stream.indirect.gather [hbm4b:s6+s9], $0x20, s19, s9, $0xb8;
	[tilespmem:$0x10310] =	vst v63  }
0x161: {  	_ = 	snop  }
0x162: {  	[spmem:s3] =	stream.indirect.scatter.add.f32 [tilespmem:s10], [sflag:$0x5], $0x20, s30, s9, $0xb8;
	[tilespmem:$0x10310] =	vst v63  }
0x163: {  	_ =	swait.ge [sflag:s8], $0x1900  }
0x164: {  	[sflag:s8] =	ssyncset.done $0x0  }
0x165: {  	[sflag:s8] =	ssyncadd.s32 $0xFFFFE700  }
0x166: {  	_ =	swait.ge [sflag:s20], $0x1900  }
0x167: {  	[sflag:s20] =	ssyncset.done $0x0  }
0x168: {  	s0 =	rddreg [dreg:$0x9];
	[sflag:s20] =	ssyncadd.s32 $0xFFFFE700  }
0x169: {  	[tilespmem:s10], [sflag:$0x1] =	stream.indirect.gather [hbm4b:s6+s9], $0x20, s0, s9, $0xb8;
	[tilespmem:$0x10310] =	vst v63  }
0x16a: {  	s19 =	rddreg [dreg:$0xa]  }
0x16b: {  	[spmem:s3] =	stream.indirect.scatter.add.f32 [tilespmem:s16], [sflag:$0x5], $0x20, s19, s9, $0xb8;
	[tilespmem:$0x10310] =	vst v63  }
0x16c: {  	_ =	swait.ge [sflag:s8], $0x1900  }
0x16d: {  	[sflag:s8] =	ssyncset.done $0x0  }
0x16e: {  	[sflag:s8] =	ssyncadd.s32 $0xFFFFE700  }
0x16f: {  	_ =	swait.ge [sflag:s18], $0x1900  }
0x170: {  	[sflag:s18] =	ssyncset.done $0x0  }
0x171: {  	s0 =	rddreg [dreg:$0xb];
	[sflag:s18] =	ssyncadd.s32 $0xFFFFE700  }
0x172: {  	[tilespmem:s16], [sflag:$0x2] =	stream.indirect.gather [hbm4b:s6+s9], $0x20, s0, s9, $0xb8;
	[tilespmem:$0x10310] =	vst v63  }
0x173: {  	s19 =	rddreg [dreg:$0xc]  }
0x174: {  	[spmem:s3] =	stream.indirect.scatter.add.f32 [tilespmem:s15], [sflag:$0x5], $0x20, s19, s9, $0xb8;
	[tilespmem:$0x10310] =	vst v63  }
0x175: {  	_ =	swait.ge [sflag:s8], $0x1900  }
0x176: {  	[sflag:s8] =	ssyncset.done $0x0  }
0x177: {  	[sflag:s8] =	ssyncadd.s32 $0xFFFFE700  }
0x178: {  	_ =	swait.ge [sflag:s17], $0x1900  }
0x179: {  	[sflag:s17] =	ssyncset.done $0x0  }
0x17a: {  	s0 =	rddreg [dreg:$0xd];
	[sflag:s17] =	ssyncadd.s32 $0xFFFFE700  }
0x17b: {  	[tilespmem:s15], [sflag:$0x3] =	stream.indirect.gather [hbm4b:s6+s9], $0x20, s0, s9, $0xb8;
	[tilespmem:$0x10310] =	vst v63  }
0x17c: {  	s19 =	rddreg [dreg:$0xe]  }
0x17d: {  	[spmem:s3] =	stream.indirect.scatter.add.f32 [tilespmem:s14], [sflag:$0x5], $0x20, s19, s9, $0xb8;
	[tilespmem:$0x10310] =	vst v63  }
0x17e: {  	_ =	swait.ge [sflag:s8], $0x1900  }
0x17f: {  	[sflag:s8] =	ssyncset.done $0x0  }
0x180: {  	[sflag:s8] =	ssyncadd.s32 $0xFFFFE700  }
0x181: {  	_ =	swait.ge [sflag:s12], $0x1900  }
0x182: {  	[sflag:s12] =	ssyncset.done $0x0  }
0x183: {  	s0 =	rddreg [dreg:$0xf];
	[sflag:s12] =	ssyncadd.s32 $0xFFFFE700  }
0x184: {  	[tilespmem:s14], [sflag:$0x4] =	stream.indirect.gather [hbm4b:s6+s9], $0x20, s0, s9, $0xb8;
	[tilespmem:$0x10310] =	vst v63  }
0x185: {  	s19 =	rddreg [dreg:$0x10]  }
0x186: {  	[spmem:s3] =	stream.indirect.scatter.add.f32 [tilespmem:s10], [sflag:$0x5], $0x20, s19, s9, $0xb8;
	[tilespmem:$0x10310] =	vst v63  }
0x187: {  	_ =	swait.ge [sflag:s8], $0x1900  }
0x188: {  	[sflag:s8] =	ssyncset.done $0x0  }
0x189: {  	[sflag:s8] =	ssyncadd.s32 $0xFFFFE700  }
0x18a: {  	_ =	swait.ge [sflag:s20], $0x1900  }
0x18b: {  	[sflag:s20] =	ssyncset.done $0x0  }
0x18c: {  	s0 =	rddreg [dreg:$0x11];
	[sflag:s20] =	ssyncadd.s32 $0xFFFFE700  }
0x18d: {  	[tilespmem:s10], [sflag:$0x1] =	stream.indirect.gather [hbm4b:s6+s9], $0x20, s0, s9, $0xb8;
	[tilespmem:$0x10310] =	vst v63  }
0x18e: {  	s19 =	rddreg [dreg:$0x12]  }
0x18f: {  	[spmem:s3] =	stream.indirect.scatter.add.f32 [tilespmem:s16], [sflag:$0x5], $0x20, s19, s9, $0xb8;
	[tilespmem:$0x10310] =	vst v63  }
0x190: {  	_ =	swait.ge [sflag:s8], $0x1900  }
0x191: {  	[sflag:s8] =	ssyncset.done $0x0  }
0x192: {  	[sflag:s8] =	ssyncadd.s32 $0xFFFFE700  }
0x193: {  	_ =	swait.ge [sflag:s18], $0x1900  }
0x194: {  	[sflag:s18] =	ssyncset.done $0x0  }
0x195: {  	s0 =	rddreg [dreg:$0x13];
	[sflag:s18] =	ssyncadd.s32 $0xFFFFE700  }
0x196: {  	[tilespmem:s16], [sflag:$0x2] =	stream.indirect.gather [hbm4b:s6+s9], $0x20, s0, s9, $0xb8;
	[tilespmem:$0x10310] =	vst v63  }
0x197: {  	s19 =	rddreg [dreg:$0x14]  }
0x198: {  	[spmem:s3] =	stream.indirect.scatter.add.f32 [tilespmem:s15], [sflag:$0x5], $0x20, s19, s9, $0xb8;
	[tilespmem:$0x10310] =	vst v63  }
0x199: {  	_ =	swait.ge [sflag:s8], $0x1900  }
0x19a: {  	[sflag:s8] =	ssyncset.done $0x0  }
0x19b: {  	[sflag:s8] =	ssyncadd.s32 $0xFFFFE700  }
0x19c: {  	_ =	swait.ge [sflag:s17], $0x1900  }
0x19d: {  	[sflag:s17] =	ssyncset.done $0x0  }
0x19e: {  	s0 =	rddreg [dreg:$0x15];
	[sflag:s17] =	ssyncadd.s32 $0xFFFFE700  }
0x19f: {  	[tilespmem:s15], [sflag:$0x3] =	stream.indirect.gather [hbm4b:s6+s9], $0x20, s0, s9, $0xb8;
	[tilespmem:$0x10310] =	vst v63  }
0x1a0: {  	s19 =	rddreg [dreg:$0x16]  }
0x1a1: {  	[spmem:s3] =	stream.indirect.scatter.add.f32 [tilespmem:s14], [sflag:$0x5], $0x20, s19, s9, $0xb8;
	[tilespmem:$0x10310] =	vst v63  }
0x1a2: {  	_ =	swait.ge [sflag:s8], $0x1900  }
0x1a3: {  	[sflag:s8] =	ssyncset.done $0x0  }
0x1a4: {  	[sflag:s8] =	ssyncadd.s32 $0xFFFFE700  }
0x1a5: {  	_ =	swait.ge [sflag:s12], $0x1900  }
0x1a6: {  	[sflag:s12] =	ssyncset.done $0x0  }
0x1a7: {  	s0 =	rddreg [dreg:$0x17];
	[sflag:s12] =	ssyncadd.s32 $0xFFFFE700  }
0x1a8: {  	[tilespmem:s14], [sflag:$0x4] =	stream.indirect.gather [hbm4b:s6+s9], $0x20, s0, s9, $0xb8;
	[tilespmem:$0x10310] =	vst v63  }
0x1a9: {  	s19 =	rddreg [dreg:$0x18]  }
0x1aa: {  	[spmem:s3] =	stream.indirect.scatter.add.f32 [tilespmem:s10], [sflag:$0x5], $0x20, s19, s9, $0xb8;
	[tilespmem:$0x10310] =	vst v63  }
0x1ab: {  	_ =	swait.ge [sflag:s8], $0x1900  }
0x1ac: {  	[sflag:s8] =	ssyncset.done $0x0  }
0x1ad: {  	[sflag:s8] =	ssyncadd.s32 $0xFFFFE700  }
0x1ae: {  	_ =	swait.ge [sflag:s20], $0x1900  }
0x1af: {  	[sflag:s20] =	ssyncset.done $0x0  }
0x1b0: {  	s0 =	rddreg [dreg:$0x19];
	[sflag:s20] =	ssyncadd.s32 $0xFFFFE700  }
0x1b1: {  	[tilespmem:s10], [sflag:$0x1] =	stream.indirect.gather [hbm4b:s6+s9], $0x20, s0, s9, $0xb8;
	[tilespmem:$0x10310] =	vst v63  }
0x1b2: {  	s19 =	rddreg [dreg:$0x1a]  }
0x1b3: {  	[spmem:s3] =	stream.indirect.scatter.add.f32 [tilespmem:s16], [sflag:$0x5], $0x20, s19, s9, $0xb8;
	[tilespmem:$0x10310] =	vst v63  }
0x1b4: {  	_ =	swait.ge [sflag:s8], $0x1900  }
0x1b5: {  	[sflag:s8] =	ssyncset.done $0x0  }
0x1b6: {  	[sflag:s8] =	ssyncadd.s32 $0xFFFFE700  }
0x1b7: {  	_ =	swait.ge [sflag:s18], $0x1900  }
0x1b8: {  	[sflag:s18] =	ssyncset.done $0x0  }
0x1b9: {  	s0 =	rddreg [dreg:$0x1b];
	[sflag:s18] =	ssyncadd.s32 $0xFFFFE700  }
0x1ba: {  	[tilespmem:s16], [sflag:$0x2] =	stream.indirect.gather [hbm4b:s6+s9], $0x20, s0, s9, $0xb8;
	[tilespmem:$0x10310] =	vst v63  }
0x1bb: {  	s19 =	rddreg [dreg:$0x1c]  }
0x1bc: {  	[spmem:s3] =	stream.indirect.scatter.add.f32 [tilespmem:s15], [sflag:$0x5], $0x20, s19, s9, $0xb8;
	[tilespmem:$0x10310] =	vst v63  }
0x1bd: {  	_ =	swait.ge [sflag:s8], $0x1900  }
0x1be: {  	[sflag:s8] =	ssyncset.done $0x0  }
0x1bf: {  	[sflag:s8] =	ssyncadd.s32 $0xFFFFE700  }
0x1c0: {  	_ =	swait.ge [sflag:s17], $0x1900  }
0x1c1: {  	[sflag:s17] =	ssyncset.done $0x0  }
0x1c2: {  	s0 =	rddreg [dreg:$0x1d];
	[sflag:s17] =	ssyncadd.s32 $0xFFFFE700  }
0x1c3: {  	[tilespmem:s15], [sflag:$0x3] =	stream.indirect.gather [hbm4b:s6+s9], $0x20, s0, s9, $0xb8;
	[tilespmem:$0x10310] =	vst v63  }
0x1c4: {  	s19 =	rddreg [dreg:$0x1e]  }
0x1c5: {  	[spmem:s3] =	stream.indirect.scatter.add.f32 [tilespmem:s14], [sflag:$0x5], $0x20, s19, s9, $0xb8;
	[tilespmem:$0x10310] =	vst v63  }
0x1c6: {  	_ =	swait.ge [sflag:s8], $0x1900  }
0x1c7: {  	[sflag:s8] =	ssyncset.done $0x0  }
0x1c8: {  	[sflag:s8] =	ssyncadd.s32 $0xFFFFE700  }
0x1c9: {  	_ =	swait.ge [sflag:s12], $0x1900  }
0x1ca: {  	s0 =	rddreg [dreg:$0x1f];
	[sflag:s12] =	ssyncset.done $0x0  }
0x1cb: {  	s19 =	sld [smem:$0x7F1];
	[sflag:s12] =	ssyncadd.s32 $0xFFFFE700  }
0x1cc: {  	[tilespmem:s14], [sflag:$0x4] =	stream.indirect.gather [hbm4b:s6+s9], $0x20, s0, s9, $0xb8;
	[tilespmem:$0x10310] =	vst v63  }
0x1cd: {  	_ = 	snop  }
0x1ce: {  	[spmem:s3] =	stream.indirect.scatter.add.f32 [tilespmem:s10], [sflag:$0x5], $0x20, s19, s9, $0xb8;
	[tilespmem:$0x10310] =	vst v63  }
0x1cf: {  	_ =	swait.ge [sflag:s8], $0x1900  }
0x1d0: {  	[sflag:s8] =	ssyncset.done $0x0  }
0x1d1: {  	[sflag:s8] =	ssyncadd.s32 $0xFFFFE700  }
0x1d2: {  	_ =	swait.ge [sflag:s20], $0x1900  }
0x1d3: {  	s0 =	sld [smem:$0x7F2]  }
0x1d4: {  	[sflag:s20] =	ssyncset.done $0x0  }
0x1d5: {  	s19 =	sld [smem:$0x7F3];
	[sflag:s20] =	ssyncadd.s32 $0xFFFFE700  }
0x1d6: {  	[tilespmem:s10], [sflag:$0x1] =	stream.indirect.gather [hbm4b:s6+s9], $0x20, s0, s9, $0xb8;
	[tilespmem:$0x10310] =	vst v63  }
0x1d7: {  	_ = 	snop  }
0x1d8: {  	[spmem:s3] =	stream.indirect.scatter.add.f32 [tilespmem:s16], [sflag:$0x5], $0x20, s19, s9, $0xb8;
	[tilespmem:$0x10310] =	vst v63  }
0x1d9: {  	_ =	swait.ge [sflag:s8], $0x1900  }
0x1da: {  	[sflag:s8] =	ssyncset.done $0x0  }
0x1db: {  	[sflag:s8] =	ssyncadd.s32 $0xFFFFE700  }
0x1dc: {  	_ =	swait.ge [sflag:s18], $0x1900  }
0x1dd: {  	s0 =	sld [smem:$0x7F4]  }
0x1de: {  	[sflag:s18] =	ssyncset.done $0x0  }
0x1df: {  	s19 =	sld [smem:$0x7F5];
	[sflag:s18] =	ssyncadd.s32 $0xFFFFE700  }
0x1e0: {  	[tilespmem:s16], [sflag:$0x2] =	stream.indirect.gather [hbm4b:s6+s9], $0x20, s0, s9, $0xb8;
	[tilespmem:$0x10310] =	vst v63  }
0x1e1: {  	_ = 	snop  }
0x1e2: {  	[spmem:s3] =	stream.indirect.scatter.add.f32 [tilespmem:s15], [sflag:$0x5], $0x20, s19, s9, $0xb8;
	[tilespmem:$0x10310] =	vst v63  }
0x1e3: {  	_ =	swait.ge [sflag:s8], $0x1900  }
0x1e4: {  	[sflag:s8] =	ssyncset.done $0x0  }
0x1e5: {  	[sflag:s8] =	ssyncadd.s32 $0xFFFFE700  }
0x1e6: {  	_ =	swait.ge [sflag:s17], $0x1900  }
0x1e7: {  	s0 =	sld [smem:$0x7F6]  }
0x1e8: {  	[sflag:s17] =	ssyncset.done $0x0  }
0x1e9: {  	s19 =	sld [smem:$0x7F7];
	[sflag:s17] =	ssyncadd.s32 $0xFFFFE700  }
0x1ea: {  	[tilespmem:s15], [sflag:$0x3] =	stream.indirect.gather [hbm4b:s6+s9], $0x20, s0, s9, $0xb8;
	[tilespmem:$0x10310] =	vst v63  }
0x1eb: {  	_ = 	snop  }
0x1ec: {  	[spmem:s3] =	stream.indirect.scatter.add.f32 [tilespmem:s14], [sflag:$0x5], $0x20, s19, s9, $0xb8;
	[tilespmem:$0x10310] =	vst v63  }
0x1ed: {  	_ =	swait.ge [sflag:s8], $0x1900  }
0x1ee: {  	[sflag:s8] =	ssyncset.done $0x0  }
0x1ef: {  	[sflag:s8] =	ssyncadd.s32 $0xFFFFE700  }
0x1f0: {  	_ =	swait.ge [sflag:s12], $0x1900  }
0x1f1: {  	s0 =	sld [smem:$0x7F8]  }
0x1f2: {  	[sflag:s12] =	ssyncset.done $0x0  }
0x1f3: {  	s19 =	sld [smem:$0x7F9];
	[sflag:s12] =	ssyncadd.s32 $0xFFFFE700  }
0x1f4: {  	[tilespmem:s14], [sflag:$0x4] =	stream.indirect.gather [hbm4b:s6+s9], $0x20, s0, s9, $0xb8;
	[tilespmem:$0x10310] =	vst v63  }
0x1f5: {  	_ = 	snop  }
0x1f6: {  	[spmem:s3] =	stream.indirect.scatter.add.f32 [tilespmem:s10], [sflag:$0x5], $0x20, s19, s9, $0xb8;
	[tilespmem:$0x10310] =	vst v63  }
0x1f7: {  	_ =	swait.ge [sflag:s8], $0x1900  }
0x1f8: {  	[sflag:s8] =	ssyncset.done $0x0  }
0x1f9: {  	[sflag:s8] =	ssyncadd.s32 $0xFFFFE700  }
0x1fa: {  	_ =	swait.ge [sflag:s20], $0x1900  }
0x1fb: {  	s0 =	sld [smem:$0x7FA]  }
0x1fc: {  	[sflag:s20] =	ssyncset.done $0x0  }
0x1fd: {  	s19 =	sld [smem:$0x7FB];
	[sflag:s20] =	ssyncadd.s32 $0xFFFFE700  }
0x1fe: {  	[tilespmem:s10], [sflag:$0x1] =	stream.indirect.gather [hbm4b:s6+s9], $0x20, s0, s9, $0xb8;
	[tilespmem:$0x10310] =	vst v63  }
0x1ff: {  	_ = 	snop  }
0x200: {  	[spmem:s3] =	stream.indirect.scatter.add.f32 [tilespmem:s16], [sflag:$0x5], $0x20, s19, s9, $0xb8;
	[tilespmem:$0x10310] =	vst v63  }
0x201: {  	_ =	swait.ge [sflag:s8], $0x1900  }
0x202: {  	[sflag:s8] =	ssyncset.done $0x0  }
0x203: {  	[sflag:s8] =	ssyncadd.s32 $0xFFFFE700  }
0x204: {  	_ =	swait.ge [sflag:s18], $0x1900  }
0x205: {  	s0 =	sld [smem:$0x7FC]  }
0x206: {  	[sflag:s18] =	ssyncset.done $0x0  }
0x207: {  	s19 =	sld [smem:$0x7FD];
	[sflag:s18] =	ssyncadd.s32 $0xFFFFE700  }
0x208: {  	[tilespmem:s16], [sflag:$0x2] =	stream.indirect.gather [hbm4b:s6+s9], $0x20, s0, s9, $0xb8;
	[tilespmem:$0x10310] =	vst v63  }
0x209: {  	_ = 	snop  }
0x20a: {  	[spmem:s3] =	stream.indirect.scatter.add.f32 [tilespmem:s15], [sflag:$0x5], $0x20, s19, s9, $0xb8;
	[tilespmem:$0x10310] =	vst v63  }
0x20b: {  	_ =	swait.ge [sflag:s8], $0x1900  }
0x20c: {  	[sflag:s8] =	ssyncset.done $0x0  }
0x20d: {  	[sflag:s8] =	ssyncadd.s32 $0xFFFFE700  }
0x20e: {  	_ =	swait.ge [sflag:s17], $0x1900  }
0x20f: {  	[sflag:s17] =	ssyncset.done $0x0  }
0x210: {  	[sflag:s17] =	ssyncadd.s32 $0xFFFFE700  }
0x211: {  	[tilespmem:s15], [sflag:$0x3] =	stream.indirect.gather [hbm4b:s6+s9], $0x20, s28, s9, $0xb8;
	[tilespmem:$0x10310] =	vst v63  }
0x212: {  	_ = 	snop  }
0x213: {  	[spmem:s3] =	stream.indirect.scatter.add.f32 [tilespmem:s14], [sflag:$0x5], $0x20, s29, s9, $0xb8;
	[tilespmem:$0x10310] =	vst v63  }
0x214: {  	_ =	swait.ge [sflag:s8], $0x1900  }
0x215: {  	[sflag:s8] =	ssyncset.done $0x0  }
0x216: {  	[sflag:s8] =	ssyncadd.s32 $0xFFFFE700  }
0x217: {  	_ =	swait.ge [sflag:s12], $0x1900  }
0x218: {  	[sflag:s12] =	ssyncset.done $0x0  }
0x219: {  	[sflag:s12] =	ssyncadd.s32 $0xFFFFE700  }
0x21a: {  	[tilespmem:s14], [sflag:$0x4] =	stream.indirect.gather [hbm4b:s6+s9], $0x20, s25, s9, $0xb8;
	[tilespmem:$0x10310] =	vst v63  }
0x21b: {  	_ = 	snop  }
0x21c: {  	[spmem:s3] =	stream.indirect.scatter.add.f32 [tilespmem:s10], [sflag:$0x5], $0x20, s26, s9, $0xb8;
	[tilespmem:$0x10310] =	vst v63  }
0x21d: {  	_ =	swait.ge [sflag:s8], $0x1900  }
0x21e: {  	[sflag:s8] =	ssyncset.done $0x0  }
0x21f: {  	[sflag:s8] =	ssyncadd.s32 $0xFFFFE700  }
0x220: {  	_ =	swait.ge [sflag:s20], $0x1900  }
0x221: {  	[sflag:s20] =	ssyncset.done $0x0  }
0x222: {  	[sflag:s20] =	ssyncadd.s32 $0xFFFFE700  }
0x223: {  	[tilespmem:s10], [sflag:$0x1] =	stream.indirect.gather [hbm4b:s6+s9], $0x20, s23, s9, $0xb8;
	[tilespmem:$0x10310] =	vst v63  }
0x224: {  	_ = 	snop  }
0x225: {  	[spmem:s3] =	stream.indirect.scatter.add.f32 [tilespmem:s16], [sflag:$0x5], $0x20, s24, s9, $0xb8;
	[tilespmem:$0x10310] =	vst v63  }
0x226: {  	_ =	swait.ge [sflag:s8], $0x1900  }
0x227: {  	[sflag:s8] =	ssyncset.done $0x0  }
0x228: {  	[sflag:s8] =	ssyncadd.s32 $0xFFFFE700  }
0x229: {  	_ =	swait.ge [sflag:s18], $0x1900  }
0x22a: {  	[sflag:s18] =	ssyncset.done $0x0  }
0x22b: {  	[sflag:s18] =	ssyncadd.s32 $0xFFFFE700  }
0x22c: {  	[spmem:s3] =	stream.indirect.scatter.add.f32 [tilespmem:s15], [sflag:$0x5], $0x20, s22, s9, $0xb8;
	[tilespmem:$0x10310] =	vst v63  }
0x22d: {  	_ =	swait.ge [sflag:s8], $0x1900  }
0x22e: {  	[sflag:s8] =	ssyncset.done $0x0  }
0x22f: {  	[sflag:s8] =	ssyncadd.s32 $0xFFFFE700  }
0x230: {  	_ =	swait.ge [sflag:s17], $0x1900  }
0x231: {  	[sflag:s17] =	ssyncset.done $0x0  }
0x232: {  	[sflag:s17] =	ssyncadd.s32 $0xFFFFE700  }
0x233: {  	[spmem:s3] =	stream.indirect.scatter.add.f32 [tilespmem:s14], [sflag:$0x5], $0x20, s21, s9, $0xb8;
	[tilespmem:$0x10310] =	vst v63  }
0x234: {  	_ =	swait.ge [sflag:s8], $0x1900  }
0x235: {  	[sflag:s8] =	ssyncset.done $0x0  }
0x236: {  	[sflag:s8] =	ssyncadd.s32 $0xFFFFE700  }
0x237: {  	_ =	swait.ge [sflag:s12], $0x1900  }
0x238: {  	[sflag:s12] =	ssyncset.done $0x0  }
0x239: {  	s19 =	simm.s32 $0x9E48;
	[sflag:s12] =	ssyncadd.s32 $0xFFFFE700  }
0x23a: {  	[spmem:s3] =	stream.indirect.scatter.add.f32 [tilespmem:s10], [sflag:$0x5], $0x20, s19, s9, $0xb8;
	[tilespmem:$0x10310] =	vst v63  }
0x23b: {  	_ =	swait.ge [sflag:s8], $0x1900  }
0x23c: {  	[sflag:s8] =	ssyncset.done $0x0  }
0x23d: {  	[sflag:s8] =	ssyncadd.s32 $0xFFFFE700  }
0x23e: {  	[bflag:$0x0] =	sbarrier.arrive $0xFFFF  }
0x23f: {  	[tilespmem:s7], [sflag:$0x5] =	stream.linear.gather [spmem:s5], $0x2800, $0x38;
	[tilespmem:$0x10310] =	vst v63  }
0x240: {  	_ =	swait.ge [sflag:s8], $0x2800  }
0x241: {  	[sflag:s8] =	ssyncset.done $0x0  }
0x242: {  	[sflag:s8] =	ssyncadd.s32 $0xFFFFD800  }
0x243: {  	[hbm4b:s13+s2] =	stream.linear.scatter [tilespmem:s7], [sflag:$0x5], $0x2800, $0x38;
	[tilespmem:$0x10310] =	vst v63  }
0x244: {  	_ =	swait.ge [sflag:s8], $0x2800  }
0x245: {  	[sflag:s8] =	ssyncset.done $0x0  }
0x246: {  	[sflag:s8] =	ssyncadd.s32 $0xFFFFD800  }
0x247: {  	[tilespmem:s7], [sflag:$0x5] =	stream.linear.gather [spmem:s4], $0x2800, $0x38;
	[tilespmem:$0x10310] =	vst v63  }
0x248: {  	p1 =	sne.s32 s1, $0x1;
	_ =	swait.ge [sflag:s8], $0x2800  }
.Ltmp2:
0x249: {  	[sflag:s8] =	ssyncset.done $0x0;
	(pc) =	sbr.rel @p1 .LBB2_2-.Ltmp2, $4  }
0x24a: {  	[sflag:s8] =	ssyncadd.s32 $0xFFFFD800  }
0x24b: {  	[hbm4b:s11+s2] =	stream.linear.scatter [tilespmem:s7], [sflag:$0x5], $0x2800, $0x38;
	[tilespmem:$0x10310] =	vst v63  }
0x24c: {  	_ =	swait.ge [sflag:s8], $0x2800  }
0x24d: {  	s1 =	sadd.s32 $0xFFFFFFFF, s1;
	s0 =	rddreg [dreg:$0x3];
	[sflag:s8] =	ssyncset.done $0x0  }
.LBB2_3:
0x24e: {  	[sflag:s8] =	ssyncadd.s32 @p0 $0xFFFFD800  }
0x24f: {  	[tilespmem:s7], [sflag:$0x5] =	stream.linear.gather [hbm4b:s0+s2], $0x2800, $0x38;
	[tilespmem:$0x10310] =	vst v63  }
0x250: {  	_ =	swait.ge [sflag:s8], $0x2800  }
0x251: {  	[sflag:s8] =	ssyncset.done $0x0  }
0x252: {  	[sflag:s8] =	ssyncadd.s32 $0xFFFFD800  }
0x253: {  	[spmem:s5] =	stream.linear.scatter [tilespmem:s7], [sflag:$0x5], $0x2800, $0x38;
	[tilespmem:$0x10310] =	vst v63  }
0x254: {  	_ =	swait.ge [sflag:s8], $0x2800  }
0x255: {  	[sflag:s8] =	ssyncset.done $0x0  }
0x256: {  	[sflag:s8] =	ssyncadd.s32 $0xFFFFD800  }
0x257: {  	[spmem:s4] =	stream.linear.scatter [tilespmem:s7], [sflag:$0x5], $0x2800, $0x38;
	[tilespmem:$0x10310] =	vst v63  }
0x258: {  	_ =	swait.ge [sflag:s8], $0x2800  }
0x259: {  	[sflag:s8] =	ssyncset.done $0x0  }
0x25a: {  	s1 =	rddreg [dreg:$0x4];
	[sflag:s8] =	ssyncadd.s32 $0xFFFFD800  }
0x25b: {  	[tilespmem:s31], [sflag:$0x5] =	stream.linear.gather [hbm4b:s1+s2], $0x1388, $0x38;
	[tilespmem:$0x10310] =	vst v63  }
0x25c: {  	_ =	swait.ge [sflag:s8], $0x1388  }
0x25d: {  	[sflag:s8] =	ssyncset.done $0x0  }
0x25e: {  	s1 =	rddreg [dreg:$0x5];
	[sflag:s8] =	ssyncadd.s32 $0xFFFFEC78  }
0x25f: {  	[tilespmem:s30], [sflag:$0x5] =	stream.linear.gather [hbm4b:s1+s2], $0x1388, $0x38;
	[tilespmem:$0x10310] =	vst v63  }
0x260: {  	_ =	swait.ge [sflag:s8], $0x1388  }
0x261: {  	[sflag:s8] =	ssyncset.done $0x0  }
0x262: {  	[sflag:s8] =	ssyncadd.s32 $0xFFFFEC78  }
0x263: {  	[bflag:$0x0] =	sbarrier.arrive $0xFFFF  }
0x264: {  	[tilespmem:s10], [sflag:$0x1] =	stream.indirect.gather [hbm4b:s6+s9], $0x20, s31, s9, $0xb8;
	[tilespmem:$0x10310] =	vst v63  }
0x265: {  	s0 =	rddreg [dreg:$0x6]  }
0x266: {  	[tilespmem:s16], [sflag:$0x2] =	stream.indirect.gather [hbm4b:s6+s9], $0x20, s0, s9, $0xb8;
	[tilespmem:$0x10310] =	vst v63  }
0x267: {  	s1 =	rddreg [dreg:$0x7]  }
0x268: {  	[tilespmem:s15], [sflag:$0x3] =	stream.indirect.gather [hbm4b:s6+s9], $0x20, s1, s9, $0xb8;
	[tilespmem:$0x10310] =	vst v63  }
0x269: {  	_ =	swait.ge [sflag:s12], $0x1900  }
0x26a: {  	[sflag:s12] =	ssyncset.done $0x0  }
0x26b: {  	s1 =	rddreg [dreg:$0x8];
	[sflag:s12] =	ssyncadd.s32 $0xFFFFE700  }
0x26c: {  	[tilespmem:s14], [sflag:$0x4] =	stream.indirect.gather [hbm4b:s6+s9], $0x20, s1, s9, $0xb8;
	[tilespmem:$0x10310] =	vst v63  }
0x26d: {  	_ = 	snop  }
0x26e: {  	[spmem:s3] =	stream.indirect.scatter.add.f32 [tilespmem:s10], [sflag:$0x5], $0x20, s30, s9, $0xb8;
	[tilespmem:$0x10310] =	vst v63  }
0x26f: {  	_ =	swait.ge [sflag:s8], $0x1900  }
0x270: {  	[sflag:s8] =	ssyncset.done $0x0  }
0x271: {  	[sflag:s8] =	ssyncadd.s32 $0xFFFFE700  }
0x272: {  	_ =	swait.ge [sflag:s20], $0x1900  }
0x273: {  	[sflag:s20] =	ssyncset.done $0x0  }
0x274: {  	s30 =	rddreg [dreg:$0x9];
	[sflag:s20] =	ssyncadd.s32 $0xFFFFE700  }
0x275: {  	[tilespmem:s10], [sflag:$0x1] =	stream.indirect.gather [hbm4b:s6+s9], $0x20, s30, s9, $0xb8;
	[tilespmem:$0x10310] =	vst v63  }
0x276: {  	s31 =	rddreg [dreg:$0xa]  }
0x277: {  	[spmem:s3] =	stream.indirect.scatter.add.f32 [tilespmem:s16], [sflag:$0x5], $0x20, s31, s9, $0xb8;
	[tilespmem:$0x10310] =	vst v63  }
0x278: {  	_ =	swait.ge [sflag:s8], $0x1900  }
0x279: {  	[sflag:s8] =	ssyncset.done $0x0  }
0x27a: {  	[sflag:s8] =	ssyncadd.s32 $0xFFFFE700  }
0x27b: {  	_ =	swait.ge [sflag:s18], $0x1900  }
0x27c: {  	[sflag:s18] =	ssyncset.done $0x0  }
0x27d: {  	s30 =	rddreg [dreg:$0xb];
	[sflag:s18] =	ssyncadd.s32 $0xFFFFE700  }
0x27e: {  	[tilespmem:s16], [sflag:$0x2] =	stream.indirect.gather [hbm4b:s6+s9], $0x20, s30, s9, $0xb8;
	[tilespmem:$0x10310] =	vst v63  }
0x27f: {  	s31 =	rddreg [dreg:$0xc]  }
0x280: {  	[spmem:s3] =	stream.indirect.scatter.add.f32 [tilespmem:s15], [sflag:$0x5], $0x20, s31, s9, $0xb8;
	[tilespmem:$0x10310] =	vst v63  }
0x281: {  	_ =	swait.ge [sflag:s8], $0x1900  }
0x282: {  	[sflag:s8] =	ssyncset.done $0x0  }
0x283: {  	[sflag:s8] =	ssyncadd.s32 $0xFFFFE700  }
0x284: {  	_ =	swait.ge [sflag:s17], $0x1900  }
0x285: {  	[sflag:s17] =	ssyncset.done $0x0  }
0x286: {  	s30 =	rddreg [dreg:$0xd];
	[sflag:s17] =	ssyncadd.s32 $0xFFFFE700  }
0x287: {  	[tilespmem:s15], [sflag:$0x3] =	stream.indirect.gather [hbm4b:s6+s9], $0x20, s30, s9, $0xb8;
	[tilespmem:$0x10310] =	vst v63  }
0x288: {  	s31 =	rddreg [dreg:$0xe]  }
0x289: {  	[spmem:s3] =	stream.indirect.scatter.add.f32 [tilespmem:s14], [sflag:$0x5], $0x20, s31, s9, $0xb8;
	[tilespmem:$0x10310] =	vst v63  }
0x28a: {  	_ =	swait.ge [sflag:s8], $0x1900  }
0x28b: {  	[sflag:s8] =	ssyncset.done $0x0  }
0x28c: {  	[sflag:s8] =	ssyncadd.s32 $0xFFFFE700  }
0x28d: {  	_ =	swait.ge [sflag:s12], $0x1900  }
0x28e: {  	[sflag:s12] =	ssyncset.done $0x0  }
0x28f: {  	s30 =	rddreg [dreg:$0xf];
	[sflag:s12] =	ssyncadd.s32 $0xFFFFE700  }
0x290: {  	[tilespmem:s14], [sflag:$0x4] =	stream.indirect.gather [hbm4b:s6+s9], $0x20, s30, s9, $0xb8;
	[tilespmem:$0x10310] =	vst v63  }
0x291: {  	s31 =	rddreg [dreg:$0x10]  }
0x292: {  	[spmem:s3] =	stream.indirect.scatter.add.f32 [tilespmem:s10], [sflag:$0x5], $0x20, s31, s9, $0xb8;
	[tilespmem:$0x10310] =	vst v63  }
0x293: {  	_ =	swait.ge [sflag:s8], $0x1900  }
0x294: {  	[sflag:s8] =	ssyncset.done $0x0  }
0x295: {  	[sflag:s8] =	ssyncadd.s32 $0xFFFFE700  }
0x296: {  	_ =	swait.ge [sflag:s20], $0x1900  }
0x297: {  	[sflag:s20] =	ssyncset.done $0x0  }
0x298: {  	s30 =	rddreg [dreg:$0x11];
	[sflag:s20] =	ssyncadd.s32 $0xFFFFE700  }
0x299: {  	[tilespmem:s10], [sflag:$0x1] =	stream.indirect.gather [hbm4b:s6+s9], $0x20, s30, s9, $0xb8;
	[tilespmem:$0x10310] =	vst v63  }
0x29a: {  	s31 =	rddreg [dreg:$0x12]  }
0x29b: {  	[spmem:s3] =	stream.indirect.scatter.add.f32 [tilespmem:s16], [sflag:$0x5], $0x20, s31, s9, $0xb8;
	[tilespmem:$0x10310] =	vst v63  }
0x29c: {  	_ =	swait.ge [sflag:s8], $0x1900  }
0x29d: {  	[sflag:s8] =	ssyncset.done $0x0  }
0x29e: {  	[sflag:s8] =	ssyncadd.s32 $0xFFFFE700  }
0x29f: {  	_ =	swait.ge [sflag:s18], $0x1900  }
0x2a0: {  	[sflag:s18] =	ssyncset.done $0x0  }
0x2a1: {  	s30 =	rddreg [dreg:$0x13];
	[sflag:s18] =	ssyncadd.s32 $0xFFFFE700  }
0x2a2: {  	[tilespmem:s16], [sflag:$0x2] =	stream.indirect.gather [hbm4b:s6+s9], $0x20, s30, s9, $0xb8;
	[tilespmem:$0x10310] =	vst v63  }
0x2a3: {  	s31 =	rddreg [dreg:$0x14]  }
0x2a4: {  	[spmem:s3] =	stream.indirect.scatter.add.f32 [tilespmem:s15], [sflag:$0x5], $0x20, s31, s9, $0xb8;
	[tilespmem:$0x10310] =	vst v63  }
0x2a5: {  	_ =	swait.ge [sflag:s8], $0x1900  }
0x2a6: {  	[sflag:s8] =	ssyncset.done $0x0  }
0x2a7: {  	[sflag:s8] =	ssyncadd.s32 $0xFFFFE700  }
0x2a8: {  	_ =	swait.ge [sflag:s17], $0x1900  }
0x2a9: {  	[sflag:s17] =	ssyncset.done $0x0  }
0x2aa: {  	s30 =	rddreg [dreg:$0x15];
	[sflag:s17] =	ssyncadd.s32 $0xFFFFE700  }
0x2ab: {  	[tilespmem:s15], [sflag:$0x3] =	stream.indirect.gather [hbm4b:s6+s9], $0x20, s30, s9, $0xb8;
	[tilespmem:$0x10310] =	vst v63  }
0x2ac: {  	s31 =	rddreg [dreg:$0x16]  }
0x2ad: {  	[spmem:s3] =	stream.indirect.scatter.add.f32 [tilespmem:s14], [sflag:$0x5], $0x20, s31, s9, $0xb8;
	[tilespmem:$0x10310] =	vst v63  }
0x2ae: {  	_ =	swait.ge [sflag:s8], $0x1900  }
0x2af: {  	[sflag:s8] =	ssyncset.done $0x0  }
0x2b0: {  	[sflag:s8] =	ssyncadd.s32 $0xFFFFE700  }
0x2b1: {  	_ =	swait.ge [sflag:s12], $0x1900  }
0x2b2: {  	[sflag:s12] =	ssyncset.done $0x0  }
0x2b3: {  	s30 =	rddreg [dreg:$0x17];
	[sflag:s12] =	ssyncadd.s32 $0xFFFFE700  }
0x2b4: {  	[tilespmem:s14], [sflag:$0x4] =	stream.indirect.gather [hbm4b:s6+s9], $0x20, s30, s9, $0xb8;
	[tilespmem:$0x10310] =	vst v63  }
0x2b5: {  	s31 =	rddreg [dreg:$0x18]  }
0x2b6: {  	[spmem:s3] =	stream.indirect.scatter.add.f32 [tilespmem:s10], [sflag:$0x5], $0x20, s31, s9, $0xb8;
	[tilespmem:$0x10310] =	vst v63  }
0x2b7: {  	_ =	swait.ge [sflag:s8], $0x1900  }
0x2b8: {  	[sflag:s8] =	ssyncset.done $0x0  }
0x2b9: {  	[sflag:s8] =	ssyncadd.s32 $0xFFFFE700  }
0x2ba: {  	_ =	swait.ge [sflag:s20], $0x1900  }
0x2bb: {  	[sflag:s20] =	ssyncset.done $0x0  }
0x2bc: {  	s30 =	rddreg [dreg:$0x19];
	[sflag:s20] =	ssyncadd.s32 $0xFFFFE700  }
0x2bd: {  	[tilespmem:s10], [sflag:$0x1] =	stream.indirect.gather [hbm4b:s6+s9], $0x20, s30, s9, $0xb8;
	[tilespmem:$0x10310] =	vst v63  }
0x2be: {  	s31 =	rddreg [dreg:$0x1a]  }
0x2bf: {  	[spmem:s3] =	stream.indirect.scatter.add.f32 [tilespmem:s16], [sflag:$0x5], $0x20, s31, s9, $0xb8;
	[tilespmem:$0x10310] =	vst v63  }
0x2c0: {  	_ =	swait.ge [sflag:s8], $0x1900  }
0x2c1: {  	[sflag:s8] =	ssyncset.done $0x0  }
0x2c2: {  	[sflag:s8] =	ssyncadd.s32 $0xFFFFE700  }
0x2c3: {  	_ =	swait.ge [sflag:s18], $0x1900  }
0x2c4: {  	[sflag:s18] =	ssyncset.done $0x0  }
0x2c5: {  	s30 =	rddreg [dreg:$0x1b];
	[sflag:s18] =	ssyncadd.s32 $0xFFFFE700  }
0x2c6: {  	[tilespmem:s16], [sflag:$0x2] =	stream.indirect.gather [hbm4b:s6+s9], $0x20, s30, s9, $0xb8;
	[tilespmem:$0x10310] =	vst v63  }
0x2c7: {  	s31 =	rddreg [dreg:$0x1c]  }
0x2c8: {  	[spmem:s3] =	stream.indirect.scatter.add.f32 [tilespmem:s15], [sflag:$0x5], $0x20, s31, s9, $0xb8;
	[tilespmem:$0x10310] =	vst v63  }
0x2c9: {  	_ =	swait.ge [sflag:s8], $0x1900  }
0x2ca: {  	[sflag:s8] =	ssyncset.done $0x0  }
0x2cb: {  	[sflag:s8] =	ssyncadd.s32 $0xFFFFE700  }
0x2cc: {  	_ =	swait.ge [sflag:s17], $0x1900  }
0x2cd: {  	[sflag:s17] =	ssyncset.done $0x0  }
0x2ce: {  	s30 =	rddreg [dreg:$0x1d];
	[sflag:s17] =	ssyncadd.s32 $0xFFFFE700  }
0x2cf: {  	[tilespmem:s15], [sflag:$0x3] =	stream.indirect.gather [hbm4b:s6+s9], $0x20, s30, s9, $0xb8;
	[tilespmem:$0x10310] =	vst v63  }
0x2d0: {  	s31 =	rddreg [dreg:$0x1e]  }
0x2d1: {  	[spmem:s3] =	stream.indirect.scatter.add.f32 [tilespmem:s14], [sflag:$0x5], $0x20, s31, s9, $0xb8;
	[tilespmem:$0x10310] =	vst v63  }
0x2d2: {  	_ =	swait.ge [sflag:s8], $0x1900  }
0x2d3: {  	[sflag:s8] =	ssyncset.done $0x0  }
0x2d4: {  	[sflag:s8] =	ssyncadd.s32 $0xFFFFE700  }
0x2d5: {  	_ =	swait.ge [sflag:s12], $0x1900  }
0x2d6: {  	s30 =	rddreg [dreg:$0x1f];
	[sflag:s12] =	ssyncset.done $0x0  }
0x2d7: {  	s31 =	sld [smem:$0x7F1];
	[sflag:s12] =	ssyncadd.s32 $0xFFFFE700  }
0x2d8: {  	[tilespmem:s14], [sflag:$0x4] =	stream.indirect.gather [hbm4b:s6+s9], $0x20, s30, s9, $0xb8;
	[tilespmem:$0x10310] =	vst v63  }
0x2d9: {  	_ = 	snop  }
0x2da: {  	[spmem:s3] =	stream.indirect.scatter.add.f32 [tilespmem:s10], [sflag:$0x5], $0x20, s31, s9, $0xb8;
	[tilespmem:$0x10310] =	vst v63  }
0x2db: {  	_ =	swait.ge [sflag:s8], $0x1900  }
0x2dc: {  	[sflag:s8] =	ssyncset.done $0x0  }
0x2dd: {  	[sflag:s8] =	ssyncadd.s32 $0xFFFFE700  }
0x2de: {  	_ =	swait.ge [sflag:s20], $0x1900  }
0x2df: {  	s30 =	sld [smem:$0x7F2]  }
0x2e0: {  	[sflag:s20] =	ssyncset.done $0x0  }
0x2e1: {  	s31 =	sld [smem:$0x7F3];
	[sflag:s20] =	ssyncadd.s32 $0xFFFFE700  }
0x2e2: {  	[tilespmem:s10], [sflag:$0x1] =	stream.indirect.gather [hbm4b:s6+s9], $0x20, s30, s9, $0xb8;
	[tilespmem:$0x10310] =	vst v63  }
0x2e3: {  	_ = 	snop  }
0x2e4: {  	[spmem:s3] =	stream.indirect.scatter.add.f32 [tilespmem:s16], [sflag:$0x5], $0x20, s31, s9, $0xb8;
	[tilespmem:$0x10310] =	vst v63  }
0x2e5: {  	_ =	swait.ge [sflag:s8], $0x1900  }
0x2e6: {  	[sflag:s8] =	ssyncset.done $0x0  }
0x2e7: {  	[sflag:s8] =	ssyncadd.s32 $0xFFFFE700  }
0x2e8: {  	_ =	swait.ge [sflag:s18], $0x1900  }
0x2e9: {  	s30 =	sld [smem:$0x7F4]  }
0x2ea: {  	[sflag:s18] =	ssyncset.done $0x0  }
0x2eb: {  	s31 =	sld [smem:$0x7F5];
	[sflag:s18] =	ssyncadd.s32 $0xFFFFE700  }
0x2ec: {  	[tilespmem:s16], [sflag:$0x2] =	stream.indirect.gather [hbm4b:s6+s9], $0x20, s30, s9, $0xb8;
	[tilespmem:$0x10310] =	vst v63  }
0x2ed: {  	_ = 	snop  }
0x2ee: {  	[spmem:s3] =	stream.indirect.scatter.add.f32 [tilespmem:s15], [sflag:$0x5], $0x20, s31, s9, $0xb8;
	[tilespmem:$0x10310] =	vst v63  }
0x2ef: {  	_ =	swait.ge [sflag:s8], $0x1900  }
0x2f0: {  	[sflag:s8] =	ssyncset.done $0x0  }
0x2f1: {  	[sflag:s8] =	ssyncadd.s32 $0xFFFFE700  }
0x2f2: {  	_ =	swait.ge [sflag:s17], $0x1900  }
0x2f3: {  	s30 =	sld [smem:$0x7F6]  }
0x2f4: {  	[sflag:s17] =	ssyncset.done $0x0  }
0x2f5: {  	s31 =	sld [smem:$0x7F7];
	[sflag:s17] =	ssyncadd.s32 $0xFFFFE700  }
0x2f6: {  	[tilespmem:s15], [sflag:$0x3] =	stream.indirect.gather [hbm4b:s6+s9], $0x20, s30, s9, $0xb8;
	[tilespmem:$0x10310] =	vst v63  }
0x2f7: {  	_ = 	snop  }
0x2f8: {  	[spmem:s3] =	stream.indirect.scatter.add.f32 [tilespmem:s14], [sflag:$0x5], $0x20, s31, s9, $0xb8;
	[tilespmem:$0x10310] =	vst v63  }
0x2f9: {  	_ =	swait.ge [sflag:s8], $0x1900  }
0x2fa: {  	[sflag:s8] =	ssyncset.done $0x0  }
0x2fb: {  	[sflag:s8] =	ssyncadd.s32 $0xFFFFE700  }
0x2fc: {  	_ =	swait.ge [sflag:s12], $0x1900  }
0x2fd: {  	s30 =	sld [smem:$0x7F8]  }
0x2fe: {  	[sflag:s12] =	ssyncset.done $0x0  }
0x2ff: {  	s31 =	sld [smem:$0x7F9];
	[sflag:s12] =	ssyncadd.s32 $0xFFFFE700  }
0x300: {  	[tilespmem:s14], [sflag:$0x4] =	stream.indirect.gather [hbm4b:s6+s9], $0x20, s30, s9, $0xb8;
	[tilespmem:$0x10310] =	vst v63  }
0x301: {  	_ = 	snop  }
0x302: {  	[spmem:s3] =	stream.indirect.scatter.add.f32 [tilespmem:s10], [sflag:$0x5], $0x20, s31, s9, $0xb8;
	[tilespmem:$0x10310] =	vst v63  }
0x303: {  	_ =	swait.ge [sflag:s8], $0x1900  }
0x304: {  	[sflag:s8] =	ssyncset.done $0x0  }
0x305: {  	[sflag:s8] =	ssyncadd.s32 $0xFFFFE700  }
0x306: {  	_ =	swait.ge [sflag:s20], $0x1900  }
0x307: {  	s30 =	sld [smem:$0x7FA]  }
0x308: {  	[sflag:s20] =	ssyncset.done $0x0  }
0x309: {  	s31 =	sld [smem:$0x7FB];
	[sflag:s20] =	ssyncadd.s32 $0xFFFFE700  }
0x30a: {  	[tilespmem:s10], [sflag:$0x1] =	stream.indirect.gather [hbm4b:s6+s9], $0x20, s30, s9, $0xb8;
	[tilespmem:$0x10310] =	vst v63  }
0x30b: {  	_ = 	snop  }
0x30c: {  	[spmem:s3] =	stream.indirect.scatter.add.f32 [tilespmem:s16], [sflag:$0x5], $0x20, s31, s9, $0xb8;
	[tilespmem:$0x10310] =	vst v63  }
0x30d: {  	_ =	swait.ge [sflag:s8], $0x1900  }
0x30e: {  	[sflag:s8] =	ssyncset.done $0x0  }
0x30f: {  	[sflag:s8] =	ssyncadd.s32 $0xFFFFE700  }
0x310: {  	_ =	swait.ge [sflag:s18], $0x1900  }
0x311: {  	s1 =	sld [smem:$0x7FC]  }
0x312: {  	[sflag:s18] =	ssyncset.done $0x0  }
0x313: {  	s30 =	sld [smem:$0x7FD];
	[sflag:s18] =	ssyncadd.s32 $0xFFFFE700  }
0x314: {  	[tilespmem:s16], [sflag:$0x2] =	stream.indirect.gather [hbm4b:s6+s9], $0x20, s1, s9, $0xb8;
	[tilespmem:$0x10310] =	vst v63  }
0x315: {  	_ = 	snop  }
0x316: {  	[spmem:s3] =	stream.indirect.scatter.add.f32 [tilespmem:s15], [sflag:$0x5], $0x20, s30, s9, $0xb8;
	[tilespmem:$0x10310] =	vst v63  }
0x317: {  	_ =	swait.ge [sflag:s8], $0x1900  }
0x318: {  	[sflag:s8] =	ssyncset.done $0x0  }
0x319: {  	[sflag:s8] =	ssyncadd.s32 $0xFFFFE700  }
0x31a: {  	_ =	swait.ge [sflag:s17], $0x1900  }
0x31b: {  	[sflag:s17] =	ssyncset.done $0x0  }
0x31c: {  	[sflag:s17] =	ssyncadd.s32 $0xFFFFE700  }
0x31d: {  	[tilespmem:s15], [sflag:$0x3] =	stream.indirect.gather [hbm4b:s6+s9], $0x20, s28, s9, $0xb8;
	[tilespmem:$0x10310] =	vst v63  }
0x31e: {  	_ = 	snop  }
0x31f: {  	[spmem:s3] =	stream.indirect.scatter.add.f32 [tilespmem:s14], [sflag:$0x5], $0x20, s29, s9, $0xb8;
	[tilespmem:$0x10310] =	vst v63  }
0x320: {  	_ =	swait.ge [sflag:s8], $0x1900  }
0x321: {  	[sflag:s8] =	ssyncset.done $0x0  }
0x322: {  	[sflag:s8] =	ssyncadd.s32 $0xFFFFE700  }
0x323: {  	_ =	swait.ge [sflag:s12], $0x1900  }
0x324: {  	[sflag:s12] =	ssyncset.done $0x0  }
0x325: {  	[sflag:s12] =	ssyncadd.s32 $0xFFFFE700  }
0x326: {  	[tilespmem:s14], [sflag:$0x4] =	stream.indirect.gather [hbm4b:s6+s9], $0x20, s25, s9, $0xb8;
	[tilespmem:$0x10310] =	vst v63  }
0x327: {  	_ = 	snop  }
0x328: {  	[spmem:s3] =	stream.indirect.scatter.add.f32 [tilespmem:s10], [sflag:$0x5], $0x20, s26, s9, $0xb8;
	[tilespmem:$0x10310] =	vst v63  }
0x329: {  	_ =	swait.ge [sflag:s8], $0x1900  }
0x32a: {  	[sflag:s8] =	ssyncset.done $0x0  }
0x32b: {  	[sflag:s8] =	ssyncadd.s32 $0xFFFFE700  }
0x32c: {  	_ =	swait.ge [sflag:s20], $0x1900  }
0x32d: {  	[sflag:s20] =	ssyncset.done $0x0  }
0x32e: {  	[sflag:s20] =	ssyncadd.s32 $0xFFFFE700  }
0x32f: {  	[tilespmem:s10], [sflag:$0x1] =	stream.indirect.gather [hbm4b:s6+s9], $0x20, s23, s9, $0xb8;
	[tilespmem:$0x10310] =	vst v63  }
0x330: {  	_ = 	snop  }
0x331: {  	[spmem:s3] =	stream.indirect.scatter.add.f32 [tilespmem:s16], [sflag:$0x5], $0x20, s24, s9, $0xb8;
	[tilespmem:$0x10310] =	vst v63  }
0x332: {  	_ =	swait.ge [sflag:s8], $0x1900  }
0x333: {  	[sflag:s8] =	ssyncset.done $0x0  }
0x334: {  	[sflag:s8] =	ssyncadd.s32 $0xFFFFE700  }
0x335: {  	_ =	swait.ge [sflag:s18], $0x1900  }
0x336: {  	[sflag:s18] =	ssyncset.done $0x0  }
0x337: {  	[sflag:s18] =	ssyncadd.s32 $0xFFFFE700  }
0x338: {  	[spmem:s3] =	stream.indirect.scatter.add.f32 [tilespmem:s15], [sflag:$0x5], $0x20, s22, s9, $0xb8;
	[tilespmem:$0x10310] =	vst v63  }
0x339: {  	_ =	swait.ge [sflag:s8], $0x1900  }
0x33a: {  	[sflag:s8] =	ssyncset.done $0x0  }
0x33b: {  	[sflag:s8] =	ssyncadd.s32 $0xFFFFE700  }
0x33c: {  	_ =	swait.ge [sflag:s17], $0x1900  }
0x33d: {  	[sflag:s17] =	ssyncset.done $0x0  }
0x33e: {  	[sflag:s17] =	ssyncadd.s32 $0xFFFFE700  }
0x33f: {  	[spmem:s3] =	stream.indirect.scatter.add.f32 [tilespmem:s14], [sflag:$0x5], $0x20, s21, s9, $0xb8;
	[tilespmem:$0x10310] =	vst v63  }
0x340: {  	_ =	swait.ge [sflag:s8], $0x1900  }
0x341: {  	[sflag:s8] =	ssyncset.done $0x0  }
0x342: {  	[sflag:s8] =	ssyncadd.s32 $0xFFFFE700  }
0x343: {  	_ =	swait.ge [sflag:s12], $0x1900  }
0x344: {  	[sflag:s12] =	ssyncset.done $0x0  }
0x345: {  	[sflag:s12] =	ssyncadd.s32 $0xFFFFE700  }
0x346: {  	[spmem:s3] =	stream.indirect.scatter.add.f32 [tilespmem:s10], [sflag:$0x5], $0x20, s19, s9, $0xb8;
	[tilespmem:$0x10310] =	vst v63  }
0x347: {  	_ =	swait.ge [sflag:s8], $0x1900  }
0x348: {  	[sflag:s8] =	ssyncset.done $0x0  }
0x349: {  	[sflag:s8] =	ssyncadd.s32 $0xFFFFE700  }
0x34a: {  	[bflag:$0x0] =	sbarrier.arrive $0xFFFF  }
0x34b: {  	[tilespmem:s7], [sflag:$0x5] =	stream.linear.gather [spmem:s5], $0x2800, $0x38;
	[tilespmem:$0x10310] =	vst v63  }
0x34c: {  	_ =	swait.ge [sflag:s8], $0x2800  }
0x34d: {  	[sflag:s8] =	ssyncset.done $0x0  }
0x34e: {  	[sflag:s8] =	ssyncadd.s32 $0xFFFFD800  }
0x34f: {  	[hbm4b:s13+s2] =	stream.linear.scatter [tilespmem:s7], [sflag:$0x5], $0x2800, $0x38;
	[tilespmem:$0x10310] =	vst v63  }
0x350: {  	_ =	swait.ge [sflag:s8], $0x2800  }
0x351: {  	[sflag:s8] =	ssyncset.done $0x0  }
0x352: {  	[sflag:s8] =	ssyncadd.s32 $0xFFFFD800  }
0x353: {  	[tilespmem:s7], [sflag:$0x5] =	stream.linear.gather [spmem:s4], $0x2800, $0x38;
	[tilespmem:$0x10310] =	vst v63  }
0x354: {  	_ =	swait.ge [sflag:s8], $0x2800  }
0x355: {  	[sflag:s8] =	ssyncset.done $0x0  }
0x356: {  	[sflag:s8] =	ssyncadd.s32 $0xFFFFD800  }
0x357: {  	[hbm4b:s11+s2] =	stream.linear.scatter [tilespmem:s7], [sflag:$0x5], $0x2800, $0x38;
	[tilespmem:$0x10310] =	vst v63  }
0x358: {  	_ =	swait.ge [sflag:s8], $0x2800  }
0x359: {  	[sflag:s8] =	ssyncset.done $0x0  }
0x35a: {  	[sflag:s8] =	ssyncadd.s32 $0xFFFFD800  }
0x35b: {  	_ =	sfence.sel $0x180000  }
0x35c: {  	[bflag:$0x0] =	sbarrier.arrive $0xFFFF  }
0x35d: {  	_ =	strace $0x9000004A  }
0x35e: {  	s31 =	stileid.u32;
	[bflag:$0x2] =	sbarrier.arrive $0xFFFF  }
0x35f: {  	p0 =	sne.s32 s31, $0x0;
	s0 =	rddreg [dreg:$0x2]  }
0x360: {  	s0 =	sadd.s32 @!p0 $0x100000, s0  }
0x361: {  	[sflag:s0] =	ssyncadd.tile.s32 @!p0 $0x1;
	_ =	shalt  }
.Lfunc_end2:
_tile_overlayer_lowered:
.L_overlay_start_2:
0x362: {  	(tag) =	ssettag $0x2  }
0x363: {  	s0 =	rddreg [dreg:$0x0];
	s2 =	stileid.u32  }
0x364: {  	s1 =	rddreg [dreg:$0x1];
	p0 =	sne.s32 s2, $0x0  }
0x365: {  	s3 =	rddreg [dreg:$0x2];
	[bflag:$0x3] =	sbarrier.arrive $0xFFFF;
	s2 =	simm.s32 @!p0 $0x1C05  }
0x366: {  	[timem:s3], [sflag:s2] =	dma.local @!p0 [hbm:s0], s1  }
0x367: {  	s0 =	simm.s32 @!p0 $0x5  }
0x368: {  	_ =	swait.ge @!p0 [sflag:s0], s1  }
0x369: {  	s1 =	ssub.s32 @!p0 $0x0, s1;
	[sflag:s0] =	ssyncset.done @!p0 $0x0  }
0x36a: {  	[sflag:s0] =	ssyncadd.s32 @!p0 s1  }
0x36b: {  	[bflag:$0x3] =	sbarrier.arrive $0xFFFF  }
0x36c: {  	_ =	shalt  }

// kernel: kernel.15.cloned.1.call-start
scs
__scs_entry_jumppad:
0x0: {  	(pc) =	sbr.rel $0x88, $3  }
0x1: {  	(tag) =	ssettag $0x0;
	lr =	simm.s32 $0x1  }
0x2: {  	[smem:$0x3F98] =	sst lr;
	_ =	strace $0xD0000000  }
0x3: {  	_ = 	snop  }
0x4: {  	_ = 	snop  }
0x5: {  	_ = 	snop  }
0x6: {  	_ = 	snop  }
0x7: {  	_ = 	snop  }
__scs_overlays_trampoline_lowered:
0x8: {  	[smem:$0x3FA7] =	sst s0  }
0x9: {  	[smem:$0x3FA8] =	sst s1  }
0xa: {  	[smem:$0x3FA9] =	sst s2  }
0xb: {  	[smem:$0x3FAA] =	sst s3  }
0xc: {  	[smem:$0x3FAB] =	sst s4  }
0xd: {  	[smem:$0x3FAC] =	sst s5  }
0xe: {  	[smem:$0x3FAD] =	sst s6  }
0xf: {  	[smem:$0x3FAE] =	sst s7  }
0x10: {  	[smem:$0x3FAF] =	sst s8  }
0x11: {  	[smem:$0x3FB0] =	sst s9;
	s0 =	simm.s32 @!p0 $0x0  }
0x12: {  	s1 =	sld [smem:$0x3F96];
	s0 =	simm.s32 @p0 $0x1  }
0x13: {  	[smem:$0x3FB1] =	sst s0;
	s0 =	simm.s32 @!p1 $0x0  }
0x14: {  	s2 =	sld [smem:$0x3F95];
	s0 =	simm.s32 @p1 $0x1  }
0x15: {  	[smem:$0x3FB2] =	sst s0;
	s0 =	simm.s32 @!p2 $0x0  }
0x16: {  	s3 =	sld [smem:$0x3FDB];
	s0 =	simm.s32 @p2 $0x1  }
0x17: {  	s4 =	simm.s32 $0x1BF5;
	[smem:$0x3FB4] =	sst s0  }
0x18: {  	s0 =	sld [smem:$0x3F97];
	_ =	swait.ge [sflag:s4], $0x0  }
0x19: {  	s7 =	sld [smem:$0x3F98]  }
0x1a: {  	s8 =	sadd.s32 $0xFFFFE003, lr  }
0x1b: {  	s9 =	sadd.s32 $0xFFFFFEF7, lr;
	s5 =	simm.s32 $0xFFFFFFFF;
	p2 =	slt.u32 s8, $0xFFFFF086  }
0x1c: {  	p1 =	slt.u32 s9, $0xF7A;
	s5 =	simm.s32 @!p2 $0x0  }
0x1d: {  	s5 =	simm.s32 @p1 $0x1;
	p0 =	seq.s32 s7, s2  }
0x1e: {  	s7 =	smul.u32 @!p0 $0xF7A, s2;
	p2 =	seq.s32 @!p0 s5, $0x0  }
0x1f: {  	s9 =	smul.u32 $0xF7A, s1;
	s8 =	simm.s32 @!p0 $0x1BF5;
	p2 =	por !p2, p0  }
0x20: {  	[sflag:s8] =	ssyncset.s32 @!p0 $0xFFFFF086;
	s6 =	sadd.s32 @!p0 s3, s7;
	s7 =	simm.s32 @!p0 $0x108  }
0x21: {  	s3 =	sadd.s32 s3, s9;
	s6 =	sadd.s32 @!p0 $0x88, s6;
	s7 =	simm.s32 @p2 $0x1082  }
0x22: {  	[simem:s7], [sflag:s8] =	dma.local @!p0 [hbm:s6], $0xF7A  }
0x23: {  	s9 =	sor.u32 $0xD0000000, s2;
	s6 =	simm.s32 $0x108;
	_ =	swait.ge @!p0 [sflag:s8], $0x0  }
0x24: {  	s3 =	sadd.s32 $0x88, s3;
	s6 =	simm.s32 @!p1 $0x1082;
	[sflag:s4] =	ssyncset.s32 $0xFFFFF086  }
0x25: {  	[simem:s6], [sflag:s4] =	dma.local [hbm:s3], $0xF7A  }
0x26: {  	[smem:$0x3F98] =	sst s1;
	(tag) =	ssettag s2;
	_ =	strace s9  }
0x27: {  	s1 =	sld [smem:$0x3FA8]  }
0x28: {  	s2 =	sld [smem:$0x3FA9]  }
0x29: {  	s4 =	sld [smem:$0x3FAB]  }
0x2a: {  	p0 =	seq.s32 s5, $0x0;
	s5 =	sld [smem:$0x3FAC]  }
0x2b: {  	s6 =	sld [smem:$0x3FAD]  }
0x2c: {  	s7 =	sld [smem:$0x3FAE]  }
0x2d: {  	s3 =	simm.s32 $0x108;
	s8 =	sld [smem:$0x3FAF]  }
0x2e: {  	s3 =	simm.s32 @!p0 $0x1082;
	s9 =	sld [smem:$0x3FB0]  }
0x2f: {  	lr =	sadd.s32 s0, s3;
	s0 =	sld [smem:$0x3FA7]  }
0x30: {  	s3 =	sld [smem:$0x3FAA]  }
0x31: {  	[smem:$0x3FB3] =	sst s10  }
0x32: {  	s10 =	sld [smem:$0x3FB1];
	_ =	sdelay $0x3  }
0x33: {  	p0 =	seq.s32 s10, $0x1;
	s10 =	sld [smem:$0x3FB3];
	_ =	sdelay $0x3  }
0x34: {  	[smem:$0x3FB3] =	sst s10  }
0x35: {  	s10 =	sld [smem:$0x3FB2];
	_ =	sdelay $0x3  }
0x36: {  	p1 =	seq.s32 s10, $0x1;
	s10 =	sld [smem:$0x3FB3];
	_ =	sdelay $0x3  }
0x37: {  	[smem:$0x3FB3] =	sst s10  }
0x38: {  	s10 =	sld [smem:$0x3FB4]  }
0x39: {  	_ = 	snop;
	(pc) =	sbr.ind lr, $3  }
0x3a: {  	_ = 	snop  }
0x3b: {  	_ = 	snop  }
0x3c: {  	p2 =	seq.s32 s10, $0x1;
	s10 =	sld [smem:$0x3FB3]  }
0x3d: {  	_ =	shalt  }
0x3e: {  	_ =	shalt  }
0x3f: {  	_ =	shalt  }
0x40: {  	_ =	shalt  }
0x41: {  	_ =	shalt  }
0x42: {  	_ =	shalt  }
0x43: {  	_ =	shalt  }
0x44: {  	_ =	shalt  }
0x45: {  	_ =	shalt  }
0x46: {  	_ =	shalt  }
0x47: {  	_ =	shalt  }
0x48: {  	_ =	shalt  }
0x49: {  	_ =	shalt  }
0x4a: {  	_ =	shalt  }
0x4b: {  	_ =	shalt  }
0x4c: {  	_ =	shalt  }
0x4d: {  	_ =	shalt  }
0x4e: {  	_ =	shalt  }
0x4f: {  	_ =	shalt  }
0x50: {  	_ =	shalt  }
0x51: {  	_ =	shalt  }
0x52: {  	_ =	shalt  }
0x53: {  	_ =	shalt  }
0x54: {  	_ =	shalt  }
0x55: {  	_ =	shalt  }
0x56: {  	_ =	shalt  }
0x57: {  	_ =	shalt  }
0x58: {  	_ =	shalt  }
0x59: {  	_ =	shalt  }
0x5a: {  	_ =	shalt  }
0x5b: {  	_ =	shalt  }
0x5c: {  	_ =	shalt  }
0x5d: {  	_ =	shalt  }
0x5e: {  	_ =	shalt  }
0x5f: {  	_ =	shalt  }
0x60: {  	_ =	shalt  }
0x61: {  	_ =	shalt  }
0x62: {  	_ =	shalt  }
0x63: {  	_ =	shalt  }
0x64: {  	_ =	shalt  }
0x65: {  	_ =	shalt  }
0x66: {  	_ =	shalt  }
0x67: {  	_ =	shalt  }
0x68: {  	_ =	shalt  }
0x69: {  	_ =	shalt  }
0x6a: {  	_ =	shalt  }
0x6b: {  	_ =	shalt  }
0x6c: {  	_ =	shalt  }
0x6d: {  	_ =	shalt  }
0x6e: {  	_ =	shalt  }
0x6f: {  	_ =	shalt  }
0x70: {  	_ =	shalt  }
0x71: {  	_ =	shalt  }
0x72: {  	_ =	shalt  }
0x73: {  	_ =	shalt  }
0x74: {  	_ =	shalt  }
0x75: {  	_ =	shalt  }
0x76: {  	_ =	shalt  }
0x77: {  	_ =	shalt  }
0x78: {  	_ =	shalt  }
0x79: {  	_ =	shalt  }
0x7a: {  	_ =	shalt  }
0x7b: {  	_ =	shalt  }
0x7c: {  	_ =	shalt  }
0x7d: {  	_ =	shalt  }
0x7e: {  	_ =	shalt  }
0x7f: {  	_ =	shalt  }
0x80: {  	_ =	shalt  }
0x81: {  	_ =	shalt  }
0x82: {  	_ =	shalt  }
0x83: {  	_ =	shalt  }
0x84: {  	_ =	shalt  }
0x85: {  	_ =	shalt  }
0x86: {  	_ =	shalt  }
0x87: {  	_ =	shalt  }
.Lfunc_end0:
.L_simem_size_0:
called_computation.2_lowered:
.L_overlay_start_0:
0x88: {  	s2 =	sld [smem:$0x3FD9]  }
0x89: {  	s3 =	sld [smem:$0x3FFE];
	_ =	sdelay $0x1  }
0x8a: {  	s1 =	srdreg.scid  }
0x8b: {  	s0 =	sand.u32 $0x1, s1  }
0x8c: {  	s16 =	sshll.u32 s0, $0xA;
	s2 =	sadd.s32 s3, s2  }
0x8d: {  	s2 =	sadd.s32 s2, s16  }
0x8e: {  	[smem:$0x3FBF] =	sst s2  }
0x8f: {  	_ = 	snop  }
0x90: {  	(tm) =	ssettm $0x1  }
0x91: {  	s17 =	sld [smem:$0x3FFB];
	_ =	sdelay $0x3  }
0x92: {  	_ =	strace s17  }
0x93: {  	s2 =	sld [smem:$0x3FFC];
	_ =	sdelay $0x3  }
0x94: {  	_ =	strace s2  }
0x95: {  	s2 =	sld [smem:$0x3FFD];
	_ =	sdelay $0x3  }
0x96: {  	_ =	strace s2  }
0x97: {  	_ =	strace $0x8FFFFFFF  }
0x98: {  	s18 =	sld [smem:$0x3FDB];
	_ =	sdelay $0x1  }
0x99: {  	s19 =	simm.s32 $_scs_section_size  }
0x9a: {  	s4 =	simm.s32 $_size__tile_overlayer_lowered;
	s5 =	simm.s32 $_tile_overlayer_lowered  }
0x9b: {  	s22 =	simm.s32 $0x1BFF;
	s21 =	sshll.u32 s5, $0x1;
	s2 =	sadd.s32 s19, s18  }
0x9c: {  	s6 =	simm.s32 $0x0;
	s20 =	sshll.u32 s4, $0x1;
	s4 =	sadd.s32 s21, s2  }
0x9d: {  	[timem:s6], [sflag:s22] =	dma.local [hbm:s4], s20  }
0x9e: {  	_ =	swait.ge [sflag:s22], s20  }
0x9f: {  	s3 =	ssub.s32 $0x0, s20;
	[sflag:s22] =	ssyncset.done $0x0  }
0xa0: {  	[sflag:s22] =	ssyncadd.s32 s3;
	_ =	sdelay $0x1  }
0xa1: {  	s23 =	simm.s32 $0x1B8B  }
0xa2: {  	_ =	swait.ge [sflag:s23], $0x1  }
0xa3: {  	[sflag:s23] =	ssyncset.done $0x0  }
0xa4: {  	s25 =	simm.s32 $0x1B8E;
	s24 =	sld [smem:$0x3FFE];
	[sflag:s23] =	ssyncadd.s32 $0xFFFFFFFF  }
0xa5: {  	s26 =	simm.s32 $execute0_lowered;
	[smem:$0x3FD2] =	sst s25  }
0xa6: {  	s4 =	sshll.u32 s26, $0x1;
	_ =	strace $0x8000004C;
	[dreg:$0x1] =	wrdreg $0xFFFFFFFF  }
0xa7: {  	s28 =	simm.s32 $_size_execute0_lowered;
	s2 =	sadd.s32 s2, s4;
	[dreg:$0x0] =	wrdreg $0x0  }
0xa8: {  	s4 =	sshll.u32 s28, $0x1;
	[dreg:$0x2] =	wrdreg s2  }
0xa9: {  	[dreg:$0x3] =	wrdreg s4  }
0xaa: {  	[dreg:$0x4] =	wrdreg $0xC0  }
0xab: {  	_ =	task [dreg:s6], $0x5FFFF  }
0xac: {  	[dreg:$0x1] =	wrdreg $0xFFFFFFFF  }
0xad: {  	[dreg:$0x0] =	wrdreg $0x60  }
0xae: {  	[dreg:$0x2] =	wrdreg s24  }
0xaf: {  	[dreg:$0x3] =	wrdreg $0x0  }
0xb0: {  	[dreg:$0x4] =	wrdreg $0x9  }
0xb1: {  	_ =	task.clear_ibuf [dreg:s6], $0x5FFFF;
	_ =	strace $0x9000004C  }
0xb2: {  	s29 =	simm.s32 $0x9;
	_ =	strace $0x8000004E  }
0xb3: {  	_ =	swait.ge [sflag:s29], $0x1  }
0xb4: {  	[sflag:s29] =	ssyncadd.s32 $0xFFFFFFFF  }
0xb5: {  	_ =	strace $0x9000004E  }
0xb6: {  	_ =	sfence  }
0xb7: {  	s30 =	sld [smem:$0x0];
	_ =	sdelay $0x2  }
0xb8: {  	s31 =	sshll.u32 s1, $0xD;
	s1 =	sshrl.u32 s1, $0x2  }
0xb9: {  	s3 =	sand.u32 $0x4000, s31;
	s1 =	sadd.s32 s1, s30  }
0xba: {  	s0 =	sor.u32 s3, s0;
	s1 =	sshll.u32 s1, $0x11  }
0xbb: {  	s0 =	sor.u32 s1, s0  }
0xbc: {  	s0 =	sadd.s32 $0x8F2B, s0  }
0xbd: {  	[sflag:s0] =	ssyncadd.remote.s32 $0x1  }
0xbe: {  	_ =	sfence.sel $0xFFFF  }
0xbf: {  	[dreg:$0x0] =	wrdreg $0xFFFFFFFF;
	(pc) =	sbr.abs _section_cstart, $3  }
0xc0: {  	[dreg:$0x1] =	wrdreg $0xFFFFFFFF  }
0xc1: {  	_ =	task.clear_ibuf [dreg:s6], $0x2FFFF;
	_ =	strace $0x9FFFFFFF  }
0xc2: {  	(tm) =	ssettm $0x7FFFFFFF  }
0xc3: {  	_ =	shalt  }
tec
execute0_lowered:
.L_overlay_start_1:
0x0: {  	(tag) =	ssettag $0x1  }
0x1: {  	s0 =	srdreg.scid  }
0x2: {  	s0 =	sand.u32 $0x1, s0  }
0x3: {  	s1 =	rddreg [dreg:$0x0];
	s7 =	stileid.u32;
	s2 =	sshll.u32 s0, $0x4  }
0x4: {  	s3 =	rddreg [dreg:$0x1];
	s4 =	sor.u32 s7, s2;
	s2 =	simm.s32 $0x0  }
0x5: {  	s6 =	sadd.s32 $0xCA00, s1;
	[smem:$0x7FF] =	sst s2  }
0x6: {  	s9 =	simm.s32 $0x78C8;
	_ =	strace $0x8000004D;
	[dreg:$0x3] =	wrdreg s6  }
0x7: {  	s10 =	simm.s32 $0x7990;
	[dreg:$0x6] =	wrdreg s9  }
0x8: {  	s11 =	simm.s32 $0x7A58;
	[dreg:$0x7] =	wrdreg s10  }
0x9: {  	s12 =	simm.s32 $0x7B20;
	[dreg:$0x8] =	wrdreg s11  }
0xa: {  	s13 =	simm.s32 $0x8C50;
	[dreg:$0x9] =	wrdreg s12  }
0xb: {  	s14 =	simm.s32 $0x7BE8;
	[dreg:$0xa] =	wrdreg s13  }
0xc: {  	s15 =	simm.s32 $0x8D18;
	[dreg:$0xb] =	wrdreg s14  }
0xd: {  	s16 =	simm.s32 $0x7CB0;
	[dreg:$0xc] =	wrdreg s15  }
0xe: {  	s17 =	simm.s32 $0x8DE0;
	[dreg:$0xd] =	wrdreg s16  }
0xf: {  	s18 =	simm.s32 $0x7D78;
	s19 =	simm.s32 $0x8EA8;
	[dreg:$0xe] =	wrdreg s17  }
0x10: {  	s20 =	simm.s32 $0x7E40;
	s21 =	simm.s32 $0x8F70;
	[dreg:$0xf] =	wrdreg s18  }
0x11: {  	s22 =	simm.s32 $0x7F08;
	s24 =	simm.s32 $0x9038;
	[dreg:$0x10] =	wrdreg s19  }
0x12: {  	s25 =	simm.s32 $0x7FD0;
	s26 =	simm.s32 $0x9100;
	[dreg:$0x11] =	wrdreg s20  }
0x13: {  	s31 =	simm.s32 $0x7800;
	s30 =	simm.s32 $0x8B88;
	[dreg:$0x12] =	wrdreg s21  }
0x14: {  	s28 =	simm.s32 $0x8930;
	s29 =	simm.s32 $0x9A60;
	[dreg:$0x13] =	wrdreg s22  }
0x15: {  	p0 =	por $0x0, $0x0;
	s8 =	sadd.s32 $0x7A20, s1;
	[dreg:$0x14] =	wrdreg s24  }
0x16: {  	s23 =	smul.u32 $0xA000, s0;
	s0 =	ssub.s32 $0x2, s0;
	[dreg:$0x15] =	wrdreg s25  }
0x17: {  	s7 =	smul.u32 $0x5000, s7;
	[dreg:$0x16] =	wrdreg s26;
	s9 =	simm.s32 $0x91C8  }
0x18: {  	s4 =	smul.u32 $0x271, s4;
	s10 =	simm.s32 $0x8160;
	[dreg:$0x18] =	wrdreg s9  }
0x19: {  	s6 =	sadd.s32 $0xD000, s1;
	s11 =	simm.s32 $0x9290;
	[dreg:$0x19] =	wrdreg s10  }
0x1a: {  	s12 =	simm.s32 $0x8228;
	s13 =	simm.s32 $0x82F0;
	[dreg:$0x1a] =	wrdreg s11  }
0x1b: {  	s14 =	simm.s32 $0x9420;
	s15 =	simm.s32 $0x83B8;
	[dreg:$0x1b] =	wrdreg s12  }
0x1c: {  	s16 =	simm.s32 $0x94E8;
	s17 =	simm.s32 $0x8480;
	[dreg:$0x1d] =	wrdreg s13  }
0x1d: {  	s18 =	simm.s32 $0x95B0;
	s20 =	simm.s32 $0x8548;
	[dreg:$0x1e] =	wrdreg s14  }
0x1e: {  	s21 =	simm.s32 $0x9678;
	s22 =	simm.s32 $0x86D8;
	[dreg:$0x1f] =	wrdreg s15  }
0x1f: {  	s24 =	simm.s32 $0x98D0;
	s25 =	simm.s32 $0x8868;
	[smem:$0x7F1] =	sst s16  }
0x20: {  	s26 =	simm.s32 $0x9998;
	s5 =	sadd.s32 s4, s1;
	[smem:$0x7F2] =	sst s17  }
0x21: {  	s4 =	sadd.s32 s4, s8;
	s1 =	sadd.s32 s23, s1;
	[smem:$0x7F3] =	sst s18  }
0x22: {  	s8 =	sshrl.u32 s0, $0x1;
	s9 =	simm.s32 $0x9358;
	[smem:$0x7F4] =	sst s20  }
0x23: {  	s11 =	sshrl.u32 s7, $0x3;
	[smem:$0x7F5] =	sst s21;
	s10 =	simm.s32 $0x8610  }
0x24: {  	s12 =	simm.s32 $0x9740;
	s16 =	simm.s32 $0xB810;
	[smem:$0x7F8] =	sst s22  }
0x25: {  	s23 =	simm.s32 $0x9808;
	s15 =	simm.s32 $0xD110;
	s13 =	simm.s32 $0x87A0  }
0x26: {  	s14 =	simm.s32 $0xEA10;
	[smem:$0x7FB] =	sst s24;
	s20 =	simm.s32 $0x2  }
0x27: {  	[smem:$0x7FC] =	sst s25;
	s18 =	simm.s32 $0x3;
	s17 =	simm.s32 $0x4  }
0x28: {  	[smem:$0x7FD] =	sst s26;
	s25 =	simm.s32 $0x89F8;
	s26 =	simm.s32 $0x9B28  }
0x29: {  	s24 =	simm.s32 $0x9BF0;
	s22 =	simm.s32 $0x9CB8;
	[dreg:$0x5] =	wrdreg s4  }
0x2a: {  	s21 =	simm.s32 $0x9D80;
	s5 =	sadd.s32 $0x2C00, s5;
	[dreg:$0x1c] =	wrdreg s9  }
0x2b: {  	s0 =	ssub.s32 s0, s8;
	s8 =	sadd.s32 $0x2800, s7;
	[smem:$0x7F6] =	sst s10  }
0x2c: {  	s1 =	sadd.s32 $0x16E00, s1;
	s9 =	simm.s32 $0xC8;
	[smem:$0x7F7] =	sst s12  }
0x2d: {  	s10 =	simm.s32 $0x9F10;
	[smem:$0x7F9] =	sst s23;
	s0 =	smax.u32 s0, $0x1  }
0x2e: {  	s12 =	simm.s32 $0x1;
	[smem:$0x7FA] =	sst s13;
	p1 =	sne.s32 s0, $0x1  }
.Ltmp0:
0x2f: {  	s23 =	simm.s32 $0x8AC0;
	[dreg:$0x4] =	wrdreg s5;
	(pc) =	sbr.rel @!p1 .LBB2_3-.Ltmp0, $4  }
0x30: {  	s5 =	simm.s32 $0x8098;
	s4 =	sadd.s32 s8, s3;
	s19 =	sshrl.u32 s8, $0x3  }
0x31: {  	s8 =	simm.s32 $0x5;
	s13 =	sadd.s32 s11, s1;
	[dreg:$0x17] =	wrdreg s5  }
0x32: {  	s5 =	sadd.s32 s7, s3;
	s7 =	simm.s32 $0x5000;
	s11 =	sadd.s32 s19, s1  }
0x33: {  	s1 =	sadd.s32 $0xFFFFFFFF, s0;
	s19 =	simm.s32 $0x9E48;
	s0 =	rddreg [dreg:$0x3]  }
0x34: {  	[tilespmem:s7], [sflag:$0x5] =	stream.linear.gather [hbm4b:s0+s2], $0x2800, $0x38;
	[tilespmem:$0x10310] =	vst v63  }
0x35: {  	_ =	swait.ge [sflag:s8], $0x2800  }
0x36: {  	[sflag:s8] =	ssyncset.done $0x0  }
0x37: {  	[sflag:s8] =	ssyncadd.s32 $0xFFFFD800  }
0x38: {  	[spmem:s5] =	stream.linear.scatter [tilespmem:s7], [sflag:$0x5], $0x2800, $0x38;
	[tilespmem:$0x10310] =	vst v63  }
0x39: {  	_ =	swait.ge [sflag:s8], $0x2800  }
0x3a: {  	[sflag:s8] =	ssyncset.done $0x0  }
0x3b: {  	[sflag:s8] =	ssyncadd.s32 $0xFFFFD800  }
0x3c: {  	[spmem:s4] =	stream.linear.scatter [tilespmem:s7], [sflag:$0x5], $0x2800, $0x38;
	[tilespmem:$0x10310] =	vst v63  }
0x3d: {  	_ =	swait.ge [sflag:s8], $0x2800  }
0x3e: {  	[sflag:s8] =	ssyncset.done $0x0  }
0x3f: {  	s0 =	rddreg [dreg:$0x4];
	[sflag:s8] =	ssyncadd.s32 $0xFFFFD800  }
0x40: {  	[tilespmem:s31], [sflag:$0x5] =	stream.linear.gather [hbm4b:s0+s2], $0x1388, $0x38;
	[tilespmem:$0x10310] =	vst v63  }
0x41: {  	_ =	swait.ge [sflag:s8], $0x1388  }
0x42: {  	[sflag:s8] =	ssyncset.done $0x0  }
0x43: {  	s0 =	rddreg [dreg:$0x5];
	[sflag:s8] =	ssyncadd.s32 $0xFFFFEC78  }
0x44: {  	[tilespmem:s30], [sflag:$0x5] =	stream.linear.gather [hbm4b:s0+s2], $0x1388, $0x38;
	[tilespmem:$0x10310] =	vst v63  }
0x45: {  	_ =	swait.ge [sflag:s8], $0x1388  }
0x46: {  	[sflag:s8] =	ssyncset.done $0x0  }
0x47: {  	[sflag:s8] =	ssyncadd.s32 $0xFFFFEC78  }
0x48: {  	[bflag:$0x0] =	sbarrier.arrive $0xFFFF  }
0x49: {  	s0 =	rddreg [dreg:$0x6]  }
0x4a: {  	[tilespmem:s10], [sflag:$0x1] =	stream.indirect.gather [hbm4b:s6+s9], $0x20, s31, s9, $0xb8;
	[tilespmem:$0x10310] =	vst v63  }
0x4b: {  	[smem:$0x7F0] =	sst s1  }
0x4c: {  	[tilespmem:s16], [sflag:$0x2] =	stream.indirect.gather [hbm4b:s6+s9], $0x20, s0, s9, $0xb8;
	[tilespmem:$0x10310] =	vst v63  }
0x4d: {  	s1 =	rddreg [dreg:$0x7]  }
0x4e: {  	[tilespmem:s15], [sflag:$0x3] =	stream.indirect.gather [hbm4b:s6+s9], $0x20, s1, s9, $0xb8;
	[tilespmem:$0x10310] =	vst v63  }
0x4f: {  	_ =	swait.ge [sflag:s12], $0x1900  }
0x50: {  	[sflag:s12] =	ssyncset.done $0x0  }
0x51: {  	s1 =	rddreg [dreg:$0x8];
	[sflag:s12] =	ssyncadd.s32 $0xFFFFE700  }
0x52: {  	[tilespmem:s14], [sflag:$0x4] =	stream.indirect.gather [hbm4b:s6+s9], $0x20, s1, s9, $0xb8;
	[tilespmem:$0x10310] =	vst v63  }
0x53: {  	_ = 	snop  }
0x54: {  	[spmem:s3] =	stream.indirect.scatter.add.f32 [tilespmem:s10], [sflag:$0x5], $0x20, s30, s9, $0xb8;
	[tilespmem:$0x10310] =	vst v63  }
0x55: {  	_ =	swait.ge [sflag:s8], $0x1900  }
0x56: {  	[sflag:s8] =	ssyncset.done $0x0  }
0x57: {  	[sflag:s8] =	ssyncadd.s32 $0xFFFFE700  }
0x58: {  	_ =	swait.ge [sflag:s20], $0x1900  }
0x59: {  	[sflag:s20] =	ssyncset.done $0x0  }
0x5a: {  	s0 =	rddreg [dreg:$0x9];
	[sflag:s20] =	ssyncadd.s32 $0xFFFFE700  }
0x5b: {  	[tilespmem:s10], [sflag:$0x1] =	stream.indirect.gather [hbm4b:s6+s9], $0x20, s0, s9, $0xb8;
	[tilespmem:$0x10310] =	vst v63  }
0x5c: {  	s1 =	rddreg [dreg:$0xa]  }
0x5d: {  	[spmem:s3] =	stream.indirect.scatter.add.f32 [tilespmem:s16], [sflag:$0x5], $0x20, s1, s9, $0xb8;
	[tilespmem:$0x10310] =	vst v63  }
0x5e: {  	_ =	swait.ge [sflag:s8], $0x1900  }
0x5f: {  	[sflag:s8] =	ssyncset.done $0x0  }
0x60: {  	[sflag:s8] =	ssyncadd.s32 $0xFFFFE700  }
0x61: {  	_ =	swait.ge [sflag:s18], $0x1900  }
0x62: {  	[sflag:s18] =	ssyncset.done $0x0  }
0x63: {  	s0 =	rddreg [dreg:$0xb];
	[sflag:s18] =	ssyncadd.s32 $0xFFFFE700  }
0x64: {  	[tilespmem:s16], [sflag:$0x2] =	stream.indirect.gather [hbm4b:s6+s9], $0x20, s0, s9, $0xb8;
	[tilespmem:$0x10310] =	vst v63  }
0x65: {  	s1 =	rddreg [dreg:$0xc]  }
0x66: {  	[spmem:s3] =	stream.indirect.scatter.add.f32 [tilespmem:s15], [sflag:$0x5], $0x20, s1, s9, $0xb8;
	[tilespmem:$0x10310] =	vst v63  }
0x67: {  	_ =	swait.ge [sflag:s8], $0x1900  }
0x68: {  	[sflag:s8] =	ssyncset.done $0x0  }
0x69: {  	[sflag:s8] =	ssyncadd.s32 $0xFFFFE700  }
0x6a: {  	_ =	swait.ge [sflag:s17], $0x1900  }
0x6b: {  	[sflag:s17] =	ssyncset.done $0x0  }
0x6c: {  	s0 =	rddreg [dreg:$0xd];
	[sflag:s17] =	ssyncadd.s32 $0xFFFFE700  }
0x6d: {  	[tilespmem:s15], [sflag:$0x3] =	stream.indirect.gather [hbm4b:s6+s9], $0x20, s0, s9, $0xb8;
	[tilespmem:$0x10310] =	vst v63  }
0x6e: {  	s1 =	rddreg [dreg:$0xe]  }
0x6f: {  	[spmem:s3] =	stream.indirect.scatter.add.f32 [tilespmem:s14], [sflag:$0x5], $0x20, s1, s9, $0xb8;
	[tilespmem:$0x10310] =	vst v63  }
0x70: {  	_ =	swait.ge [sflag:s8], $0x1900  }
0x71: {  	[sflag:s8] =	ssyncset.done $0x0  }
0x72: {  	[sflag:s8] =	ssyncadd.s32 $0xFFFFE700  }
0x73: {  	_ =	swait.ge [sflag:s12], $0x1900  }
0x74: {  	[sflag:s12] =	ssyncset.done $0x0  }
0x75: {  	s0 =	rddreg [dreg:$0xf];
	[sflag:s12] =	ssyncadd.s32 $0xFFFFE700  }
0x76: {  	[tilespmem:s14], [sflag:$0x4] =	stream.indirect.gather [hbm4b:s6+s9], $0x20, s0, s9, $0xb8;
	[tilespmem:$0x10310] =	vst v63  }
0x77: {  	s1 =	rddreg [dreg:$0x10]  }
0x78: {  	[spmem:s3] =	stream.indirect.scatter.add.f32 [tilespmem:s10], [sflag:$0x5], $0x20, s1, s9, $0xb8;
	[tilespmem:$0x10310] =	vst v63  }
0x79: {  	_ =	swait.ge [sflag:s8], $0x1900  }
0x7a: {  	[sflag:s8] =	ssyncset.done $0x0  }
0x7b: {  	[sflag:s8] =	ssyncadd.s32 $0xFFFFE700  }
0x7c: {  	_ =	swait.ge [sflag:s20], $0x1900  }
0x7d: {  	[sflag:s20] =	ssyncset.done $0x0  }
0x7e: {  	s0 =	rddreg [dreg:$0x11];
	[sflag:s20] =	ssyncadd.s32 $0xFFFFE700  }
0x7f: {  	[tilespmem:s10], [sflag:$0x1] =	stream.indirect.gather [hbm4b:s6+s9], $0x20, s0, s9, $0xb8;
	[tilespmem:$0x10310] =	vst v63  }
0x80: {  	s1 =	rddreg [dreg:$0x12]  }
0x81: {  	[spmem:s3] =	stream.indirect.scatter.add.f32 [tilespmem:s16], [sflag:$0x5], $0x20, s1, s9, $0xb8;
	[tilespmem:$0x10310] =	vst v63  }
0x82: {  	_ =	swait.ge [sflag:s8], $0x1900  }
0x83: {  	[sflag:s8] =	ssyncset.done $0x0  }
0x84: {  	[sflag:s8] =	ssyncadd.s32 $0xFFFFE700  }
0x85: {  	_ =	swait.ge [sflag:s18], $0x1900  }
0x86: {  	[sflag:s18] =	ssyncset.done $0x0  }
0x87: {  	s0 =	rddreg [dreg:$0x13];
	[sflag:s18] =	ssyncadd.s32 $0xFFFFE700  }
0x88: {  	[tilespmem:s16], [sflag:$0x2] =	stream.indirect.gather [hbm4b:s6+s9], $0x20, s0, s9, $0xb8;
	[tilespmem:$0x10310] =	vst v63  }
0x89: {  	s1 =	rddreg [dreg:$0x14]  }
0x8a: {  	[spmem:s3] =	stream.indirect.scatter.add.f32 [tilespmem:s15], [sflag:$0x5], $0x20, s1, s9, $0xb8;
	[tilespmem:$0x10310] =	vst v63  }
0x8b: {  	_ =	swait.ge [sflag:s8], $0x1900  }
0x8c: {  	[sflag:s8] =	ssyncset.done $0x0  }
0x8d: {  	[sflag:s8] =	ssyncadd.s32 $0xFFFFE700  }
0x8e: {  	_ =	swait.ge [sflag:s17], $0x1900  }
0x8f: {  	[sflag:s17] =	ssyncset.done $0x0  }
0x90: {  	s0 =	rddreg [dreg:$0x15];
	[sflag:s17] =	ssyncadd.s32 $0xFFFFE700  }
0x91: {  	[tilespmem:s15], [sflag:$0x3] =	stream.indirect.gather [hbm4b:s6+s9], $0x20, s0, s9, $0xb8;
	[tilespmem:$0x10310] =	vst v63  }
0x92: {  	s1 =	rddreg [dreg:$0x16]  }
0x93: {  	[spmem:s3] =	stream.indirect.scatter.add.f32 [tilespmem:s14], [sflag:$0x5], $0x20, s1, s9, $0xb8;
	[tilespmem:$0x10310] =	vst v63  }
0x94: {  	_ =	swait.ge [sflag:s8], $0x1900  }
0x95: {  	[sflag:s8] =	ssyncset.done $0x0  }
0x96: {  	[sflag:s8] =	ssyncadd.s32 $0xFFFFE700  }
0x97: {  	_ =	swait.ge [sflag:s12], $0x1900  }
0x98: {  	[sflag:s12] =	ssyncset.done $0x0  }
0x99: {  	s0 =	rddreg [dreg:$0x17];
	[sflag:s12] =	ssyncadd.s32 $0xFFFFE700  }
0x9a: {  	[tilespmem:s14], [sflag:$0x4] =	stream.indirect.gather [hbm4b:s6+s9], $0x20, s0, s9, $0xb8;
	[tilespmem:$0x10310] =	vst v63  }
0x9b: {  	s1 =	rddreg [dreg:$0x18]  }
0x9c: {  	[spmem:s3] =	stream.indirect.scatter.add.f32 [tilespmem:s10], [sflag:$0x5], $0x20, s1, s9, $0xb8;
	[tilespmem:$0x10310] =	vst v63  }
0x9d: {  	_ =	swait.ge [sflag:s8], $0x1900  }
0x9e: {  	[sflag:s8] =	ssyncset.done $0x0  }
0x9f: {  	[sflag:s8] =	ssyncadd.s32 $0xFFFFE700  }
0xa0: {  	_ =	swait.ge [sflag:s20], $0x1900  }
0xa1: {  	[sflag:s20] =	ssyncset.done $0x0  }
0xa2: {  	s0 =	rddreg [dreg:$0x19];
	[sflag:s20] =	ssyncadd.s32 $0xFFFFE700  }
0xa3: {  	[tilespmem:s10], [sflag:$0x1] =	stream.indirect.gather [hbm4b:s6+s9], $0x20, s0, s9, $0xb8;
	[tilespmem:$0x10310] =	vst v63  }
0xa4: {  	s1 =	rddreg [dreg:$0x1a]  }
0xa5: {  	[spmem:s3] =	stream.indirect.scatter.add.f32 [tilespmem:s16], [sflag:$0x5], $0x20, s1, s9, $0xb8;
	[tilespmem:$0x10310] =	vst v63  }
0xa6: {  	_ =	swait.ge [sflag:s8], $0x1900  }
0xa7: {  	[sflag:s8] =	ssyncset.done $0x0  }
0xa8: {  	[sflag:s8] =	ssyncadd.s32 $0xFFFFE700  }
0xa9: {  	_ =	swait.ge [sflag:s18], $0x1900  }
0xaa: {  	[sflag:s18] =	ssyncset.done $0x0  }
0xab: {  	s0 =	rddreg [dreg:$0x1b];
	[sflag:s18] =	ssyncadd.s32 $0xFFFFE700  }
0xac: {  	[tilespmem:s16], [sflag:$0x2] =	stream.indirect.gather [hbm4b:s6+s9], $0x20, s0, s9, $0xb8;
	[tilespmem:$0x10310] =	vst v63  }
0xad: {  	s1 =	rddreg [dreg:$0x1c]  }
0xae: {  	[spmem:s3] =	stream.indirect.scatter.add.f32 [tilespmem:s15], [sflag:$0x5], $0x20, s1, s9, $0xb8;
	[tilespmem:$0x10310] =	vst v63  }
0xaf: {  	_ =	swait.ge [sflag:s8], $0x1900  }
0xb0: {  	[sflag:s8] =	ssyncset.done $0x0  }
0xb1: {  	[sflag:s8] =	ssyncadd.s32 $0xFFFFE700  }
0xb2: {  	_ =	swait.ge [sflag:s17], $0x1900  }
0xb3: {  	[sflag:s17] =	ssyncset.done $0x0  }
0xb4: {  	s0 =	rddreg [dreg:$0x1d];
	[sflag:s17] =	ssyncadd.s32 $0xFFFFE700  }
0xb5: {  	[tilespmem:s15], [sflag:$0x3] =	stream.indirect.gather [hbm4b:s6+s9], $0x20, s0, s9, $0xb8;
	[tilespmem:$0x10310] =	vst v63  }
0xb6: {  	s1 =	rddreg [dreg:$0x1e]  }
0xb7: {  	[spmem:s3] =	stream.indirect.scatter.add.f32 [tilespmem:s14], [sflag:$0x5], $0x20, s1, s9, $0xb8;
	[tilespmem:$0x10310] =	vst v63  }
0xb8: {  	_ =	swait.ge [sflag:s8], $0x1900  }
0xb9: {  	[sflag:s8] =	ssyncset.done $0x0  }
0xba: {  	[sflag:s8] =	ssyncadd.s32 $0xFFFFE700  }
0xbb: {  	_ =	swait.ge [sflag:s12], $0x1900  }
0xbc: {  	s0 =	rddreg [dreg:$0x1f];
	[sflag:s12] =	ssyncset.done $0x0  }
0xbd: {  	s1 =	sld [smem:$0x7F1];
	[sflag:s12] =	ssyncadd.s32 $0xFFFFE700  }
0xbe: {  	[tilespmem:s14], [sflag:$0x4] =	stream.indirect.gather [hbm4b:s6+s9], $0x20, s0, s9, $0xb8;
	[tilespmem:$0x10310] =	vst v63  }
0xbf: {  	_ = 	snop  }
0xc0: {  	[spmem:s3] =	stream.indirect.scatter.add.f32 [tilespmem:s10], [sflag:$0x5], $0x20, s1, s9, $0xb8;
	[tilespmem:$0x10310] =	vst v63  }
0xc1: {  	_ =	swait.ge [sflag:s8], $0x1900  }
0xc2: {  	[sflag:s8] =	ssyncset.done $0x0  }
0xc3: {  	[sflag:s8] =	ssyncadd.s32 $0xFFFFE700  }
0xc4: {  	_ =	swait.ge [sflag:s20], $0x1900  }
0xc5: {  	s0 =	sld [smem:$0x7F2]  }
0xc6: {  	[sflag:s20] =	ssyncset.done $0x0  }
0xc7: {  	s1 =	sld [smem:$0x7F3];
	[sflag:s20] =	ssyncadd.s32 $0xFFFFE700  }
0xc8: {  	[tilespmem:s10], [sflag:$0x1] =	stream.indirect.gather [hbm4b:s6+s9], $0x20, s0, s9, $0xb8;
	[tilespmem:$0x10310] =	vst v63  }
0xc9: {  	_ = 	snop  }
0xca: {  	[spmem:s3] =	stream.indirect.scatter.add.f32 [tilespmem:s16], [sflag:$0x5], $0x20, s1, s9, $0xb8;
	[tilespmem:$0x10310] =	vst v63  }
0xcb: {  	_ =	swait.ge [sflag:s8], $0x1900  }
0xcc: {  	[sflag:s8] =	ssyncset.done $0x0  }
0xcd: {  	[sflag:s8] =	ssyncadd.s32 $0xFFFFE700  }
0xce: {  	_ =	swait.ge [sflag:s18], $0x1900  }
0xcf: {  	s0 =	sld [smem:$0x7F4]  }
0xd0: {  	[sflag:s18] =	ssyncset.done $0x0  }
0xd1: {  	s1 =	sld [smem:$0x7F5];
	[sflag:s18] =	ssyncadd.s32 $0xFFFFE700  }
0xd2: {  	[tilespmem:s16], [sflag:$0x2] =	stream.indirect.gather [hbm4b:s6+s9], $0x20, s0, s9, $0xb8;
	[tilespmem:$0x10310] =	vst v63  }
0xd3: {  	_ = 	snop  }
0xd4: {  	[spmem:s3] =	stream.indirect.scatter.add.f32 [tilespmem:s15], [sflag:$0x5], $0x20, s1, s9, $0xb8;
	[tilespmem:$0x10310] =	vst v63  }
0xd5: {  	_ =	swait.ge [sflag:s8], $0x1900  }
0xd6: {  	[sflag:s8] =	ssyncset.done $0x0  }
0xd7: {  	[sflag:s8] =	ssyncadd.s32 $0xFFFFE700  }
0xd8: {  	_ =	swait.ge [sflag:s17], $0x1900  }
0xd9: {  	s0 =	sld [smem:$0x7F6]  }
0xda: {  	[sflag:s17] =	ssyncset.done $0x0  }
0xdb: {  	s1 =	sld [smem:$0x7F7];
	[sflag:s17] =	ssyncadd.s32 $0xFFFFE700  }
0xdc: {  	[tilespmem:s15], [sflag:$0x3] =	stream.indirect.gather [hbm4b:s6+s9], $0x20, s0, s9, $0xb8;
	[tilespmem:$0x10310] =	vst v63  }
0xdd: {  	_ = 	snop  }
0xde: {  	[spmem:s3] =	stream.indirect.scatter.add.f32 [tilespmem:s14], [sflag:$0x5], $0x20, s1, s9, $0xb8;
	[tilespmem:$0x10310] =	vst v63  }
0xdf: {  	_ =	swait.ge [sflag:s8], $0x1900  }
0xe0: {  	[sflag:s8] =	ssyncset.done $0x0  }
0xe1: {  	[sflag:s8] =	ssyncadd.s32 $0xFFFFE700  }
0xe2: {  	_ =	swait.ge [sflag:s12], $0x1900  }
0xe3: {  	s0 =	sld [smem:$0x7F8]  }
0xe4: {  	[sflag:s12] =	ssyncset.done $0x0  }
0xe5: {  	s1 =	sld [smem:$0x7F9];
	[sflag:s12] =	ssyncadd.s32 $0xFFFFE700  }
0xe6: {  	[tilespmem:s14], [sflag:$0x4] =	stream.indirect.gather [hbm4b:s6+s9], $0x20, s0, s9, $0xb8;
	[tilespmem:$0x10310] =	vst v63  }
0xe7: {  	_ = 	snop  }
0xe8: {  	[spmem:s3] =	stream.indirect.scatter.add.f32 [tilespmem:s10], [sflag:$0x5], $0x20, s1, s9, $0xb8;
	[tilespmem:$0x10310] =	vst v63  }
0xe9: {  	_ =	swait.ge [sflag:s8], $0x1900  }
0xea: {  	[sflag:s8] =	ssyncset.done $0x0  }
0xeb: {  	[sflag:s8] =	ssyncadd.s32 $0xFFFFE700  }
0xec: {  	_ =	swait.ge [sflag:s20], $0x1900  }
0xed: {  	s0 =	sld [smem:$0x7FA]  }
0xee: {  	[sflag:s20] =	ssyncset.done $0x0  }
0xef: {  	s1 =	sld [smem:$0x7FB];
	[sflag:s20] =	ssyncadd.s32 $0xFFFFE700  }
0xf0: {  	[tilespmem:s10], [sflag:$0x1] =	stream.indirect.gather [hbm4b:s6+s9], $0x20, s0, s9, $0xb8;
	[tilespmem:$0x10310] =	vst v63  }
0xf1: {  	_ = 	snop  }
0xf2: {  	[spmem:s3] =	stream.indirect.scatter.add.f32 [tilespmem:s16], [sflag:$0x5], $0x20, s1, s9, $0xb8;
	[tilespmem:$0x10310] =	vst v63  }
0xf3: {  	_ =	swait.ge [sflag:s8], $0x1900  }
0xf4: {  	[sflag:s8] =	ssyncset.done $0x0  }
0xf5: {  	[sflag:s8] =	ssyncadd.s32 $0xFFFFE700  }
0xf6: {  	_ =	swait.ge [sflag:s18], $0x1900  }
0xf7: {  	s0 =	sld [smem:$0x7FC]  }
0xf8: {  	[sflag:s18] =	ssyncset.done $0x0  }
0xf9: {  	s1 =	sld [smem:$0x7FD];
	[sflag:s18] =	ssyncadd.s32 $0xFFFFE700  }
0xfa: {  	[tilespmem:s16], [sflag:$0x2] =	stream.indirect.gather [hbm4b:s6+s9], $0x20, s0, s9, $0xb8;
	[tilespmem:$0x10310] =	vst v63  }
0xfb: {  	_ = 	snop  }
0xfc: {  	[spmem:s3] =	stream.indirect.scatter.add.f32 [tilespmem:s15], [sflag:$0x5], $0x20, s1, s9, $0xb8;
	[tilespmem:$0x10310] =	vst v63  }
0xfd: {  	_ =	swait.ge [sflag:s8], $0x1900  }
0xfe: {  	[sflag:s8] =	ssyncset.done $0x0  }
0xff: {  	[sflag:s8] =	ssyncadd.s32 $0xFFFFE700  }
0x100: {  	_ =	swait.ge [sflag:s17], $0x1900  }
0x101: {  	[sflag:s17] =	ssyncset.done $0x0  }
0x102: {  	[sflag:s17] =	ssyncadd.s32 $0xFFFFE700  }
0x103: {  	[tilespmem:s15], [sflag:$0x3] =	stream.indirect.gather [hbm4b:s6+s9], $0x20, s28, s9, $0xb8;
	[tilespmem:$0x10310] =	vst v63  }
0x104: {  	_ = 	snop  }
0x105: {  	[spmem:s3] =	stream.indirect.scatter.add.f32 [tilespmem:s14], [sflag:$0x5], $0x20, s29, s9, $0xb8;
	[tilespmem:$0x10310] =	vst v63  }
0x106: {  	_ =	swait.ge [sflag:s8], $0x1900  }
0x107: {  	[sflag:s8] =	ssyncset.done $0x0  }
0x108: {  	[sflag:s8] =	ssyncadd.s32 $0xFFFFE700  }
0x109: {  	_ =	swait.ge [sflag:s12], $0x1900  }
0x10a: {  	[sflag:s12] =	ssyncset.done $0x0  }
0x10b: {  	[sflag:s12] =	ssyncadd.s32 $0xFFFFE700  }
0x10c: {  	[tilespmem:s14], [sflag:$0x4] =	stream.indirect.gather [hbm4b:s6+s9], $0x20, s25, s9, $0xb8;
	[tilespmem:$0x10310] =	vst v63  }
0x10d: {  	_ = 	snop  }
0x10e: {  	[spmem:s3] =	stream.indirect.scatter.add.f32 [tilespmem:s10], [sflag:$0x5], $0x20, s26, s9, $0xb8;
	[tilespmem:$0x10310] =	vst v63  }
0x10f: {  	_ =	swait.ge [sflag:s8], $0x1900  }
0x110: {  	[sflag:s8] =	ssyncset.done $0x0  }
0x111: {  	[sflag:s8] =	ssyncadd.s32 $0xFFFFE700  }
0x112: {  	_ =	swait.ge [sflag:s20], $0x1900  }
0x113: {  	[sflag:s20] =	ssyncset.done $0x0  }
0x114: {  	[sflag:s20] =	ssyncadd.s32 $0xFFFFE700  }
0x115: {  	[tilespmem:s10], [sflag:$0x1] =	stream.indirect.gather [hbm4b:s6+s9], $0x20, s23, s9, $0xb8;
	[tilespmem:$0x10310] =	vst v63  }
0x116: {  	_ = 	snop  }
0x117: {  	[spmem:s3] =	stream.indirect.scatter.add.f32 [tilespmem:s16], [sflag:$0x5], $0x20, s24, s9, $0xb8;
	[tilespmem:$0x10310] =	vst v63  }
0x118: {  	_ =	swait.ge [sflag:s8], $0x1900  }
0x119: {  	[sflag:s8] =	ssyncset.done $0x0  }
0x11a: {  	[sflag:s8] =	ssyncadd.s32 $0xFFFFE700  }
0x11b: {  	_ =	swait.ge [sflag:s18], $0x1900  }
0x11c: {  	[sflag:s18] =	ssyncset.done $0x0  }
0x11d: {  	[sflag:s18] =	ssyncadd.s32 $0xFFFFE700  }
0x11e: {  	[spmem:s3] =	stream.indirect.scatter.add.f32 [tilespmem:s15], [sflag:$0x5], $0x20, s22, s9, $0xb8;
	[tilespmem:$0x10310] =	vst v63  }
0x11f: {  	_ =	swait.ge [sflag:s8], $0x1900  }
0x120: {  	[sflag:s8] =	ssyncset.done $0x0  }
0x121: {  	[sflag:s8] =	ssyncadd.s32 $0xFFFFE700  }
0x122: {  	_ =	swait.ge [sflag:s17], $0x1900  }
0x123: {  	[sflag:s17] =	ssyncset.done $0x0  }
0x124: {  	[sflag:s17] =	ssyncadd.s32 $0xFFFFE700  }
0x125: {  	[spmem:s3] =	stream.indirect.scatter.add.f32 [tilespmem:s14], [sflag:$0x5], $0x20, s21, s9, $0xb8;
	[tilespmem:$0x10310] =	vst v63  }
0x126: {  	_ =	swait.ge [sflag:s8], $0x1900  }
0x127: {  	[sflag:s8] =	ssyncset.done $0x0  }
0x128: {  	[sflag:s8] =	ssyncadd.s32 $0xFFFFE700  }
0x129: {  	_ =	swait.ge [sflag:s12], $0x1900  }
0x12a: {  	[sflag:s12] =	ssyncset.done $0x0  }
0x12b: {  	[sflag:s12] =	ssyncadd.s32 $0xFFFFE700  }
0x12c: {  	[spmem:s3] =	stream.indirect.scatter.add.f32 [tilespmem:s10], [sflag:$0x5], $0x20, s19, s9, $0xb8;
	[tilespmem:$0x10310] =	vst v63  }
0x12d: {  	_ =	swait.ge [sflag:s8], $0x1900  }
0x12e: {  	[sflag:s8] =	ssyncset.done $0x0  }
0x12f: {  	[sflag:s8] =	ssyncadd.s32 $0xFFFFE700  }
0x130: {  	[bflag:$0x0] =	sbarrier.arrive $0xFFFF  }
0x131: {  	[tilespmem:s7], [sflag:$0x5] =	stream.linear.gather [spmem:s5], $0x2800, $0x38;
	[tilespmem:$0x10310] =	vst v63  }
0x132: {  	_ =	swait.ge [sflag:s8], $0x2800  }
0x133: {  	[sflag:s8] =	ssyncset.done $0x0  }
0x134: {  	[sflag:s8] =	ssyncadd.s32 $0xFFFFD800  }
0x135: {  	[hbm4b:s13+s2] =	stream.linear.scatter [tilespmem:s7], [sflag:$0x5], $0x2800, $0x38;
	[tilespmem:$0x10310] =	vst v63  }
0x136: {  	_ =	swait.ge [sflag:s8], $0x2800  }
0x137: {  	[sflag:s8] =	ssyncset.done $0x0  }
0x138: {  	[sflag:s8] =	ssyncadd.s32 $0xFFFFD800  }
0x139: {  	[tilespmem:s7], [sflag:$0x5] =	stream.linear.gather [spmem:s4], $0x2800, $0x38;
	[tilespmem:$0x10310] =	vst v63  }
0x13a: {  	_ =	swait.ge [sflag:s8], $0x2800  }
0x13b: {  	s1 =	sld [smem:$0x7F0];
	_ =	sdelay $0x2  }
0x13c: {  	p1 =	sne.s32 s1, $0x1  }
.Ltmp1:
0x13d: {  	[sflag:s8] =	ssyncset.done $0x0;
	(pc) =	sbr.rel @!p1 .LBB2_3-.Ltmp1, $4  }
0x13e: {  	[sflag:s8] =	ssyncadd.s32 $0xFFFFD800  }
0x13f: {  	[hbm4b:s11+s2] =	stream.linear.scatter [tilespmem:s7], [sflag:$0x5], $0x2800, $0x38;
	[tilespmem:$0x10310] =	vst v63  }
0x140: {  	p0 =	por $0x1, $0x1;
	_ =	swait.ge [sflag:s8], $0x2800  }
0x141: {  	s1 =	sadd.s32 $0xFFFFFFFF, s1;
	s0 =	rddreg [dreg:$0x3];
	[sflag:s8] =	ssyncset.done $0x0  }
.LBB2_2:
0x142: {  	[sflag:s8] =	ssyncadd.s32 $0xFFFFD800  }
0x143: {  	[tilespmem:s7], [sflag:$0x5] =	stream.linear.gather [hbm4b:s0+s2], $0x2800, $0x38;
	[tilespmem:$0x10310] =	vst v63  }
0x144: {  	_ =	swait.ge [sflag:s8], $0x2800  }
0x145: {  	[sflag:s8] =	ssyncset.done $0x0  }
0x146: {  	[sflag:s8] =	ssyncadd.s32 $0xFFFFD800  }
0x147: {  	[spmem:s5] =	stream.linear.scatter [tilespmem:s7], [sflag:$0x5], $0x2800, $0x38;
	[tilespmem:$0x10310] =	vst v63  }
0x148: {  	_ =	swait.ge [sflag:s8], $0x2800  }
0x149: {  	[sflag:s8] =	ssyncset.done $0x0  }
0x14a: {  	[sflag:s8] =	ssyncadd.s32 $0xFFFFD800  }
0x14b: {  	[spmem:s4] =	stream.linear.scatter [tilespmem:s7], [sflag:$0x5], $0x2800, $0x38;
	[tilespmem:$0x10310] =	vst v63  }
0x14c: {  	_ =	swait.ge [sflag:s8], $0x2800  }
0x14d: {  	[sflag:s8] =	ssyncset.done $0x0  }
0x14e: {  	s19 =	rddreg [dreg:$0x4];
	[sflag:s8] =	ssyncadd.s32 $0xFFFFD800  }
0x14f: {  	[tilespmem:s31], [sflag:$0x5] =	stream.linear.gather [hbm4b:s19+s2], $0x1388, $0x38;
	[tilespmem:$0x10310] =	vst v63  }
0x150: {  	_ =	swait.ge [sflag:s8], $0x1388  }
0x151: {  	[sflag:s8] =	ssyncset.done $0x0  }
0x152: {  	s19 =	rddreg [dreg:$0x5];
	[sflag:s8] =	ssyncadd.s32 $0xFFFFEC78  }
0x153: {  	[tilespmem:s30], [sflag:$0x5] =	stream.linear.gather [hbm4b:s19+s2], $0x1388, $0x38;
	[tilespmem:$0x10310] =	vst v63  }
0x154: {  	_ =	swait.ge [sflag:s8], $0x1388  }
0x155: {  	[sflag:s8] =	ssyncset.done $0x0  }
0x156: {  	[sflag:s8] =	ssyncadd.s32 $0xFFFFEC78  }
0x157: {  	[bflag:$0x0] =	sbarrier.arrive $0xFFFF  }
0x158: {  	[tilespmem:s10], [sflag:$0x1] =	stream.indirect.gather [hbm4b:s6+s9], $0x20, s31, s9, $0xb8;
	[tilespmem:$0x10310] =	vst v63  }
0x159: {  	s0 =	rddreg [dreg:$0x6]  }
0x15a: {  	[tilespmem:s16], [sflag:$0x2] =	stream.indirect.gather [hbm4b:s6+s9], $0x20, s0, s9, $0xb8;
	[tilespmem:$0x10310] =	vst v63  }
0x15b: {  	s19 =	rddreg [dreg:$0x7]  }
0x15c: {  	[tilespmem:s15], [sflag:$0x3] =	stream.indirect.gather [hbm4b:s6+s9], $0x20, s19, s9, $0xb8;
	[tilespmem:$0x10310] =	vst v63  }
0x15d: {  	_ =	swait.ge [sflag:s12], $0x1900  }
0x15e: {  	[sflag:s12] =	ssyncset.done $0x0  }
0x15f: {  	s19 =	rddreg [dreg:$0x8];
	[sflag:s12] =	ssyncadd.s32 $0xFFFFE700  }
0x160: {  	[tilespmem:s14], [sflag:$0x4] =	stream.indirect.gather [hbm4b:s6+s9], $0x20, s19, s9, $0xb8;
	[tilespmem:$0x10310] =	vst v63  }
0x161: {  	_ = 	snop  }
0x162: {  	[spmem:s3] =	stream.indirect.scatter.add.f32 [tilespmem:s10], [sflag:$0x5], $0x20, s30, s9, $0xb8;
	[tilespmem:$0x10310] =	vst v63  }
0x163: {  	_ =	swait.ge [sflag:s8], $0x1900  }
0x164: {  	[sflag:s8] =	ssyncset.done $0x0  }
0x165: {  	[sflag:s8] =	ssyncadd.s32 $0xFFFFE700  }
0x166: {  	_ =	swait.ge [sflag:s20], $0x1900  }
0x167: {  	[sflag:s20] =	ssyncset.done $0x0  }
0x168: {  	s0 =	rddreg [dreg:$0x9];
	[sflag:s20] =	ssyncadd.s32 $0xFFFFE700  }
0x169: {  	[tilespmem:s10], [sflag:$0x1] =	stream.indirect.gather [hbm4b:s6+s9], $0x20, s0, s9, $0xb8;
	[tilespmem:$0x10310] =	vst v63  }
0x16a: {  	s19 =	rddreg [dreg:$0xa]  }
0x16b: {  	[spmem:s3] =	stream.indirect.scatter.add.f32 [tilespmem:s16], [sflag:$0x5], $0x20, s19, s9, $0xb8;
	[tilespmem:$0x10310] =	vst v63  }
0x16c: {  	_ =	swait.ge [sflag:s8], $0x1900  }
0x16d: {  	[sflag:s8] =	ssyncset.done $0x0  }
0x16e: {  	[sflag:s8] =	ssyncadd.s32 $0xFFFFE700  }
0x16f: {  	_ =	swait.ge [sflag:s18], $0x1900  }
0x170: {  	[sflag:s18] =	ssyncset.done $0x0  }
0x171: {  	s0 =	rddreg [dreg:$0xb];
	[sflag:s18] =	ssyncadd.s32 $0xFFFFE700  }
0x172: {  	[tilespmem:s16], [sflag:$0x2] =	stream.indirect.gather [hbm4b:s6+s9], $0x20, s0, s9, $0xb8;
	[tilespmem:$0x10310] =	vst v63  }
0x173: {  	s19 =	rddreg [dreg:$0xc]  }
0x174: {  	[spmem:s3] =	stream.indirect.scatter.add.f32 [tilespmem:s15], [sflag:$0x5], $0x20, s19, s9, $0xb8;
	[tilespmem:$0x10310] =	vst v63  }
0x175: {  	_ =	swait.ge [sflag:s8], $0x1900  }
0x176: {  	[sflag:s8] =	ssyncset.done $0x0  }
0x177: {  	[sflag:s8] =	ssyncadd.s32 $0xFFFFE700  }
0x178: {  	_ =	swait.ge [sflag:s17], $0x1900  }
0x179: {  	[sflag:s17] =	ssyncset.done $0x0  }
0x17a: {  	s0 =	rddreg [dreg:$0xd];
	[sflag:s17] =	ssyncadd.s32 $0xFFFFE700  }
0x17b: {  	[tilespmem:s15], [sflag:$0x3] =	stream.indirect.gather [hbm4b:s6+s9], $0x20, s0, s9, $0xb8;
	[tilespmem:$0x10310] =	vst v63  }
0x17c: {  	s19 =	rddreg [dreg:$0xe]  }
0x17d: {  	[spmem:s3] =	stream.indirect.scatter.add.f32 [tilespmem:s14], [sflag:$0x5], $0x20, s19, s9, $0xb8;
	[tilespmem:$0x10310] =	vst v63  }
0x17e: {  	_ =	swait.ge [sflag:s8], $0x1900  }
0x17f: {  	[sflag:s8] =	ssyncset.done $0x0  }
0x180: {  	[sflag:s8] =	ssyncadd.s32 $0xFFFFE700  }
0x181: {  	_ =	swait.ge [sflag:s12], $0x1900  }
0x182: {  	[sflag:s12] =	ssyncset.done $0x0  }
0x183: {  	s0 =	rddreg [dreg:$0xf];
	[sflag:s12] =	ssyncadd.s32 $0xFFFFE700  }
0x184: {  	[tilespmem:s14], [sflag:$0x4] =	stream.indirect.gather [hbm4b:s6+s9], $0x20, s0, s9, $0xb8;
	[tilespmem:$0x10310] =	vst v63  }
0x185: {  	s19 =	rddreg [dreg:$0x10]  }
0x186: {  	[spmem:s3] =	stream.indirect.scatter.add.f32 [tilespmem:s10], [sflag:$0x5], $0x20, s19, s9, $0xb8;
	[tilespmem:$0x10310] =	vst v63  }
0x187: {  	_ =	swait.ge [sflag:s8], $0x1900  }
0x188: {  	[sflag:s8] =	ssyncset.done $0x0  }
0x189: {  	[sflag:s8] =	ssyncadd.s32 $0xFFFFE700  }
0x18a: {  	_ =	swait.ge [sflag:s20], $0x1900  }
0x18b: {  	[sflag:s20] =	ssyncset.done $0x0  }
0x18c: {  	s0 =	rddreg [dreg:$0x11];
	[sflag:s20] =	ssyncadd.s32 $0xFFFFE700  }
0x18d: {  	[tilespmem:s10], [sflag:$0x1] =	stream.indirect.gather [hbm4b:s6+s9], $0x20, s0, s9, $0xb8;
	[tilespmem:$0x10310] =	vst v63  }
0x18e: {  	s19 =	rddreg [dreg:$0x12]  }
0x18f: {  	[spmem:s3] =	stream.indirect.scatter.add.f32 [tilespmem:s16], [sflag:$0x5], $0x20, s19, s9, $0xb8;
	[tilespmem:$0x10310] =	vst v63  }
0x190: {  	_ =	swait.ge [sflag:s8], $0x1900  }
0x191: {  	[sflag:s8] =	ssyncset.done $0x0  }
0x192: {  	[sflag:s8] =	ssyncadd.s32 $0xFFFFE700  }
0x193: {  	_ =	swait.ge [sflag:s18], $0x1900  }
0x194: {  	[sflag:s18] =	ssyncset.done $0x0  }
0x195: {  	s0 =	rddreg [dreg:$0x13];
	[sflag:s18] =	ssyncadd.s32 $0xFFFFE700  }
0x196: {  	[tilespmem:s16], [sflag:$0x2] =	stream.indirect.gather [hbm4b:s6+s9], $0x20, s0, s9, $0xb8;
	[tilespmem:$0x10310] =	vst v63  }
0x197: {  	s19 =	rddreg [dreg:$0x14]  }
0x198: {  	[spmem:s3] =	stream.indirect.scatter.add.f32 [tilespmem:s15], [sflag:$0x5], $0x20, s19, s9, $0xb8;
	[tilespmem:$0x10310] =	vst v63  }
0x199: {  	_ =	swait.ge [sflag:s8], $0x1900  }
0x19a: {  	[sflag:s8] =	ssyncset.done $0x0  }
0x19b: {  	[sflag:s8] =	ssyncadd.s32 $0xFFFFE700  }
0x19c: {  	_ =	swait.ge [sflag:s17], $0x1900  }
0x19d: {  	[sflag:s17] =	ssyncset.done $0x0  }
0x19e: {  	s0 =	rddreg [dreg:$0x15];
	[sflag:s17] =	ssyncadd.s32 $0xFFFFE700  }
0x19f: {  	[tilespmem:s15], [sflag:$0x3] =	stream.indirect.gather [hbm4b:s6+s9], $0x20, s0, s9, $0xb8;
	[tilespmem:$0x10310] =	vst v63  }
0x1a0: {  	s19 =	rddreg [dreg:$0x16]  }
0x1a1: {  	[spmem:s3] =	stream.indirect.scatter.add.f32 [tilespmem:s14], [sflag:$0x5], $0x20, s19, s9, $0xb8;
	[tilespmem:$0x10310] =	vst v63  }
0x1a2: {  	_ =	swait.ge [sflag:s8], $0x1900  }
0x1a3: {  	[sflag:s8] =	ssyncset.done $0x0  }
0x1a4: {  	[sflag:s8] =	ssyncadd.s32 $0xFFFFE700  }
0x1a5: {  	_ =	swait.ge [sflag:s12], $0x1900  }
0x1a6: {  	[sflag:s12] =	ssyncset.done $0x0  }
0x1a7: {  	s0 =	rddreg [dreg:$0x17];
	[sflag:s12] =	ssyncadd.s32 $0xFFFFE700  }
0x1a8: {  	[tilespmem:s14], [sflag:$0x4] =	stream.indirect.gather [hbm4b:s6+s9], $0x20, s0, s9, $0xb8;
	[tilespmem:$0x10310] =	vst v63  }
0x1a9: {  	s19 =	rddreg [dreg:$0x18]  }
0x1aa: {  	[spmem:s3] =	stream.indirect.scatter.add.f32 [tilespmem:s10], [sflag:$0x5], $0x20, s19, s9, $0xb8;
	[tilespmem:$0x10310] =	vst v63  }
0x1ab: {  	_ =	swait.ge [sflag:s8], $0x1900  }
0x1ac: {  	[sflag:s8] =	ssyncset.done $0x0  }
0x1ad: {  	[sflag:s8] =	ssyncadd.s32 $0xFFFFE700  }
0x1ae: {  	_ =	swait.ge [sflag:s20], $0x1900  }
0x1af: {  	[sflag:s20] =	ssyncset.done $0x0  }
0x1b0: {  	s0 =	rddreg [dreg:$0x19];
	[sflag:s20] =	ssyncadd.s32 $0xFFFFE700  }
0x1b1: {  	[tilespmem:s10], [sflag:$0x1] =	stream.indirect.gather [hbm4b:s6+s9], $0x20, s0, s9, $0xb8;
	[tilespmem:$0x10310] =	vst v63  }
0x1b2: {  	s19 =	rddreg [dreg:$0x1a]  }
0x1b3: {  	[spmem:s3] =	stream.indirect.scatter.add.f32 [tilespmem:s16], [sflag:$0x5], $0x20, s19, s9, $0xb8;
	[tilespmem:$0x10310] =	vst v63  }
0x1b4: {  	_ =	swait.ge [sflag:s8], $0x1900  }
0x1b5: {  	[sflag:s8] =	ssyncset.done $0x0  }
0x1b6: {  	[sflag:s8] =	ssyncadd.s32 $0xFFFFE700  }
0x1b7: {  	_ =	swait.ge [sflag:s18], $0x1900  }
0x1b8: {  	[sflag:s18] =	ssyncset.done $0x0  }
0x1b9: {  	s0 =	rddreg [dreg:$0x1b];
	[sflag:s18] =	ssyncadd.s32 $0xFFFFE700  }
0x1ba: {  	[tilespmem:s16], [sflag:$0x2] =	stream.indirect.gather [hbm4b:s6+s9], $0x20, s0, s9, $0xb8;
	[tilespmem:$0x10310] =	vst v63  }
0x1bb: {  	s19 =	rddreg [dreg:$0x1c]  }
0x1bc: {  	[spmem:s3] =	stream.indirect.scatter.add.f32 [tilespmem:s15], [sflag:$0x5], $0x20, s19, s9, $0xb8;
	[tilespmem:$0x10310] =	vst v63  }
0x1bd: {  	_ =	swait.ge [sflag:s8], $0x1900  }
0x1be: {  	[sflag:s8] =	ssyncset.done $0x0  }
0x1bf: {  	[sflag:s8] =	ssyncadd.s32 $0xFFFFE700  }
0x1c0: {  	_ =	swait.ge [sflag:s17], $0x1900  }
0x1c1: {  	[sflag:s17] =	ssyncset.done $0x0  }
0x1c2: {  	s0 =	rddreg [dreg:$0x1d];
	[sflag:s17] =	ssyncadd.s32 $0xFFFFE700  }
0x1c3: {  	[tilespmem:s15], [sflag:$0x3] =	stream.indirect.gather [hbm4b:s6+s9], $0x20, s0, s9, $0xb8;
	[tilespmem:$0x10310] =	vst v63  }
0x1c4: {  	s19 =	rddreg [dreg:$0x1e]  }
0x1c5: {  	[spmem:s3] =	stream.indirect.scatter.add.f32 [tilespmem:s14], [sflag:$0x5], $0x20, s19, s9, $0xb8;
	[tilespmem:$0x10310] =	vst v63  }
0x1c6: {  	_ =	swait.ge [sflag:s8], $0x1900  }
0x1c7: {  	[sflag:s8] =	ssyncset.done $0x0  }
0x1c8: {  	[sflag:s8] =	ssyncadd.s32 $0xFFFFE700  }
0x1c9: {  	_ =	swait.ge [sflag:s12], $0x1900  }
0x1ca: {  	s0 =	rddreg [dreg:$0x1f];
	[sflag:s12] =	ssyncset.done $0x0  }
0x1cb: {  	s19 =	sld [smem:$0x7F1];
	[sflag:s12] =	ssyncadd.s32 $0xFFFFE700  }
0x1cc: {  	[tilespmem:s14], [sflag:$0x4] =	stream.indirect.gather [hbm4b:s6+s9], $0x20, s0, s9, $0xb8;
	[tilespmem:$0x10310] =	vst v63  }
0x1cd: {  	_ = 	snop  }
0x1ce: {  	[spmem:s3] =	stream.indirect.scatter.add.f32 [tilespmem:s10], [sflag:$0x5], $0x20, s19, s9, $0xb8;
	[tilespmem:$0x10310] =	vst v63  }
0x1cf: {  	_ =	swait.ge [sflag:s8], $0x1900  }
0x1d0: {  	[sflag:s8] =	ssyncset.done $0x0  }
0x1d1: {  	[sflag:s8] =	ssyncadd.s32 $0xFFFFE700  }
0x1d2: {  	_ =	swait.ge [sflag:s20], $0x1900  }
0x1d3: {  	s0 =	sld [smem:$0x7F2]  }
0x1d4: {  	[sflag:s20] =	ssyncset.done $0x0  }
0x1d5: {  	s19 =	sld [smem:$0x7F3];
	[sflag:s20] =	ssyncadd.s32 $0xFFFFE700  }
0x1d6: {  	[tilespmem:s10], [sflag:$0x1] =	stream.indirect.gather [hbm4b:s6+s9], $0x20, s0, s9, $0xb8;
	[tilespmem:$0x10310] =	vst v63  }
0x1d7: {  	_ = 	snop  }
0x1d8: {  	[spmem:s3] =	stream.indirect.scatter.add.f32 [tilespmem:s16], [sflag:$0x5], $0x20, s19, s9, $0xb8;
	[tilespmem:$0x10310] =	vst v63  }
0x1d9: {  	_ =	swait.ge [sflag:s8], $0x1900  }
0x1da: {  	[sflag:s8] =	ssyncset.done $0x0  }
0x1db: {  	[sflag:s8] =	ssyncadd.s32 $0xFFFFE700  }
0x1dc: {  	_ =	swait.ge [sflag:s18], $0x1900  }
0x1dd: {  	s0 =	sld [smem:$0x7F4]  }
0x1de: {  	[sflag:s18] =	ssyncset.done $0x0  }
0x1df: {  	s19 =	sld [smem:$0x7F5];
	[sflag:s18] =	ssyncadd.s32 $0xFFFFE700  }
0x1e0: {  	[tilespmem:s16], [sflag:$0x2] =	stream.indirect.gather [hbm4b:s6+s9], $0x20, s0, s9, $0xb8;
	[tilespmem:$0x10310] =	vst v63  }
0x1e1: {  	_ = 	snop  }
0x1e2: {  	[spmem:s3] =	stream.indirect.scatter.add.f32 [tilespmem:s15], [sflag:$0x5], $0x20, s19, s9, $0xb8;
	[tilespmem:$0x10310] =	vst v63  }
0x1e3: {  	_ =	swait.ge [sflag:s8], $0x1900  }
0x1e4: {  	[sflag:s8] =	ssyncset.done $0x0  }
0x1e5: {  	[sflag:s8] =	ssyncadd.s32 $0xFFFFE700  }
0x1e6: {  	_ =	swait.ge [sflag:s17], $0x1900  }
0x1e7: {  	s0 =	sld [smem:$0x7F6]  }
0x1e8: {  	[sflag:s17] =	ssyncset.done $0x0  }
0x1e9: {  	s19 =	sld [smem:$0x7F7];
	[sflag:s17] =	ssyncadd.s32 $0xFFFFE700  }
0x1ea: {  	[tilespmem:s15], [sflag:$0x3] =	stream.indirect.gather [hbm4b:s6+s9], $0x20, s0, s9, $0xb8;
	[tilespmem:$0x10310] =	vst v63  }
0x1eb: {  	_ = 	snop  }
0x1ec: {  	[spmem:s3] =	stream.indirect.scatter.add.f32 [tilespmem:s14], [sflag:$0x5], $0x20, s19, s9, $0xb8;
	[tilespmem:$0x10310] =	vst v63  }
0x1ed: {  	_ =	swait.ge [sflag:s8], $0x1900  }
0x1ee: {  	[sflag:s8] =	ssyncset.done $0x0  }
0x1ef: {  	[sflag:s8] =	ssyncadd.s32 $0xFFFFE700  }
0x1f0: {  	_ =	swait.ge [sflag:s12], $0x1900  }
0x1f1: {  	s0 =	sld [smem:$0x7F8]  }
0x1f2: {  	[sflag:s12] =	ssyncset.done $0x0  }
0x1f3: {  	s19 =	sld [smem:$0x7F9];
	[sflag:s12] =	ssyncadd.s32 $0xFFFFE700  }
0x1f4: {  	[tilespmem:s14], [sflag:$0x4] =	stream.indirect.gather [hbm4b:s6+s9], $0x20, s0, s9, $0xb8;
	[tilespmem:$0x10310] =	vst v63  }
0x1f5: {  	_ = 	snop  }
0x1f6: {  	[spmem:s3] =	stream.indirect.scatter.add.f32 [tilespmem:s10], [sflag:$0x5], $0x20, s19, s9, $0xb8;
	[tilespmem:$0x10310] =	vst v63  }
0x1f7: {  	_ =	swait.ge [sflag:s8], $0x1900  }
0x1f8: {  	[sflag:s8] =	ssyncset.done $0x0  }
0x1f9: {  	[sflag:s8] =	ssyncadd.s32 $0xFFFFE700  }
0x1fa: {  	_ =	swait.ge [sflag:s20], $0x1900  }
0x1fb: {  	s0 =	sld [smem:$0x7FA]  }
0x1fc: {  	[sflag:s20] =	ssyncset.done $0x0  }
0x1fd: {  	s19 =	sld [smem:$0x7FB];
	[sflag:s20] =	ssyncadd.s32 $0xFFFFE700  }
0x1fe: {  	[tilespmem:s10], [sflag:$0x1] =	stream.indirect.gather [hbm4b:s6+s9], $0x20, s0, s9, $0xb8;
	[tilespmem:$0x10310] =	vst v63  }
0x1ff: {  	_ = 	snop  }
0x200: {  	[spmem:s3] =	stream.indirect.scatter.add.f32 [tilespmem:s16], [sflag:$0x5], $0x20, s19, s9, $0xb8;
	[tilespmem:$0x10310] =	vst v63  }
0x201: {  	_ =	swait.ge [sflag:s8], $0x1900  }
0x202: {  	[sflag:s8] =	ssyncset.done $0x0  }
0x203: {  	[sflag:s8] =	ssyncadd.s32 $0xFFFFE700  }
0x204: {  	_ =	swait.ge [sflag:s18], $0x1900  }
0x205: {  	s0 =	sld [smem:$0x7FC]  }
0x206: {  	[sflag:s18] =	ssyncset.done $0x0  }
0x207: {  	s19 =	sld [smem:$0x7FD];
	[sflag:s18] =	ssyncadd.s32 $0xFFFFE700  }
0x208: {  	[tilespmem:s16], [sflag:$0x2] =	stream.indirect.gather [hbm4b:s6+s9], $0x20, s0, s9, $0xb8;
	[tilespmem:$0x10310] =	vst v63  }
0x209: {  	_ = 	snop  }
0x20a: {  	[spmem:s3] =	stream.indirect.scatter.add.f32 [tilespmem:s15], [sflag:$0x5], $0x20, s19, s9, $0xb8;
	[tilespmem:$0x10310] =	vst v63  }
0x20b: {  	_ =	swait.ge [sflag:s8], $0x1900  }
0x20c: {  	[sflag:s8] =	ssyncset.done $0x0  }
0x20d: {  	[sflag:s8] =	ssyncadd.s32 $0xFFFFE700  }
0x20e: {  	_ =	swait.ge [sflag:s17], $0x1900  }
0x20f: {  	[sflag:s17] =	ssyncset.done $0x0  }
0x210: {  	[sflag:s17] =	ssyncadd.s32 $0xFFFFE700  }
0x211: {  	[tilespmem:s15], [sflag:$0x3] =	stream.indirect.gather [hbm4b:s6+s9], $0x20, s28, s9, $0xb8;
	[tilespmem:$0x10310] =	vst v63  }
0x212: {  	_ = 	snop  }
0x213: {  	[spmem:s3] =	stream.indirect.scatter.add.f32 [tilespmem:s14], [sflag:$0x5], $0x20, s29, s9, $0xb8;
	[tilespmem:$0x10310] =	vst v63  }
0x214: {  	_ =	swait.ge [sflag:s8], $0x1900  }
0x215: {  	[sflag:s8] =	ssyncset.done $0x0  }
0x216: {  	[sflag:s8] =	ssyncadd.s32 $0xFFFFE700  }
0x217: {  	_ =	swait.ge [sflag:s12], $0x1900  }
0x218: {  	[sflag:s12] =	ssyncset.done $0x0  }
0x219: {  	[sflag:s12] =	ssyncadd.s32 $0xFFFFE700  }
0x21a: {  	[tilespmem:s14], [sflag:$0x4] =	stream.indirect.gather [hbm4b:s6+s9], $0x20, s25, s9, $0xb8;
	[tilespmem:$0x10310] =	vst v63  }
0x21b: {  	_ = 	snop  }
0x21c: {  	[spmem:s3] =	stream.indirect.scatter.add.f32 [tilespmem:s10], [sflag:$0x5], $0x20, s26, s9, $0xb8;
	[tilespmem:$0x10310] =	vst v63  }
0x21d: {  	_ =	swait.ge [sflag:s8], $0x1900  }
0x21e: {  	[sflag:s8] =	ssyncset.done $0x0  }
0x21f: {  	[sflag:s8] =	ssyncadd.s32 $0xFFFFE700  }
0x220: {  	_ =	swait.ge [sflag:s20], $0x1900  }
0x221: {  	[sflag:s20] =	ssyncset.done $0x0  }
0x222: {  	[sflag:s20] =	ssyncadd.s32 $0xFFFFE700  }
0x223: {  	[tilespmem:s10], [sflag:$0x1] =	stream.indirect.gather [hbm4b:s6+s9], $0x20, s23, s9, $0xb8;
	[tilespmem:$0x10310] =	vst v63  }
0x224: {  	_ = 	snop  }
0x225: {  	[spmem:s3] =	stream.indirect.scatter.add.f32 [tilespmem:s16], [sflag:$0x5], $0x20, s24, s9, $0xb8;
	[tilespmem:$0x10310] =	vst v63  }
0x226: {  	_ =	swait.ge [sflag:s8], $0x1900  }
0x227: {  	[sflag:s8] =	ssyncset.done $0x0  }
0x228: {  	[sflag:s8] =	ssyncadd.s32 $0xFFFFE700  }
0x229: {  	_ =	swait.ge [sflag:s18], $0x1900  }
0x22a: {  	[sflag:s18] =	ssyncset.done $0x0  }
0x22b: {  	[sflag:s18] =	ssyncadd.s32 $0xFFFFE700  }
0x22c: {  	[spmem:s3] =	stream.indirect.scatter.add.f32 [tilespmem:s15], [sflag:$0x5], $0x20, s22, s9, $0xb8;
	[tilespmem:$0x10310] =	vst v63  }
0x22d: {  	_ =	swait.ge [sflag:s8], $0x1900  }
0x22e: {  	[sflag:s8] =	ssyncset.done $0x0  }
0x22f: {  	[sflag:s8] =	ssyncadd.s32 $0xFFFFE700  }
0x230: {  	_ =	swait.ge [sflag:s17], $0x1900  }
0x231: {  	[sflag:s17] =	ssyncset.done $0x0  }
0x232: {  	[sflag:s17] =	ssyncadd.s32 $0xFFFFE700  }
0x233: {  	[spmem:s3] =	stream.indirect.scatter.add.f32 [tilespmem:s14], [sflag:$0x5], $0x20, s21, s9, $0xb8;
	[tilespmem:$0x10310] =	vst v63  }
0x234: {  	_ =	swait.ge [sflag:s8], $0x1900  }
0x235: {  	[sflag:s8] =	ssyncset.done $0x0  }
0x236: {  	[sflag:s8] =	ssyncadd.s32 $0xFFFFE700  }
0x237: {  	_ =	swait.ge [sflag:s12], $0x1900  }
0x238: {  	[sflag:s12] =	ssyncset.done $0x0  }
0x239: {  	s19 =	simm.s32 $0x9E48;
	[sflag:s12] =	ssyncadd.s32 $0xFFFFE700  }
0x23a: {  	[spmem:s3] =	stream.indirect.scatter.add.f32 [tilespmem:s10], [sflag:$0x5], $0x20, s19, s9, $0xb8;
	[tilespmem:$0x10310] =	vst v63  }
0x23b: {  	_ =	swait.ge [sflag:s8], $0x1900  }
0x23c: {  	[sflag:s8] =	ssyncset.done $0x0  }
0x23d: {  	[sflag:s8] =	ssyncadd.s32 $0xFFFFE700  }
0x23e: {  	[bflag:$0x0] =	sbarrier.arrive $0xFFFF  }
0x23f: {  	[tilespmem:s7], [sflag:$0x5] =	stream.linear.gather [spmem:s5], $0x2800, $0x38;
	[tilespmem:$0x10310] =	vst v63  }
0x240: {  	_ =	swait.ge [sflag:s8], $0x2800  }
0x241: {  	[sflag:s8] =	ssyncset.done $0x0  }
0x242: {  	[sflag:s8] =	ssyncadd.s32 $0xFFFFD800  }
0x243: {  	[hbm4b:s13+s2] =	stream.linear.scatter [tilespmem:s7], [sflag:$0x5], $0x2800, $0x38;
	[tilespmem:$0x10310] =	vst v63  }
0x244: {  	_ =	swait.ge [sflag:s8], $0x2800  }
0x245: {  	[sflag:s8] =	ssyncset.done $0x0  }
0x246: {  	[sflag:s8] =	ssyncadd.s32 $0xFFFFD800  }
0x247: {  	[tilespmem:s7], [sflag:$0x5] =	stream.linear.gather [spmem:s4], $0x2800, $0x38;
	[tilespmem:$0x10310] =	vst v63  }
0x248: {  	p1 =	sne.s32 s1, $0x1;
	_ =	swait.ge [sflag:s8], $0x2800  }
.Ltmp2:
0x249: {  	[sflag:s8] =	ssyncset.done $0x0;
	(pc) =	sbr.rel @p1 .LBB2_2-.Ltmp2, $4  }
0x24a: {  	[sflag:s8] =	ssyncadd.s32 $0xFFFFD800  }
0x24b: {  	[hbm4b:s11+s2] =	stream.linear.scatter [tilespmem:s7], [sflag:$0x5], $0x2800, $0x38;
	[tilespmem:$0x10310] =	vst v63  }
0x24c: {  	_ =	swait.ge [sflag:s8], $0x2800  }
0x24d: {  	s1 =	sadd.s32 $0xFFFFFFFF, s1;
	s0 =	rddreg [dreg:$0x3];
	[sflag:s8] =	ssyncset.done $0x0  }
.LBB2_3:
0x24e: {  	[sflag:s8] =	ssyncadd.s32 @p0 $0xFFFFD800  }
0x24f: {  	[tilespmem:s7], [sflag:$0x5] =	stream.linear.gather [hbm4b:s0+s2], $0x2800, $0x38;
	[tilespmem:$0x10310] =	vst v63  }
0x250: {  	_ =	swait.ge [sflag:s8], $0x2800  }
0x251: {  	[sflag:s8] =	ssyncset.done $0x0  }
0x252: {  	[sflag:s8] =	ssyncadd.s32 $0xFFFFD800  }
0x253: {  	[spmem:s5] =	stream.linear.scatter [tilespmem:s7], [sflag:$0x5], $0x2800, $0x38;
	[tilespmem:$0x10310] =	vst v63  }
0x254: {  	_ =	swait.ge [sflag:s8], $0x2800  }
0x255: {  	[sflag:s8] =	ssyncset.done $0x0  }
0x256: {  	[sflag:s8] =	ssyncadd.s32 $0xFFFFD800  }
0x257: {  	[spmem:s4] =	stream.linear.scatter [tilespmem:s7], [sflag:$0x5], $0x2800, $0x38;
	[tilespmem:$0x10310] =	vst v63  }
0x258: {  	_ =	swait.ge [sflag:s8], $0x2800  }
0x259: {  	[sflag:s8] =	ssyncset.done $0x0  }
0x25a: {  	s1 =	rddreg [dreg:$0x4];
	[sflag:s8] =	ssyncadd.s32 $0xFFFFD800  }
0x25b: {  	[tilespmem:s31], [sflag:$0x5] =	stream.linear.gather [hbm4b:s1+s2], $0x1388, $0x38;
	[tilespmem:$0x10310] =	vst v63  }
0x25c: {  	_ =	swait.ge [sflag:s8], $0x1388  }
0x25d: {  	[sflag:s8] =	ssyncset.done $0x0  }
0x25e: {  	s1 =	rddreg [dreg:$0x5];
	[sflag:s8] =	ssyncadd.s32 $0xFFFFEC78  }
0x25f: {  	[tilespmem:s30], [sflag:$0x5] =	stream.linear.gather [hbm4b:s1+s2], $0x1388, $0x38;
	[tilespmem:$0x10310] =	vst v63  }
0x260: {  	_ =	swait.ge [sflag:s8], $0x1388  }
0x261: {  	[sflag:s8] =	ssyncset.done $0x0  }
0x262: {  	[sflag:s8] =	ssyncadd.s32 $0xFFFFEC78  }
0x263: {  	[bflag:$0x0] =	sbarrier.arrive $0xFFFF  }
0x264: {  	[tilespmem:s10], [sflag:$0x1] =	stream.indirect.gather [hbm4b:s6+s9], $0x20, s31, s9, $0xb8;
	[tilespmem:$0x10310] =	vst v63  }
0x265: {  	s0 =	rddreg [dreg:$0x6]  }
0x266: {  	[tilespmem:s16], [sflag:$0x2] =	stream.indirect.gather [hbm4b:s6+s9], $0x20, s0, s9, $0xb8;
	[tilespmem:$0x10310] =	vst v63  }
0x267: {  	s1 =	rddreg [dreg:$0x7]  }
0x268: {  	[tilespmem:s15], [sflag:$0x3] =	stream.indirect.gather [hbm4b:s6+s9], $0x20, s1, s9, $0xb8;
	[tilespmem:$0x10310] =	vst v63  }
0x269: {  	_ =	swait.ge [sflag:s12], $0x1900  }
0x26a: {  	[sflag:s12] =	ssyncset.done $0x0  }
0x26b: {  	s1 =	rddreg [dreg:$0x8];
	[sflag:s12] =	ssyncadd.s32 $0xFFFFE700  }
0x26c: {  	[tilespmem:s14], [sflag:$0x4] =	stream.indirect.gather [hbm4b:s6+s9], $0x20, s1, s9, $0xb8;
	[tilespmem:$0x10310] =	vst v63  }
0x26d: {  	_ = 	snop  }
0x26e: {  	[spmem:s3] =	stream.indirect.scatter.add.f32 [tilespmem:s10], [sflag:$0x5], $0x20, s30, s9, $0xb8;
	[tilespmem:$0x10310] =	vst v63  }
0x26f: {  	_ =	swait.ge [sflag:s8], $0x1900  }
0x270: {  	[sflag:s8] =	ssyncset.done $0x0  }
0x271: {  	[sflag:s8] =	ssyncadd.s32 $0xFFFFE700  }
0x272: {  	_ =	swait.ge [sflag:s20], $0x1900  }
0x273: {  	[sflag:s20] =	ssyncset.done $0x0  }
0x274: {  	s30 =	rddreg [dreg:$0x9];
	[sflag:s20] =	ssyncadd.s32 $0xFFFFE700  }
0x275: {  	[tilespmem:s10], [sflag:$0x1] =	stream.indirect.gather [hbm4b:s6+s9], $0x20, s30, s9, $0xb8;
	[tilespmem:$0x10310] =	vst v63  }
0x276: {  	s31 =	rddreg [dreg:$0xa]  }
0x277: {  	[spmem:s3] =	stream.indirect.scatter.add.f32 [tilespmem:s16], [sflag:$0x5], $0x20, s31, s9, $0xb8;
	[tilespmem:$0x10310] =	vst v63  }
0x278: {  	_ =	swait.ge [sflag:s8], $0x1900  }
0x279: {  	[sflag:s8] =	ssyncset.done $0x0  }
0x27a: {  	[sflag:s8] =	ssyncadd.s32 $0xFFFFE700  }
0x27b: {  	_ =	swait.ge [sflag:s18], $0x1900  }
0x27c: {  	[sflag:s18] =	ssyncset.done $0x0  }
0x27d: {  	s30 =	rddreg [dreg:$0xb];
	[sflag:s18] =	ssyncadd.s32 $0xFFFFE700  }
0x27e: {  	[tilespmem:s16], [sflag:$0x2] =	stream.indirect.gather [hbm4b:s6+s9], $0x20, s30, s9, $0xb8;
	[tilespmem:$0x10310] =	vst v63  }
0x27f: {  	s31 =	rddreg [dreg:$0xc]  }
0x280: {  	[spmem:s3] =	stream.indirect.scatter.add.f32 [tilespmem:s15], [sflag:$0x5], $0x20, s31, s9, $0xb8;
	[tilespmem:$0x10310] =	vst v63  }
0x281: {  	_ =	swait.ge [sflag:s8], $0x1900  }
0x282: {  	[sflag:s8] =	ssyncset.done $0x0  }
0x283: {  	[sflag:s8] =	ssyncadd.s32 $0xFFFFE700  }
0x284: {  	_ =	swait.ge [sflag:s17], $0x1900  }
0x285: {  	[sflag:s17] =	ssyncset.done $0x0  }
0x286: {  	s30 =	rddreg [dreg:$0xd];
	[sflag:s17] =	ssyncadd.s32 $0xFFFFE700  }
0x287: {  	[tilespmem:s15], [sflag:$0x3] =	stream.indirect.gather [hbm4b:s6+s9], $0x20, s30, s9, $0xb8;
	[tilespmem:$0x10310] =	vst v63  }
0x288: {  	s31 =	rddreg [dreg:$0xe]  }
0x289: {  	[spmem:s3] =	stream.indirect.scatter.add.f32 [tilespmem:s14], [sflag:$0x5], $0x20, s31, s9, $0xb8;
	[tilespmem:$0x10310] =	vst v63  }
0x28a: {  	_ =	swait.ge [sflag:s8], $0x1900  }
0x28b: {  	[sflag:s8] =	ssyncset.done $0x0  }
0x28c: {  	[sflag:s8] =	ssyncadd.s32 $0xFFFFE700  }
0x28d: {  	_ =	swait.ge [sflag:s12], $0x1900  }
0x28e: {  	[sflag:s12] =	ssyncset.done $0x0  }
0x28f: {  	s30 =	rddreg [dreg:$0xf];
	[sflag:s12] =	ssyncadd.s32 $0xFFFFE700  }
0x290: {  	[tilespmem:s14], [sflag:$0x4] =	stream.indirect.gather [hbm4b:s6+s9], $0x20, s30, s9, $0xb8;
	[tilespmem:$0x10310] =	vst v63  }
0x291: {  	s31 =	rddreg [dreg:$0x10]  }
0x292: {  	[spmem:s3] =	stream.indirect.scatter.add.f32 [tilespmem:s10], [sflag:$0x5], $0x20, s31, s9, $0xb8;
	[tilespmem:$0x10310] =	vst v63  }
0x293: {  	_ =	swait.ge [sflag:s8], $0x1900  }
0x294: {  	[sflag:s8] =	ssyncset.done $0x0  }
0x295: {  	[sflag:s8] =	ssyncadd.s32 $0xFFFFE700  }
0x296: {  	_ =	swait.ge [sflag:s20], $0x1900  }
0x297: {  	[sflag:s20] =	ssyncset.done $0x0  }
0x298: {  	s30 =	rddreg [dreg:$0x11];
	[sflag:s20] =	ssyncadd.s32 $0xFFFFE700  }
0x299: {  	[tilespmem:s10], [sflag:$0x1] =	stream.indirect.gather [hbm4b:s6+s9], $0x20, s30, s9, $0xb8;
	[tilespmem:$0x10310] =	vst v63  }
0x29a: {  	s31 =	rddreg [dreg:$0x12]  }
0x29b: {  	[spmem:s3] =	stream.indirect.scatter.add.f32 [tilespmem:s16], [sflag:$0x5], $0x20, s31, s9, $0xb8;
	[tilespmem:$0x10310] =	vst v63  }
0x29c: {  	_ =	swait.ge [sflag:s8], $0x1900  }
0x29d: {  	[sflag:s8] =	ssyncset.done $0x0  }
0x29e: {  	[sflag:s8] =	ssyncadd.s32 $0xFFFFE700  }
0x29f: {  	_ =	swait.ge [sflag:s18], $0x1900  }
0x2a0: {  	[sflag:s18] =	ssyncset.done $0x0  }
0x2a1: {  	s30 =	rddreg [dreg:$0x13];
	[sflag:s18] =	ssyncadd.s32 $0xFFFFE700  }
0x2a2: {  	[tilespmem:s16], [sflag:$0x2] =	stream.indirect.gather [hbm4b:s6+s9], $0x20, s30, s9, $0xb8;
	[tilespmem:$0x10310] =	vst v63  }
0x2a3: {  	s31 =	rddreg [dreg:$0x14]  }
0x2a4: {  	[spmem:s3] =	stream.indirect.scatter.add.f32 [tilespmem:s15], [sflag:$0x5], $0x20, s31, s9, $0xb8;
	[tilespmem:$0x10310] =	vst v63  }
0x2a5: {  	_ =	swait.ge [sflag:s8], $0x1900  }
0x2a6: {  	[sflag:s8] =	ssyncset.done $0x0  }
0x2a7: {  	[sflag:s8] =	ssyncadd.s32 $0xFFFFE700  }
0x2a8: {  	_ =	swait.ge [sflag:s17], $0x1900  }
0x2a9: {  	[sflag:s17] =	ssyncset.done $0x0  }
0x2aa: {  	s30 =	rddreg [dreg:$0x15];
	[sflag:s17] =	ssyncadd.s32 $0xFFFFE700  }
0x2ab: {  	[tilespmem:s15], [sflag:$0x3] =	stream.indirect.gather [hbm4b:s6+s9], $0x20, s30, s9, $0xb8;
	[tilespmem:$0x10310] =	vst v63  }
0x2ac: {  	s31 =	rddreg [dreg:$0x16]  }
0x2ad: {  	[spmem:s3] =	stream.indirect.scatter.add.f32 [tilespmem:s14], [sflag:$0x5], $0x20, s31, s9, $0xb8;
	[tilespmem:$0x10310] =	vst v63  }
0x2ae: {  	_ =	swait.ge [sflag:s8], $0x1900  }
0x2af: {  	[sflag:s8] =	ssyncset.done $0x0  }
0x2b0: {  	[sflag:s8] =	ssyncadd.s32 $0xFFFFE700  }
0x2b1: {  	_ =	swait.ge [sflag:s12], $0x1900  }
0x2b2: {  	[sflag:s12] =	ssyncset.done $0x0  }
0x2b3: {  	s30 =	rddreg [dreg:$0x17];
	[sflag:s12] =	ssyncadd.s32 $0xFFFFE700  }
0x2b4: {  	[tilespmem:s14], [sflag:$0x4] =	stream.indirect.gather [hbm4b:s6+s9], $0x20, s30, s9, $0xb8;
	[tilespmem:$0x10310] =	vst v63  }
0x2b5: {  	s31 =	rddreg [dreg:$0x18]  }
0x2b6: {  	[spmem:s3] =	stream.indirect.scatter.add.f32 [tilespmem:s10], [sflag:$0x5], $0x20, s31, s9, $0xb8;
	[tilespmem:$0x10310] =	vst v63  }
0x2b7: {  	_ =	swait.ge [sflag:s8], $0x1900  }
0x2b8: {  	[sflag:s8] =	ssyncset.done $0x0  }
0x2b9: {  	[sflag:s8] =	ssyncadd.s32 $0xFFFFE700  }
0x2ba: {  	_ =	swait.ge [sflag:s20], $0x1900  }
0x2bb: {  	[sflag:s20] =	ssyncset.done $0x0  }
0x2bc: {  	s30 =	rddreg [dreg:$0x19];
	[sflag:s20] =	ssyncadd.s32 $0xFFFFE700  }
0x2bd: {  	[tilespmem:s10], [sflag:$0x1] =	stream.indirect.gather [hbm4b:s6+s9], $0x20, s30, s9, $0xb8;
	[tilespmem:$0x10310] =	vst v63  }
0x2be: {  	s31 =	rddreg [dreg:$0x1a]  }
0x2bf: {  	[spmem:s3] =	stream.indirect.scatter.add.f32 [tilespmem:s16], [sflag:$0x5], $0x20, s31, s9, $0xb8;
	[tilespmem:$0x10310] =	vst v63  }
0x2c0: {  	_ =	swait.ge [sflag:s8], $0x1900  }
0x2c1: {  	[sflag:s8] =	ssyncset.done $0x0  }
0x2c2: {  	[sflag:s8] =	ssyncadd.s32 $0xFFFFE700  }
0x2c3: {  	_ =	swait.ge [sflag:s18], $0x1900  }
0x2c4: {  	[sflag:s18] =	ssyncset.done $0x0  }
0x2c5: {  	s30 =	rddreg [dreg:$0x1b];
	[sflag:s18] =	ssyncadd.s32 $0xFFFFE700  }
0x2c6: {  	[tilespmem:s16], [sflag:$0x2] =	stream.indirect.gather [hbm4b:s6+s9], $0x20, s30, s9, $0xb8;
	[tilespmem:$0x10310] =	vst v63  }
0x2c7: {  	s31 =	rddreg [dreg:$0x1c]  }
0x2c8: {  	[spmem:s3] =	stream.indirect.scatter.add.f32 [tilespmem:s15], [sflag:$0x5], $0x20, s31, s9, $0xb8;
	[tilespmem:$0x10310] =	vst v63  }
0x2c9: {  	_ =	swait.ge [sflag:s8], $0x1900  }
0x2ca: {  	[sflag:s8] =	ssyncset.done $0x0  }
0x2cb: {  	[sflag:s8] =	ssyncadd.s32 $0xFFFFE700  }
0x2cc: {  	_ =	swait.ge [sflag:s17], $0x1900  }
0x2cd: {  	[sflag:s17] =	ssyncset.done $0x0  }
0x2ce: {  	s30 =	rddreg [dreg:$0x1d];
	[sflag:s17] =	ssyncadd.s32 $0xFFFFE700  }
0x2cf: {  	[tilespmem:s15], [sflag:$0x3] =	stream.indirect.gather [hbm4b:s6+s9], $0x20, s30, s9, $0xb8;
	[tilespmem:$0x10310] =	vst v63  }
0x2d0: {  	s31 =	rddreg [dreg:$0x1e]  }
0x2d1: {  	[spmem:s3] =	stream.indirect.scatter.add.f32 [tilespmem:s14], [sflag:$0x5], $0x20, s31, s9, $0xb8;
	[tilespmem:$0x10310] =	vst v63  }
0x2d2: {  	_ =	swait.ge [sflag:s8], $0x1900  }
0x2d3: {  	[sflag:s8] =	ssyncset.done $0x0  }
0x2d4: {  	[sflag:s8] =	ssyncadd.s32 $0xFFFFE700  }
0x2d5: {  	_ =	swait.ge [sflag:s12], $0x1900  }
0x2d6: {  	s30 =	rddreg [dreg:$0x1f];
	[sflag:s12] =	ssyncset.done $0x0  }
0x2d7: {  	s31 =	sld [smem:$0x7F1];
	[sflag:s12] =	ssyncadd.s32 $0xFFFFE700  }
0x2d8: {  	[tilespmem:s14], [sflag:$0x4] =	stream.indirect.gather [hbm4b:s6+s9], $0x20, s30, s9, $0xb8;
	[tilespmem:$0x10310] =	vst v63  }
0x2d9: {  	_ = 	snop  }
0x2da: {  	[spmem:s3] =	stream.indirect.scatter.add.f32 [tilespmem:s10], [sflag:$0x5], $0x20, s31, s9, $0xb8;
	[tilespmem:$0x10310] =	vst v63  }
0x2db: {  	_ =	swait.ge [sflag:s8], $0x1900  }
0x2dc: {  	[sflag:s8] =	ssyncset.done $0x0  }
0x2dd: {  	[sflag:s8] =	ssyncadd.s32 $0xFFFFE700  }
0x2de: {  	_ =	swait.ge [sflag:s20], $0x1900  }
0x2df: {  	s30 =	sld [smem:$0x7F2]  }
0x2e0: {  	[sflag:s20] =	ssyncset.done $0x0  }
0x2e1: {  	s31 =	sld [smem:$0x7F3];
	[sflag:s20] =	ssyncadd.s32 $0xFFFFE700  }
0x2e2: {  	[tilespmem:s10], [sflag:$0x1] =	stream.indirect.gather [hbm4b:s6+s9], $0x20, s30, s9, $0xb8;
	[tilespmem:$0x10310] =	vst v63  }
0x2e3: {  	_ = 	snop  }
0x2e4: {  	[spmem:s3] =	stream.indirect.scatter.add.f32 [tilespmem:s16], [sflag:$0x5], $0x20, s31, s9, $0xb8;
	[tilespmem:$0x10310] =	vst v63  }
0x2e5: {  	_ =	swait.ge [sflag:s8], $0x1900  }
0x2e6: {  	[sflag:s8] =	ssyncset.done $0x0  }
0x2e7: {  	[sflag:s8] =	ssyncadd.s32 $0xFFFFE700  }
0x2e8: {  	_ =	swait.ge [sflag:s18], $0x1900  }
0x2e9: {  	s30 =	sld [smem:$0x7F4]  }
0x2ea: {  	[sflag:s18] =	ssyncset.done $0x0  }
0x2eb: {  	s31 =	sld [smem:$0x7F5];
	[sflag:s18] =	ssyncadd.s32 $0xFFFFE700  }
0x2ec: {  	[tilespmem:s16], [sflag:$0x2] =	stream.indirect.gather [hbm4b:s6+s9], $0x20, s30, s9, $0xb8;
	[tilespmem:$0x10310] =	vst v63  }
0x2ed: {  	_ = 	snop  }
0x2ee: {  	[spmem:s3] =	stream.indirect.scatter.add.f32 [tilespmem:s15], [sflag:$0x5], $0x20, s31, s9, $0xb8;
	[tilespmem:$0x10310] =	vst v63  }
0x2ef: {  	_ =	swait.ge [sflag:s8], $0x1900  }
0x2f0: {  	[sflag:s8] =	ssyncset.done $0x0  }
0x2f1: {  	[sflag:s8] =	ssyncadd.s32 $0xFFFFE700  }
0x2f2: {  	_ =	swait.ge [sflag:s17], $0x1900  }
0x2f3: {  	s30 =	sld [smem:$0x7F6]  }
0x2f4: {  	[sflag:s17] =	ssyncset.done $0x0  }
0x2f5: {  	s31 =	sld [smem:$0x7F7];
	[sflag:s17] =	ssyncadd.s32 $0xFFFFE700  }
0x2f6: {  	[tilespmem:s15], [sflag:$0x3] =	stream.indirect.gather [hbm4b:s6+s9], $0x20, s30, s9, $0xb8;
	[tilespmem:$0x10310] =	vst v63  }
0x2f7: {  	_ = 	snop  }
0x2f8: {  	[spmem:s3] =	stream.indirect.scatter.add.f32 [tilespmem:s14], [sflag:$0x5], $0x20, s31, s9, $0xb8;
	[tilespmem:$0x10310] =	vst v63  }
0x2f9: {  	_ =	swait.ge [sflag:s8], $0x1900  }
0x2fa: {  	[sflag:s8] =	ssyncset.done $0x0  }
0x2fb: {  	[sflag:s8] =	ssyncadd.s32 $0xFFFFE700  }
0x2fc: {  	_ =	swait.ge [sflag:s12], $0x1900  }
0x2fd: {  	s30 =	sld [smem:$0x7F8]  }
0x2fe: {  	[sflag:s12] =	ssyncset.done $0x0  }
0x2ff: {  	s31 =	sld [smem:$0x7F9];
	[sflag:s12] =	ssyncadd.s32 $0xFFFFE700  }
0x300: {  	[tilespmem:s14], [sflag:$0x4] =	stream.indirect.gather [hbm4b:s6+s9], $0x20, s30, s9, $0xb8;
	[tilespmem:$0x10310] =	vst v63  }
0x301: {  	_ = 	snop  }
0x302: {  	[spmem:s3] =	stream.indirect.scatter.add.f32 [tilespmem:s10], [sflag:$0x5], $0x20, s31, s9, $0xb8;
	[tilespmem:$0x10310] =	vst v63  }
0x303: {  	_ =	swait.ge [sflag:s8], $0x1900  }
0x304: {  	[sflag:s8] =	ssyncset.done $0x0  }
0x305: {  	[sflag:s8] =	ssyncadd.s32 $0xFFFFE700  }
0x306: {  	_ =	swait.ge [sflag:s20], $0x1900  }
0x307: {  	s30 =	sld [smem:$0x7FA]  }
0x308: {  	[sflag:s20] =	ssyncset.done $0x0  }
0x309: {  	s31 =	sld [smem:$0x7FB];
	[sflag:s20] =	ssyncadd.s32 $0xFFFFE700  }
0x30a: {  	[tilespmem:s10], [sflag:$0x1] =	stream.indirect.gather [hbm4b:s6+s9], $0x20, s30, s9, $0xb8;
	[tilespmem:$0x10310] =	vst v63  }
0x30b: {  	_ = 	snop  }
0x30c: {  	[spmem:s3] =	stream.indirect.scatter.add.f32 [tilespmem:s16], [sflag:$0x5], $0x20, s31, s9, $0xb8;
	[tilespmem:$0x10310] =	vst v63  }
0x30d: {  	_ =	swait.ge [sflag:s8], $0x1900  }
0x30e: {  	[sflag:s8] =	ssyncset.done $0x0  }
0x30f: {  	[sflag:s8] =	ssyncadd.s32 $0xFFFFE700  }
0x310: {  	_ =	swait.ge [sflag:s18], $0x1900  }
0x311: {  	s1 =	sld [smem:$0x7FC]  }
0x312: {  	[sflag:s18] =	ssyncset.done $0x0  }
0x313: {  	s30 =	sld [smem:$0x7FD];
	[sflag:s18] =	ssyncadd.s32 $0xFFFFE700  }
0x314: {  	[tilespmem:s16], [sflag:$0x2] =	stream.indirect.gather [hbm4b:s6+s9], $0x20, s1, s9, $0xb8;
	[tilespmem:$0x10310] =	vst v63  }
0x315: {  	_ = 	snop  }
0x316: {  	[spmem:s3] =	stream.indirect.scatter.add.f32 [tilespmem:s15], [sflag:$0x5], $0x20, s30, s9, $0xb8;
	[tilespmem:$0x10310] =	vst v63  }
0x317: {  	_ =	swait.ge [sflag:s8], $0x1900  }
0x318: {  	[sflag:s8] =	ssyncset.done $0x0  }
0x319: {  	[sflag:s8] =	ssyncadd.s32 $0xFFFFE700  }
0x31a: {  	_ =	swait.ge [sflag:s17], $0x1900  }
0x31b: {  	[sflag:s17] =	ssyncset.done $0x0  }
0x31c: {  	[sflag:s17] =	ssyncadd.s32 $0xFFFFE700  }
0x31d: {  	[tilespmem:s15], [sflag:$0x3] =	stream.indirect.gather [hbm4b:s6+s9], $0x20, s28, s9, $0xb8;
	[tilespmem:$0x10310] =	vst v63  }
0x31e: {  	_ = 	snop  }
0x31f: {  	[spmem:s3] =	stream.indirect.scatter.add.f32 [tilespmem:s14], [sflag:$0x5], $0x20, s29, s9, $0xb8;
	[tilespmem:$0x10310] =	vst v63  }
0x320: {  	_ =	swait.ge [sflag:s8], $0x1900  }
0x321: {  	[sflag:s8] =	ssyncset.done $0x0  }
0x322: {  	[sflag:s8] =	ssyncadd.s32 $0xFFFFE700  }
0x323: {  	_ =	swait.ge [sflag:s12], $0x1900  }
0x324: {  	[sflag:s12] =	ssyncset.done $0x0  }
0x325: {  	[sflag:s12] =	ssyncadd.s32 $0xFFFFE700  }
0x326: {  	[tilespmem:s14], [sflag:$0x4] =	stream.indirect.gather [hbm4b:s6+s9], $0x20, s25, s9, $0xb8;
	[tilespmem:$0x10310] =	vst v63  }
0x327: {  	_ = 	snop  }
0x328: {  	[spmem:s3] =	stream.indirect.scatter.add.f32 [tilespmem:s10], [sflag:$0x5], $0x20, s26, s9, $0xb8;
	[tilespmem:$0x10310] =	vst v63  }
0x329: {  	_ =	swait.ge [sflag:s8], $0x1900  }
0x32a: {  	[sflag:s8] =	ssyncset.done $0x0  }
0x32b: {  	[sflag:s8] =	ssyncadd.s32 $0xFFFFE700  }
0x32c: {  	_ =	swait.ge [sflag:s20], $0x1900  }
0x32d: {  	[sflag:s20] =	ssyncset.done $0x0  }
0x32e: {  	[sflag:s20] =	ssyncadd.s32 $0xFFFFE700  }
0x32f: {  	[tilespmem:s10], [sflag:$0x1] =	stream.indirect.gather [hbm4b:s6+s9], $0x20, s23, s9, $0xb8;
	[tilespmem:$0x10310] =	vst v63  }
0x330: {  	_ = 	snop  }
0x331: {  	[spmem:s3] =	stream.indirect.scatter.add.f32 [tilespmem:s16], [sflag:$0x5], $0x20, s24, s9, $0xb8;
	[tilespmem:$0x10310] =	vst v63  }
0x332: {  	_ =	swait.ge [sflag:s8], $0x1900  }
0x333: {  	[sflag:s8] =	ssyncset.done $0x0  }
0x334: {  	[sflag:s8] =	ssyncadd.s32 $0xFFFFE700  }
0x335: {  	_ =	swait.ge [sflag:s18], $0x1900  }
0x336: {  	[sflag:s18] =	ssyncset.done $0x0  }
0x337: {  	[sflag:s18] =	ssyncadd.s32 $0xFFFFE700  }
0x338: {  	[spmem:s3] =	stream.indirect.scatter.add.f32 [tilespmem:s15], [sflag:$0x5], $0x20, s22, s9, $0xb8;
	[tilespmem:$0x10310] =	vst v63  }
0x339: {  	_ =	swait.ge [sflag:s8], $0x1900  }
0x33a: {  	[sflag:s8] =	ssyncset.done $0x0  }
0x33b: {  	[sflag:s8] =	ssyncadd.s32 $0xFFFFE700  }
0x33c: {  	_ =	swait.ge [sflag:s17], $0x1900  }
0x33d: {  	[sflag:s17] =	ssyncset.done $0x0  }
0x33e: {  	[sflag:s17] =	ssyncadd.s32 $0xFFFFE700  }
0x33f: {  	[spmem:s3] =	stream.indirect.scatter.add.f32 [tilespmem:s14], [sflag:$0x5], $0x20, s21, s9, $0xb8;
	[tilespmem:$0x10310] =	vst v63  }
0x340: {  	_ =	swait.ge [sflag:s8], $0x1900  }
0x341: {  	[sflag:s8] =	ssyncset.done $0x0  }
0x342: {  	[sflag:s8] =	ssyncadd.s32 $0xFFFFE700  }
0x343: {  	_ =	swait.ge [sflag:s12], $0x1900  }
0x344: {  	[sflag:s12] =	ssyncset.done $0x0  }
0x345: {  	[sflag:s12] =	ssyncadd.s32 $0xFFFFE700  }
0x346: {  	[spmem:s3] =	stream.indirect.scatter.add.f32 [tilespmem:s10], [sflag:$0x5], $0x20, s19, s9, $0xb8;
	[tilespmem:$0x10310] =	vst v63  }
0x347: {  	_ =	swait.ge [sflag:s8], $0x1900  }
0x348: {  	[sflag:s8] =	ssyncset.done $0x0  }
0x349: {  	[sflag:s8] =	ssyncadd.s32 $0xFFFFE700  }
0x34a: {  	[bflag:$0x0] =	sbarrier.arrive $0xFFFF  }
0x34b: {  	[tilespmem:s7], [sflag:$0x5] =	stream.linear.gather [spmem:s5], $0x2800, $0x38;
	[tilespmem:$0x10310] =	vst v63  }
0x34c: {  	_ =	swait.ge [sflag:s8], $0x2800  }
0x34d: {  	[sflag:s8] =	ssyncset.done $0x0  }
0x34e: {  	[sflag:s8] =	ssyncadd.s32 $0xFFFFD800  }
0x34f: {  	[hbm4b:s13+s2] =	stream.linear.scatter [tilespmem:s7], [sflag:$0x5], $0x2800, $0x38;
	[tilespmem:$0x10310] =	vst v63  }
0x350: {  	_ =	swait.ge [sflag:s8], $0x2800  }
0x351: {  	[sflag:s8] =	ssyncset.done $0x0  }
0x352: {  	[sflag:s8] =	ssyncadd.s32 $0xFFFFD800  }
0x353: {  	[tilespmem:s7], [sflag:$0x5] =	stream.linear.gather [spmem:s4], $0x2800, $0x38;
	[tilespmem:$0x10310] =	vst v63  }
0x354: {  	_ =	swait.ge [sflag:s8], $0x2800  }
0x355: {  	[sflag:s8] =	ssyncset.done $0x0  }
0x356: {  	[sflag:s8] =	ssyncadd.s32 $0xFFFFD800  }
0x357: {  	[hbm4b:s11+s2] =	stream.linear.scatter [tilespmem:s7], [sflag:$0x5], $0x2800, $0x38;
	[tilespmem:$0x10310] =	vst v63  }
0x358: {  	_ =	swait.ge [sflag:s8], $0x2800  }
0x359: {  	[sflag:s8] =	ssyncset.done $0x0  }
0x35a: {  	[sflag:s8] =	ssyncadd.s32 $0xFFFFD800  }
0x35b: {  	_ =	sfence.sel $0x180000  }
0x35c: {  	[bflag:$0x0] =	sbarrier.arrive $0xFFFF  }
0x35d: {  	_ =	strace $0x9000004D  }
0x35e: {  	s31 =	stileid.u32;
	[bflag:$0x2] =	sbarrier.arrive $0xFFFF  }
0x35f: {  	p0 =	sne.s32 s31, $0x0;
	s0 =	rddreg [dreg:$0x2]  }
0x360: {  	s0 =	sadd.s32 @!p0 $0x100000, s0  }
0x361: {  	[sflag:s0] =	ssyncadd.tile.s32 @!p0 $0x1;
	_ =	shalt  }
.Lfunc_end2:
_tile_overlayer_lowered:
.L_overlay_start_2:
0x362: {  	(tag) =	ssettag $0x2  }
0x363: {  	s0 =	rddreg [dreg:$0x0];
	s2 =	stileid.u32  }
0x364: {  	s1 =	rddreg [dreg:$0x1];
	p0 =	sne.s32 s2, $0x0  }
0x365: {  	s3 =	rddreg [dreg:$0x2];
	[bflag:$0x3] =	sbarrier.arrive $0xFFFF;
	s2 =	simm.s32 @!p0 $0x1C05  }
0x366: {  	[timem:s3], [sflag:s2] =	dma.local @!p0 [hbm:s0], s1  }
0x367: {  	s0 =	simm.s32 @!p0 $0x5  }
0x368: {  	_ =	swait.ge @!p0 [sflag:s0], s1  }
0x369: {  	s1 =	ssub.s32 @!p0 $0x0, s1;
	[sflag:s0] =	ssyncset.done @!p0 $0x0  }
0x36a: {  	[sflag:s0] =	ssyncadd.s32 @!p0 s1  }
0x36b: {  	[bflag:$0x3] =	sbarrier.arrive $0xFFFF  }
0x36c: {  	_ =	shalt  }

// kernel: kernel.9.cloned.1.call-start
scs
__scs_entry_jumppad:
0x0: {  	(pc) =	sbr.rel $0x88, $3  }
0x1: {  	(tag) =	ssettag $0x0;
	lr =	simm.s32 $0x1  }
0x2: {  	[smem:$0x3F98] =	sst lr;
	_ =	strace $0xD0000000  }
0x3: {  	_ = 	snop  }
0x4: {  	_ = 	snop  }
0x5: {  	_ = 	snop  }
0x6: {  	_ = 	snop  }
0x7: {  	_ = 	snop  }
__scs_overlays_trampoline_lowered:
0x8: {  	[smem:$0x3FA7] =	sst s0  }
0x9: {  	[smem:$0x3FA8] =	sst s1  }
0xa: {  	[smem:$0x3FA9] =	sst s2  }
0xb: {  	[smem:$0x3FAA] =	sst s3  }
0xc: {  	[smem:$0x3FAB] =	sst s4  }
0xd: {  	[smem:$0x3FAC] =	sst s5  }
0xe: {  	[smem:$0x3FAD] =	sst s6  }
0xf: {  	[smem:$0x3FAE] =	sst s7  }
0x10: {  	[smem:$0x3FAF] =	sst s8  }
0x11: {  	[smem:$0x3FB0] =	sst s9;
	s0 =	simm.s32 @!p0 $0x0  }
0x12: {  	s1 =	sld [smem:$0x3F96];
	s0 =	simm.s32 @p0 $0x1  }
0x13: {  	[smem:$0x3FB1] =	sst s0;
	s0 =	simm.s32 @!p1 $0x0  }
0x14: {  	s2 =	sld [smem:$0x3F95];
	s0 =	simm.s32 @p1 $0x1  }
0x15: {  	[smem:$0x3FB2] =	sst s0;
	s0 =	simm.s32 @!p2 $0x0  }
0x16: {  	s3 =	sld [smem:$0x3FDB];
	s0 =	simm.s32 @p2 $0x1  }
0x17: {  	s4 =	simm.s32 $0x1BF5;
	[smem:$0x3FB4] =	sst s0  }
0x18: {  	s0 =	sld [smem:$0x3F97];
	_ =	swait.ge [sflag:s4], $0x0  }
0x19: {  	s7 =	sld [smem:$0x3F98]  }
0x1a: {  	s8 =	sadd.s32 $0xFFFFE003, lr  }
0x1b: {  	s9 =	sadd.s32 $0xFFFFFEF7, lr;
	s5 =	simm.s32 $0xFFFFFFFF;
	p2 =	slt.u32 s8, $0xFFFFF086  }
0x1c: {  	p1 =	slt.u32 s9, $0xF7A;
	s5 =	simm.s32 @!p2 $0x0  }
0x1d: {  	s5 =	simm.s32 @p1 $0x1;
	p0 =	seq.s32 s7, s2  }
0x1e: {  	s7 =	smul.u32 @!p0 $0xF7A, s2;
	p2 =	seq.s32 @!p0 s5, $0x0  }
0x1f: {  	s9 =	smul.u32 $0xF7A, s1;
	s8 =	simm.s32 @!p0 $0x1BF5;
	p2 =	por !p2, p0  }
0x20: {  	[sflag:s8] =	ssyncset.s32 @!p0 $0xFFFFF086;
	s6 =	sadd.s32 @!p0 s3, s7;
	s7 =	simm.s32 @!p0 $0x108  }
0x21: {  	s3 =	sadd.s32 s3, s9;
	s6 =	sadd.s32 @!p0 $0x88, s6;
	s7 =	simm.s32 @p2 $0x1082  }
0x22: {  	[simem:s7], [sflag:s8] =	dma.local @!p0 [hbm:s6], $0xF7A  }
0x23: {  	s9 =	sor.u32 $0xD0000000, s2;
	s6 =	simm.s32 $0x108;
	_ =	swait.ge @!p0 [sflag:s8], $0x0  }
0x24: {  	s3 =	sadd.s32 $0x88, s3;
	s6 =	simm.s32 @!p1 $0x1082;
	[sflag:s4] =	ssyncset.s32 $0xFFFFF086  }
0x25: {  	[simem:s6], [sflag:s4] =	dma.local [hbm:s3], $0xF7A  }
0x26: {  	[smem:$0x3F98] =	sst s1;
	(tag) =	ssettag s2;
	_ =	strace s9  }
0x27: {  	s1 =	sld [smem:$0x3FA8]  }
0x28: {  	s2 =	sld [smem:$0x3FA9]  }
0x29: {  	s4 =	sld [smem:$0x3FAB]  }
0x2a: {  	p0 =	seq.s32 s5, $0x0;
	s5 =	sld [smem:$0x3FAC]  }
0x2b: {  	s6 =	sld [smem:$0x3FAD]  }
0x2c: {  	s7 =	sld [smem:$0x3FAE]  }
0x2d: {  	s3 =	simm.s32 $0x108;
	s8 =	sld [smem:$0x3FAF]  }
0x2e: {  	s3 =	simm.s32 @!p0 $0x1082;
	s9 =	sld [smem:$0x3FB0]  }
0x2f: {  	lr =	sadd.s32 s0, s3;
	s0 =	sld [smem:$0x3FA7]  }
0x30: {  	s3 =	sld [smem:$0x3FAA]  }
0x31: {  	[smem:$0x3FB3] =	sst s10  }
0x32: {  	s10 =	sld [smem:$0x3FB1];
	_ =	sdelay $0x3  }
0x33: {  	p0 =	seq.s32 s10, $0x1;
	s10 =	sld [smem:$0x3FB3];
	_ =	sdelay $0x3  }
0x34: {  	[smem:$0x3FB3] =	sst s10  }
0x35: {  	s10 =	sld [smem:$0x3FB2];
	_ =	sdelay $0x3  }
0x36: {  	p1 =	seq.s32 s10, $0x1;
	s10 =	sld [smem:$0x3FB3];
	_ =	sdelay $0x3  }
0x37: {  	[smem:$0x3FB3] =	sst s10  }
0x38: {  	s10 =	sld [smem:$0x3FB4]  }
0x39: {  	_ = 	snop;
	(pc) =	sbr.ind lr, $3  }
0x3a: {  	_ = 	snop  }
0x3b: {  	_ = 	snop  }
0x3c: {  	p2 =	seq.s32 s10, $0x1;
	s10 =	sld [smem:$0x3FB3]  }
0x3d: {  	_ =	shalt  }
0x3e: {  	_ =	shalt  }
0x3f: {  	_ =	shalt  }
0x40: {  	_ =	shalt  }
0x41: {  	_ =	shalt  }
0x42: {  	_ =	shalt  }
0x43: {  	_ =	shalt  }
0x44: {  	_ =	shalt  }
0x45: {  	_ =	shalt  }
0x46: {  	_ =	shalt  }
0x47: {  	_ =	shalt  }
0x48: {  	_ =	shalt  }
0x49: {  	_ =	shalt  }
0x4a: {  	_ =	shalt  }
0x4b: {  	_ =	shalt  }
0x4c: {  	_ =	shalt  }
0x4d: {  	_ =	shalt  }
0x4e: {  	_ =	shalt  }
0x4f: {  	_ =	shalt  }
0x50: {  	_ =	shalt  }
0x51: {  	_ =	shalt  }
0x52: {  	_ =	shalt  }
0x53: {  	_ =	shalt  }
0x54: {  	_ =	shalt  }
0x55: {  	_ =	shalt  }
0x56: {  	_ =	shalt  }
0x57: {  	_ =	shalt  }
0x58: {  	_ =	shalt  }
0x59: {  	_ =	shalt  }
0x5a: {  	_ =	shalt  }
0x5b: {  	_ =	shalt  }
0x5c: {  	_ =	shalt  }
0x5d: {  	_ =	shalt  }
0x5e: {  	_ =	shalt  }
0x5f: {  	_ =	shalt  }
0x60: {  	_ =	shalt  }
0x61: {  	_ =	shalt  }
0x62: {  	_ =	shalt  }
0x63: {  	_ =	shalt  }
0x64: {  	_ =	shalt  }
0x65: {  	_ =	shalt  }
0x66: {  	_ =	shalt  }
0x67: {  	_ =	shalt  }
0x68: {  	_ =	shalt  }
0x69: {  	_ =	shalt  }
0x6a: {  	_ =	shalt  }
0x6b: {  	_ =	shalt  }
0x6c: {  	_ =	shalt  }
0x6d: {  	_ =	shalt  }
0x6e: {  	_ =	shalt  }
0x6f: {  	_ =	shalt  }
0x70: {  	_ =	shalt  }
0x71: {  	_ =	shalt  }
0x72: {  	_ =	shalt  }
0x73: {  	_ =	shalt  }
0x74: {  	_ =	shalt  }
0x75: {  	_ =	shalt  }
0x76: {  	_ =	shalt  }
0x77: {  	_ =	shalt  }
0x78: {  	_ =	shalt  }
0x79: {  	_ =	shalt  }
0x7a: {  	_ =	shalt  }
0x7b: {  	_ =	shalt  }
0x7c: {  	_ =	shalt  }
0x7d: {  	_ =	shalt  }
0x7e: {  	_ =	shalt  }
0x7f: {  	_ =	shalt  }
0x80: {  	_ =	shalt  }
0x81: {  	_ =	shalt  }
0x82: {  	_ =	shalt  }
0x83: {  	_ =	shalt  }
0x84: {  	_ =	shalt  }
0x85: {  	_ =	shalt  }
0x86: {  	_ =	shalt  }
0x87: {  	_ =	shalt  }
.Lfunc_end0:
.L_simem_size_0:
called_computation_lowered:
.L_overlay_start_0:
0x88: {  	s2 =	sld [smem:$0x3FD9]  }
0x89: {  	s3 =	sld [smem:$0x3FFE];
	_ =	sdelay $0x1  }
0x8a: {  	s1 =	srdreg.scid  }
0x8b: {  	s0 =	sand.u32 $0x1, s1  }
0x8c: {  	s16 =	sshll.u32 s0, $0xA;
	s2 =	sadd.s32 s3, s2  }
0x8d: {  	s2 =	sadd.s32 s2, s16  }
0x8e: {  	[smem:$0x3FBF] =	sst s2  }
0x8f: {  	_ = 	snop  }
0x90: {  	(tm) =	ssettm $0x1  }
0x91: {  	s17 =	sld [smem:$0x3FFB];
	_ =	sdelay $0x3  }
0x92: {  	_ =	strace s17  }
0x93: {  	s2 =	sld [smem:$0x3FFC];
	_ =	sdelay $0x3  }
0x94: {  	_ =	strace s2  }
0x95: {  	s2 =	sld [smem:$0x3FFD];
	_ =	sdelay $0x3  }
0x96: {  	_ =	strace s2  }
0x97: {  	_ =	strace $0x8FFFFFFF  }
0x98: {  	s18 =	sld [smem:$0x3FDB];
	_ =	sdelay $0x1  }
0x99: {  	s19 =	simm.s32 $_scs_section_size  }
0x9a: {  	s4 =	simm.s32 $_size__tile_overlayer_lowered;
	s5 =	simm.s32 $_tile_overlayer_lowered  }
0x9b: {  	s22 =	simm.s32 $0x1BFF;
	s21 =	sshll.u32 s5, $0x1;
	s2 =	sadd.s32 s19, s18  }
0x9c: {  	s6 =	simm.s32 $0x0;
	s20 =	sshll.u32 s4, $0x1;
	s4 =	sadd.s32 s21, s2  }
0x9d: {  	[timem:s6], [sflag:s22] =	dma.local [hbm:s4], s20  }
0x9e: {  	_ =	swait.ge [sflag:s22], s20  }
0x9f: {  	s3 =	ssub.s32 $0x0, s20;
	[sflag:s22] =	ssyncset.done $0x0  }
0xa0: {  	[sflag:s22] =	ssyncadd.s32 s3;
	_ =	sdelay $0x1  }
0xa1: {  	s23 =	simm.s32 $0x1B8B  }
0xa2: {  	_ =	swait.ge [sflag:s23], $0x1  }
0xa3: {  	[sflag:s23] =	ssyncset.done $0x0  }
0xa4: {  	s25 =	simm.s32 $0x1B8E;
	s24 =	sld [smem:$0x3FFE];
	[sflag:s23] =	ssyncadd.s32 $0xFFFFFFFF  }
0xa5: {  	s26 =	simm.s32 $execute0_lowered;
	[smem:$0x3FD2] =	sst s25  }
0xa6: {  	s4 =	sshll.u32 s26, $0x1;
	_ =	strace $0x80000046;
	[dreg:$0x1] =	wrdreg $0xFFFFFFFF  }
0xa7: {  	s28 =	simm.s32 $_size_execute0_lowered;
	s2 =	sadd.s32 s2, s4;
	[dreg:$0x0] =	wrdreg $0x0  }
0xa8: {  	s4 =	sshll.u32 s28, $0x1;
	[dreg:$0x2] =	wrdreg s2  }
0xa9: {  	[dreg:$0x3] =	wrdreg s4  }
0xaa: {  	[dreg:$0x4] =	wrdreg $0xC0  }
0xab: {  	_ =	task [dreg:s6], $0x5FFFF  }
0xac: {  	[dreg:$0x1] =	wrdreg $0xFFFFFFFF  }
0xad: {  	[dreg:$0x0] =	wrdreg $0x60  }
0xae: {  	[dreg:$0x2] =	wrdreg s24  }
0xaf: {  	[dreg:$0x3] =	wrdreg $0x0  }
0xb0: {  	[dreg:$0x4] =	wrdreg $0x9  }
0xb1: {  	_ =	task.clear_ibuf [dreg:s6], $0x5FFFF;
	_ =	strace $0x90000046  }
0xb2: {  	s29 =	simm.s32 $0x9;
	_ =	strace $0x80000048  }
0xb3: {  	_ =	swait.ge [sflag:s29], $0x1  }
0xb4: {  	[sflag:s29] =	ssyncadd.s32 $0xFFFFFFFF  }
0xb5: {  	_ =	strace $0x90000048  }
0xb6: {  	_ =	sfence  }
0xb7: {  	s30 =	sld [smem:$0x0];
	_ =	sdelay $0x2  }
0xb8: {  	s31 =	sshll.u32 s1, $0xD;
	s1 =	sshrl.u32 s1, $0x2  }
0xb9: {  	s3 =	sand.u32 $0x4000, s31;
	s1 =	sadd.s32 s1, s30  }
0xba: {  	s0 =	sor.u32 s3, s0;
	s1 =	sshll.u32 s1, $0x11  }
0xbb: {  	s0 =	sor.u32 s1, s0  }
0xbc: {  	s0 =	sadd.s32 $0x8F2B, s0  }
0xbd: {  	[sflag:s0] =	ssyncadd.remote.s32 $0x1  }
0xbe: {  	_ =	sfence.sel $0xFFFF  }
0xbf: {  	[dreg:$0x0] =	wrdreg $0xFFFFFFFF;
	(pc) =	sbr.abs _section_cstart, $3  }
0xc0: {  	[dreg:$0x1] =	wrdreg $0xFFFFFFFF  }
0xc1: {  	_ =	task.clear_ibuf [dreg:s6], $0x2FFFF;
	_ =	strace $0x9FFFFFFF  }
0xc2: {  	(tm) =	ssettm $0x7FFFFFFF  }
0xc3: {  	_ =	shalt  }
tec
execute0_lowered:
.L_overlay_start_1:
0x0: {  	(tag) =	ssettag $0x1  }
0x1: {  	s8 =	rddreg [dreg:$0x0]  }
0x2: {  	s1 =	rddreg [dreg:$0x1]  }
0x3: {  	s0 =	rddreg [dreg:$0x2];
	s2 =	simm.s32 $0x0;
	s3 =	srdreg.scid  }
0x4: {  	[smem:$0x7FF] =	sst s2;
	s6 =	sand.u32 $0x1, s3  }
0x5: {  	s3 =	stileid.u32;
	s4 =	sadd.s32 $0xCA00, s8;
	s5 =	sadd.s32 $0xD000, s8  }
0x6: {  	s14 =	sadd.s32 $0x7A20, s8;
	_ =	strace $0x80000047;
	s7 =	smul.u32 $0xA000, s6  }
0x7: {  	s9 =	ssub.s32 $0x2, s6;
	s10 =	smul.u32 $0x5000, s3;
	s6 =	sshll.u32 s6, $0x4  }
0x8: {  	s31 =	sshrl.u32 s9, $0x1;
	s13 =	sor.u32 s3, s6;
	s11 =	sadd.s32 s7, s8  }
0x9: {  	s9 =	ssub.s32 s9, s31;
	s12 =	sadd.s32 $0x2800, s10;
	s6 =	sadd.s32 s10, s1  }
0xa: {  	s13 =	smul.u32 $0x271, s13;
	s15 =	sshrl.u32 s10, $0x3;
	s10 =	simm.s32 $0x1  }
0xb: {  	s7 =	sadd.s32 s12, s1;
	s16 =	sadd.s32 $0xD400, s11;
	s17 =	sshrl.u32 s12, $0x3  }
0xc: {  	s8 =	smax.u32 s9, $0x1;
	s9 =	simm.s32 $0x5000;
	s11 =	simm.s32 $0x8B88  }
0xd: {  	s12 =	sadd.s32 s13, s14;
	s13 =	simm.s32 $0x7800;
	s14 =	simm.s32 $0xC8  }
0xe: {  	s15 =	sadd.s32 s15, s16;
	s16 =	sadd.s32 s17, s16;
	s17 =	simm.s32 $0x0  }
.LBB2_1:
0xf: {  	[tilespmem:s9], [sflag:$0x1] =	stream.linear.gather [hbm4b:s4+s2], $0x2800, $0x38;
	[tilespmem:$0xA488] =	vst v63  }
0x10: {  	_ =	swait.ge [sflag:s10], $0x2800  }
0x11: {  	[sflag:s10] =	ssyncset.done $0x0  }
0x12: {  	[sflag:s10] =	ssyncadd.s32 $0xFFFFD800  }
0x13: {  	[spmem:s6] =	stream.linear.scatter [tilespmem:s9], [sflag:$0x1], $0x2800, $0x38;
	[tilespmem:$0xA488] =	vst v63  }
0x14: {  	_ =	swait.ge [sflag:s10], $0x2800  }
0x15: {  	[sflag:s10] =	ssyncset.done $0x0  }
0x16: {  	[sflag:s10] =	ssyncadd.s32 $0xFFFFD800  }
0x17: {  	[spmem:s7] =	stream.linear.scatter [tilespmem:s9], [sflag:$0x1], $0x2800, $0x38;
	[tilespmem:$0xA488] =	vst v63  }
0x18: {  	_ =	swait.ge [sflag:s10], $0x2800  }
0x19: {  	[sflag:s10] =	ssyncset.done $0x0  }
0x1a: {  	[sflag:s10] =	ssyncadd.s32 $0xFFFFD800  }
0x1b: {  	[tilespmem:s11], [sflag:$0x1] =	stream.linear.gather [hbm4b:s5+s2], $0x1900, $0x38;
	[tilespmem:$0xA488] =	vst v63  }
0x1c: {  	_ =	swait.ge [sflag:s10], $0x1900  }
0x1d: {  	[sflag:s10] =	ssyncset.done $0x0  }
0x1e: {  	[sflag:s10] =	ssyncadd.s32 $0xFFFFE700  }
0x1f: {  	[tilespmem:s13], [sflag:$0x1] =	stream.linear.gather [hbm4b:s12+s2], $0x1388, $0x38;
	[tilespmem:$0xA488] =	vst v63  }
0x20: {  	_ =	swait.ge [sflag:s10], $0x1388  }
0x21: {  	[sflag:s10] =	ssyncset.done $0x0  }
0x22: {  	[sflag:s10] =	ssyncadd.s32 $0xFFFFEC78  }
0x23: {  	s18 =	simm.s32 $0x7800;
	[bflag:$0x0] =	sbarrier.arrive $0xFFFF  }
0x24: {  	[spmem:s1] =	stream.indirect.scatter.add.f32 [tilespmem:s11], [sflag:$0x1], $0x20, s18, s14, $0xb8;
	[tilespmem:$0xA488] =	vst v63  }
0x25: {  	s18 =	simm.s32 $0x320;
	_ =	swait.ge [sflag:s10], $0x1900  }
.LBB2_2:
0x26: {  	s19 =	sshra.s32 s18, $0x2;
	[sflag:s10] =	ssyncset.done $0x0;
	p0 =	sne.s32 s18, $0x4B00  }
.Ltmp0:
0x27: {  	s19 =	sadd.s32 $0x7800, s19;
	[sflag:s10] =	ssyncadd.s32 $0xFFFFE700;
	(pc) =	sbr.rel @p0 .LBB2_2-.Ltmp0, $3  }
0x28: {  	[spmem:s1] =	stream.indirect.scatter.add.f32 [tilespmem:s11], [sflag:$0x1], $0x20, s19, s14, $0xb8;
	[tilespmem:$0xA488] =	vst v63  }
0x29: {  	s18 =	sadd.s32 $0x320, s18;
	_ =	sdelay $0x1  }
0x2a: {  	_ =	swait.ge [sflag:s10], $0x1900  }
0x2b: {  	[sflag:s10] =	ssyncset.done $0x0  }
0x2c: {  	[sflag:s10] =	ssyncadd.s32 $0xFFFFE700  }
0x2d: {  	[bflag:$0x0] =	sbarrier.arrive $0xFFFF  }
0x2e: {  	[tilespmem:s9], [sflag:$0x1] =	stream.linear.gather [spmem:s6], $0x2800, $0x38;
	[tilespmem:$0xA488] =	vst v63  }
0x2f: {  	_ =	swait.ge [sflag:s10], $0x2800  }
0x30: {  	[sflag:s10] =	ssyncset.done $0x0  }
0x31: {  	[sflag:s10] =	ssyncadd.s32 $0xFFFFD800  }
0x32: {  	[hbm4b:s15+s2] =	stream.linear.scatter [tilespmem:s9], [sflag:$0x1], $0x2800, $0x38;
	[tilespmem:$0xA488] =	vst v63  }
0x33: {  	_ =	swait.ge [sflag:s10], $0x2800  }
0x34: {  	[sflag:s10] =	ssyncset.done $0x0  }
0x35: {  	[sflag:s10] =	ssyncadd.s32 $0xFFFFD800  }
0x36: {  	[tilespmem:s9], [sflag:$0x1] =	stream.linear.gather [spmem:s7], $0x2800, $0x38;
	[tilespmem:$0xA488] =	vst v63  }
0x37: {  	s17 =	sadd.s32 $0x1, s17;
	_ =	swait.ge [sflag:s10], $0x2800  }
0x38: {  	p0 =	sne.s32 s17, s8;
	[sflag:s10] =	ssyncset.done $0x0  }
.Ltmp1:
0x39: {  	[sflag:s10] =	ssyncadd.s32 $0xFFFFD800;
	(pc) =	sbr.rel @p0 .LBB2_1-.Ltmp1, $4  }
0x3a: {  	[hbm4b:s16+s2] =	stream.linear.scatter [tilespmem:s9], [sflag:$0x1], $0x2800, $0x38;
	[tilespmem:$0xA488] =	vst v63  }
0x3b: {  	_ =	swait.ge [sflag:s10], $0x2800  }
0x3c: {  	[sflag:s10] =	ssyncset.done $0x0  }
0x3d: {  	[sflag:s10] =	ssyncadd.s32 $0xFFFFD800  }
0x3e: {  	_ =	sfence.sel $0x180000  }
0x3f: {  	[bflag:$0x0] =	sbarrier.arrive $0xFFFF  }
0x40: {  	p0 =	sne.s32 s3, $0x0;
	_ =	strace $0x90000047  }
0x41: {  	s0 =	sadd.s32 @!p0 $0x100000, s0;
	[bflag:$0x2] =	sbarrier.arrive $0xFFFF  }
0x42: {  	[sflag:s0] =	ssyncadd.tile.s32 @!p0 $0x1;
	_ =	shalt  }
.Lfunc_end2:
_tile_overlayer_lowered:
.L_overlay_start_2:
0x43: {  	(tag) =	ssettag $0x2  }
0x44: {  	s0 =	rddreg [dreg:$0x0];
	s2 =	stileid.u32  }
0x45: {  	s1 =	rddreg [dreg:$0x1];
	p0 =	sne.s32 s2, $0x0  }
0x46: {  	s3 =	rddreg [dreg:$0x2];
	[bflag:$0x3] =	sbarrier.arrive $0xFFFF;
	s2 =	simm.s32 @!p0 $0x1C01  }
0x47: {  	[timem:s3], [sflag:s2] =	dma.local @!p0 [hbm:s0], s1  }
0x48: {  	s0 =	simm.s32 @!p0 $0x1  }
0x49: {  	_ =	swait.ge @!p0 [sflag:s0], s1  }
0x4a: {  	s1 =	ssub.s32 @!p0 $0x0, s1;
	[sflag:s0] =	ssyncset.done @!p0 $0x0  }
0x4b: {  	[sflag:s0] =	ssyncadd.s32 @!p0 s1  }
0x4c: {  	[bflag:$0x3] =	sbarrier.arrive $0xFFFF  }
0x4d: {  	_ =	shalt  }

</sc_bundles>
